<compile_context>
chip_gen: v7x
topology: tpu7x:2x2x1
jax: 0.10.2.dev20260603
libtpu: 0.0.44.dev20260713+nightly
codegen_flags: <defaults>
</compile_context>

<pallas_src>
import functools

import jax
import jax.numpy as jnp
from jax import lax
from jax.experimental import pallas as pl
from jax.experimental.pallas import tpu as pltpu
from jax.experimental.pallas import tpu_sc as plsc

_ALPHA = 0.25
_B = 16384
_T = 200
_NC = 2
_NS = 16
_NW = _NC * _NS
_RPW = _B // _NW
_G = 16
_CR = 32
_GPC = _CR // _G
_NCH = _RPW // _CR
_LN2 = 0.6931471805599453


def _vlog(x):
    bits = lax.bitcast_convert_type(x, jnp.int32)
    e = jnp.right_shift(bits, 23) - 127
    m = lax.bitcast_convert_type(
        jnp.bitwise_or(jnp.bitwise_and(bits, 0x007FFFFF), 0x3F800000), jnp.float32)
    c = m > 1.4142135
    m2 = jnp.where(c, 0.5 * m, m)
    ef = (e + jnp.where(c, 1, 0)).astype(jnp.float32)
    t = (m2 - 1.0) / (m2 + 1.0)
    t2 = t * t
    p = 2.0 * t * (1.0 + t2 * (1.0 / 3.0 + t2 * (0.2 + t2 * (1.0 / 7.0))))
    return _LN2 * ef + p


def _strip_exponent(prod, e_sum):
    bits = lax.bitcast_convert_type(prod, jnp.int32)
    e_sum = e_sum + (jnp.right_shift(bits, 23) - 127)
    m = lax.bitcast_convert_type(
        jnp.bitwise_or(jnp.bitwise_and(bits, 0x007FFFFF), 0x3F800000), jnp.float32)
    return m, e_sum


def _sc_body(yp_hbm, y_hbm, st_hbm, out_hbm, buf0, buf1, yv, sv, outv,
             sem0, sem1):
    wid = lax.axis_index("s") * _NC + lax.axis_index("c")
    row0 = wid * _RPW
    lane_off = lax.iota(jnp.int32, _G) * _T
    ones = jnp.ones((_G,), jnp.float32)

    pltpu.sync_copy(y_hbm.at[pl.ds(row0, _RPW)], yv)
    pltpu.sync_copy(st_hbm.at[pl.ds(row0, _RPW)], sv)

    bufs = (buf0, buf1)
    sems = (sem0, sem1)

    def start(c, b):
        pltpu.async_copy(
            yp_hbm.at[pl.ds((row0 + c * _CR) * _T, _CR * _T)], bufs[b], sems[b])

    def wait(c, b):
        pltpu.make_async_copy(
            yp_hbm.at[pl.ds((row0 + c * _CR) * _T, _CR * _T)], bufs[b], sems[b]
        ).wait()

    def group(buf, c, gi, acc):
        base = c * _CR + gi * _G
        y_vec = yv[pl.ds(base, _G)]
        wu = jnp.where(sv[pl.ds(base, _G)] == 1, 1.0, 0.0)

        prod0 = ones
        prod1 = ones
        e_sum = jnp.zeros((_G,), jnp.int32)
        p_sel = ones
        l_sel = ones
        goff = gi * _G * _T
        for t in range(0, _T, 8):
            v = plsc.load_gather(buf, [lane_off + (goff + t)])
            om = 1.0 - v
            f = jnp.where(y_vec >= t, om, ones)
            if t % 2 == 0:
                prod0 = prod0 * f
            else:
                prod1 = prod1 * f
            meq = y_vec == t
            p_sel = jnp.where(meq, v, p_sel)
            l_sel = jnp.where(meq, om, l_sel)
            if t % 32 == 31:
                prod0, e_sum = _strip_exponent(prod0, e_sum)
                prod1, e_sum = _strip_exponent(prod1, e_sum)

        prod0, e_sum = _strip_exponent(prod0, e_sum)
        prod1, e_sum = _strip_exponent(prod1, e_sum)
        s_y = _LN2 * e_sum.astype(jnp.float32) + _vlog(prod0 * prod1)

        logs = _vlog(p_sel)
        s_ym1 = jnp.where(y_vec >= 1, s_y - _vlog(l_sel), 0.0)
        lz = wu * (logs + s_ym1)
        lu = wu * _vlog(1.0 - jnp.exp(s_y))
        lc = (1.0 - wu) * s_y
        return acc + _ALPHA * (-lz) + (1.0 - _ALPHA) * (-(lu + lc))

    def chunk_pair(i, acc):
        c = i * 2
        for b in range(2):
            for gi in range(_GPC):
                acc = group(bufs[b], c + b, gi, acc)
        return acc

    acc = lax.fori_loop(0, _NCH // 2, chunk_pair, jnp.zeros((_G,), jnp.float32))
    outv[...] = acc
    pltpu.sync_copy(outv, out_hbm.at[pl.ds(wid * _G, _G)])


@jax.jit
def kernel(y_pred, y, status):
    y32 = y.astype(jnp.int32)
    st32 = status.astype(jnp.int32)
    mesh = plsc.VectorSubcoreMesh(core_axis_name="c", subcore_axis_name="s")
    partials = functools.partial(
        pl.kernel,
        mesh=mesh,
        compiler_params=pltpu.CompilerParams(
            needs_layout_passes=False, use_tc_tiling_on_sc=True),
        out_type=jax.ShapeDtypeStruct((_NW * _G,), jnp.float32),
        scratch_types=[
            pltpu.VMEM((_CR * _T,), jnp.float32),
            pltpu.VMEM((_CR * _T,), jnp.float32),
            pltpu.VMEM((_RPW,), jnp.int32),
            pltpu.VMEM((_RPW,), jnp.int32),
            pltpu.VMEM((_G,), jnp.float32),
            pltpu.SemaphoreType.DMA,
            pltpu.SemaphoreType.DMA,
        ],
    )(_sc_body)(y_pred, y32, st32)
    return jnp.sum(partials)

# --- scband reference (transcript-rebuilt; emitter-appended) ---
"""Pipeline reference for scband-drsa-loss-52922587021362 (READ-ONLY COPY).

The authoritative reference and input builder live on the scoring server;
editing this copy changes nothing except your own understanding.
"""

import jax, jax.numpy as jnp
import numpy as np

ALPHA = 0.25
B = 16384
T = 200

def setup_inputs(seed: int = 0) -> dict:
    key = jax.random.key(seed)
    k1, k2, k3 = jax.random.split(key, 3)
    # survival hazard probabilities strictly inside (0,1) to keep logs finite
    y_pred = jax.random.uniform(k1, (B, T), dtype=jnp.float32, minval=0.01, maxval=0.99)
    y = jax.random.randint(k2, (B,), 0, T, dtype=jnp.int64)
    status = jax.random.randint(k3, (B,), 0, 2, dtype=jnp.int64)
    return {"y_pred": y_pred, "y": y, "status": status}


def reference(y_pred, y, status):
    # mask = status == 1 (uncensored). Original torch code uses boolean indexing;
    # we implement the identical math with multiplicative masks (data-independent shapes).
    wu = (status == 1).astype(y_pred.dtype)   # uncensored weight
    wc = 1.0 - wu                              # censored weight (torch's y_pred[1 - mask])

    log_p = jnp.log(y_pred)
    log1mp = jnp.log(1.0 - y_pred)
    cs = jnp.cumsum(log1mp, axis=1)            # cumsum_t log(1 - p)

    y_col = y[:, None]
    # logs = log(y_pred[i, y_i])
    logs = jnp.take_along_axis(log_p, y_col, axis=1)[:, 0]
    # tmp = clamp(y - 1, min=0)
    tmp = jnp.maximum(y - 1, 0)
    sum_one_minus_log = jnp.take_along_axis(cs, tmp[:, None], axis=1)[:, 0]
    sum_one_minus_log = jnp.where(y < 1, 0.0, sum_one_minus_log)
    Lz = -jnp.sum(wu * (logs + sum_one_minus_log))

    # L_uncensored = -sum log(1 - cumprod(1 - p)[y])
    cp = jnp.cumprod(1.0 - y_pred, axis=1)
    gathered_cp = jnp.take_along_axis(cp, y_col, axis=1)[:, 0]
    L_uncensored = -jnp.sum(wu * jnp.log(1.0 - gathered_cp))

    # L_censored: torch computes cumsum(-log(1-p)) then gathers and sums over censored rows
    gathered_cs = jnp.take_along_axis(cs, y_col, axis=1)[:, 0]
    L_censored = -jnp.sum(wc * gathered_cs)

    Lc = L_uncensored + L_censored
    loss = ALPHA * Lz + (1.0 - ALPHA) * Lc
    return loss

if __name__ == "__main__":
    import jax
    _d = setup_inputs()
    print(jax.jit(kernel)(*tuple(_d.values())))

</pallas_src>

<mosaic_0001>
#map = affine_map<(d0, d1) -> (0, 0)>
#map1 = affine_map<(d0, d1) -> (0)>
module attributes {stable_mosaic.version = 14 : i64} {
  func.func @_sc_body(%arg0: i32, %arg1: i32, %arg2: memref<16384x200xf32, #tpu.memory_space<hbm>>, %arg3: memref<16384xi32, #tpu.memory_space<hbm>>, %arg4: memref<16384xi32, #tpu.memory_space<hbm>>, %arg5: memref<512xf32, #tpu.memory_space<hbm>>, %arg6: memref<6400xf32, #tpu.memory_space<vmem>>, %arg7: memref<6400xf32, #tpu.memory_space<vmem>>, %arg8: memref<512xi32, #tpu.memory_space<vmem>>, %arg9: memref<512xi32, #tpu.memory_space<vmem>>, %arg10: memref<16xf32, #tpu.memory_space<vmem>>, %arg11: memref<!tpu.dma_semaphore, #tpu.memory_space<semaphore_mem>>, %arg12: memref<!tpu.dma_semaphore, #tpu.memory_space<semaphore_mem>>) attributes {dimension_semantics = [#tpu.dimension_semantics<core_parallel>, #tpu.dimension_semantics<subcore_parallel>], iteration_bounds = array<i64: 2, 16>, scalar_prefetch = 0 : i64, scratch_operands = 7 : i64, tpu.core_type = #tpu.core_type<sc_vector_subcore>, window_params = [{transform_indices = #map}, {transform_indices = #map1}, {transform_indices = #map1}, {transform_indices = #map1}]} {
    %mul3A = arith.constant 2 : i32
    %mul3A_0 = arith.muli %arg1, %mul3A : i32
    %add3A = arith.addi %mul3A_0, %arg0 : i32
    %mul3A_1 = arith.constant 512 : i32
    %mul3A_2 = arith.muli %add3A, %mul3A_1 : i32
    %iota3A = tpu.iota {dimensions = array<i32: 0>} : vector<16xi32>
    %mul3A_3 = arith.constant 200 : i32
    %mul3A_4 = vector.broadcast %mul3A_3 : i32 to vector<16xi32>
    %mul3A_5 = arith.muli %iota3A, %mul3A_4 : vector<16xi32>
    %broadcast_in_dim3A = arith.constant 1.000000e+00 : f32
    %broadcast_in_dim3A_6 = vector.broadcast %broadcast_in_dim3A : f32 to vector<16xf32>
    "tpu.region"() ({
      %run_scoped3A = tpu.sem_alloc : memref<!tpu.dma_semaphore, #tpu.memory_space<semaphore_mem>>
      %dma_start3A = tpu.memref_slice %arg3[%mul3A_2] : memref<16384xi32, #tpu.memory_space<hbm>> -> memref<512xi32, #tpu.memory_space<hbm>>
      %dma_start3A_17 = tpu.memref_slice %arg3[%mul3A_2] : memref<16384xi32, #tpu.memory_space<hbm>> -> memref<512xi32, #tpu.memory_space<hbm>>
      tpu.enqueue_dma source(%dma_start3A_17 : memref<512xi32, #tpu.memory_space<hbm>>) target(%arg8 : memref<512xi32, #tpu.memory_space<vmem>>) target_semaphore(%run_scoped3A : memref<!tpu.dma_semaphore, #tpu.memory_space<semaphore_mem>>)
      %dma_wait3A = tpu.memref_slice %arg3[%mul3A_2] : memref<16384xi32, #tpu.memory_space<hbm>> -> memref<512xi32, #tpu.memory_space<hbm>>
      %dma_wait3A_18 = tpu.memref_slice %arg3[%mul3A_2] : memref<16384xi32, #tpu.memory_space<hbm>> -> memref<512xi32, #tpu.memory_space<hbm>>
      tpu.wait_dma2 semaphore(%run_scoped3A : memref<!tpu.dma_semaphore, #tpu.memory_space<semaphore_mem>>) src(%dma_wait3A_18 : memref<512xi32, #tpu.memory_space<hbm>>) dst(%arg8 : memref<512xi32, #tpu.memory_space<vmem>>)
      tpu.yield
    }) : () -> ()
    "tpu.region"() ({
      %run_scoped3A = tpu.sem_alloc : memref<!tpu.dma_semaphore, #tpu.memory_space<semaphore_mem>>
      %dma_start3A = tpu.memref_slice %arg4[%mul3A_2] : memref<16384xi32, #tpu.memory_space<hbm>> -> memref<512xi32, #tpu.memory_space<hbm>>
      %dma_start3A_17 = tpu.memref_slice %arg4[%mul3A_2] : memref<16384xi32, #tpu.memory_space<hbm>> -> memref<512xi32, #tpu.memory_space<hbm>>
      tpu.enqueue_dma source(%dma_start3A_17 : memref<512xi32, #tpu.memory_space<hbm>>) target(%arg9 : memref<512xi32, #tpu.memory_space<vmem>>) target_semaphore(%run_scoped3A : memref<!tpu.dma_semaphore, #tpu.memory_space<semaphore_mem>>)
      %dma_wait3A = tpu.memref_slice %arg4[%mul3A_2] : memref<16384xi32, #tpu.memory_space<hbm>> -> memref<512xi32, #tpu.memory_space<hbm>>
      %dma_wait3A_18 = tpu.memref_slice %arg4[%mul3A_2] : memref<16384xi32, #tpu.memory_space<hbm>> -> memref<512xi32, #tpu.memory_space<hbm>>
      tpu.wait_dma2 semaphore(%run_scoped3A : memref<!tpu.dma_semaphore, #tpu.memory_space<semaphore_mem>>) src(%dma_wait3A_18 : memref<512xi32, #tpu.memory_space<hbm>>) dst(%arg9 : memref<512xi32, #tpu.memory_space<vmem>>)
      tpu.yield
    }) : () -> ()
    %broadcast_in_dim3A_7 = arith.constant 0.000000e+00 : f32
    %broadcast_in_dim3A_8 = vector.broadcast %broadcast_in_dim3A_7 : f32 to vector<16xf32>
    %scan3A = arith.constant 0 : i32
    %scan3A_9 = arith.constant 8 : i32
    %scan3A_10 = arith.addi %scan3A, %scan3A_9 : i32
    %scan3A_11 = arith.constant 1 : i32
    %scan3A_12 = scf.for %scan3A_17 = %scan3A to %scan3A_10 step %scan3A_11 iter_args(%scan3A_18 = %broadcast_in_dim3A_8) -> (vector<16xf32>)  : i32 {
      %mul3A_19 = arith.constant 2 : i32
      %mul3A_20 = arith.muli %scan3A_17, %mul3A_19 : i32
      %add3A_21 = arith.constant 0 : i32
      %add3A_22 = arith.addi %mul3A_20, %add3A_21 : i32
      %mul3A_23 = arith.constant 32 : i32
      %mul3A_24 = arith.muli %add3A_22, %mul3A_23 : i32
      %add3A_25 = arith.constant 0 : i32
      %add3A_26 = arith.addi %mul3A_24, %add3A_25 : i32
      %get3A = arith.index_cast %add3A_26 : i32 to index
      %get3A_27 = tpu.vector_load %arg8[%get3A] {strides = array<i32>} : memref<512xi32, #tpu.memory_space<vmem>>, vector<16xi32>,
      %get3A_28 = arith.index_cast %add3A_26 : i32 to index
      %get3A_29 = tpu.vector_load %arg9[%get3A_28] {strides = array<i32>} : memref<512xi32, #tpu.memory_space<vmem>>, vector<16xi32>,
      %eq3A = arith.constant 1 : i32
      %eq3A_30 = vector.broadcast %eq3A : i32 to vector<16xi32>
      %eq3A_31 = arith.cmpi eq, %get3A_29, %eq3A_30 : vector<16xi32>
      %jit3A = arith.constant 1.000000e+00 : f32
      %jit3A_32 = arith.constant 0.000000e+00 : f32
      %broadcast_in_dim3A_33 = vector.broadcast %jit3A : f32 to vector<16xf32>
      %broadcast_in_dim3A_34 = vector.broadcast %jit3A_32 : f32 to vector<16xf32>
      %select_n3A = arith.select %eq3A_31, %broadcast_in_dim3A_33, %broadcast_in_dim3A_34 : vector<16xi1>, vector<16xf32>
      %broadcast_in_dim3A_35 = arith.constant 0 : i32
      %broadcast_in_dim3A_36 = vector.broadcast %broadcast_in_dim3A_35 : i32 to vector<16xi32>
      %add3A_37 = arith.constant 0 : i32
      %add3A_38 = vector.broadcast %add3A_37 : i32 to vector<16xi32>
      %add3A_39 = arith.addi %mul3A_5, %add3A_38 : vector<16xi32>
      %gather3A = tpu.vector_load_idx %arg6[%add3A_39] : memref<6400xf32, #tpu.memory_space<vmem>>[vector<16xi32>], vector<16xf32>,
      %sub3A = arith.constant 1.000000e+00 : f32
      %sub3A_40 = vector.broadcast %sub3A : f32 to vector<16xf32>
      %sub3A_41 = arith.subf %sub3A_40, %gather3A : vector<16xf32>
      %ge3A = arith.constant 0 : i32
      %ge3A_42 = vector.broadcast %ge3A : i32 to vector<16xi32>
      %ge3A_43 = arith.cmpi sge, %get3A_27, %ge3A_42 : vector<16xi32>
      %select_n3A_44 = arith.select %ge3A_43, %sub3A_41, %broadcast_in_dim3A_6 : vector<16xi1>, vector<16xf32>
      %mul3A_45 = arith.mulf %broadcast_in_dim3A_6, %select_n3A_44 : vector<16xf32>
      %eq3A_46 = arith.constant 0 : i32
      %eq3A_47 = vector.broadcast %eq3A_46 : i32 to vector<16xi32>
      %eq3A_48 = arith.cmpi eq, %get3A_27, %eq3A_47 : vector<16xi32>
      %select_n3A_49 = arith.select %eq3A_48, %gather3A, %broadcast_in_dim3A_6 : vector<16xi1>, vector<16xf32>
      %select_n3A_50 = arith.select %eq3A_48, %sub3A_41, %broadcast_in_dim3A_6 : vector<16xi1>, vector<16xf32>
      %add3A_51 = arith.constant 8 : i32
      %add3A_52 = vector.broadcast %add3A_51 : i32 to vector<16xi32>
      %add3A_53 = arith.addi %mul3A_5, %add3A_52 : vector<16xi32>
      %gather3A_54 = tpu.vector_load_idx %arg6[%add3A_53] : memref<6400xf32, #tpu.memory_space<vmem>>[vector<16xi32>], vector<16xf32>,
      %sub3A_55 = arith.constant 1.000000e+00 : f32
      %sub3A_56 = vector.broadcast %sub3A_55 : f32 to vector<16xf32>
      %sub3A_57 = arith.subf %sub3A_56, %gather3A_54 : vector<16xf32>
      %ge3A_58 = arith.constant 8 : i32
      %ge3A_59 = vector.broadcast %ge3A_58 : i32 to vector<16xi32>
      %ge3A_60 = arith.cmpi sge, %get3A_27, %ge3A_59 : vector<16xi32>
      %select_n3A_61 = arith.select %ge3A_60, %sub3A_57, %broadcast_in_dim3A_6 : vector<16xi1>, vector<16xf32>
      %mul3A_62 = arith.mulf %mul3A_45, %select_n3A_61 : vector<16xf32>
      %eq3A_63 = arith.constant 8 : i32
      %eq3A_64 = vector.broadcast %eq3A_63 : i32 to vector<16xi32>
      %eq3A_65 = arith.cmpi eq, %get3A_27, %eq3A_64 : vector<16xi32>
      %select_n3A_66 = arith.select %eq3A_65, %gather3A_54, %select_n3A_49 : vector<16xi1>, vector<16xf32>
      %select_n3A_67 = arith.select %eq3A_65, %sub3A_57, %select_n3A_50 : vector<16xi1>, vector<16xf32>
      %add3A_68 = arith.constant 16 : i32
      %add3A_69 = vector.broadcast %add3A_68 : i32 to vector<16xi32>
      %add3A_70 = arith.addi %mul3A_5, %add3A_69 : vector<16xi32>
      %gather3A_71 = tpu.vector_load_idx %arg6[%add3A_70] : memref<6400xf32, #tpu.memory_space<vmem>>[vector<16xi32>], vector<16xf32>,
      %sub3A_72 = arith.constant 1.000000e+00 : f32
      %sub3A_73 = vector.broadcast %sub3A_72 : f32 to vector<16xf32>
      %sub3A_74 = arith.subf %sub3A_73, %gather3A_71 : vector<16xf32>
      %ge3A_75 = arith.constant 16 : i32
      %ge3A_76 = vector.broadcast %ge3A_75 : i32 to vector<16xi32>
      %ge3A_77 = arith.cmpi sge, %get3A_27, %ge3A_76 : vector<16xi32>
      %select_n3A_78 = arith.select %ge3A_77, %sub3A_74, %broadcast_in_dim3A_6 : vector<16xi1>, vector<16xf32>
      %mul3A_79 = arith.mulf %mul3A_62, %select_n3A_78 : vector<16xf32>
      %eq3A_80 = arith.constant 16 : i32
      %eq3A_81 = vector.broadcast %eq3A_80 : i32 to vector<16xi32>
      %eq3A_82 = arith.cmpi eq, %get3A_27, %eq3A_81 : vector<16xi32>
      %select_n3A_83 = arith.select %eq3A_82, %gather3A_71, %select_n3A_66 : vector<16xi1>, vector<16xf32>
      %select_n3A_84 = arith.select %eq3A_82, %sub3A_74, %select_n3A_67 : vector<16xi1>, vector<16xf32>
      %add3A_85 = arith.constant 24 : i32
      %add3A_86 = vector.broadcast %add3A_85 : i32 to vector<16xi32>
      %add3A_87 = arith.addi %mul3A_5, %add3A_86 : vector<16xi32>
      %gather3A_88 = tpu.vector_load_idx %arg6[%add3A_87] : memref<6400xf32, #tpu.memory_space<vmem>>[vector<16xi32>], vector<16xf32>,
      %sub3A_89 = arith.constant 1.000000e+00 : f32
      %sub3A_90 = vector.broadcast %sub3A_89 : f32 to vector<16xf32>
      %sub3A_91 = arith.subf %sub3A_90, %gather3A_88 : vector<16xf32>
      %ge3A_92 = arith.constant 24 : i32
      %ge3A_93 = vector.broadcast %ge3A_92 : i32 to vector<16xi32>
      %ge3A_94 = arith.cmpi sge, %get3A_27, %ge3A_93 : vector<16xi32>
      %select_n3A_95 = arith.select %ge3A_94, %sub3A_91, %broadcast_in_dim3A_6 : vector<16xi1>, vector<16xf32>
      %mul3A_96 = arith.mulf %mul3A_79, %select_n3A_95 : vector<16xf32>
      %eq3A_97 = arith.constant 24 : i32
      %eq3A_98 = vector.broadcast %eq3A_97 : i32 to vector<16xi32>
      %eq3A_99 = arith.cmpi eq, %get3A_27, %eq3A_98 : vector<16xi32>
      %select_n3A_100 = arith.select %eq3A_99, %gather3A_88, %select_n3A_83 : vector<16xi1>, vector<16xf32>
      %select_n3A_101 = arith.select %eq3A_99, %sub3A_91, %select_n3A_84 : vector<16xi1>, vector<16xf32>
      %add3A_102 = arith.constant 32 : i32
      %add3A_103 = vector.broadcast %add3A_102 : i32 to vector<16xi32>
      %add3A_104 = arith.addi %mul3A_5, %add3A_103 : vector<16xi32>
      %gather3A_105 = tpu.vector_load_idx %arg6[%add3A_104] : memref<6400xf32, #tpu.memory_space<vmem>>[vector<16xi32>], vector<16xf32>,
      %sub3A_106 = arith.constant 1.000000e+00 : f32
      %sub3A_107 = vector.broadcast %sub3A_106 : f32 to vector<16xf32>
      %sub3A_108 = arith.subf %sub3A_107, %gather3A_105 : vector<16xf32>
      %ge3A_109 = arith.constant 32 : i32
      %ge3A_110 = vector.broadcast %ge3A_109 : i32 to vector<16xi32>
      %ge3A_111 = arith.cmpi sge, %get3A_27, %ge3A_110 : vector<16xi32>
      %select_n3A_112 = arith.select %ge3A_111, %sub3A_108, %broadcast_in_dim3A_6 : vector<16xi1>, vector<16xf32>
      %mul3A_113 = arith.mulf %mul3A_96, %select_n3A_112 : vector<16xf32>
      %eq3A_114 = arith.constant 32 : i32
      %eq3A_115 = vector.broadcast %eq3A_114 : i32 to vector<16xi32>
      %eq3A_116 = arith.cmpi eq, %get3A_27, %eq3A_115 : vector<16xi32>
      %select_n3A_117 = arith.select %eq3A_116, %gather3A_105, %select_n3A_100 : vector<16xi1>, vector<16xf32>
      %select_n3A_118 = arith.select %eq3A_116, %sub3A_108, %select_n3A_101 : vector<16xi1>, vector<16xf32>
      %add3A_119 = arith.constant 40 : i32
      %add3A_120 = vector.broadcast %add3A_119 : i32 to vector<16xi32>
      %add3A_121 = arith.addi %mul3A_5, %add3A_120 : vector<16xi32>
      %gather3A_122 = tpu.vector_load_idx %arg6[%add3A_121] : memref<6400xf32, #tpu.memory_space<vmem>>[vector<16xi32>], vector<16xf32>,
      %sub3A_123 = arith.constant 1.000000e+00 : f32
      %sub3A_124 = vector.broadcast %sub3A_123 : f32 to vector<16xf32>
      %sub3A_125 = arith.subf %sub3A_124, %gather3A_122 : vector<16xf32>
      %ge3A_126 = arith.constant 40 : i32
      %ge3A_127 = vector.broadcast %ge3A_126 : i32 to vector<16xi32>
      %ge3A_128 = arith.cmpi sge, %get3A_27, %ge3A_127 : vector<16xi32>
      %select_n3A_129 = arith.select %ge3A_128, %sub3A_125, %broadcast_in_dim3A_6 : vector<16xi1>, vector<16xf32>
      %mul3A_130 = arith.mulf %mul3A_113, %select_n3A_129 : vector<16xf32>
      %eq3A_131 = arith.constant 40 : i32
      %eq3A_132 = vector.broadcast %eq3A_131 : i32 to vector<16xi32>
      %eq3A_133 = arith.cmpi eq, %get3A_27, %eq3A_132 : vector<16xi32>
      %select_n3A_134 = arith.select %eq3A_133, %gather3A_122, %select_n3A_117 : vector<16xi1>, vector<16xf32>
      %select_n3A_135 = arith.select %eq3A_133, %sub3A_125, %select_n3A_118 : vector<16xi1>, vector<16xf32>
      %add3A_136 = arith.constant 48 : i32
      %add3A_137 = vector.broadcast %add3A_136 : i32 to vector<16xi32>
      %add3A_138 = arith.addi %mul3A_5, %add3A_137 : vector<16xi32>
      %gather3A_139 = tpu.vector_load_idx %arg6[%add3A_138] : memref<6400xf32, #tpu.memory_space<vmem>>[vector<16xi32>], vector<16xf32>,
      %sub3A_140 = arith.constant 1.000000e+00 : f32
      %sub3A_141 = vector.broadcast %sub3A_140 : f32 to vector<16xf32>
      %sub3A_142 = arith.subf %sub3A_141, %gather3A_139 : vector<16xf32>
      %ge3A_143 = arith.constant 48 : i32
      %ge3A_144 = vector.broadcast %ge3A_143 : i32 to vector<16xi32>
      %ge3A_145 = arith.cmpi sge, %get3A_27, %ge3A_144 : vector<16xi32>
      %select_n3A_146 = arith.select %ge3A_145, %sub3A_142, %broadcast_in_dim3A_6 : vector<16xi1>, vector<16xf32>
      %mul3A_147 = arith.mulf %mul3A_130, %select_n3A_146 : vector<16xf32>
      %eq3A_148 = arith.constant 48 : i32
      %eq3A_149 = vector.broadcast %eq3A_148 : i32 to vector<16xi32>
      %eq3A_150 = arith.cmpi eq, %get3A_27, %eq3A_149 : vector<16xi32>
      %select_n3A_151 = arith.select %eq3A_150, %gather3A_139, %select_n3A_134 : vector<16xi1>, vector<16xf32>
      %select_n3A_152 = arith.select %eq3A_150, %sub3A_142, %select_n3A_135 : vector<16xi1>, vector<16xf32>
      %add3A_153 = arith.constant 56 : i32
      %add3A_154 = vector.broadcast %add3A_153 : i32 to vector<16xi32>
      %add3A_155 = arith.addi %mul3A_5, %add3A_154 : vector<16xi32>
      %gather3A_156 = tpu.vector_load_idx %arg6[%add3A_155] : memref<6400xf32, #tpu.memory_space<vmem>>[vector<16xi32>], vector<16xf32>,
      %sub3A_157 = arith.constant 1.000000e+00 : f32
      %sub3A_158 = vector.broadcast %sub3A_157 : f32 to vector<16xf32>
      %sub3A_159 = arith.subf %sub3A_158, %gather3A_156 : vector<16xf32>
      %ge3A_160 = arith.constant 56 : i32
      %ge3A_161 = vector.broadcast %ge3A_160 : i32 to vector<16xi32>
      %ge3A_162 = arith.cmpi sge, %get3A_27, %ge3A_161 : vector<16xi32>
      %select_n3A_163 = arith.select %ge3A_162, %sub3A_159, %broadcast_in_dim3A_6 : vector<16xi1>, vector<16xf32>
      %mul3A_164 = arith.mulf %mul3A_147, %select_n3A_163 : vector<16xf32>
      %eq3A_165 = arith.constant 56 : i32
      %eq3A_166 = vector.broadcast %eq3A_165 : i32 to vector<16xi32>
      %eq3A_167 = arith.cmpi eq, %get3A_27, %eq3A_166 : vector<16xi32>
      %select_n3A_168 = arith.select %eq3A_167, %gather3A_156, %select_n3A_151 : vector<16xi1>, vector<16xf32>
      %select_n3A_169 = arith.select %eq3A_167, %sub3A_159, %select_n3A_152 : vector<16xi1>, vector<16xf32>
      %add3A_170 = arith.constant 64 : i32
      %add3A_171 = vector.broadcast %add3A_170 : i32 to vector<16xi32>
      %add3A_172 = arith.addi %mul3A_5, %add3A_171 : vector<16xi32>
      %gather3A_173 = tpu.vector_load_idx %arg6[%add3A_172] : memref<6400xf32, #tpu.memory_space<vmem>>[vector<16xi32>], vector<16xf32>,
      %sub3A_174 = arith.constant 1.000000e+00 : f32
      %sub3A_175 = vector.broadcast %sub3A_174 : f32 to vector<16xf32>
      %sub3A_176 = arith.subf %sub3A_175, %gather3A_173 : vector<16xf32>
      %ge3A_177 = arith.constant 64 : i32
      %ge3A_178 = vector.broadcast %ge3A_177 : i32 to vector<16xi32>
      %ge3A_179 = arith.cmpi sge, %get3A_27, %ge3A_178 : vector<16xi32>
      %select_n3A_180 = arith.select %ge3A_179, %sub3A_176, %broadcast_in_dim3A_6 : vector<16xi1>, vector<16xf32>
      %mul3A_181 = arith.mulf %mul3A_164, %select_n3A_180 : vector<16xf32>
      %eq3A_182 = arith.constant 64 : i32
      %eq3A_183 = vector.broadcast %eq3A_182 : i32 to vector<16xi32>
      %eq3A_184 = arith.cmpi eq, %get3A_27, %eq3A_183 : vector<16xi32>
      %select_n3A_185 = arith.select %eq3A_184, %gather3A_173, %select_n3A_168 : vector<16xi1>, vector<16xf32>
      %select_n3A_186 = arith.select %eq3A_184, %sub3A_176, %select_n3A_169 : vector<16xi1>, vector<16xf32>
      %add3A_187 = arith.constant 72 : i32
      %add3A_188 = vector.broadcast %add3A_187 : i32 to vector<16xi32>
      %add3A_189 = arith.addi %mul3A_5, %add3A_188 : vector<16xi32>
      %gather3A_190 = tpu.vector_load_idx %arg6[%add3A_189] : memref<6400xf32, #tpu.memory_space<vmem>>[vector<16xi32>], vector<16xf32>,
      %sub3A_191 = arith.constant 1.000000e+00 : f32
      %sub3A_192 = vector.broadcast %sub3A_191 : f32 to vector<16xf32>
      %sub3A_193 = arith.subf %sub3A_192, %gather3A_190 : vector<16xf32>
      %ge3A_194 = arith.constant 72 : i32
      %ge3A_195 = vector.broadcast %ge3A_194 : i32 to vector<16xi32>
      %ge3A_196 = arith.cmpi sge, %get3A_27, %ge3A_195 : vector<16xi32>
      %select_n3A_197 = arith.select %ge3A_196, %sub3A_193, %broadcast_in_dim3A_6 : vector<16xi1>, vector<16xf32>
      %mul3A_198 = arith.mulf %mul3A_181, %select_n3A_197 : vector<16xf32>
      %eq3A_199 = arith.constant 72 : i32
      %eq3A_200 = vector.broadcast %eq3A_199 : i32 to vector<16xi32>
      %eq3A_201 = arith.cmpi eq, %get3A_27, %eq3A_200 : vector<16xi32>
      %select_n3A_202 = arith.select %eq3A_201, %gather3A_190, %select_n3A_185 : vector<16xi1>, vector<16xf32>
      %select_n3A_203 = arith.select %eq3A_201, %sub3A_193, %select_n3A_186 : vector<16xi1>, vector<16xf32>
      %add3A_204 = arith.constant 80 : i32
      %add3A_205 = vector.broadcast %add3A_204 : i32 to vector<16xi32>
      %add3A_206 = arith.addi %mul3A_5, %add3A_205 : vector<16xi32>
      %gather3A_207 = tpu.vector_load_idx %arg6[%add3A_206] : memref<6400xf32, #tpu.memory_space<vmem>>[vector<16xi32>], vector<16xf32>,
      %sub3A_208 = arith.constant 1.000000e+00 : f32
      %sub3A_209 = vector.broadcast %sub3A_208 : f32 to vector<16xf32>
      %sub3A_210 = arith.subf %sub3A_209, %gather3A_207 : vector<16xf32>
      %ge3A_211 = arith.constant 80 : i32
      %ge3A_212 = vector.broadcast %ge3A_211 : i32 to vector<16xi32>
      %ge3A_213 = arith.cmpi sge, %get3A_27, %ge3A_212 : vector<16xi32>
      %select_n3A_214 = arith.select %ge3A_213, %sub3A_210, %broadcast_in_dim3A_6 : vector<16xi1>, vector<16xf32>
      %mul3A_215 = arith.mulf %mul3A_198, %select_n3A_214 : vector<16xf32>
      %eq3A_216 = arith.constant 80 : i32
      %eq3A_217 = vector.broadcast %eq3A_216 : i32 to vector<16xi32>
      %eq3A_218 = arith.cmpi eq, %get3A_27, %eq3A_217 : vector<16xi32>
      %select_n3A_219 = arith.select %eq3A_218, %gather3A_207, %select_n3A_202 : vector<16xi1>, vector<16xf32>
      %select_n3A_220 = arith.select %eq3A_218, %sub3A_210, %select_n3A_203 : vector<16xi1>, vector<16xf32>
      %add3A_221 = arith.constant 88 : i32
      %add3A_222 = vector.broadcast %add3A_221 : i32 to vector<16xi32>
      %add3A_223 = arith.addi %mul3A_5, %add3A_222 : vector<16xi32>
      %gather3A_224 = tpu.vector_load_idx %arg6[%add3A_223] : memref<6400xf32, #tpu.memory_space<vmem>>[vector<16xi32>], vector<16xf32>,
      %sub3A_225 = arith.constant 1.000000e+00 : f32
      %sub3A_226 = vector.broadcast %sub3A_225 : f32 to vector<16xf32>
      %sub3A_227 = arith.subf %sub3A_226, %gather3A_224 : vector<16xf32>
      %ge3A_228 = arith.constant 88 : i32
      %ge3A_229 = vector.broadcast %ge3A_228 : i32 to vector<16xi32>
      %ge3A_230 = arith.cmpi sge, %get3A_27, %ge3A_229 : vector<16xi32>
      %select_n3A_231 = arith.select %ge3A_230, %sub3A_227, %broadcast_in_dim3A_6 : vector<16xi1>, vector<16xf32>
      %mul3A_232 = arith.mulf %mul3A_215, %select_n3A_231 : vector<16xf32>
      %eq3A_233 = arith.constant 88 : i32
      %eq3A_234 = vector.broadcast %eq3A_233 : i32 to vector<16xi32>
      %eq3A_235 = arith.cmpi eq, %get3A_27, %eq3A_234 : vector<16xi32>
      %select_n3A_236 = arith.select %eq3A_235, %gather3A_224, %select_n3A_219 : vector<16xi1>, vector<16xf32>
      %select_n3A_237 = arith.select %eq3A_235, %sub3A_227, %select_n3A_220 : vector<16xi1>, vector<16xf32>
      %add3A_238 = arith.constant 96 : i32
      %add3A_239 = vector.broadcast %add3A_238 : i32 to vector<16xi32>
      %add3A_240 = arith.addi %mul3A_5, %add3A_239 : vector<16xi32>
      %gather3A_241 = tpu.vector_load_idx %arg6[%add3A_240] : memref<6400xf32, #tpu.memory_space<vmem>>[vector<16xi32>], vector<16xf32>,
      %sub3A_242 = arith.constant 1.000000e+00 : f32
      %sub3A_243 = vector.broadcast %sub3A_242 : f32 to vector<16xf32>
      %sub3A_244 = arith.subf %sub3A_243, %gather3A_241 : vector<16xf32>
      %ge3A_245 = arith.constant 96 : i32
      %ge3A_246 = vector.broadcast %ge3A_245 : i32 to vector<16xi32>
      %ge3A_247 = arith.cmpi sge, %get3A_27, %ge3A_246 : vector<16xi32>
      %select_n3A_248 = arith.select %ge3A_247, %sub3A_244, %broadcast_in_dim3A_6 : vector<16xi1>, vector<16xf32>
      %mul3A_249 = arith.mulf %mul3A_232, %select_n3A_248 : vector<16xf32>
      %eq3A_250 = arith.constant 96 : i32
      %eq3A_251 = vector.broadcast %eq3A_250 : i32 to vector<16xi32>
      %eq3A_252 = arith.cmpi eq, %get3A_27, %eq3A_251 : vector<16xi32>
      %select_n3A_253 = arith.select %eq3A_252, %gather3A_241, %select_n3A_236 : vector<16xi1>, vector<16xf32>
      %select_n3A_254 = arith.select %eq3A_252, %sub3A_244, %select_n3A_237 : vector<16xi1>, vector<16xf32>
      %add3A_255 = arith.constant 104 : i32
      %add3A_256 = vector.broadcast %add3A_255 : i32 to vector<16xi32>
      %add3A_257 = arith.addi %mul3A_5, %add3A_256 : vector<16xi32>
      %gather3A_258 = tpu.vector_load_idx %arg6[%add3A_257] : memref<6400xf32, #tpu.memory_space<vmem>>[vector<16xi32>], vector<16xf32>,
      %sub3A_259 = arith.constant 1.000000e+00 : f32
      %sub3A_260 = vector.broadcast %sub3A_259 : f32 to vector<16xf32>
      %sub3A_261 = arith.subf %sub3A_260, %gather3A_258 : vector<16xf32>
      %ge3A_262 = arith.constant 104 : i32
      %ge3A_263 = vector.broadcast %ge3A_262 : i32 to vector<16xi32>
      %ge3A_264 = arith.cmpi sge, %get3A_27, %ge3A_263 : vector<16xi32>
      %select_n3A_265 = arith.select %ge3A_264, %sub3A_261, %broadcast_in_dim3A_6 : vector<16xi1>, vector<16xf32>
      %mul3A_266 = arith.mulf %mul3A_249, %select_n3A_265 : vector<16xf32>
      %eq3A_267 = arith.constant 104 : i32
      %eq3A_268 = vector.broadcast %eq3A_267 : i32 to vector<16xi32>
      %eq3A_269 = arith.cmpi eq, %get3A_27, %eq3A_268 : vector<16xi32>
      %select_n3A_270 = arith.select %eq3A_269, %gather3A_258, %select_n3A_253 : vector<16xi1>, vector<16xf32>
      %select_n3A_271 = arith.select %eq3A_269, %sub3A_261, %select_n3A_254 : vector<16xi1>, vector<16xf32>
      %add3A_272 = arith.constant 112 : i32
      %add3A_273 = vector.broadcast %add3A_272 : i32 to vector<16xi32>
      %add3A_274 = arith.addi %mul3A_5, %add3A_273 : vector<16xi32>
      %gather3A_275 = tpu.vector_load_idx %arg6[%add3A_274] : memref<6400xf32, #tpu.memory_space<vmem>>[vector<16xi32>], vector<16xf32>,
      %sub3A_276 = arith.constant 1.000000e+00 : f32
      %sub3A_277 = vector.broadcast %sub3A_276 : f32 to vector<16xf32>
      %sub3A_278 = arith.subf %sub3A_277, %gather3A_275 : vector<16xf32>
      %ge3A_279 = arith.constant 112 : i32
      %ge3A_280 = vector.broadcast %ge3A_279 : i32 to vector<16xi32>
      %ge3A_281 = arith.cmpi sge, %get3A_27, %ge3A_280 : vector<16xi32>
      %select_n3A_282 = arith.select %ge3A_281, %sub3A_278, %broadcast_in_dim3A_6 : vector<16xi1>, vector<16xf32>
      %mul3A_283 = arith.mulf %mul3A_266, %select_n3A_282 : vector<16xf32>
      %eq3A_284 = arith.constant 112 : i32
      %eq3A_285 = vector.broadcast %eq3A_284 : i32 to vector<16xi32>
      %eq3A_286 = arith.cmpi eq, %get3A_27, %eq3A_285 : vector<16xi32>
      %select_n3A_287 = arith.select %eq3A_286, %gather3A_275, %select_n3A_270 : vector<16xi1>, vector<16xf32>
      %select_n3A_288 = arith.select %eq3A_286, %sub3A_278, %select_n3A_271 : vector<16xi1>, vector<16xf32>
      %add3A_289 = arith.constant 120 : i32
      %add3A_290 = vector.broadcast %add3A_289 : i32 to vector<16xi32>
      %add3A_291 = arith.addi %mul3A_5, %add3A_290 : vector<16xi32>
      %gather3A_292 = tpu.vector_load_idx %arg6[%add3A_291] : memref<6400xf32, #tpu.memory_space<vmem>>[vector<16xi32>], vector<16xf32>,
      %sub3A_293 = arith.constant 1.000000e+00 : f32
      %sub3A_294 = vector.broadcast %sub3A_293 : f32 to vector<16xf32>
      %sub3A_295 = arith.subf %sub3A_294, %gather3A_292 : vector<16xf32>
      %ge3A_296 = arith.constant 120 : i32
      %ge3A_297 = vector.broadcast %ge3A_296 : i32 to vector<16xi32>
      %ge3A_298 = arith.cmpi sge, %get3A_27, %ge3A_297 : vector<16xi32>
      %select_n3A_299 = arith.select %ge3A_298, %sub3A_295, %broadcast_in_dim3A_6 : vector<16xi1>, vector<16xf32>
      %mul3A_300 = arith.mulf %mul3A_283, %select_n3A_299 : vector<16xf32>
      %eq3A_301 = arith.constant 120 : i32
      %eq3A_302 = vector.broadcast %eq3A_301 : i32 to vector<16xi32>
      %eq3A_303 = arith.cmpi eq, %get3A_27, %eq3A_302 : vector<16xi32>
      %select_n3A_304 = arith.select %eq3A_303, %gather3A_292, %select_n3A_287 : vector<16xi1>, vector<16xf32>
      %select_n3A_305 = arith.select %eq3A_303, %sub3A_295, %select_n3A_288 : vector<16xi1>, vector<16xf32>
      %add3A_306 = arith.constant 128 : i32
      %add3A_307 = vector.broadcast %add3A_306 : i32 to vector<16xi32>
      %add3A_308 = arith.addi %mul3A_5, %add3A_307 : vector<16xi32>
      %gather3A_309 = tpu.vector_load_idx %arg6[%add3A_308] : memref<6400xf32, #tpu.memory_space<vmem>>[vector<16xi32>], vector<16xf32>,
      %sub3A_310 = arith.constant 1.000000e+00 : f32
      %sub3A_311 = vector.broadcast %sub3A_310 : f32 to vector<16xf32>
      %sub3A_312 = arith.subf %sub3A_311, %gather3A_309 : vector<16xf32>
      %ge3A_313 = arith.constant 128 : i32
      %ge3A_314 = vector.broadcast %ge3A_313 : i32 to vector<16xi32>
      %ge3A_315 = arith.cmpi sge, %get3A_27, %ge3A_314 : vector<16xi32>
      %select_n3A_316 = arith.select %ge3A_315, %sub3A_312, %broadcast_in_dim3A_6 : vector<16xi1>, vector<16xf32>
      %mul3A_317 = arith.mulf %mul3A_300, %select_n3A_316 : vector<16xf32>
      %eq3A_318 = arith.constant 128 : i32
      %eq3A_319 = vector.broadcast %eq3A_318 : i32 to vector<16xi32>
      %eq3A_320 = arith.cmpi eq, %get3A_27, %eq3A_319 : vector<16xi32>
      %select_n3A_321 = arith.select %eq3A_320, %gather3A_309, %select_n3A_304 : vector<16xi1>, vector<16xf32>
      %select_n3A_322 = arith.select %eq3A_320, %sub3A_312, %select_n3A_305 : vector<16xi1>, vector<16xf32>
      %add3A_323 = arith.constant 136 : i32
      %add3A_324 = vector.broadcast %add3A_323 : i32 to vector<16xi32>
      %add3A_325 = arith.addi %mul3A_5, %add3A_324 : vector<16xi32>
      %gather3A_326 = tpu.vector_load_idx %arg6[%add3A_325] : memref<6400xf32, #tpu.memory_space<vmem>>[vector<16xi32>], vector<16xf32>,
      %sub3A_327 = arith.constant 1.000000e+00 : f32
      %sub3A_328 = vector.broadcast %sub3A_327 : f32 to vector<16xf32>
      %sub3A_329 = arith.subf %sub3A_328, %gather3A_326 : vector<16xf32>
      %ge3A_330 = arith.constant 136 : i32
      %ge3A_331 = vector.broadcast %ge3A_330 : i32 to vector<16xi32>
      %ge3A_332 = arith.cmpi sge, %get3A_27, %ge3A_331 : vector<16xi32>
      %select_n3A_333 = arith.select %ge3A_332, %sub3A_329, %broadcast_in_dim3A_6 : vector<16xi1>, vector<16xf32>
      %mul3A_334 = arith.mulf %mul3A_317, %select_n3A_333 : vector<16xf32>
      %eq3A_335 = arith.constant 136 : i32
      %eq3A_336 = vector.broadcast %eq3A_335 : i32 to vector<16xi32>
      %eq3A_337 = arith.cmpi eq, %get3A_27, %eq3A_336 : vector<16xi32>
      %select_n3A_338 = arith.select %eq3A_337, %gather3A_326, %select_n3A_321 : vector<16xi1>, vector<16xf32>
      %select_n3A_339 = arith.select %eq3A_337, %sub3A_329, %select_n3A_322 : vector<16xi1>, vector<16xf32>
      %add3A_340 = arith.constant 144 : i32
      %add3A_341 = vector.broadcast %add3A_340 : i32 to vector<16xi32>
      %add3A_342 = arith.addi %mul3A_5, %add3A_341 : vector<16xi32>
      %gather3A_343 = tpu.vector_load_idx %arg6[%add3A_342] : memref<6400xf32, #tpu.memory_space<vmem>>[vector<16xi32>], vector<16xf32>,
      %sub3A_344 = arith.constant 1.000000e+00 : f32
      %sub3A_345 = vector.broadcast %sub3A_344 : f32 to vector<16xf32>
      %sub3A_346 = arith.subf %sub3A_345, %gather3A_343 : vector<16xf32>
      %ge3A_347 = arith.constant 144 : i32
      %ge3A_348 = vector.broadcast %ge3A_347 : i32 to vector<16xi32>
      %ge3A_349 = arith.cmpi sge, %get3A_27, %ge3A_348 : vector<16xi32>
      %select_n3A_350 = arith.select %ge3A_349, %sub3A_346, %broadcast_in_dim3A_6 : vector<16xi1>, vector<16xf32>
      %mul3A_351 = arith.mulf %mul3A_334, %select_n3A_350 : vector<16xf32>
      %eq3A_352 = arith.constant 144 : i32
      %eq3A_353 = vector.broadcast %eq3A_352 : i32 to vector<16xi32>
      %eq3A_354 = arith.cmpi eq, %get3A_27, %eq3A_353 : vector<16xi32>
      %select_n3A_355 = arith.select %eq3A_354, %gather3A_343, %select_n3A_338 : vector<16xi1>, vector<16xf32>
      %select_n3A_356 = arith.select %eq3A_354, %sub3A_346, %select_n3A_339 : vector<16xi1>, vector<16xf32>
      %add3A_357 = arith.constant 152 : i32
      %add3A_358 = vector.broadcast %add3A_357 : i32 to vector<16xi32>
      %add3A_359 = arith.addi %mul3A_5, %add3A_358 : vector<16xi32>
      %gather3A_360 = tpu.vector_load_idx %arg6[%add3A_359] : memref<6400xf32, #tpu.memory_space<vmem>>[vector<16xi32>], vector<16xf32>,
      %sub3A_361 = arith.constant 1.000000e+00 : f32
      %sub3A_362 = vector.broadcast %sub3A_361 : f32 to vector<16xf32>
      %sub3A_363 = arith.subf %sub3A_362, %gather3A_360 : vector<16xf32>
      %ge3A_364 = arith.constant 152 : i32
      %ge3A_365 = vector.broadcast %ge3A_364 : i32 to vector<16xi32>
      %ge3A_366 = arith.cmpi sge, %get3A_27, %ge3A_365 : vector<16xi32>
      %select_n3A_367 = arith.select %ge3A_366, %sub3A_363, %broadcast_in_dim3A_6 : vector<16xi1>, vector<16xf32>
      %mul3A_368 = arith.mulf %mul3A_351, %select_n3A_367 : vector<16xf32>
      %eq3A_369 = arith.constant 152 : i32
      %eq3A_370 = vector.broadcast %eq3A_369 : i32 to vector<16xi32>
      %eq3A_371 = arith.cmpi eq, %get3A_27, %eq3A_370 : vector<16xi32>
      %select_n3A_372 = arith.select %eq3A_371, %gather3A_360, %select_n3A_355 : vector<16xi1>, vector<16xf32>
      %select_n3A_373 = arith.select %eq3A_371, %sub3A_363, %select_n3A_356 : vector<16xi1>, vector<16xf32>
      %add3A_374 = arith.constant 160 : i32
      %add3A_375 = vector.broadcast %add3A_374 : i32 to vector<16xi32>
      %add3A_376 = arith.addi %mul3A_5, %add3A_375 : vector<16xi32>
      %gather3A_377 = tpu.vector_load_idx %arg6[%add3A_376] : memref<6400xf32, #tpu.memory_space<vmem>>[vector<16xi32>], vector<16xf32>,
      %sub3A_378 = arith.constant 1.000000e+00 : f32
      %sub3A_379 = vector.broadcast %sub3A_378 : f32 to vector<16xf32>
      %sub3A_380 = arith.subf %sub3A_379, %gather3A_377 : vector<16xf32>
      %ge3A_381 = arith.constant 160 : i32
      %ge3A_382 = vector.broadcast %ge3A_381 : i32 to vector<16xi32>
      %ge3A_383 = arith.cmpi sge, %get3A_27, %ge3A_382 : vector<16xi32>
      %select_n3A_384 = arith.select %ge3A_383, %sub3A_380, %broadcast_in_dim3A_6 : vector<16xi1>, vector<16xf32>
      %mul3A_385 = arith.mulf %mul3A_368, %select_n3A_384 : vector<16xf32>
      %eq3A_386 = arith.constant 160 : i32
      %eq3A_387 = vector.broadcast %eq3A_386 : i32 to vector<16xi32>
      %eq3A_388 = arith.cmpi eq, %get3A_27, %eq3A_387 : vector<16xi32>
      %select_n3A_389 = arith.select %eq3A_388, %gather3A_377, %select_n3A_372 : vector<16xi1>, vector<16xf32>
      %select_n3A_390 = arith.select %eq3A_388, %sub3A_380, %select_n3A_373 : vector<16xi1>, vector<16xf32>
      %add3A_391 = arith.constant 168 : i32
      %add3A_392 = vector.broadcast %add3A_391 : i32 to vector<16xi32>
      %add3A_393 = arith.addi %mul3A_5, %add3A_392 : vector<16xi32>
      %gather3A_394 = tpu.vector_load_idx %arg6[%add3A_393] : memref<6400xf32, #tpu.memory_space<vmem>>[vector<16xi32>], vector<16xf32>,
      %sub3A_395 = arith.constant 1.000000e+00 : f32
      %sub3A_396 = vector.broadcast %sub3A_395 : f32 to vector<16xf32>
      %sub3A_397 = arith.subf %sub3A_396, %gather3A_394 : vector<16xf32>
      %ge3A_398 = arith.constant 168 : i32
      %ge3A_399 = vector.broadcast %ge3A_398 : i32 to vector<16xi32>
      %ge3A_400 = arith.cmpi sge, %get3A_27, %ge3A_399 : vector<16xi32>
      %select_n3A_401 = arith.select %ge3A_400, %sub3A_397, %broadcast_in_dim3A_6 : vector<16xi1>, vector<16xf32>
      %mul3A_402 = arith.mulf %mul3A_385, %select_n3A_401 : vector<16xf32>
      %eq3A_403 = arith.constant 168 : i32
      %eq3A_404 = vector.broadcast %eq3A_403 : i32 to vector<16xi32>
      %eq3A_405 = arith.cmpi eq, %get3A_27, %eq3A_404 : vector<16xi32>
      %select_n3A_406 = arith.select %eq3A_405, %gather3A_394, %select_n3A_389 : vector<16xi1>, vector<16xf32>
      %select_n3A_407 = arith.select %eq3A_405, %sub3A_397, %select_n3A_390 : vector<16xi1>, vector<16xf32>
      %add3A_408 = arith.constant 176 : i32
      %add3A_409 = vector.broadcast %add3A_408 : i32 to vector<16xi32>
      %add3A_410 = arith.addi %mul3A_5, %add3A_409 : vector<16xi32>
      %gather3A_411 = tpu.vector_load_idx %arg6[%add3A_410] : memref<6400xf32, #tpu.memory_space<vmem>>[vector<16xi32>], vector<16xf32>,
      %sub3A_412 = arith.constant 1.000000e+00 : f32
      %sub3A_413 = vector.broadcast %sub3A_412 : f32 to vector<16xf32>
      %sub3A_414 = arith.subf %sub3A_413, %gather3A_411 : vector<16xf32>
      %ge3A_415 = arith.constant 176 : i32
      %ge3A_416 = vector.broadcast %ge3A_415 : i32 to vector<16xi32>
      %ge3A_417 = arith.cmpi sge, %get3A_27, %ge3A_416 : vector<16xi32>
      %select_n3A_418 = arith.select %ge3A_417, %sub3A_414, %broadcast_in_dim3A_6 : vector<16xi1>, vector<16xf32>
      %mul3A_419 = arith.mulf %mul3A_402, %select_n3A_418 : vector<16xf32>
      %eq3A_420 = arith.constant 176 : i32
      %eq3A_421 = vector.broadcast %eq3A_420 : i32 to vector<16xi32>
      %eq3A_422 = arith.cmpi eq, %get3A_27, %eq3A_421 : vector<16xi32>
      %select_n3A_423 = arith.select %eq3A_422, %gather3A_411, %select_n3A_406 : vector<16xi1>, vector<16xf32>
      %select_n3A_424 = arith.select %eq3A_422, %sub3A_414, %select_n3A_407 : vector<16xi1>, vector<16xf32>
      %add3A_425 = arith.constant 184 : i32
      %add3A_426 = vector.broadcast %add3A_425 : i32 to vector<16xi32>
      %add3A_427 = arith.addi %mul3A_5, %add3A_426 : vector<16xi32>
      %gather3A_428 = tpu.vector_load_idx %arg6[%add3A_427] : memref<6400xf32, #tpu.memory_space<vmem>>[vector<16xi32>], vector<16xf32>,
      %sub3A_429 = arith.constant 1.000000e+00 : f32
      %sub3A_430 = vector.broadcast %sub3A_429 : f32 to vector<16xf32>
      %sub3A_431 = arith.subf %sub3A_430, %gather3A_428 : vector<16xf32>
      %ge3A_432 = arith.constant 184 : i32
      %ge3A_433 = vector.broadcast %ge3A_432 : i32 to vector<16xi32>
      %ge3A_434 = arith.cmpi sge, %get3A_27, %ge3A_433 : vector<16xi32>
      %select_n3A_435 = arith.select %ge3A_434, %sub3A_431, %broadcast_in_dim3A_6 : vector<16xi1>, vector<16xf32>
      %mul3A_436 = arith.mulf %mul3A_419, %select_n3A_435 : vector<16xf32>
      %eq3A_437 = arith.constant 184 : i32
      %eq3A_438 = vector.broadcast %eq3A_437 : i32 to vector<16xi32>
      %eq3A_439 = arith.cmpi eq, %get3A_27, %eq3A_438 : vector<16xi32>
      %select_n3A_440 = arith.select %eq3A_439, %gather3A_428, %select_n3A_423 : vector<16xi1>, vector<16xf32>
      %select_n3A_441 = arith.select %eq3A_439, %sub3A_431, %select_n3A_424 : vector<16xi1>, vector<16xf32>
      %add3A_442 = arith.constant 192 : i32
      %add3A_443 = vector.broadcast %add3A_442 : i32 to vector<16xi32>
      %add3A_444 = arith.addi %mul3A_5, %add3A_443 : vector<16xi32>
      %gather3A_445 = tpu.vector_load_idx %arg6[%add3A_444] : memref<6400xf32, #tpu.memory_space<vmem>>[vector<16xi32>], vector<16xf32>,
      %sub3A_446 = arith.constant 1.000000e+00 : f32
      %sub3A_447 = vector.broadcast %sub3A_446 : f32 to vector<16xf32>
      %sub3A_448 = arith.subf %sub3A_447, %gather3A_445 : vector<16xf32>
      %ge3A_449 = arith.constant 192 : i32
      %ge3A_450 = vector.broadcast %ge3A_449 : i32 to vector<16xi32>
      %ge3A_451 = arith.cmpi sge, %get3A_27, %ge3A_450 : vector<16xi32>
      %select_n3A_452 = arith.select %ge3A_451, %sub3A_448, %broadcast_in_dim3A_6 : vector<16xi1>, vector<16xf32>
      %mul3A_453 = arith.mulf %mul3A_436, %select_n3A_452 : vector<16xf32>
      %eq3A_454 = arith.constant 192 : i32
      %eq3A_455 = vector.broadcast %eq3A_454 : i32 to vector<16xi32>
      %eq3A_456 = arith.cmpi eq, %get3A_27, %eq3A_455 : vector<16xi32>
      %select_n3A_457 = arith.select %eq3A_456, %gather3A_445, %select_n3A_440 : vector<16xi1>, vector<16xf32>
      %select_n3A_458 = arith.select %eq3A_456, %sub3A_448, %select_n3A_441 : vector<16xi1>, vector<16xf32>
      %bitcast_convert_type3A = tpu.bitcast %mul3A_453 : vector<16xf32> -> vector<16xi32>
      %shift_right_arithmetic3A = arith.constant 23 : i32
      %shift_right_arithmetic3A_459 = vector.broadcast %shift_right_arithmetic3A : i32 to vector<16xi32>
      %shift_right_arithmetic3A_460 = arith.shrsi %bitcast_convert_type3A, %shift_right_arithmetic3A_459 : vector<16xi32>
      %sub3A_461 = arith.constant 127 : i32
      %sub3A_462 = vector.broadcast %sub3A_461 : i32 to vector<16xi32>
      %sub3A_463 = arith.subi %shift_right_arithmetic3A_460, %sub3A_462 : vector<16xi32>
      %add3A_464 = arith.addi %broadcast_in_dim3A_36, %sub3A_463 : vector<16xi32>
      %and3A = arith.constant 8388607 : i32
      %and3A_465 = vector.broadcast %and3A : i32 to vector<16xi32>
      %and3A_466 = arith.andi %bitcast_convert_type3A, %and3A_465 : vector<16xi32>
      %or3A = arith.constant 1065353216 : i32
      %or3A_467 = vector.broadcast %or3A : i32 to vector<16xi32>
      %or3A_468 = arith.ori %and3A_466, %or3A_467 : vector<16xi32>
      %bitcast_convert_type3A_469 = tpu.bitcast %or3A_468 : vector<16xi32> -> vector<16xf32>
      %bitcast_convert_type3A_470 = tpu.bitcast %broadcast_in_dim3A_6 : vector<16xf32> -> vector<16xi32>
      %shift_right_arithmetic3A_471 = arith.constant 23 : i32
      %shift_right_arithmetic3A_472 = vector.broadcast %shift_right_arithmetic3A_471 : i32 to vector<16xi32>
      %shift_right_arithmetic3A_473 = arith.shrsi %bitcast_convert_type3A_470, %shift_right_arithmetic3A_472 : vector<16xi32>
      %sub3A_474 = arith.constant 127 : i32
      %sub3A_475 = vector.broadcast %sub3A_474 : i32 to vector<16xi32>
      %sub3A_476 = arith.subi %shift_right_arithmetic3A_473, %sub3A_475 : vector<16xi32>
      %add3A_477 = arith.addi %add3A_464, %sub3A_476 : vector<16xi32>
      %and3A_478 = arith.constant 8388607 : i32
      %and3A_479 = vector.broadcast %and3A_478 : i32 to vector<16xi32>
      %and3A_480 = arith.andi %bitcast_convert_type3A_470, %and3A_479 : vector<16xi32>
      %or3A_481 = arith.constant 1065353216 : i32
      %or3A_482 = vector.broadcast %or3A_481 : i32 to vector<16xi32>
      %or3A_483 = arith.ori %and3A_480, %or3A_482 : vector<16xi32>
      %bitcast_convert_type3A_484 = tpu.bitcast %or3A_483 : vector<16xi32> -> vector<16xf32>
      %convert_element_type3A = arith.sitofp %add3A_477 : vector<16xi32> to vector<16xf32>
      %mul3A_485 = arith.constant 0.693147182 : f32
      %mul3A_486 = vector.broadcast %mul3A_485 : f32 to vector<16xf32>
      %mul3A_487 = arith.mulf %mul3A_486, %convert_element_type3A : vector<16xf32>
      %mul3A_488 = arith.mulf %bitcast_convert_type3A_469, %bitcast_convert_type3A_484 : vector<16xf32>
      %bitcast_convert_type3A_489 = tpu.bitcast %mul3A_488 : vector<16xf32> -> vector<16xi32>
      %shift_right_arithmetic3A_490 = arith.constant 23 : i32
      %shift_right_arithmetic3A_491 = vector.broadcast %shift_right_arithmetic3A_490 : i32 to vector<16xi32>
      %shift_right_arithmetic3A_492 = arith.shrsi %bitcast_convert_type3A_489, %shift_right_arithmetic3A_491 : vector<16xi32>
      %sub3A_493 = arith.constant 127 : i32
      %sub3A_494 = vector.broadcast %sub3A_493 : i32 to vector<16xi32>
      %sub3A_495 = arith.subi %shift_right_arithmetic3A_492, %sub3A_494 : vector<16xi32>
      %and3A_496 = arith.constant 8388607 : i32
      %and3A_497 = vector.broadcast %and3A_496 : i32 to vector<16xi32>
      %and3A_498 = arith.andi %bitcast_convert_type3A_489, %and3A_497 : vector<16xi32>
      %or3A_499 = arith.constant 1065353216 : i32
      %or3A_500 = vector.broadcast %or3A_499 : i32 to vector<16xi32>
      %or3A_501 = arith.ori %and3A_498, %or3A_500 : vector<16xi32>
      %bitcast_convert_type3A_502 = tpu.bitcast %or3A_501 : vector<16xi32> -> vector<16xf32>
      %gt3A = arith.constant 1.41421354 : f32
      %gt3A_503 = vector.broadcast %gt3A : f32 to vector<16xf32>
      %gt3A_504 = arith.cmpf ogt, %bitcast_convert_type3A_502, %gt3A_503 : vector<16xf32>
      %mul3A_505 = arith.constant 5.000000e-01 : f32
      %mul3A_506 = vector.broadcast %mul3A_505 : f32 to vector<16xf32>
      %mul3A_507 = arith.mulf %mul3A_506, %bitcast_convert_type3A_502 : vector<16xf32>
      %select_n3A_508 = arith.select %gt3A_504, %mul3A_507, %bitcast_convert_type3A_502 : vector<16xi1>, vector<16xf32>
      %jit3A_509 = arith.constant 1 : i32
      %jit3A_510 = arith.constant 0 : i32
      %broadcast_in_dim3A_511 = vector.broadcast %jit3A_509 : i32 to vector<16xi32>
      %broadcast_in_dim3A_512 = vector.broadcast %jit3A_510 : i32 to vector<16xi32>
      %select_n3A_513 = arith.select %gt3A_504, %broadcast_in_dim3A_511, %broadcast_in_dim3A_512 : vector<16xi1>, vector<16xi32>
      %add3A_514 = arith.addi %sub3A_495, %select_n3A_513 : vector<16xi32>
      %convert_element_type3A_515 = arith.sitofp %add3A_514 : vector<16xi32> to vector<16xf32>
      %sub3A_516 = arith.constant 1.000000e+00 : f32
      %sub3A_517 = vector.broadcast %sub3A_516 : f32 to vector<16xf32>
      %sub3A_518 = arith.subf %select_n3A_508, %sub3A_517 : vector<16xf32>
      %add3A_519 = arith.constant 1.000000e+00 : f32
      %add3A_520 = vector.broadcast %add3A_519 : f32 to vector<16xf32>
      %add3A_521 = arith.addf %select_n3A_508, %add3A_520 : vector<16xf32>
      %div3A = arith.divf %sub3A_518, %add3A_521 : vector<16xf32>
      %mul3A_522 = arith.mulf %div3A, %div3A : vector<16xf32>
      %mul3A_523 = arith.constant 2.000000e+00 : f32
      %mul3A_524 = vector.broadcast %mul3A_523 : f32 to vector<16xf32>
      %mul3A_525 = arith.mulf %mul3A_524, %div3A : vector<16xf32>
      %mul3A_526 = arith.constant 0.142857149 : f32
      %mul3A_527 = vector.broadcast %mul3A_526 : f32 to vector<16xf32>
      %mul3A_528 = arith.mulf %mul3A_522, %mul3A_527 : vector<16xf32>
      %add3A_529 = arith.constant 2.000000e-01 : f32
      %add3A_530 = vector.broadcast %add3A_529 : f32 to vector<16xf32>
      %add3A_531 = arith.addf %add3A_530, %mul3A_528 : vector<16xf32>
      %mul3A_532 = arith.mulf %mul3A_522, %add3A_531 : vector<16xf32>
      %add3A_533 = arith.constant 0.333333343 : f32
      %add3A_534 = vector.broadcast %add3A_533 : f32 to vector<16xf32>
      %add3A_535 = arith.addf %add3A_534, %mul3A_532 : vector<16xf32>
      %mul3A_536 = arith.mulf %mul3A_522, %add3A_535 : vector<16xf32>
      %add3A_537 = arith.constant 1.000000e+00 : f32
      %add3A_538 = vector.broadcast %add3A_537 : f32 to vector<16xf32>
      %add3A_539 = arith.addf %add3A_538, %mul3A_536 : vector<16xf32>
      %mul3A_540 = arith.mulf %mul3A_525, %add3A_539 : vector<16xf32>
      %mul3A_541 = arith.constant 0.693147182 : f32
      %mul3A_542 = vector.broadcast %mul3A_541 : f32 to vector<16xf32>
      %mul3A_543 = arith.mulf %mul3A_542, %convert_element_type3A_515 : vector<16xf32>
      %add3A_544 = arith.addf %mul3A_543, %mul3A_540 : vector<16xf32>
      %add3A_545 = arith.addf %mul3A_487, %add3A_544 : vector<16xf32>
      %bitcast_convert_type3A_546 = tpu.bitcast %select_n3A_457 : vector<16xf32> -> vector<16xi32>
      %shift_right_arithmetic3A_547 = arith.constant 23 : i32
      %shift_right_arithmetic3A_548 = vector.broadcast %shift_right_arithmetic3A_547 : i32 to vector<16xi32>
      %shift_right_arithmetic3A_549 = arith.shrsi %bitcast_convert_type3A_546, %shift_right_arithmetic3A_548 : vector<16xi32>
      %sub3A_550 = arith.constant 127 : i32
      %sub3A_551 = vector.broadcast %sub3A_550 : i32 to vector<16xi32>
      %sub3A_552 = arith.subi %shift_right_arithmetic3A_549, %sub3A_551 : vector<16xi32>
      %and3A_553 = arith.constant 8388607 : i32
      %and3A_554 = vector.broadcast %and3A_553 : i32 to vector<16xi32>
      %and3A_555 = arith.andi %bitcast_convert_type3A_546, %and3A_554 : vector<16xi32>
      %or3A_556 = arith.constant 1065353216 : i32
      %or3A_557 = vector.broadcast %or3A_556 : i32 to vector<16xi32>
      %or3A_558 = arith.ori %and3A_555, %or3A_557 : vector<16xi32>
      %bitcast_convert_type3A_559 = tpu.bitcast %or3A_558 : vector<16xi32> -> vector<16xf32>
      %gt3A_560 = arith.constant 1.41421354 : f32
      %gt3A_561 = vector.broadcast %gt3A_560 : f32 to vector<16xf32>
      %gt3A_562 = arith.cmpf ogt, %bitcast_convert_type3A_559, %gt3A_561 : vector<16xf32>
      %mul3A_563 = arith.constant 5.000000e-01 : f32
      %mul3A_564 = vector.broadcast %mul3A_563 : f32 to vector<16xf32>
      %mul3A_565 = arith.mulf %mul3A_564, %bitcast_convert_type3A_559 : vector<16xf32>
      %select_n3A_566 = arith.select %gt3A_562, %mul3A_565, %bitcast_convert_type3A_559 : vector<16xi1>, vector<16xf32>
      %jit3A_567 = arith.constant 1 : i32
      %jit3A_568 = arith.constant 0 : i32
      %broadcast_in_dim3A_569 = vector.broadcast %jit3A_567 : i32 to vector<16xi32>
      %broadcast_in_dim3A_570 = vector.broadcast %jit3A_568 : i32 to vector<16xi32>
      %select_n3A_571 = arith.select %gt3A_562, %broadcast_in_dim3A_569, %broadcast_in_dim3A_570 : vector<16xi1>, vector<16xi32>
      %add3A_572 = arith.addi %sub3A_552, %select_n3A_571 : vector<16xi32>
      %convert_element_type3A_573 = arith.sitofp %add3A_572 : vector<16xi32> to vector<16xf32>
      %sub3A_574 = arith.constant 1.000000e+00 : f32
      %sub3A_575 = vector.broadcast %sub3A_574 : f32 to vector<16xf32>
      %sub3A_576 = arith.subf %select_n3A_566, %sub3A_575 : vector<16xf32>
      %add3A_577 = arith.constant 1.000000e+00 : f32
      %add3A_578 = vector.broadcast %add3A_577 : f32 to vector<16xf32>
      %add3A_579 = arith.addf %select_n3A_566, %add3A_578 : vector<16xf32>
      %div3A_580 = arith.divf %sub3A_576, %add3A_579 : vector<16xf32>
      %mul3A_581 = arith.mulf %div3A_580, %div3A_580 : vector<16xf32>
      %mul3A_582 = arith.constant 2.000000e+00 : f32
      %mul3A_583 = vector.broadcast %mul3A_582 : f32 to vector<16xf32>
      %mul3A_584 = arith.mulf %mul3A_583, %div3A_580 : vector<16xf32>
      %mul3A_585 = arith.constant 0.142857149 : f32
      %mul3A_586 = vector.broadcast %mul3A_585 : f32 to vector<16xf32>
      %mul3A_587 = arith.mulf %mul3A_581, %mul3A_586 : vector<16xf32>
      %add3A_588 = arith.constant 2.000000e-01 : f32
      %add3A_589 = vector.broadcast %add3A_588 : f32 to vector<16xf32>
      %add3A_590 = arith.addf %add3A_589, %mul3A_587 : vector<16xf32>
      %mul3A_591 = arith.mulf %mul3A_581, %add3A_590 : vector<16xf32>
      %add3A_592 = arith.constant 0.333333343 : f32
      %add3A_593 = vector.broadcast %add3A_592 : f32 to vector<16xf32>
      %add3A_594 = arith.addf %add3A_593, %mul3A_591 : vector<16xf32>
      %mul3A_595 = arith.mulf %mul3A_581, %add3A_594 : vector<16xf32>
      %add3A_596 = arith.constant 1.000000e+00 : f32
      %add3A_597 = vector.broadcast %add3A_596 : f32 to vector<16xf32>
      %add3A_598 = arith.addf %add3A_597, %mul3A_595 : vector<16xf32>
      %mul3A_599 = arith.mulf %mul3A_584, %add3A_598 : vector<16xf32>
      %mul3A_600 = arith.constant 0.693147182 : f32
      %mul3A_601 = vector.broadcast %mul3A_600 : f32 to vector<16xf32>
      %mul3A_602 = arith.mulf %mul3A_601, %convert_element_type3A_573 : vector<16xf32>
      %add3A_603 = arith.addf %mul3A_602, %mul3A_599 : vector<16xf32>
      %ge3A_604 = arith.constant 1 : i32
      %ge3A_605 = vector.broadcast %ge3A_604 : i32 to vector<16xi32>
      %ge3A_606 = arith.cmpi sge, %get3A_27, %ge3A_605 : vector<16xi32>
      %bitcast_convert_type3A_607 = tpu.bitcast %select_n3A_458 : vector<16xf32> -> vector<16xi32>
      %shift_right_arithmetic3A_608 = arith.constant 23 : i32
      %shift_right_arithmetic3A_609 = vector.broadcast %shift_right_arithmetic3A_608 : i32 to vector<16xi32>
      %shift_right_arithmetic3A_610 = arith.shrsi %bitcast_convert_type3A_607, %shift_right_arithmetic3A_609 : vector<16xi32>
      %sub3A_611 = arith.constant 127 : i32
      %sub3A_612 = vector.broadcast %sub3A_611 : i32 to vector<16xi32>
      %sub3A_613 = arith.subi %shift_right_arithmetic3A_610, %sub3A_612 : vector<16xi32>
      %and3A_614 = arith.constant 8388607 : i32
      %and3A_615 = vector.broadcast %and3A_614 : i32 to vector<16xi32>
      %and3A_616 = arith.andi %bitcast_convert_type3A_607, %and3A_615 : vector<16xi32>
      %or3A_617 = arith.constant 1065353216 : i32
      %or3A_618 = vector.broadcast %or3A_617 : i32 to vector<16xi32>
      %or3A_619 = arith.ori %and3A_616, %or3A_618 : vector<16xi32>
      %bitcast_convert_type3A_620 = tpu.bitcast %or3A_619 : vector<16xi32> -> vector<16xf32>
      %gt3A_621 = arith.constant 1.41421354 : f32
      %gt3A_622 = vector.broadcast %gt3A_621 : f32 to vector<16xf32>
      %gt3A_623 = arith.cmpf ogt, %bitcast_convert_type3A_620, %gt3A_622 : vector<16xf32>
      %mul3A_624 = arith.constant 5.000000e-01 : f32
      %mul3A_625 = vector.broadcast %mul3A_624 : f32 to vector<16xf32>
      %mul3A_626 = arith.mulf %mul3A_625, %bitcast_convert_type3A_620 : vector<16xf32>
      %select_n3A_627 = arith.select %gt3A_623, %mul3A_626, %bitcast_convert_type3A_620 : vector<16xi1>, vector<16xf32>
      %jit3A_628 = arith.constant 1 : i32
      %jit3A_629 = arith.constant 0 : i32
      %broadcast_in_dim3A_630 = vector.broadcast %jit3A_628 : i32 to vector<16xi32>
      %broadcast_in_dim3A_631 = vector.broadcast %jit3A_629 : i32 to vector<16xi32>
      %select_n3A_632 = arith.select %gt3A_623, %broadcast_in_dim3A_630, %broadcast_in_dim3A_631 : vector<16xi1>, vector<16xi32>
      %add3A_633 = arith.addi %sub3A_613, %select_n3A_632 : vector<16xi32>
      %convert_element_type3A_634 = arith.sitofp %add3A_633 : vector<16xi32> to vector<16xf32>
      %sub3A_635 = arith.constant 1.000000e+00 : f32
      %sub3A_636 = vector.broadcast %sub3A_635 : f32 to vector<16xf32>
      %sub3A_637 = arith.subf %select_n3A_627, %sub3A_636 : vector<16xf32>
      %add3A_638 = arith.constant 1.000000e+00 : f32
      %add3A_639 = vector.broadcast %add3A_638 : f32 to vector<16xf32>
      %add3A_640 = arith.addf %select_n3A_627, %add3A_639 : vector<16xf32>
      %div3A_641 = arith.divf %sub3A_637, %add3A_640 : vector<16xf32>
      %mul3A_642 = arith.mulf %div3A_641, %div3A_641 : vector<16xf32>
      %mul3A_643 = arith.constant 2.000000e+00 : f32
      %mul3A_644 = vector.broadcast %mul3A_643 : f32 to vector<16xf32>
      %mul3A_645 = arith.mulf %mul3A_644, %div3A_641 : vector<16xf32>
      %mul3A_646 = arith.constant 0.142857149 : f32
      %mul3A_647 = vector.broadcast %mul3A_646 : f32 to vector<16xf32>
      %mul3A_648 = arith.mulf %mul3A_642, %mul3A_647 : vector<16xf32>
      %add3A_649 = arith.constant 2.000000e-01 : f32
      %add3A_650 = vector.broadcast %add3A_649 : f32 to vector<16xf32>
      %add3A_651 = arith.addf %add3A_650, %mul3A_648 : vector<16xf32>
      %mul3A_652 = arith.mulf %mul3A_642, %add3A_651 : vector<16xf32>
      %add3A_653 = arith.constant 0.333333343 : f32
      %add3A_654 = vector.broadcast %add3A_653 : f32 to vector<16xf32>
      %add3A_655 = arith.addf %add3A_654, %mul3A_652 : vector<16xf32>
      %mul3A_656 = arith.mulf %mul3A_642, %add3A_655 : vector<16xf32>
      %add3A_657 = arith.constant 1.000000e+00 : f32
      %add3A_658 = vector.broadcast %add3A_657 : f32 to vector<16xf32>
      %add3A_659 = arith.addf %add3A_658, %mul3A_656 : vector<16xf32>
      %mul3A_660 = arith.mulf %mul3A_645, %add3A_659 : vector<16xf32>
      %mul3A_661 = arith.constant 0.693147182 : f32
      %mul3A_662 = vector.broadcast %mul3A_661 : f32 to vector<16xf32>
      %mul3A_663 = arith.mulf %mul3A_662, %convert_element_type3A_634 : vector<16xf32>
      %add3A_664 = arith.addf %mul3A_663, %mul3A_660 : vector<16xf32>
      %sub3A_665 = arith.subf %add3A_545, %add3A_664 : vector<16xf32>
      %jit3A_666 = arith.constant 0.000000e+00 : f32
      %broadcast_in_dim3A_667 = vector.broadcast %jit3A_666 : f32 to vector<16xf32>
      %select_n3A_668 = arith.select %ge3A_606, %sub3A_665, %broadcast_in_dim3A_667 : vector<16xi1>, vector<16xf32>
      %add3A_669 = arith.addf %add3A_603, %select_n3A_668 : vector<16xf32>
      %mul3A_670 = arith.mulf %select_n3A, %add3A_669 : vector<16xf32>
      %exp3A = math.exp %add3A_545 : vector<16xf32>
      %sub3A_671 = arith.constant 1.000000e+00 : f32
      %sub3A_672 = vector.broadcast %sub3A_671 : f32 to vector<16xf32>
      %sub3A_673 = arith.subf %sub3A_672, %exp3A : vector<16xf32>
      %bitcast_convert_type3A_674 = tpu.bitcast %sub3A_673 : vector<16xf32> -> vector<16xi32>
      %shift_right_arithmetic3A_675 = arith.constant 23 : i32
      %shift_right_arithmetic3A_676 = vector.broadcast %shift_right_arithmetic3A_675 : i32 to vector<16xi32>
      %shift_right_arithmetic3A_677 = arith.shrsi %bitcast_convert_type3A_674, %shift_right_arithmetic3A_676 : vector<16xi32>
      %sub3A_678 = arith.constant 127 : i32
      %sub3A_679 = vector.broadcast %sub3A_678 : i32 to vector<16xi32>
      %sub3A_680 = arith.subi %shift_right_arithmetic3A_677, %sub3A_679 : vector<16xi32>
      %and3A_681 = arith.constant 8388607 : i32
      %and3A_682 = vector.broadcast %and3A_681 : i32 to vector<16xi32>
      %and3A_683 = arith.andi %bitcast_convert_type3A_674, %and3A_682 : vector<16xi32>
      %or3A_684 = arith.constant 1065353216 : i32
      %or3A_685 = vector.broadcast %or3A_684 : i32 to vector<16xi32>
      %or3A_686 = arith.ori %and3A_683, %or3A_685 : vector<16xi32>
      %bitcast_convert_type3A_687 = tpu.bitcast %or3A_686 : vector<16xi32> -> vector<16xf32>
      %gt3A_688 = arith.constant 1.41421354 : f32
      %gt3A_689 = vector.broadcast %gt3A_688 : f32 to vector<16xf32>
      %gt3A_690 = arith.cmpf ogt, %bitcast_convert_type3A_687, %gt3A_689 : vector<16xf32>
      %mul3A_691 = arith.constant 5.000000e-01 : f32
      %mul3A_692 = vector.broadcast %mul3A_691 : f32 to vector<16xf32>
      %mul3A_693 = arith.mulf %mul3A_692, %bitcast_convert_type3A_687 : vector<16xf32>
      %select_n3A_694 = arith.select %gt3A_690, %mul3A_693, %bitcast_convert_type3A_687 : vector<16xi1>, vector<16xf32>
      %jit3A_695 = arith.constant 1 : i32
      %jit3A_696 = arith.constant 0 : i32
      %broadcast_in_dim3A_697 = vector.broadcast %jit3A_695 : i32 to vector<16xi32>
      %broadcast_in_dim3A_698 = vector.broadcast %jit3A_696 : i32 to vector<16xi32>
      %select_n3A_699 = arith.select %gt3A_690, %broadcast_in_dim3A_697, %broadcast_in_dim3A_698 : vector<16xi1>, vector<16xi32>
      %add3A_700 = arith.addi %sub3A_680, %select_n3A_699 : vector<16xi32>
      %convert_element_type3A_701 = arith.sitofp %add3A_700 : vector<16xi32> to vector<16xf32>
      %sub3A_702 = arith.constant 1.000000e+00 : f32
      %sub3A_703 = vector.broadcast %sub3A_702 : f32 to vector<16xf32>
      %sub3A_704 = arith.subf %select_n3A_694, %sub3A_703 : vector<16xf32>
      %add3A_705 = arith.constant 1.000000e+00 : f32
      %add3A_706 = vector.broadcast %add3A_705 : f32 to vector<16xf32>
      %add3A_707 = arith.addf %select_n3A_694, %add3A_706 : vector<16xf32>
      %div3A_708 = arith.divf %sub3A_704, %add3A_707 : vector<16xf32>
      %mul3A_709 = arith.mulf %div3A_708, %div3A_708 : vector<16xf32>
      %mul3A_710 = arith.constant 2.000000e+00 : f32
      %mul3A_711 = vector.broadcast %mul3A_710 : f32 to vector<16xf32>
      %mul3A_712 = arith.mulf %mul3A_711, %div3A_708 : vector<16xf32>
      %mul3A_713 = arith.constant 0.142857149 : f32
      %mul3A_714 = vector.broadcast %mul3A_713 : f32 to vector<16xf32>
      %mul3A_715 = arith.mulf %mul3A_709, %mul3A_714 : vector<16xf32>
      %add3A_716 = arith.constant 2.000000e-01 : f32
      %add3A_717 = vector.broadcast %add3A_716 : f32 to vector<16xf32>
      %add3A_718 = arith.addf %add3A_717, %mul3A_715 : vector<16xf32>
      %mul3A_719 = arith.mulf %mul3A_709, %add3A_718 : vector<16xf32>
      %add3A_720 = arith.constant 0.333333343 : f32
      %add3A_721 = vector.broadcast %add3A_720 : f32 to vector<16xf32>
      %add3A_722 = arith.addf %add3A_721, %mul3A_719 : vector<16xf32>
      %mul3A_723 = arith.mulf %mul3A_709, %add3A_722 : vector<16xf32>
      %add3A_724 = arith.constant 1.000000e+00 : f32
      %add3A_725 = vector.broadcast %add3A_724 : f32 to vector<16xf32>
      %add3A_726 = arith.addf %add3A_725, %mul3A_723 : vector<16xf32>
      %mul3A_727 = arith.mulf %mul3A_712, %add3A_726 : vector<16xf32>
      %mul3A_728 = arith.constant 0.693147182 : f32
      %mul3A_729 = vector.broadcast %mul3A_728 : f32 to vector<16xf32>
      %mul3A_730 = arith.mulf %mul3A_729, %convert_element_type3A_701 : vector<16xf32>
      %add3A_731 = arith.addf %mul3A_730, %mul3A_727 : vector<16xf32>
      %mul3A_732 = arith.mulf %select_n3A, %add3A_731 : vector<16xf32>
      %sub3A_733 = arith.constant 1.000000e+00 : f32
      %sub3A_734 = vector.broadcast %sub3A_733 : f32 to vector<16xf32>
      %sub3A_735 = arith.subf %sub3A_734, %select_n3A : vector<16xf32>
      %mul3A_736 = arith.mulf %sub3A_735, %add3A_545 : vector<16xf32>
      %neg3A = arith.constant 0.000000e+00 : f32
      %neg3A_737 = vector.broadcast %neg3A : f32 to vector<16xf32>
      %neg3A_738 = arith.subf %neg3A_737, %mul3A_670 : vector<16xf32>
      %mul3A_739 = arith.constant 2.500000e-01 : f32
      %mul3A_740 = vector.broadcast %mul3A_739 : f32 to vector<16xf32>
      %mul3A_741 = arith.mulf %mul3A_740, %neg3A_738 : vector<16xf32>
      %add3A_742 = arith.addf %scan3A_18, %mul3A_741 : vector<16xf32>
      %add3A_743 = arith.addf %mul3A_732, %mul3A_736 : vector<16xf32>
      %neg3A_744 = arith.constant 0.000000e+00 : f32
      %neg3A_745 = vector.broadcast %neg3A_744 : f32 to vector<16xf32>
      %neg3A_746 = arith.subf %neg3A_745, %add3A_743 : vector<16xf32>
      %mul3A_747 = arith.constant 7.500000e-01 : f32
      %mul3A_748 = vector.broadcast %mul3A_747 : f32 to vector<16xf32>
      %mul3A_749 = arith.mulf %mul3A_748, %neg3A_746 : vector<16xf32>
      %add3A_750 = arith.addf %add3A_742, %mul3A_749 : vector<16xf32>
      %add3A_751 = arith.constant 0 : i32
      %add3A_752 = arith.addi %mul3A_20, %add3A_751 : i32
      %mul3A_753 = arith.constant 32 : i32
      %mul3A_754 = arith.muli %add3A_752, %mul3A_753 : i32
      %add3A_755 = arith.constant 16 : i32
      %add3A_756 = arith.addi %mul3A_754, %add3A_755 : i32
      %get3A_757 = arith.index_cast %add3A_756 : i32 to index
      %get3A_758 = tpu.vector_load %arg8[%get3A_757] {strides = array<i32>} : memref<512xi32, #tpu.memory_space<vmem>>, vector<16xi32>,
      %get3A_759 = arith.index_cast %add3A_756 : i32 to index
      %get3A_760 = tpu.vector_load %arg9[%get3A_759] {strides = array<i32>} : memref<512xi32, #tpu.memory_space<vmem>>, vector<16xi32>,
      %eq3A_761 = arith.constant 1 : i32
      %eq3A_762 = vector.broadcast %eq3A_761 : i32 to vector<16xi32>
      %eq3A_763 = arith.cmpi eq, %get3A_760, %eq3A_762 : vector<16xi32>
      %jit3A_764 = arith.constant 1.000000e+00 : f32
      %jit3A_765 = arith.constant 0.000000e+00 : f32
      %broadcast_in_dim3A_766 = vector.broadcast %jit3A_764 : f32 to vector<16xf32>
      %broadcast_in_dim3A_767 = vector.broadcast %jit3A_765 : f32 to vector<16xf32>
      %select_n3A_768 = arith.select %eq3A_763, %broadcast_in_dim3A_766, %broadcast_in_dim3A_767 : vector<16xi1>, vector<16xf32>
      %broadcast_in_dim3A_769 = arith.constant 0 : i32
      %broadcast_in_dim3A_770 = vector.broadcast %broadcast_in_dim3A_769 : i32 to vector<16xi32>
      %add3A_771 = arith.constant 3200 : i32
      %add3A_772 = vector.broadcast %add3A_771 : i32 to vector<16xi32>
      %add3A_773 = arith.addi %mul3A_5, %add3A_772 : vector<16xi32>
      %gather3A_774 = tpu.vector_load_idx %arg6[%add3A_773] : memref<6400xf32, #tpu.memory_space<vmem>>[vector<16xi32>], vector<16xf32>,
      %sub3A_775 = arith.constant 1.000000e+00 : f32
      %sub3A_776 = vector.broadcast %sub3A_775 : f32 to vector<16xf32>
      %sub3A_777 = arith.subf %sub3A_776, %gather3A_774 : vector<16xf32>
      %ge3A_778 = arith.constant 0 : i32
      %ge3A_779 = vector.broadcast %ge3A_778 : i32 to vector<16xi32>
      %ge3A_780 = arith.cmpi sge, %get3A_758, %ge3A_779 : vector<16xi32>
      %select_n3A_781 = arith.select %ge3A_780, %sub3A_777, %broadcast_in_dim3A_6 : vector<16xi1>, vector<16xf32>
      %mul3A_782 = arith.mulf %broadcast_in_dim3A_6, %select_n3A_781 : vector<16xf32>
      %eq3A_783 = arith.constant 0 : i32
      %eq3A_784 = vector.broadcast %eq3A_783 : i32 to vector<16xi32>
      %eq3A_785 = arith.cmpi eq, %get3A_758, %eq3A_784 : vector<16xi32>
      %select_n3A_786 = arith.select %eq3A_785, %gather3A_774, %broadcast_in_dim3A_6 : vector<16xi1>, vector<16xf32>
      %select_n3A_787 = arith.select %eq3A_785, %sub3A_777, %broadcast_in_dim3A_6 : vector<16xi1>, vector<16xf32>
      %add3A_788 = arith.constant 3208 : i32
      %add3A_789 = vector.broadcast %add3A_788 : i32 to vector<16xi32>
      %add3A_790 = arith.addi %mul3A_5, %add3A_789 : vector<16xi32>
      %gather3A_791 = tpu.vector_load_idx %arg6[%add3A_790] : memref<6400xf32, #tpu.memory_space<vmem>>[vector<16xi32>], vector<16xf32>,
      %sub3A_792 = arith.constant 1.000000e+00 : f32
      %sub3A_793 = vector.broadcast %sub3A_792 : f32 to vector<16xf32>
      %sub3A_794 = arith.subf %sub3A_793, %gather3A_791 : vector<16xf32>
      %ge3A_795 = arith.constant 8 : i32
      %ge3A_796 = vector.broadcast %ge3A_795 : i32 to vector<16xi32>
      %ge3A_797 = arith.cmpi sge, %get3A_758, %ge3A_796 : vector<16xi32>
      %select_n3A_798 = arith.select %ge3A_797, %sub3A_794, %broadcast_in_dim3A_6 : vector<16xi1>, vector<16xf32>
      %mul3A_799 = arith.mulf %mul3A_782, %select_n3A_798 : vector<16xf32>
      %eq3A_800 = arith.constant 8 : i32
      %eq3A_801 = vector.broadcast %eq3A_800 : i32 to vector<16xi32>
      %eq3A_802 = arith.cmpi eq, %get3A_758, %eq3A_801 : vector<16xi32>
      %select_n3A_803 = arith.select %eq3A_802, %gather3A_791, %select_n3A_786 : vector<16xi1>, vector<16xf32>
      %select_n3A_804 = arith.select %eq3A_802, %sub3A_794, %select_n3A_787 : vector<16xi1>, vector<16xf32>
      %add3A_805 = arith.constant 3216 : i32
      %add3A_806 = vector.broadcast %add3A_805 : i32 to vector<16xi32>
      %add3A_807 = arith.addi %mul3A_5, %add3A_806 : vector<16xi32>
      %gather3A_808 = tpu.vector_load_idx %arg6[%add3A_807] : memref<6400xf32, #tpu.memory_space<vmem>>[vector<16xi32>], vector<16xf32>,
      %sub3A_809 = arith.constant 1.000000e+00 : f32
      %sub3A_810 = vector.broadcast %sub3A_809 : f32 to vector<16xf32>
      %sub3A_811 = arith.subf %sub3A_810, %gather3A_808 : vector<16xf32>
      %ge3A_812 = arith.constant 16 : i32
      %ge3A_813 = vector.broadcast %ge3A_812 : i32 to vector<16xi32>
      %ge3A_814 = arith.cmpi sge, %get3A_758, %ge3A_813 : vector<16xi32>
      %select_n3A_815 = arith.select %ge3A_814, %sub3A_811, %broadcast_in_dim3A_6 : vector<16xi1>, vector<16xf32>
      %mul3A_816 = arith.mulf %mul3A_799, %select_n3A_815 : vector<16xf32>
      %eq3A_817 = arith.constant 16 : i32
      %eq3A_818 = vector.broadcast %eq3A_817 : i32 to vector<16xi32>
      %eq3A_819 = arith.cmpi eq, %get3A_758, %eq3A_818 : vector<16xi32>
      %select_n3A_820 = arith.select %eq3A_819, %gather3A_808, %select_n3A_803 : vector<16xi1>, vector<16xf32>
      %select_n3A_821 = arith.select %eq3A_819, %sub3A_811, %select_n3A_804 : vector<16xi1>, vector<16xf32>
      %add3A_822 = arith.constant 3224 : i32
      %add3A_823 = vector.broadcast %add3A_822 : i32 to vector<16xi32>
      %add3A_824 = arith.addi %mul3A_5, %add3A_823 : vector<16xi32>
      %gather3A_825 = tpu.vector_load_idx %arg6[%add3A_824] : memref<6400xf32, #tpu.memory_space<vmem>>[vector<16xi32>], vector<16xf32>,
      %sub3A_826 = arith.constant 1.000000e+00 : f32
      %sub3A_827 = vector.broadcast %sub3A_826 : f32 to vector<16xf32>
      %sub3A_828 = arith.subf %sub3A_827, %gather3A_825 : vector<16xf32>
      %ge3A_829 = arith.constant 24 : i32
      %ge3A_830 = vector.broadcast %ge3A_829 : i32 to vector<16xi32>
      %ge3A_831 = arith.cmpi sge, %get3A_758, %ge3A_830 : vector<16xi32>
      %select_n3A_832 = arith.select %ge3A_831, %sub3A_828, %broadcast_in_dim3A_6 : vector<16xi1>, vector<16xf32>
      %mul3A_833 = arith.mulf %mul3A_816, %select_n3A_832 : vector<16xf32>
      %eq3A_834 = arith.constant 24 : i32
      %eq3A_835 = vector.broadcast %eq3A_834 : i32 to vector<16xi32>
      %eq3A_836 = arith.cmpi eq, %get3A_758, %eq3A_835 : vector<16xi32>
      %select_n3A_837 = arith.select %eq3A_836, %gather3A_825, %select_n3A_820 : vector<16xi1>, vector<16xf32>
      %select_n3A_838 = arith.select %eq3A_836, %sub3A_828, %select_n3A_821 : vector<16xi1>, vector<16xf32>
      %add3A_839 = arith.constant 3232 : i32
      %add3A_840 = vector.broadcast %add3A_839 : i32 to vector<16xi32>
      %add3A_841 = arith.addi %mul3A_5, %add3A_840 : vector<16xi32>
      %gather3A_842 = tpu.vector_load_idx %arg6[%add3A_841] : memref<6400xf32, #tpu.memory_space<vmem>>[vector<16xi32>], vector<16xf32>,
      %sub3A_843 = arith.constant 1.000000e+00 : f32
      %sub3A_844 = vector.broadcast %sub3A_843 : f32 to vector<16xf32>
      %sub3A_845 = arith.subf %sub3A_844, %gather3A_842 : vector<16xf32>
      %ge3A_846 = arith.constant 32 : i32
      %ge3A_847 = vector.broadcast %ge3A_846 : i32 to vector<16xi32>
      %ge3A_848 = arith.cmpi sge, %get3A_758, %ge3A_847 : vector<16xi32>
      %select_n3A_849 = arith.select %ge3A_848, %sub3A_845, %broadcast_in_dim3A_6 : vector<16xi1>, vector<16xf32>
      %mul3A_850 = arith.mulf %mul3A_833, %select_n3A_849 : vector<16xf32>
      %eq3A_851 = arith.constant 32 : i32
      %eq3A_852 = vector.broadcast %eq3A_851 : i32 to vector<16xi32>
      %eq3A_853 = arith.cmpi eq, %get3A_758, %eq3A_852 : vector<16xi32>
      %select_n3A_854 = arith.select %eq3A_853, %gather3A_842, %select_n3A_837 : vector<16xi1>, vector<16xf32>
      %select_n3A_855 = arith.select %eq3A_853, %sub3A_845, %select_n3A_838 : vector<16xi1>, vector<16xf32>
      %add3A_856 = arith.constant 3240 : i32
      %add3A_857 = vector.broadcast %add3A_856 : i32 to vector<16xi32>
      %add3A_858 = arith.addi %mul3A_5, %add3A_857 : vector<16xi32>
      %gather3A_859 = tpu.vector_load_idx %arg6[%add3A_858] : memref<6400xf32, #tpu.memory_space<vmem>>[vector<16xi32>], vector<16xf32>,
      %sub3A_860 = arith.constant 1.000000e+00 : f32
      %sub3A_861 = vector.broadcast %sub3A_860 : f32 to vector<16xf32>
      %sub3A_862 = arith.subf %sub3A_861, %gather3A_859 : vector<16xf32>
      %ge3A_863 = arith.constant 40 : i32
      %ge3A_864 = vector.broadcast %ge3A_863 : i32 to vector<16xi32>
      %ge3A_865 = arith.cmpi sge, %get3A_758, %ge3A_864 : vector<16xi32>
      %select_n3A_866 = arith.select %ge3A_865, %sub3A_862, %broadcast_in_dim3A_6 : vector<16xi1>, vector<16xf32>
      %mul3A_867 = arith.mulf %mul3A_850, %select_n3A_866 : vector<16xf32>
      %eq3A_868 = arith.constant 40 : i32
      %eq3A_869 = vector.broadcast %eq3A_868 : i32 to vector<16xi32>
      %eq3A_870 = arith.cmpi eq, %get3A_758, %eq3A_869 : vector<16xi32>
      %select_n3A_871 = arith.select %eq3A_870, %gather3A_859, %select_n3A_854 : vector<16xi1>, vector<16xf32>
      %select_n3A_872 = arith.select %eq3A_870, %sub3A_862, %select_n3A_855 : vector<16xi1>, vector<16xf32>
      %add3A_873 = arith.constant 3248 : i32
      %add3A_874 = vector.broadcast %add3A_873 : i32 to vector<16xi32>
      %add3A_875 = arith.addi %mul3A_5, %add3A_874 : vector<16xi32>
      %gather3A_876 = tpu.vector_load_idx %arg6[%add3A_875] : memref<6400xf32, #tpu.memory_space<vmem>>[vector<16xi32>], vector<16xf32>,
      %sub3A_877 = arith.constant 1.000000e+00 : f32
      %sub3A_878 = vector.broadcast %sub3A_877 : f32 to vector<16xf32>
      %sub3A_879 = arith.subf %sub3A_878, %gather3A_876 : vector<16xf32>
      %ge3A_880 = arith.constant 48 : i32
      %ge3A_881 = vector.broadcast %ge3A_880 : i32 to vector<16xi32>
      %ge3A_882 = arith.cmpi sge, %get3A_758, %ge3A_881 : vector<16xi32>
      %select_n3A_883 = arith.select %ge3A_882, %sub3A_879, %broadcast_in_dim3A_6 : vector<16xi1>, vector<16xf32>
      %mul3A_884 = arith.mulf %mul3A_867, %select_n3A_883 : vector<16xf32>
      %eq3A_885 = arith.constant 48 : i32
      %eq3A_886 = vector.broadcast %eq3A_885 : i32 to vector<16xi32>
      %eq3A_887 = arith.cmpi eq, %get3A_758, %eq3A_886 : vector<16xi32>
      %select_n3A_888 = arith.select %eq3A_887, %gather3A_876, %select_n3A_871 : vector<16xi1>, vector<16xf32>
      %select_n3A_889 = arith.select %eq3A_887, %sub3A_879, %select_n3A_872 : vector<16xi1>, vector<16xf32>
      %add3A_890 = arith.constant 3256 : i32
      %add3A_891 = vector.broadcast %add3A_890 : i32 to vector<16xi32>
      %add3A_892 = arith.addi %mul3A_5, %add3A_891 : vector<16xi32>
      %gather3A_893 = tpu.vector_load_idx %arg6[%add3A_892] : memref<6400xf32, #tpu.memory_space<vmem>>[vector<16xi32>], vector<16xf32>,
      %sub3A_894 = arith.constant 1.000000e+00 : f32
      %sub3A_895 = vector.broadcast %sub3A_894 : f32 to vector<16xf32>
      %sub3A_896 = arith.subf %sub3A_895, %gather3A_893 : vector<16xf32>
      %ge3A_897 = arith.constant 56 : i32
      %ge3A_898 = vector.broadcast %ge3A_897 : i32 to vector<16xi32>
      %ge3A_899 = arith.cmpi sge, %get3A_758, %ge3A_898 : vector<16xi32>
      %select_n3A_900 = arith.select %ge3A_899, %sub3A_896, %broadcast_in_dim3A_6 : vector<16xi1>, vector<16xf32>
      %mul3A_901 = arith.mulf %mul3A_884, %select_n3A_900 : vector<16xf32>
      %eq3A_902 = arith.constant 56 : i32
      %eq3A_903 = vector.broadcast %eq3A_902 : i32 to vector<16xi32>
      %eq3A_904 = arith.cmpi eq, %get3A_758, %eq3A_903 : vector<16xi32>
      %select_n3A_905 = arith.select %eq3A_904, %gather3A_893, %select_n3A_888 : vector<16xi1>, vector<16xf32>
      %select_n3A_906 = arith.select %eq3A_904, %sub3A_896, %select_n3A_889 : vector<16xi1>, vector<16xf32>
      %add3A_907 = arith.constant 3264 : i32
      %add3A_908 = vector.broadcast %add3A_907 : i32 to vector<16xi32>
      %add3A_909 = arith.addi %mul3A_5, %add3A_908 : vector<16xi32>
      %gather3A_910 = tpu.vector_load_idx %arg6[%add3A_909] : memref<6400xf32, #tpu.memory_space<vmem>>[vector<16xi32>], vector<16xf32>,
      %sub3A_911 = arith.constant 1.000000e+00 : f32
      %sub3A_912 = vector.broadcast %sub3A_911 : f32 to vector<16xf32>
      %sub3A_913 = arith.subf %sub3A_912, %gather3A_910 : vector<16xf32>
      %ge3A_914 = arith.constant 64 : i32
      %ge3A_915 = vector.broadcast %ge3A_914 : i32 to vector<16xi32>
      %ge3A_916 = arith.cmpi sge, %get3A_758, %ge3A_915 : vector<16xi32>
      %select_n3A_917 = arith.select %ge3A_916, %sub3A_913, %broadcast_in_dim3A_6 : vector<16xi1>, vector<16xf32>
      %mul3A_918 = arith.mulf %mul3A_901, %select_n3A_917 : vector<16xf32>
      %eq3A_919 = arith.constant 64 : i32
      %eq3A_920 = vector.broadcast %eq3A_919 : i32 to vector<16xi32>
      %eq3A_921 = arith.cmpi eq, %get3A_758, %eq3A_920 : vector<16xi32>
      %select_n3A_922 = arith.select %eq3A_921, %gather3A_910, %select_n3A_905 : vector<16xi1>, vector<16xf32>
      %select_n3A_923 = arith.select %eq3A_921, %sub3A_913, %select_n3A_906 : vector<16xi1>, vector<16xf32>
      %add3A_924 = arith.constant 3272 : i32
      %add3A_925 = vector.broadcast %add3A_924 : i32 to vector<16xi32>
      %add3A_926 = arith.addi %mul3A_5, %add3A_925 : vector<16xi32>
      %gather3A_927 = tpu.vector_load_idx %arg6[%add3A_926] : memref<6400xf32, #tpu.memory_space<vmem>>[vector<16xi32>], vector<16xf32>,
      %sub3A_928 = arith.constant 1.000000e+00 : f32
      %sub3A_929 = vector.broadcast %sub3A_928 : f32 to vector<16xf32>
      %sub3A_930 = arith.subf %sub3A_929, %gather3A_927 : vector<16xf32>
      %ge3A_931 = arith.constant 72 : i32
      %ge3A_932 = vector.broadcast %ge3A_931 : i32 to vector<16xi32>
      %ge3A_933 = arith.cmpi sge, %get3A_758, %ge3A_932 : vector<16xi32>
      %select_n3A_934 = arith.select %ge3A_933, %sub3A_930, %broadcast_in_dim3A_6 : vector<16xi1>, vector<16xf32>
      %mul3A_935 = arith.mulf %mul3A_918, %select_n3A_934 : vector<16xf32>
      %eq3A_936 = arith.constant 72 : i32
      %eq3A_937 = vector.broadcast %eq3A_936 : i32 to vector<16xi32>
      %eq3A_938 = arith.cmpi eq, %get3A_758, %eq3A_937 : vector<16xi32>
      %select_n3A_939 = arith.select %eq3A_938, %gather3A_927, %select_n3A_922 : vector<16xi1>, vector<16xf32>
      %select_n3A_940 = arith.select %eq3A_938, %sub3A_930, %select_n3A_923 : vector<16xi1>, vector<16xf32>
      %add3A_941 = arith.constant 3280 : i32
      %add3A_942 = vector.broadcast %add3A_941 : i32 to vector<16xi32>
      %add3A_943 = arith.addi %mul3A_5, %add3A_942 : vector<16xi32>
      %gather3A_944 = tpu.vector_load_idx %arg6[%add3A_943] : memref<6400xf32, #tpu.memory_space<vmem>>[vector<16xi32>], vector<16xf32>,
      %sub3A_945 = arith.constant 1.000000e+00 : f32
      %sub3A_946 = vector.broadcast %sub3A_945 : f32 to vector<16xf32>
      %sub3A_947 = arith.subf %sub3A_946, %gather3A_944 : vector<16xf32>
      %ge3A_948 = arith.constant 80 : i32
      %ge3A_949 = vector.broadcast %ge3A_948 : i32 to vector<16xi32>
      %ge3A_950 = arith.cmpi sge, %get3A_758, %ge3A_949 : vector<16xi32>
      %select_n3A_951 = arith.select %ge3A_950, %sub3A_947, %broadcast_in_dim3A_6 : vector<16xi1>, vector<16xf32>
      %mul3A_952 = arith.mulf %mul3A_935, %select_n3A_951 : vector<16xf32>
      %eq3A_953 = arith.constant 80 : i32
      %eq3A_954 = vector.broadcast %eq3A_953 : i32 to vector<16xi32>
      %eq3A_955 = arith.cmpi eq, %get3A_758, %eq3A_954 : vector<16xi32>
      %select_n3A_956 = arith.select %eq3A_955, %gather3A_944, %select_n3A_939 : vector<16xi1>, vector<16xf32>
      %select_n3A_957 = arith.select %eq3A_955, %sub3A_947, %select_n3A_940 : vector<16xi1>, vector<16xf32>
      %add3A_958 = arith.constant 3288 : i32
      %add3A_959 = vector.broadcast %add3A_958 : i32 to vector<16xi32>
      %add3A_960 = arith.addi %mul3A_5, %add3A_959 : vector<16xi32>
      %gather3A_961 = tpu.vector_load_idx %arg6[%add3A_960] : memref<6400xf32, #tpu.memory_space<vmem>>[vector<16xi32>], vector<16xf32>,
      %sub3A_962 = arith.constant 1.000000e+00 : f32
      %sub3A_963 = vector.broadcast %sub3A_962 : f32 to vector<16xf32>
      %sub3A_964 = arith.subf %sub3A_963, %gather3A_961 : vector<16xf32>
      %ge3A_965 = arith.constant 88 : i32
      %ge3A_966 = vector.broadcast %ge3A_965 : i32 to vector<16xi32>
      %ge3A_967 = arith.cmpi sge, %get3A_758, %ge3A_966 : vector<16xi32>
      %select_n3A_968 = arith.select %ge3A_967, %sub3A_964, %broadcast_in_dim3A_6 : vector<16xi1>, vector<16xf32>
      %mul3A_969 = arith.mulf %mul3A_952, %select_n3A_968 : vector<16xf32>
      %eq3A_970 = arith.constant 88 : i32
      %eq3A_971 = vector.broadcast %eq3A_970 : i32 to vector<16xi32>
      %eq3A_972 = arith.cmpi eq, %get3A_758, %eq3A_971 : vector<16xi32>
      %select_n3A_973 = arith.select %eq3A_972, %gather3A_961, %select_n3A_956 : vector<16xi1>, vector<16xf32>
      %select_n3A_974 = arith.select %eq3A_972, %sub3A_964, %select_n3A_957 : vector<16xi1>, vector<16xf32>
      %add3A_975 = arith.constant 3296 : i32
      %add3A_976 = vector.broadcast %add3A_975 : i32 to vector<16xi32>
      %add3A_977 = arith.addi %mul3A_5, %add3A_976 : vector<16xi32>
      %gather3A_978 = tpu.vector_load_idx %arg6[%add3A_977] : memref<6400xf32, #tpu.memory_space<vmem>>[vector<16xi32>], vector<16xf32>,
      %sub3A_979 = arith.constant 1.000000e+00 : f32
      %sub3A_980 = vector.broadcast %sub3A_979 : f32 to vector<16xf32>
      %sub3A_981 = arith.subf %sub3A_980, %gather3A_978 : vector<16xf32>
      %ge3A_982 = arith.constant 96 : i32
      %ge3A_983 = vector.broadcast %ge3A_982 : i32 to vector<16xi32>
      %ge3A_984 = arith.cmpi sge, %get3A_758, %ge3A_983 : vector<16xi32>
      %select_n3A_985 = arith.select %ge3A_984, %sub3A_981, %broadcast_in_dim3A_6 : vector<16xi1>, vector<16xf32>
      %mul3A_986 = arith.mulf %mul3A_969, %select_n3A_985 : vector<16xf32>
      %eq3A_987 = arith.constant 96 : i32
      %eq3A_988 = vector.broadcast %eq3A_987 : i32 to vector<16xi32>
      %eq3A_989 = arith.cmpi eq, %get3A_758, %eq3A_988 : vector<16xi32>
      %select_n3A_990 = arith.select %eq3A_989, %gather3A_978, %select_n3A_973 : vector<16xi1>, vector<16xf32>
      %select_n3A_991 = arith.select %eq3A_989, %sub3A_981, %select_n3A_974 : vector<16xi1>, vector<16xf32>
      %add3A_992 = arith.constant 3304 : i32
      %add3A_993 = vector.broadcast %add3A_992 : i32 to vector<16xi32>
      %add3A_994 = arith.addi %mul3A_5, %add3A_993 : vector<16xi32>
      %gather3A_995 = tpu.vector_load_idx %arg6[%add3A_994] : memref<6400xf32, #tpu.memory_space<vmem>>[vector<16xi32>], vector<16xf32>,
      %sub3A_996 = arith.constant 1.000000e+00 : f32
      %sub3A_997 = vector.broadcast %sub3A_996 : f32 to vector<16xf32>
      %sub3A_998 = arith.subf %sub3A_997, %gather3A_995 : vector<16xf32>
      %ge3A_999 = arith.constant 104 : i32
      %ge3A_1000 = vector.broadcast %ge3A_999 : i32 to vector<16xi32>
      %ge3A_1001 = arith.cmpi sge, %get3A_758, %ge3A_1000 : vector<16xi32>
      %select_n3A_1002 = arith.select %ge3A_1001, %sub3A_998, %broadcast_in_dim3A_6 : vector<16xi1>, vector<16xf32>
      %mul3A_1003 = arith.mulf %mul3A_986, %select_n3A_1002 : vector<16xf32>
      %eq3A_1004 = arith.constant 104 : i32
      %eq3A_1005 = vector.broadcast %eq3A_1004 : i32 to vector<16xi32>
      %eq3A_1006 = arith.cmpi eq, %get3A_758, %eq3A_1005 : vector<16xi32>
      %select_n3A_1007 = arith.select %eq3A_1006, %gather3A_995, %select_n3A_990 : vector<16xi1>, vector<16xf32>
      %select_n3A_1008 = arith.select %eq3A_1006, %sub3A_998, %select_n3A_991 : vector<16xi1>, vector<16xf32>
      %add3A_1009 = arith.constant 3312 : i32
      %add3A_1010 = vector.broadcast %add3A_1009 : i32 to vector<16xi32>
      %add3A_1011 = arith.addi %mul3A_5, %add3A_1010 : vector<16xi32>
      %gather3A_1012 = tpu.vector_load_idx %arg6[%add3A_1011] : memref<6400xf32, #tpu.memory_space<vmem>>[vector<16xi32>], vector<16xf32>,
      %sub3A_1013 = arith.constant 1.000000e+00 : f32
      %sub3A_1014 = vector.broadcast %sub3A_1013 : f32 to vector<16xf32>
      %sub3A_1015 = arith.subf %sub3A_1014, %gather3A_1012 : vector<16xf32>
      %ge3A_1016 = arith.constant 112 : i32
      %ge3A_1017 = vector.broadcast %ge3A_1016 : i32 to vector<16xi32>
      %ge3A_1018 = arith.cmpi sge, %get3A_758, %ge3A_1017 : vector<16xi32>
      %select_n3A_1019 = arith.select %ge3A_1018, %sub3A_1015, %broadcast_in_dim3A_6 : vector<16xi1>, vector<16xf32>
      %mul3A_1020 = arith.mulf %mul3A_1003, %select_n3A_1019 : vector<16xf32>
      %eq3A_1021 = arith.constant 112 : i32
      %eq3A_1022 = vector.broadcast %eq3A_1021 : i32 to vector<16xi32>
      %eq3A_1023 = arith.cmpi eq, %get3A_758, %eq3A_1022 : vector<16xi32>
      %select_n3A_1024 = arith.select %eq3A_1023, %gather3A_1012, %select_n3A_1007 : vector<16xi1>, vector<16xf32>
      %select_n3A_1025 = arith.select %eq3A_1023, %sub3A_1015, %select_n3A_1008 : vector<16xi1>, vector<16xf32>
      %add3A_1026 = arith.constant 3320 : i32
      %add3A_1027 = vector.broadcast %add3A_1026 : i32 to vector<16xi32>
      %add3A_1028 = arith.addi %mul3A_5, %add3A_1027 : vector<16xi32>
      %gather3A_1029 = tpu.vector_load_idx %arg6[%add3A_1028] : memref<6400xf32, #tpu.memory_space<vmem>>[vector<16xi32>], vector<16xf32>,
      %sub3A_1030 = arith.constant 1.000000e+00 : f32
      %sub3A_1031 = vector.broadcast %sub3A_1030 : f32 to vector<16xf32>
      %sub3A_1032 = arith.subf %sub3A_1031, %gather3A_1029 : vector<16xf32>
      %ge3A_1033 = arith.constant 120 : i32
      %ge3A_1034 = vector.broadcast %ge3A_1033 : i32 to vector<16xi32>
      %ge3A_1035 = arith.cmpi sge, %get3A_758, %ge3A_1034 : vector<16xi32>
      %select_n3A_1036 = arith.select %ge3A_1035, %sub3A_1032, %broadcast_in_dim3A_6 : vector<16xi1>, vector<16xf32>
      %mul3A_1037 = arith.mulf %mul3A_1020, %select_n3A_1036 : vector<16xf32>
      %eq3A_1038 = arith.constant 120 : i32
      %eq3A_1039 = vector.broadcast %eq3A_1038 : i32 to vector<16xi32>
      %eq3A_1040 = arith.cmpi eq, %get3A_758, %eq3A_1039 : vector<16xi32>
      %select_n3A_1041 = arith.select %eq3A_1040, %gather3A_1029, %select_n3A_1024 : vector<16xi1>, vector<16xf32>
      %select_n3A_1042 = arith.select %eq3A_1040, %sub3A_1032, %select_n3A_1025 : vector<16xi1>, vector<16xf32>
      %add3A_1043 = arith.constant 3328 : i32
      %add3A_1044 = vector.broadcast %add3A_1043 : i32 to vector<16xi32>
      %add3A_1045 = arith.addi %mul3A_5, %add3A_1044 : vector<16xi32>
      %gather3A_1046 = tpu.vector_load_idx %arg6[%add3A_1045] : memref<6400xf32, #tpu.memory_space<vmem>>[vector<16xi32>], vector<16xf32>,
      %sub3A_1047 = arith.constant 1.000000e+00 : f32
      %sub3A_1048 = vector.broadcast %sub3A_1047 : f32 to vector<16xf32>
      %sub3A_1049 = arith.subf %sub3A_1048, %gather3A_1046 : vector<16xf32>
      %ge3A_1050 = arith.constant 128 : i32
      %ge3A_1051 = vector.broadcast %ge3A_1050 : i32 to vector<16xi32>
      %ge3A_1052 = arith.cmpi sge, %get3A_758, %ge3A_1051 : vector<16xi32>
      %select_n3A_1053 = arith.select %ge3A_1052, %sub3A_1049, %broadcast_in_dim3A_6 : vector<16xi1>, vector<16xf32>
      %mul3A_1054 = arith.mulf %mul3A_1037, %select_n3A_1053 : vector<16xf32>
      %eq3A_1055 = arith.constant 128 : i32
      %eq3A_1056 = vector.broadcast %eq3A_1055 : i32 to vector<16xi32>
      %eq3A_1057 = arith.cmpi eq, %get3A_758, %eq3A_1056 : vector<16xi32>
      %select_n3A_1058 = arith.select %eq3A_1057, %gather3A_1046, %select_n3A_1041 : vector<16xi1>, vector<16xf32>
      %select_n3A_1059 = arith.select %eq3A_1057, %sub3A_1049, %select_n3A_1042 : vector<16xi1>, vector<16xf32>
      %add3A_1060 = arith.constant 3336 : i32
      %add3A_1061 = vector.broadcast %add3A_1060 : i32 to vector<16xi32>
      %add3A_1062 = arith.addi %mul3A_5, %add3A_1061 : vector<16xi32>
      %gather3A_1063 = tpu.vector_load_idx %arg6[%add3A_1062] : memref<6400xf32, #tpu.memory_space<vmem>>[vector<16xi32>], vector<16xf32>,
      %sub3A_1064 = arith.constant 1.000000e+00 : f32
      %sub3A_1065 = vector.broadcast %sub3A_1064 : f32 to vector<16xf32>
      %sub3A_1066 = arith.subf %sub3A_1065, %gather3A_1063 : vector<16xf32>
      %ge3A_1067 = arith.constant 136 : i32
      %ge3A_1068 = vector.broadcast %ge3A_1067 : i32 to vector<16xi32>
      %ge3A_1069 = arith.cmpi sge, %get3A_758, %ge3A_1068 : vector<16xi32>
      %select_n3A_1070 = arith.select %ge3A_1069, %sub3A_1066, %broadcast_in_dim3A_6 : vector<16xi1>, vector<16xf32>
      %mul3A_1071 = arith.mulf %mul3A_1054, %select_n3A_1070 : vector<16xf32>
      %eq3A_1072 = arith.constant 136 : i32
      %eq3A_1073 = vector.broadcast %eq3A_1072 : i32 to vector<16xi32>
      %eq3A_1074 = arith.cmpi eq, %get3A_758, %eq3A_1073 : vector<16xi32>
      %select_n3A_1075 = arith.select %eq3A_1074, %gather3A_1063, %select_n3A_1058 : vector<16xi1>, vector<16xf32>
      %select_n3A_1076 = arith.select %eq3A_1074, %sub3A_1066, %select_n3A_1059 : vector<16xi1>, vector<16xf32>
      %add3A_1077 = arith.constant 3344 : i32
      %add3A_1078 = vector.broadcast %add3A_1077 : i32 to vector<16xi32>
      %add3A_1079 = arith.addi %mul3A_5, %add3A_1078 : vector<16xi32>
      %gather3A_1080 = tpu.vector_load_idx %arg6[%add3A_1079] : memref<6400xf32, #tpu.memory_space<vmem>>[vector<16xi32>], vector<16xf32>,
      %sub3A_1081 = arith.constant 1.000000e+00 : f32
      %sub3A_1082 = vector.broadcast %sub3A_1081 : f32 to vector<16xf32>
      %sub3A_1083 = arith.subf %sub3A_1082, %gather3A_1080 : vector<16xf32>
      %ge3A_1084 = arith.constant 144 : i32
      %ge3A_1085 = vector.broadcast %ge3A_1084 : i32 to vector<16xi32>
      %ge3A_1086 = arith.cmpi sge, %get3A_758, %ge3A_1085 : vector<16xi32>
      %select_n3A_1087 = arith.select %ge3A_1086, %sub3A_1083, %broadcast_in_dim3A_6 : vector<16xi1>, vector<16xf32>
      %mul3A_1088 = arith.mulf %mul3A_1071, %select_n3A_1087 : vector<16xf32>
      %eq3A_1089 = arith.constant 144 : i32
      %eq3A_1090 = vector.broadcast %eq3A_1089 : i32 to vector<16xi32>
      %eq3A_1091 = arith.cmpi eq, %get3A_758, %eq3A_1090 : vector<16xi32>
      %select_n3A_1092 = arith.select %eq3A_1091, %gather3A_1080, %select_n3A_1075 : vector<16xi1>, vector<16xf32>
      %select_n3A_1093 = arith.select %eq3A_1091, %sub3A_1083, %select_n3A_1076 : vector<16xi1>, vector<16xf32>
      %add3A_1094 = arith.constant 3352 : i32
      %add3A_1095 = vector.broadcast %add3A_1094 : i32 to vector<16xi32>
      %add3A_1096 = arith.addi %mul3A_5, %add3A_1095 : vector<16xi32>
      %gather3A_1097 = tpu.vector_load_idx %arg6[%add3A_1096] : memref<6400xf32, #tpu.memory_space<vmem>>[vector<16xi32>], vector<16xf32>,
      %sub3A_1098 = arith.constant 1.000000e+00 : f32
      %sub3A_1099 = vector.broadcast %sub3A_1098 : f32 to vector<16xf32>
      %sub3A_1100 = arith.subf %sub3A_1099, %gather3A_1097 : vector<16xf32>
      %ge3A_1101 = arith.constant 152 : i32
      %ge3A_1102 = vector.broadcast %ge3A_1101 : i32 to vector<16xi32>
      %ge3A_1103 = arith.cmpi sge, %get3A_758, %ge3A_1102 : vector<16xi32>
      %select_n3A_1104 = arith.select %ge3A_1103, %sub3A_1100, %broadcast_in_dim3A_6 : vector<16xi1>, vector<16xf32>
      %mul3A_1105 = arith.mulf %mul3A_1088, %select_n3A_1104 : vector<16xf32>
      %eq3A_1106 = arith.constant 152 : i32
      %eq3A_1107 = vector.broadcast %eq3A_1106 : i32 to vector<16xi32>
      %eq3A_1108 = arith.cmpi eq, %get3A_758, %eq3A_1107 : vector<16xi32>
      %select_n3A_1109 = arith.select %eq3A_1108, %gather3A_1097, %select_n3A_1092 : vector<16xi1>, vector<16xf32>
      %select_n3A_1110 = arith.select %eq3A_1108, %sub3A_1100, %select_n3A_1093 : vector<16xi1>, vector<16xf32>
      %add3A_1111 = arith.constant 3360 : i32
      %add3A_1112 = vector.broadcast %add3A_1111 : i32 to vector<16xi32>
      %add3A_1113 = arith.addi %mul3A_5, %add3A_1112 : vector<16xi32>
      %gather3A_1114 = tpu.vector_load_idx %arg6[%add3A_1113] : memref<6400xf32, #tpu.memory_space<vmem>>[vector<16xi32>], vector<16xf32>,
      %sub3A_1115 = arith.constant 1.000000e+00 : f32
      %sub3A_1116 = vector.broadcast %sub3A_1115 : f32 to vector<16xf32>
      %sub3A_1117 = arith.subf %sub3A_1116, %gather3A_1114 : vector<16xf32>
      %ge3A_1118 = arith.constant 160 : i32
      %ge3A_1119 = vector.broadcast %ge3A_1118 : i32 to vector<16xi32>
      %ge3A_1120 = arith.cmpi sge, %get3A_758, %ge3A_1119 : vector<16xi32>
      %select_n3A_1121 = arith.select %ge3A_1120, %sub3A_1117, %broadcast_in_dim3A_6 : vector<16xi1>, vector<16xf32>
      %mul3A_1122 = arith.mulf %mul3A_1105, %select_n3A_1121 : vector<16xf32>
      %eq3A_1123 = arith.constant 160 : i32
      %eq3A_1124 = vector.broadcast %eq3A_1123 : i32 to vector<16xi32>
      %eq3A_1125 = arith.cmpi eq, %get3A_758, %eq3A_1124 : vector<16xi32>
      %select_n3A_1126 = arith.select %eq3A_1125, %gather3A_1114, %select_n3A_1109 : vector<16xi1>, vector<16xf32>
      %select_n3A_1127 = arith.select %eq3A_1125, %sub3A_1117, %select_n3A_1110 : vector<16xi1>, vector<16xf32>
      %add3A_1128 = arith.constant 3368 : i32
      %add3A_1129 = vector.broadcast %add3A_1128 : i32 to vector<16xi32>
      %add3A_1130 = arith.addi %mul3A_5, %add3A_1129 : vector<16xi32>
      %gather3A_1131 = tpu.vector_load_idx %arg6[%add3A_1130] : memref<6400xf32, #tpu.memory_space<vmem>>[vector<16xi32>], vector<16xf32>,
      %sub3A_1132 = arith.constant 1.000000e+00 : f32
      %sub3A_1133 = vector.broadcast %sub3A_1132 : f32 to vector<16xf32>
      %sub3A_1134 = arith.subf %sub3A_1133, %gather3A_1131 : vector<16xf32>
      %ge3A_1135 = arith.constant 168 : i32
      %ge3A_1136 = vector.broadcast %ge3A_1135 : i32 to vector<16xi32>
      %ge3A_1137 = arith.cmpi sge, %get3A_758, %ge3A_1136 : vector<16xi32>
      %select_n3A_1138 = arith.select %ge3A_1137, %sub3A_1134, %broadcast_in_dim3A_6 : vector<16xi1>, vector<16xf32>
      %mul3A_1139 = arith.mulf %mul3A_1122, %select_n3A_1138 : vector<16xf32>
      %eq3A_1140 = arith.constant 168 : i32
      %eq3A_1141 = vector.broadcast %eq3A_1140 : i32 to vector<16xi32>
      %eq3A_1142 = arith.cmpi eq, %get3A_758, %eq3A_1141 : vector<16xi32>
      %select_n3A_1143 = arith.select %eq3A_1142, %gather3A_1131, %select_n3A_1126 : vector<16xi1>, vector<16xf32>
      %select_n3A_1144 = arith.select %eq3A_1142, %sub3A_1134, %select_n3A_1127 : vector<16xi1>, vector<16xf32>
      %add3A_1145 = arith.constant 3376 : i32
      %add3A_1146 = vector.broadcast %add3A_1145 : i32 to vector<16xi32>
      %add3A_1147 = arith.addi %mul3A_5, %add3A_1146 : vector<16xi32>
      %gather3A_1148 = tpu.vector_load_idx %arg6[%add3A_1147] : memref<6400xf32, #tpu.memory_space<vmem>>[vector<16xi32>], vector<16xf32>,
      %sub3A_1149 = arith.constant 1.000000e+00 : f32
      %sub3A_1150 = vector.broadcast %sub3A_1149 : f32 to vector<16xf32>
      %sub3A_1151 = arith.subf %sub3A_1150, %gather3A_1148 : vector<16xf32>
      %ge3A_1152 = arith.constant 176 : i32
      %ge3A_1153 = vector.broadcast %ge3A_1152 : i32 to vector<16xi32>
      %ge3A_1154 = arith.cmpi sge, %get3A_758, %ge3A_1153 : vector<16xi32>
      %select_n3A_1155 = arith.select %ge3A_1154, %sub3A_1151, %broadcast_in_dim3A_6 : vector<16xi1>, vector<16xf32>
      %mul3A_1156 = arith.mulf %mul3A_1139, %select_n3A_1155 : vector<16xf32>
      %eq3A_1157 = arith.constant 176 : i32
      %eq3A_1158 = vector.broadcast %eq3A_1157 : i32 to vector<16xi32>
      %eq3A_1159 = arith.cmpi eq, %get3A_758, %eq3A_1158 : vector<16xi32>
      %select_n3A_1160 = arith.select %eq3A_1159, %gather3A_1148, %select_n3A_1143 : vector<16xi1>, vector<16xf32>
      %select_n3A_1161 = arith.select %eq3A_1159, %sub3A_1151, %select_n3A_1144 : vector<16xi1>, vector<16xf32>
      %add3A_1162 = arith.constant 3384 : i32
      %add3A_1163 = vector.broadcast %add3A_1162 : i32 to vector<16xi32>
      %add3A_1164 = arith.addi %mul3A_5, %add3A_1163 : vector<16xi32>
      %gather3A_1165 = tpu.vector_load_idx %arg6[%add3A_1164] : memref<6400xf32, #tpu.memory_space<vmem>>[vector<16xi32>], vector<16xf32>,
      %sub3A_1166 = arith.constant 1.000000e+00 : f32
      %sub3A_1167 = vector.broadcast %sub3A_1166 : f32 to vector<16xf32>
      %sub3A_1168 = arith.subf %sub3A_1167, %gather3A_1165 : vector<16xf32>
      %ge3A_1169 = arith.constant 184 : i32
      %ge3A_1170 = vector.broadcast %ge3A_1169 : i32 to vector<16xi32>
      %ge3A_1171 = arith.cmpi sge, %get3A_758, %ge3A_1170 : vector<16xi32>
      %select_n3A_1172 = arith.select %ge3A_1171, %sub3A_1168, %broadcast_in_dim3A_6 : vector<16xi1>, vector<16xf32>
      %mul3A_1173 = arith.mulf %mul3A_1156, %select_n3A_1172 : vector<16xf32>
      %eq3A_1174 = arith.constant 184 : i32
      %eq3A_1175 = vector.broadcast %eq3A_1174 : i32 to vector<16xi32>
      %eq3A_1176 = arith.cmpi eq, %get3A_758, %eq3A_1175 : vector<16xi32>
      %select_n3A_1177 = arith.select %eq3A_1176, %gather3A_1165, %select_n3A_1160 : vector<16xi1>, vector<16xf32>
      %select_n3A_1178 = arith.select %eq3A_1176, %sub3A_1168, %select_n3A_1161 : vector<16xi1>, vector<16xf32>
      %add3A_1179 = arith.constant 3392 : i32
      %add3A_1180 = vector.broadcast %add3A_1179 : i32 to vector<16xi32>
      %add3A_1181 = arith.addi %mul3A_5, %add3A_1180 : vector<16xi32>
      %gather3A_1182 = tpu.vector_load_idx %arg6[%add3A_1181] : memref<6400xf32, #tpu.memory_space<vmem>>[vector<16xi32>], vector<16xf32>,
      %sub3A_1183 = arith.constant 1.000000e+00 : f32
      %sub3A_1184 = vector.broadcast %sub3A_1183 : f32 to vector<16xf32>
      %sub3A_1185 = arith.subf %sub3A_1184, %gather3A_1182 : vector<16xf32>
      %ge3A_1186 = arith.constant 192 : i32
      %ge3A_1187 = vector.broadcast %ge3A_1186 : i32 to vector<16xi32>
      %ge3A_1188 = arith.cmpi sge, %get3A_758, %ge3A_1187 : vector<16xi32>
      %select_n3A_1189 = arith.select %ge3A_1188, %sub3A_1185, %broadcast_in_dim3A_6 : vector<16xi1>, vector<16xf32>
      %mul3A_1190 = arith.mulf %mul3A_1173, %select_n3A_1189 : vector<16xf32>
      %eq3A_1191 = arith.constant 192 : i32
      %eq3A_1192 = vector.broadcast %eq3A_1191 : i32 to vector<16xi32>
      %eq3A_1193 = arith.cmpi eq, %get3A_758, %eq3A_1192 : vector<16xi32>
      %select_n3A_1194 = arith.select %eq3A_1193, %gather3A_1182, %select_n3A_1177 : vector<16xi1>, vector<16xf32>
      %select_n3A_1195 = arith.select %eq3A_1193, %sub3A_1185, %select_n3A_1178 : vector<16xi1>, vector<16xf32>
      %bitcast_convert_type3A_1196 = tpu.bitcast %mul3A_1190 : vector<16xf32> -> vector<16xi32>
      %shift_right_arithmetic3A_1197 = arith.constant 23 : i32
      %shift_right_arithmetic3A_1198 = vector.broadcast %shift_right_arithmetic3A_1197 : i32 to vector<16xi32>
      %shift_right_arithmetic3A_1199 = arith.shrsi %bitcast_convert_type3A_1196, %shift_right_arithmetic3A_1198 : vector<16xi32>
      %sub3A_1200 = arith.constant 127 : i32
      %sub3A_1201 = vector.broadcast %sub3A_1200 : i32 to vector<16xi32>
      %sub3A_1202 = arith.subi %shift_right_arithmetic3A_1199, %sub3A_1201 : vector<16xi32>
      %add3A_1203 = arith.addi %broadcast_in_dim3A_770, %sub3A_1202 : vector<16xi32>
      %and3A_1204 = arith.constant 8388607 : i32
      %and3A_1205 = vector.broadcast %and3A_1204 : i32 to vector<16xi32>
      %and3A_1206 = arith.andi %bitcast_convert_type3A_1196, %and3A_1205 : vector<16xi32>
      %or3A_1207 = arith.constant 1065353216 : i32
      %or3A_1208 = vector.broadcast %or3A_1207 : i32 to vector<16xi32>
      %or3A_1209 = arith.ori %and3A_1206, %or3A_1208 : vector<16xi32>
      %bitcast_convert_type3A_1210 = tpu.bitcast %or3A_1209 : vector<16xi32> -> vector<16xf32>
      %bitcast_convert_type3A_1211 = tpu.bitcast %broadcast_in_dim3A_6 : vector<16xf32> -> vector<16xi32>
      %shift_right_arithmetic3A_1212 = arith.constant 23 : i32
      %shift_right_arithmetic3A_1213 = vector.broadcast %shift_right_arithmetic3A_1212 : i32 to vector<16xi32>
      %shift_right_arithmetic3A_1214 = arith.shrsi %bitcast_convert_type3A_1211, %shift_right_arithmetic3A_1213 : vector<16xi32>
      %sub3A_1215 = arith.constant 127 : i32
      %sub3A_1216 = vector.broadcast %sub3A_1215 : i32 to vector<16xi32>
      %sub3A_1217 = arith.subi %shift_right_arithmetic3A_1214, %sub3A_1216 : vector<16xi32>
      %add3A_1218 = arith.addi %add3A_1203, %sub3A_1217 : vector<16xi32>
      %and3A_1219 = arith.constant 8388607 : i32
      %and3A_1220 = vector.broadcast %and3A_1219 : i32 to vector<16xi32>
      %and3A_1221 = arith.andi %bitcast_convert_type3A_1211, %and3A_1220 : vector<16xi32>
      %or3A_1222 = arith.constant 1065353216 : i32
      %or3A_1223 = vector.broadcast %or3A_1222 : i32 to vector<16xi32>
      %or3A_1224 = arith.ori %and3A_1221, %or3A_1223 : vector<16xi32>
      %bitcast_convert_type3A_1225 = tpu.bitcast %or3A_1224 : vector<16xi32> -> vector<16xf32>
      %convert_element_type3A_1226 = arith.sitofp %add3A_1218 : vector<16xi32> to vector<16xf32>
      %mul3A_1227 = arith.constant 0.693147182 : f32
      %mul3A_1228 = vector.broadcast %mul3A_1227 : f32 to vector<16xf32>
      %mul3A_1229 = arith.mulf %mul3A_1228, %convert_element_type3A_1226 : vector<16xf32>
      %mul3A_1230 = arith.mulf %bitcast_convert_type3A_1210, %bitcast_convert_type3A_1225 : vector<16xf32>
      %bitcast_convert_type3A_1231 = tpu.bitcast %mul3A_1230 : vector<16xf32> -> vector<16xi32>
      %shift_right_arithmetic3A_1232 = arith.constant 23 : i32
      %shift_right_arithmetic3A_1233 = vector.broadcast %shift_right_arithmetic3A_1232 : i32 to vector<16xi32>
      %shift_right_arithmetic3A_1234 = arith.shrsi %bitcast_convert_type3A_1231, %shift_right_arithmetic3A_1233 : vector<16xi32>
      %sub3A_1235 = arith.constant 127 : i32
      %sub3A_1236 = vector.broadcast %sub3A_1235 : i32 to vector<16xi32>
      %sub3A_1237 = arith.subi %shift_right_arithmetic3A_1234, %sub3A_1236 : vector<16xi32>
      %and3A_1238 = arith.constant 8388607 : i32
      %and3A_1239 = vector.broadcast %and3A_1238 : i32 to vector<16xi32>
      %and3A_1240 = arith.andi %bitcast_convert_type3A_1231, %and3A_1239 : vector<16xi32>
      %or3A_1241 = arith.constant 1065353216 : i32
      %or3A_1242 = vector.broadcast %or3A_1241 : i32 to vector<16xi32>
      %or3A_1243 = arith.ori %and3A_1240, %or3A_1242 : vector<16xi32>
      %bitcast_convert_type3A_1244 = tpu.bitcast %or3A_1243 : vector<16xi32> -> vector<16xf32>
      %gt3A_1245 = arith.constant 1.41421354 : f32
      %gt3A_1246 = vector.broadcast %gt3A_1245 : f32 to vector<16xf32>
      %gt3A_1247 = arith.cmpf ogt, %bitcast_convert_type3A_1244, %gt3A_1246 : vector<16xf32>
      %mul3A_1248 = arith.constant 5.000000e-01 : f32
      %mul3A_1249 = vector.broadcast %mul3A_1248 : f32 to vector<16xf32>
      %mul3A_1250 = arith.mulf %mul3A_1249, %bitcast_convert_type3A_1244 : vector<16xf32>
      %select_n3A_1251 = arith.select %gt3A_1247, %mul3A_1250, %bitcast_convert_type3A_1244 : vector<16xi1>, vector<16xf32>
      %jit3A_1252 = arith.constant 1 : i32
      %jit3A_1253 = arith.constant 0 : i32
      %broadcast_in_dim3A_1254 = vector.broadcast %jit3A_1252 : i32 to vector<16xi32>
      %broadcast_in_dim3A_1255 = vector.broadcast %jit3A_1253 : i32 to vector<16xi32>
      %select_n3A_1256 = arith.select %gt3A_1247, %broadcast_in_dim3A_1254, %broadcast_in_dim3A_1255 : vector<16xi1>, vector<16xi32>
      %add3A_1257 = arith.addi %sub3A_1237, %select_n3A_1256 : vector<16xi32>
      %convert_element_type3A_1258 = arith.sitofp %add3A_1257 : vector<16xi32> to vector<16xf32>
      %sub3A_1259 = arith.constant 1.000000e+00 : f32
      %sub3A_1260 = vector.broadcast %sub3A_1259 : f32 to vector<16xf32>
      %sub3A_1261 = arith.subf %select_n3A_1251, %sub3A_1260 : vector<16xf32>
      %add3A_1262 = arith.constant 1.000000e+00 : f32
      %add3A_1263 = vector.broadcast %add3A_1262 : f32 to vector<16xf32>
      %add3A_1264 = arith.addf %select_n3A_1251, %add3A_1263 : vector<16xf32>
      %div3A_1265 = arith.divf %sub3A_1261, %add3A_1264 : vector<16xf32>
      %mul3A_1266 = arith.mulf %div3A_1265, %div3A_1265 : vector<16xf32>
      %mul3A_1267 = arith.constant 2.000000e+00 : f32
      %mul3A_1268 = vector.broadcast %mul3A_1267 : f32 to vector<16xf32>
      %mul3A_1269 = arith.mulf %mul3A_1268, %div3A_1265 : vector<16xf32>
      %mul3A_1270 = arith.constant 0.142857149 : f32
      %mul3A_1271 = vector.broadcast %mul3A_1270 : f32 to vector<16xf32>
      %mul3A_1272 = arith.mulf %mul3A_1266, %mul3A_1271 : vector<16xf32>
      %add3A_1273 = arith.constant 2.000000e-01 : f32
      %add3A_1274 = vector.broadcast %add3A_1273 : f32 to vector<16xf32>
      %add3A_1275 = arith.addf %add3A_1274, %mul3A_1272 : vector<16xf32>
      %mul3A_1276 = arith.mulf %mul3A_1266, %add3A_1275 : vector<16xf32>
      %add3A_1277 = arith.constant 0.333333343 : f32
      %add3A_1278 = vector.broadcast %add3A_1277 : f32 to vector<16xf32>
      %add3A_1279 = arith.addf %add3A_1278, %mul3A_1276 : vector<16xf32>
      %mul3A_1280 = arith.mulf %mul3A_1266, %add3A_1279 : vector<16xf32>
      %add3A_1281 = arith.constant 1.000000e+00 : f32
      %add3A_1282 = vector.broadcast %add3A_1281 : f32 to vector<16xf32>
      %add3A_1283 = arith.addf %add3A_1282, %mul3A_1280 : vector<16xf32>
      %mul3A_1284 = arith.mulf %mul3A_1269, %add3A_1283 : vector<16xf32>
      %mul3A_1285 = arith.constant 0.693147182 : f32
      %mul3A_1286 = vector.broadcast %mul3A_1285 : f32 to vector<16xf32>
      %mul3A_1287 = arith.mulf %mul3A_1286, %convert_element_type3A_1258 : vector<16xf32>
      %add3A_1288 = arith.addf %mul3A_1287, %mul3A_1284 : vector<16xf32>
      %add3A_1289 = arith.addf %mul3A_1229, %add3A_1288 : vector<16xf32>
      %bitcast_convert_type3A_1290 = tpu.bitcast %select_n3A_1194 : vector<16xf32> -> vector<16xi32>
      %shift_right_arithmetic3A_1291 = arith.constant 23 : i32
      %shift_right_arithmetic3A_1292 = vector.broadcast %shift_right_arithmetic3A_1291 : i32 to vector<16xi32>
      %shift_right_arithmetic3A_1293 = arith.shrsi %bitcast_convert_type3A_1290, %shift_right_arithmetic3A_1292 : vector<16xi32>
      %sub3A_1294 = arith.constant 127 : i32
      %sub3A_1295 = vector.broadcast %sub3A_1294 : i32 to vector<16xi32>
      %sub3A_1296 = arith.subi %shift_right_arithmetic3A_1293, %sub3A_1295 : vector<16xi32>
      %and3A_1297 = arith.constant 8388607 : i32
      %and3A_1298 = vector.broadcast %and3A_1297 : i32 to vector<16xi32>
      %and3A_1299 = arith.andi %bitcast_convert_type3A_1290, %and3A_1298 : vector<16xi32>
      %or3A_1300 = arith.constant 1065353216 : i32
      %or3A_1301 = vector.broadcast %or3A_1300 : i32 to vector<16xi32>
      %or3A_1302 = arith.ori %and3A_1299, %or3A_1301 : vector<16xi32>
      %bitcast_convert_type3A_1303 = tpu.bitcast %or3A_1302 : vector<16xi32> -> vector<16xf32>
      %gt3A_1304 = arith.constant 1.41421354 : f32
      %gt3A_1305 = vector.broadcast %gt3A_1304 : f32 to vector<16xf32>
      %gt3A_1306 = arith.cmpf ogt, %bitcast_convert_type3A_1303, %gt3A_1305 : vector<16xf32>
      %mul3A_1307 = arith.constant 5.000000e-01 : f32
      %mul3A_1308 = vector.broadcast %mul3A_1307 : f32 to vector<16xf32>
      %mul3A_1309 = arith.mulf %mul3A_1308, %bitcast_convert_type3A_1303 : vector<16xf32>
      %select_n3A_1310 = arith.select %gt3A_1306, %mul3A_1309, %bitcast_convert_type3A_1303 : vector<16xi1>, vector<16xf32>
      %jit3A_1311 = arith.constant 1 : i32
      %jit3A_1312 = arith.constant 0 : i32
      %broadcast_in_dim3A_1313 = vector.broadcast %jit3A_1311 : i32 to vector<16xi32>
      %broadcast_in_dim3A_1314 = vector.broadcast %jit3A_1312 : i32 to vector<16xi32>
      %select_n3A_1315 = arith.select %gt3A_1306, %broadcast_in_dim3A_1313, %broadcast_in_dim3A_1314 : vector<16xi1>, vector<16xi32>
      %add3A_1316 = arith.addi %sub3A_1296, %select_n3A_1315 : vector<16xi32>
      %convert_element_type3A_1317 = arith.sitofp %add3A_1316 : vector<16xi32> to vector<16xf32>
      %sub3A_1318 = arith.constant 1.000000e+00 : f32
      %sub3A_1319 = vector.broadcast %sub3A_1318 : f32 to vector<16xf32>
      %sub3A_1320 = arith.subf %select_n3A_1310, %sub3A_1319 : vector<16xf32>
      %add3A_1321 = arith.constant 1.000000e+00 : f32
      %add3A_1322 = vector.broadcast %add3A_1321 : f32 to vector<16xf32>
      %add3A_1323 = arith.addf %select_n3A_1310, %add3A_1322 : vector<16xf32>
      %div3A_1324 = arith.divf %sub3A_1320, %add3A_1323 : vector<16xf32>
      %mul3A_1325 = arith.mulf %div3A_1324, %div3A_1324 : vector<16xf32>
      %mul3A_1326 = arith.constant 2.000000e+00 : f32
      %mul3A_1327 = vector.broadcast %mul3A_1326 : f32 to vector<16xf32>
      %mul3A_1328 = arith.mulf %mul3A_1327, %div3A_1324 : vector<16xf32>
      %mul3A_1329 = arith.constant 0.142857149 : f32
      %mul3A_1330 = vector.broadcast %mul3A_1329 : f32 to vector<16xf32>
      %mul3A_1331 = arith.mulf %mul3A_1325, %mul3A_1330 : vector<16xf32>
      %add3A_1332 = arith.constant 2.000000e-01 : f32
      %add3A_1333 = vector.broadcast %add3A_1332 : f32 to vector<16xf32>
      %add3A_1334 = arith.addf %add3A_1333, %mul3A_1331 : vector<16xf32>
      %mul3A_1335 = arith.mulf %mul3A_1325, %add3A_1334 : vector<16xf32>
      %add3A_1336 = arith.constant 0.333333343 : f32
      %add3A_1337 = vector.broadcast %add3A_1336 : f32 to vector<16xf32>
      %add3A_1338 = arith.addf %add3A_1337, %mul3A_1335 : vector<16xf32>
      %mul3A_1339 = arith.mulf %mul3A_1325, %add3A_1338 : vector<16xf32>
      %add3A_1340 = arith.constant 1.000000e+00 : f32
      %add3A_1341 = vector.broadcast %add3A_1340 : f32 to vector<16xf32>
      %add3A_1342 = arith.addf %add3A_1341, %mul3A_1339 : vector<16xf32>
      %mul3A_1343 = arith.mulf %mul3A_1328, %add3A_1342 : vector<16xf32>
      %mul3A_1344 = arith.constant 0.693147182 : f32
      %mul3A_1345 = vector.broadcast %mul3A_1344 : f32 to vector<16xf32>
      %mul3A_1346 = arith.mulf %mul3A_1345, %convert_element_type3A_1317 : vector<16xf32>
      %add3A_1347 = arith.addf %mul3A_1346, %mul3A_1343 : vector<16xf32>
      %ge3A_1348 = arith.constant 1 : i32
      %ge3A_1349 = vector.broadcast %ge3A_1348 : i32 to vector<16xi32>
      %ge3A_1350 = arith.cmpi sge, %get3A_758, %ge3A_1349 : vector<16xi32>
      %bitcast_convert_type3A_1351 = tpu.bitcast %select_n3A_1195 : vector<16xf32> -> vector<16xi32>
      %shift_right_arithmetic3A_1352 = arith.constant 23 : i32
      %shift_right_arithmetic3A_1353 = vector.broadcast %shift_right_arithmetic3A_1352 : i32 to vector<16xi32>
      %shift_right_arithmetic3A_1354 = arith.shrsi %bitcast_convert_type3A_1351, %shift_right_arithmetic3A_1353 : vector<16xi32>
      %sub3A_1355 = arith.constant 127 : i32
      %sub3A_1356 = vector.broadcast %sub3A_1355 : i32 to vector<16xi32>
      %sub3A_1357 = arith.subi %shift_right_arithmetic3A_1354, %sub3A_1356 : vector<16xi32>
      %and3A_1358 = arith.constant 8388607 : i32
      %and3A_1359 = vector.broadcast %and3A_1358 : i32 to vector<16xi32>
      %and3A_1360 = arith.andi %bitcast_convert_type3A_1351, %and3A_1359 : vector<16xi32>
      %or3A_1361 = arith.constant 1065353216 : i32
      %or3A_1362 = vector.broadcast %or3A_1361 : i32 to vector<16xi32>
      %or3A_1363 = arith.ori %and3A_1360, %or3A_1362 : vector<16xi32>
      %bitcast_convert_type3A_1364 = tpu.bitcast %or3A_1363 : vector<16xi32> -> vector<16xf32>
      %gt3A_1365 = arith.constant 1.41421354 : f32
      %gt3A_1366 = vector.broadcast %gt3A_1365 : f32 to vector<16xf32>
      %gt3A_1367 = arith.cmpf ogt, %bitcast_convert_type3A_1364, %gt3A_1366 : vector<16xf32>
      %mul3A_1368 = arith.constant 5.000000e-01 : f32
      %mul3A_1369 = vector.broadcast %mul3A_1368 : f32 to vector<16xf32>
      %mul3A_1370 = arith.mulf %mul3A_1369, %bitcast_convert_type3A_1364 : vector<16xf32>
      %select_n3A_1371 = arith.select %gt3A_1367, %mul3A_1370, %bitcast_convert_type3A_1364 : vector<16xi1>, vector<16xf32>
      %jit3A_1372 = arith.constant 1 : i32
      %jit3A_1373 = arith.constant 0 : i32
      %broadcast_in_dim3A_1374 = vector.broadcast %jit3A_1372 : i32 to vector<16xi32>
      %broadcast_in_dim3A_1375 = vector.broadcast %jit3A_1373 : i32 to vector<16xi32>
      %select_n3A_1376 = arith.select %gt3A_1367, %broadcast_in_dim3A_1374, %broadcast_in_dim3A_1375 : vector<16xi1>, vector<16xi32>
      %add3A_1377 = arith.addi %sub3A_1357, %select_n3A_1376 : vector<16xi32>
      %convert_element_type3A_1378 = arith.sitofp %add3A_1377 : vector<16xi32> to vector<16xf32>
      %sub3A_1379 = arith.constant 1.000000e+00 : f32
      %sub3A_1380 = vector.broadcast %sub3A_1379 : f32 to vector<16xf32>
      %sub3A_1381 = arith.subf %select_n3A_1371, %sub3A_1380 : vector<16xf32>
      %add3A_1382 = arith.constant 1.000000e+00 : f32
      %add3A_1383 = vector.broadcast %add3A_1382 : f32 to vector<16xf32>
      %add3A_1384 = arith.addf %select_n3A_1371, %add3A_1383 : vector<16xf32>
      %div3A_1385 = arith.divf %sub3A_1381, %add3A_1384 : vector<16xf32>
      %mul3A_1386 = arith.mulf %div3A_1385, %div3A_1385 : vector<16xf32>
      %mul3A_1387 = arith.constant 2.000000e+00 : f32
      %mul3A_1388 = vector.broadcast %mul3A_1387 : f32 to vector<16xf32>
      %mul3A_1389 = arith.mulf %mul3A_1388, %div3A_1385 : vector<16xf32>
      %mul3A_1390 = arith.constant 0.142857149 : f32
      %mul3A_1391 = vector.broadcast %mul3A_1390 : f32 to vector<16xf32>
      %mul3A_1392 = arith.mulf %mul3A_1386, %mul3A_1391 : vector<16xf32>
      %add3A_1393 = arith.constant 2.000000e-01 : f32
      %add3A_1394 = vector.broadcast %add3A_1393 : f32 to vector<16xf32>
      %add3A_1395 = arith.addf %add3A_1394, %mul3A_1392 : vector<16xf32>
      %mul3A_1396 = arith.mulf %mul3A_1386, %add3A_1395 : vector<16xf32>
      %add3A_1397 = arith.constant 0.333333343 : f32
      %add3A_1398 = vector.broadcast %add3A_1397 : f32 to vector<16xf32>
      %add3A_1399 = arith.addf %add3A_1398, %mul3A_1396 : vector<16xf32>
      %mul3A_1400 = arith.mulf %mul3A_1386, %add3A_1399 : vector<16xf32>
      %add3A_1401 = arith.constant 1.000000e+00 : f32
      %add3A_1402 = vector.broadcast %add3A_1401 : f32 to vector<16xf32>
      %add3A_1403 = arith.addf %add3A_1402, %mul3A_1400 : vector<16xf32>
      %mul3A_1404 = arith.mulf %mul3A_1389, %add3A_1403 : vector<16xf32>
      %mul3A_1405 = arith.constant 0.693147182 : f32
      %mul3A_1406 = vector.broadcast %mul3A_1405 : f32 to vector<16xf32>
      %mul3A_1407 = arith.mulf %mul3A_1406, %convert_element_type3A_1378 : vector<16xf32>
      %add3A_1408 = arith.addf %mul3A_1407, %mul3A_1404 : vector<16xf32>
      %sub3A_1409 = arith.subf %add3A_1289, %add3A_1408 : vector<16xf32>
      %jit3A_1410 = arith.constant 0.000000e+00 : f32
      %broadcast_in_dim3A_1411 = vector.broadcast %jit3A_1410 : f32 to vector<16xf32>
      %select_n3A_1412 = arith.select %ge3A_1350, %sub3A_1409, %broadcast_in_dim3A_1411 : vector<16xi1>, vector<16xf32>
      %add3A_1413 = arith.addf %add3A_1347, %select_n3A_1412 : vector<16xf32>
      %mul3A_1414 = arith.mulf %select_n3A_768, %add3A_1413 : vector<16xf32>
      %exp3A_1415 = math.exp %add3A_1289 : vector<16xf32>
      %sub3A_1416 = arith.constant 1.000000e+00 : f32
      %sub3A_1417 = vector.broadcast %sub3A_1416 : f32 to vector<16xf32>
      %sub3A_1418 = arith.subf %sub3A_1417, %exp3A_1415 : vector<16xf32>
      %bitcast_convert_type3A_1419 = tpu.bitcast %sub3A_1418 : vector<16xf32> -> vector<16xi32>
      %shift_right_arithmetic3A_1420 = arith.constant 23 : i32
      %shift_right_arithmetic3A_1421 = vector.broadcast %shift_right_arithmetic3A_1420 : i32 to vector<16xi32>
      %shift_right_arithmetic3A_1422 = arith.shrsi %bitcast_convert_type3A_1419, %shift_right_arithmetic3A_1421 : vector<16xi32>
      %sub3A_1423 = arith.constant 127 : i32
      %sub3A_1424 = vector.broadcast %sub3A_1423 : i32 to vector<16xi32>
      %sub3A_1425 = arith.subi %shift_right_arithmetic3A_1422, %sub3A_1424 : vector<16xi32>
      %and3A_1426 = arith.constant 8388607 : i32
      %and3A_1427 = vector.broadcast %and3A_1426 : i32 to vector<16xi32>
      %and3A_1428 = arith.andi %bitcast_convert_type3A_1419, %and3A_1427 : vector<16xi32>
      %or3A_1429 = arith.constant 1065353216 : i32
      %or3A_1430 = vector.broadcast %or3A_1429 : i32 to vector<16xi32>
      %or3A_1431 = arith.ori %and3A_1428, %or3A_1430 : vector<16xi32>
      %bitcast_convert_type3A_1432 = tpu.bitcast %or3A_1431 : vector<16xi32> -> vector<16xf32>
      %gt3A_1433 = arith.constant 1.41421354 : f32
      %gt3A_1434 = vector.broadcast %gt3A_1433 : f32 to vector<16xf32>
      %gt3A_1435 = arith.cmpf ogt, %bitcast_convert_type3A_1432, %gt3A_1434 : vector<16xf32>
      %mul3A_1436 = arith.constant 5.000000e-01 : f32
      %mul3A_1437 = vector.broadcast %mul3A_1436 : f32 to vector<16xf32>
      %mul3A_1438 = arith.mulf %mul3A_1437, %bitcast_convert_type3A_1432 : vector<16xf32>
      %select_n3A_1439 = arith.select %gt3A_1435, %mul3A_1438, %bitcast_convert_type3A_1432 : vector<16xi1>, vector<16xf32>
      %jit3A_1440 = arith.constant 1 : i32
      %jit3A_1441 = arith.constant 0 : i32
      %broadcast_in_dim3A_1442 = vector.broadcast %jit3A_1440 : i32 to vector<16xi32>
      %broadcast_in_dim3A_1443 = vector.broadcast %jit3A_1441 : i32 to vector<16xi32>
      %select_n3A_1444 = arith.select %gt3A_1435, %broadcast_in_dim3A_1442, %broadcast_in_dim3A_1443 : vector<16xi1>, vector<16xi32>
      %add3A_1445 = arith.addi %sub3A_1425, %select_n3A_1444 : vector<16xi32>
      %convert_element_type3A_1446 = arith.sitofp %add3A_1445 : vector<16xi32> to vector<16xf32>
      %sub3A_1447 = arith.constant 1.000000e+00 : f32
      %sub3A_1448 = vector.broadcast %sub3A_1447 : f32 to vector<16xf32>
      %sub3A_1449 = arith.subf %select_n3A_1439, %sub3A_1448 : vector<16xf32>
      %add3A_1450 = arith.constant 1.000000e+00 : f32
      %add3A_1451 = vector.broadcast %add3A_1450 : f32 to vector<16xf32>
      %add3A_1452 = arith.addf %select_n3A_1439, %add3A_1451 : vector<16xf32>
      %div3A_1453 = arith.divf %sub3A_1449, %add3A_1452 : vector<16xf32>
      %mul3A_1454 = arith.mulf %div3A_1453, %div3A_1453 : vector<16xf32>
      %mul3A_1455 = arith.constant 2.000000e+00 : f32
      %mul3A_1456 = vector.broadcast %mul3A_1455 : f32 to vector<16xf32>
      %mul3A_1457 = arith.mulf %mul3A_1456, %div3A_1453 : vector<16xf32>
      %mul3A_1458 = arith.constant 0.142857149 : f32
      %mul3A_1459 = vector.broadcast %mul3A_1458 : f32 to vector<16xf32>
      %mul3A_1460 = arith.mulf %mul3A_1454, %mul3A_1459 : vector<16xf32>
      %add3A_1461 = arith.constant 2.000000e-01 : f32
      %add3A_1462 = vector.broadcast %add3A_1461 : f32 to vector<16xf32>
      %add3A_1463 = arith.addf %add3A_1462, %mul3A_1460 : vector<16xf32>
      %mul3A_1464 = arith.mulf %mul3A_1454, %add3A_1463 : vector<16xf32>
      %add3A_1465 = arith.constant 0.333333343 : f32
      %add3A_1466 = vector.broadcast %add3A_1465 : f32 to vector<16xf32>
      %add3A_1467 = arith.addf %add3A_1466, %mul3A_1464 : vector<16xf32>
      %mul3A_1468 = arith.mulf %mul3A_1454, %add3A_1467 : vector<16xf32>
      %add3A_1469 = arith.constant 1.000000e+00 : f32
      %add3A_1470 = vector.broadcast %add3A_1469 : f32 to vector<16xf32>
      %add3A_1471 = arith.addf %add3A_1470, %mul3A_1468 : vector<16xf32>
      %mul3A_1472 = arith.mulf %mul3A_1457, %add3A_1471 : vector<16xf32>
      %mul3A_1473 = arith.constant 0.693147182 : f32
      %mul3A_1474 = vector.broadcast %mul3A_1473 : f32 to vector<16xf32>
      %mul3A_1475 = arith.mulf %mul3A_1474, %convert_element_type3A_1446 : vector<16xf32>
      %add3A_1476 = arith.addf %mul3A_1475, %mul3A_1472 : vector<16xf32>
      %mul3A_1477 = arith.mulf %select_n3A_768, %add3A_1476 : vector<16xf32>
      %sub3A_1478 = arith.constant 1.000000e+00 : f32
      %sub3A_1479 = vector.broadcast %sub3A_1478 : f32 to vector<16xf32>
      %sub3A_1480 = arith.subf %sub3A_1479, %select_n3A_768 : vector<16xf32>
      %mul3A_1481 = arith.mulf %sub3A_1480, %add3A_1289 : vector<16xf32>
      %neg3A_1482 = arith.constant 0.000000e+00 : f32
      %neg3A_1483 = vector.broadcast %neg3A_1482 : f32 to vector<16xf32>
      %neg3A_1484 = arith.subf %neg3A_1483, %mul3A_1414 : vector<16xf32>
      %mul3A_1485 = arith.constant 2.500000e-01 : f32
      %mul3A_1486 = vector.broadcast %mul3A_1485 : f32 to vector<16xf32>
      %mul3A_1487 = arith.mulf %mul3A_1486, %neg3A_1484 : vector<16xf32>
      %add3A_1488 = arith.addf %add3A_750, %mul3A_1487 : vector<16xf32>
      %add3A_1489 = arith.addf %mul3A_1477, %mul3A_1481 : vector<16xf32>
      %neg3A_1490 = arith.constant 0.000000e+00 : f32
      %neg3A_1491 = vector.broadcast %neg3A_1490 : f32 to vector<16xf32>
      %neg3A_1492 = arith.subf %neg3A_1491, %add3A_1489 : vector<16xf32>
      %mul3A_1493 = arith.constant 7.500000e-01 : f32
      %mul3A_1494 = vector.broadcast %mul3A_1493 : f32 to vector<16xf32>
      %mul3A_1495 = arith.mulf %mul3A_1494, %neg3A_1492 : vector<16xf32>
      %add3A_1496 = arith.addf %add3A_1488, %mul3A_1495 : vector<16xf32>
      %add3A_1497 = arith.constant 1 : i32
      %add3A_1498 = arith.addi %mul3A_20, %add3A_1497 : i32
      %mul3A_1499 = arith.constant 32 : i32
      %mul3A_1500 = arith.muli %add3A_1498, %mul3A_1499 : i32
      %add3A_1501 = arith.constant 0 : i32
      %add3A_1502 = arith.addi %mul3A_1500, %add3A_1501 : i32
      %get3A_1503 = arith.index_cast %add3A_1502 : i32 to index
      %get3A_1504 = tpu.vector_load %arg8[%get3A_1503] {strides = array<i32>} : memref<512xi32, #tpu.memory_space<vmem>>, vector<16xi32>,
      %get3A_1505 = arith.index_cast %add3A_1502 : i32 to index
      %get3A_1506 = tpu.vector_load %arg9[%get3A_1505] {strides = array<i32>} : memref<512xi32, #tpu.memory_space<vmem>>, vector<16xi32>,
      %eq3A_1507 = arith.constant 1 : i32
      %eq3A_1508 = vector.broadcast %eq3A_1507 : i32 to vector<16xi32>
      %eq3A_1509 = arith.cmpi eq, %get3A_1506, %eq3A_1508 : vector<16xi32>
      %jit3A_1510 = arith.constant 1.000000e+00 : f32
      %jit3A_1511 = arith.constant 0.000000e+00 : f32
      %broadcast_in_dim3A_1512 = vector.broadcast %jit3A_1510 : f32 to vector<16xf32>
      %broadcast_in_dim3A_1513 = vector.broadcast %jit3A_1511 : f32 to vector<16xf32>
      %select_n3A_1514 = arith.select %eq3A_1509, %broadcast_in_dim3A_1512, %broadcast_in_dim3A_1513 : vector<16xi1>, vector<16xf32>
      %broadcast_in_dim3A_1515 = arith.constant 0 : i32
      %broadcast_in_dim3A_1516 = vector.broadcast %broadcast_in_dim3A_1515 : i32 to vector<16xi32>
      %add3A_1517 = arith.constant 0 : i32
      %add3A_1518 = vector.broadcast %add3A_1517 : i32 to vector<16xi32>
      %add3A_1519 = arith.addi %mul3A_5, %add3A_1518 : vector<16xi32>
      %gather3A_1520 = tpu.vector_load_idx %arg7[%add3A_1519] : memref<6400xf32, #tpu.memory_space<vmem>>[vector<16xi32>], vector<16xf32>,
      %sub3A_1521 = arith.constant 1.000000e+00 : f32
      %sub3A_1522 = vector.broadcast %sub3A_1521 : f32 to vector<16xf32>
      %sub3A_1523 = arith.subf %sub3A_1522, %gather3A_1520 : vector<16xf32>
      %ge3A_1524 = arith.constant 0 : i32
      %ge3A_1525 = vector.broadcast %ge3A_1524 : i32 to vector<16xi32>
      %ge3A_1526 = arith.cmpi sge, %get3A_1504, %ge3A_1525 : vector<16xi32>
      %select_n3A_1527 = arith.select %ge3A_1526, %sub3A_1523, %broadcast_in_dim3A_6 : vector<16xi1>, vector<16xf32>
      %mul3A_1528 = arith.mulf %broadcast_in_dim3A_6, %select_n3A_1527 : vector<16xf32>
      %eq3A_1529 = arith.constant 0 : i32
      %eq3A_1530 = vector.broadcast %eq3A_1529 : i32 to vector<16xi32>
      %eq3A_1531 = arith.cmpi eq, %get3A_1504, %eq3A_1530 : vector<16xi32>
      %select_n3A_1532 = arith.select %eq3A_1531, %gather3A_1520, %broadcast_in_dim3A_6 : vector<16xi1>, vector<16xf32>
      %select_n3A_1533 = arith.select %eq3A_1531, %sub3A_1523, %broadcast_in_dim3A_6 : vector<16xi1>, vector<16xf32>
      %add3A_1534 = arith.constant 8 : i32
      %add3A_1535 = vector.broadcast %add3A_1534 : i32 to vector<16xi32>
      %add3A_1536 = arith.addi %mul3A_5, %add3A_1535 : vector<16xi32>
      %gather3A_1537 = tpu.vector_load_idx %arg7[%add3A_1536] : memref<6400xf32, #tpu.memory_space<vmem>>[vector<16xi32>], vector<16xf32>,
      %sub3A_1538 = arith.constant 1.000000e+00 : f32
      %sub3A_1539 = vector.broadcast %sub3A_1538 : f32 to vector<16xf32>
      %sub3A_1540 = arith.subf %sub3A_1539, %gather3A_1537 : vector<16xf32>
      %ge3A_1541 = arith.constant 8 : i32
      %ge3A_1542 = vector.broadcast %ge3A_1541 : i32 to vector<16xi32>
      %ge3A_1543 = arith.cmpi sge, %get3A_1504, %ge3A_1542 : vector<16xi32>
      %select_n3A_1544 = arith.select %ge3A_1543, %sub3A_1540, %broadcast_in_dim3A_6 : vector<16xi1>, vector<16xf32>
      %mul3A_1545 = arith.mulf %mul3A_1528, %select_n3A_1544 : vector<16xf32>
      %eq3A_1546 = arith.constant 8 : i32
      %eq3A_1547 = vector.broadcast %eq3A_1546 : i32 to vector<16xi32>
      %eq3A_1548 = arith.cmpi eq, %get3A_1504, %eq3A_1547 : vector<16xi32>
      %select_n3A_1549 = arith.select %eq3A_1548, %gather3A_1537, %select_n3A_1532 : vector<16xi1>, vector<16xf32>
      %select_n3A_1550 = arith.select %eq3A_1548, %sub3A_1540, %select_n3A_1533 : vector<16xi1>, vector<16xf32>
      %add3A_1551 = arith.constant 16 : i32
      %add3A_1552 = vector.broadcast %add3A_1551 : i32 to vector<16xi32>
      %add3A_1553 = arith.addi %mul3A_5, %add3A_1552 : vector<16xi32>
      %gather3A_1554 = tpu.vector_load_idx %arg7[%add3A_1553] : memref<6400xf32, #tpu.memory_space<vmem>>[vector<16xi32>], vector<16xf32>,
      %sub3A_1555 = arith.constant 1.000000e+00 : f32
      %sub3A_1556 = vector.broadcast %sub3A_1555 : f32 to vector<16xf32>
      %sub3A_1557 = arith.subf %sub3A_1556, %gather3A_1554 : vector<16xf32>
      %ge3A_1558 = arith.constant 16 : i32
      %ge3A_1559 = vector.broadcast %ge3A_1558 : i32 to vector<16xi32>
      %ge3A_1560 = arith.cmpi sge, %get3A_1504, %ge3A_1559 : vector<16xi32>
      %select_n3A_1561 = arith.select %ge3A_1560, %sub3A_1557, %broadcast_in_dim3A_6 : vector<16xi1>, vector<16xf32>
      %mul3A_1562 = arith.mulf %mul3A_1545, %select_n3A_1561 : vector<16xf32>
      %eq3A_1563 = arith.constant 16 : i32
      %eq3A_1564 = vector.broadcast %eq3A_1563 : i32 to vector<16xi32>
      %eq3A_1565 = arith.cmpi eq, %get3A_1504, %eq3A_1564 : vector<16xi32>
      %select_n3A_1566 = arith.select %eq3A_1565, %gather3A_1554, %select_n3A_1549 : vector<16xi1>, vector<16xf32>
      %select_n3A_1567 = arith.select %eq3A_1565, %sub3A_1557, %select_n3A_1550 : vector<16xi1>, vector<16xf32>
      %add3A_1568 = arith.constant 24 : i32
      %add3A_1569 = vector.broadcast %add3A_1568 : i32 to vector<16xi32>
      %add3A_1570 = arith.addi %mul3A_5, %add3A_1569 : vector<16xi32>
      %gather3A_1571 = tpu.vector_load_idx %arg7[%add3A_1570] : memref<6400xf32, #tpu.memory_space<vmem>>[vector<16xi32>], vector<16xf32>,
      %sub3A_1572 = arith.constant 1.000000e+00 : f32
      %sub3A_1573 = vector.broadcast %sub3A_1572 : f32 to vector<16xf32>
      %sub3A_1574 = arith.subf %sub3A_1573, %gather3A_1571 : vector<16xf32>
      %ge3A_1575 = arith.constant 24 : i32
      %ge3A_1576 = vector.broadcast %ge3A_1575 : i32 to vector<16xi32>
      %ge3A_1577 = arith.cmpi sge, %get3A_1504, %ge3A_1576 : vector<16xi32>
      %select_n3A_1578 = arith.select %ge3A_1577, %sub3A_1574, %broadcast_in_dim3A_6 : vector<16xi1>, vector<16xf32>
      %mul3A_1579 = arith.mulf %mul3A_1562, %select_n3A_1578 : vector<16xf32>
      %eq3A_1580 = arith.constant 24 : i32
      %eq3A_1581 = vector.broadcast %eq3A_1580 : i32 to vector<16xi32>
      %eq3A_1582 = arith.cmpi eq, %get3A_1504, %eq3A_1581 : vector<16xi32>
      %select_n3A_1583 = arith.select %eq3A_1582, %gather3A_1571, %select_n3A_1566 : vector<16xi1>, vector<16xf32>
      %select_n3A_1584 = arith.select %eq3A_1582, %sub3A_1574, %select_n3A_1567 : vector<16xi1>, vector<16xf32>
      %add3A_1585 = arith.constant 32 : i32
      %add3A_1586 = vector.broadcast %add3A_1585 : i32 to vector<16xi32>
      %add3A_1587 = arith.addi %mul3A_5, %add3A_1586 : vector<16xi32>
      %gather3A_1588 = tpu.vector_load_idx %arg7[%add3A_1587] : memref<6400xf32, #tpu.memory_space<vmem>>[vector<16xi32>], vector<16xf32>,
      %sub3A_1589 = arith.constant 1.000000e+00 : f32
      %sub3A_1590 = vector.broadcast %sub3A_1589 : f32 to vector<16xf32>
      %sub3A_1591 = arith.subf %sub3A_1590, %gather3A_1588 : vector<16xf32>
      %ge3A_1592 = arith.constant 32 : i32
      %ge3A_1593 = vector.broadcast %ge3A_1592 : i32 to vector<16xi32>
      %ge3A_1594 = arith.cmpi sge, %get3A_1504, %ge3A_1593 : vector<16xi32>
      %select_n3A_1595 = arith.select %ge3A_1594, %sub3A_1591, %broadcast_in_dim3A_6 : vector<16xi1>, vector<16xf32>
      %mul3A_1596 = arith.mulf %mul3A_1579, %select_n3A_1595 : vector<16xf32>
      %eq3A_1597 = arith.constant 32 : i32
      %eq3A_1598 = vector.broadcast %eq3A_1597 : i32 to vector<16xi32>
      %eq3A_1599 = arith.cmpi eq, %get3A_1504, %eq3A_1598 : vector<16xi32>
      %select_n3A_1600 = arith.select %eq3A_1599, %gather3A_1588, %select_n3A_1583 : vector<16xi1>, vector<16xf32>
      %select_n3A_1601 = arith.select %eq3A_1599, %sub3A_1591, %select_n3A_1584 : vector<16xi1>, vector<16xf32>
      %add3A_1602 = arith.constant 40 : i32
      %add3A_1603 = vector.broadcast %add3A_1602 : i32 to vector<16xi32>
      %add3A_1604 = arith.addi %mul3A_5, %add3A_1603 : vector<16xi32>
      %gather3A_1605 = tpu.vector_load_idx %arg7[%add3A_1604] : memref<6400xf32, #tpu.memory_space<vmem>>[vector<16xi32>], vector<16xf32>,
      %sub3A_1606 = arith.constant 1.000000e+00 : f32
      %sub3A_1607 = vector.broadcast %sub3A_1606 : f32 to vector<16xf32>
      %sub3A_1608 = arith.subf %sub3A_1607, %gather3A_1605 : vector<16xf32>
      %ge3A_1609 = arith.constant 40 : i32
      %ge3A_1610 = vector.broadcast %ge3A_1609 : i32 to vector<16xi32>
      %ge3A_1611 = arith.cmpi sge, %get3A_1504, %ge3A_1610 : vector<16xi32>
      %select_n3A_1612 = arith.select %ge3A_1611, %sub3A_1608, %broadcast_in_dim3A_6 : vector<16xi1>, vector<16xf32>
      %mul3A_1613 = arith.mulf %mul3A_1596, %select_n3A_1612 : vector<16xf32>
      %eq3A_1614 = arith.constant 40 : i32
      %eq3A_1615 = vector.broadcast %eq3A_1614 : i32 to vector<16xi32>
      %eq3A_1616 = arith.cmpi eq, %get3A_1504, %eq3A_1615 : vector<16xi32>
      %select_n3A_1617 = arith.select %eq3A_1616, %gather3A_1605, %select_n3A_1600 : vector<16xi1>, vector<16xf32>
      %select_n3A_1618 = arith.select %eq3A_1616, %sub3A_1608, %select_n3A_1601 : vector<16xi1>, vector<16xf32>
      %add3A_1619 = arith.constant 48 : i32
      %add3A_1620 = vector.broadcast %add3A_1619 : i32 to vector<16xi32>
      %add3A_1621 = arith.addi %mul3A_5, %add3A_1620 : vector<16xi32>
      %gather3A_1622 = tpu.vector_load_idx %arg7[%add3A_1621] : memref<6400xf32, #tpu.memory_space<vmem>>[vector<16xi32>], vector<16xf32>,
      %sub3A_1623 = arith.constant 1.000000e+00 : f32
      %sub3A_1624 = vector.broadcast %sub3A_1623 : f32 to vector<16xf32>
      %sub3A_1625 = arith.subf %sub3A_1624, %gather3A_1622 : vector<16xf32>
      %ge3A_1626 = arith.constant 48 : i32
      %ge3A_1627 = vector.broadcast %ge3A_1626 : i32 to vector<16xi32>
      %ge3A_1628 = arith.cmpi sge, %get3A_1504, %ge3A_1627 : vector<16xi32>
      %select_n3A_1629 = arith.select %ge3A_1628, %sub3A_1625, %broadcast_in_dim3A_6 : vector<16xi1>, vector<16xf32>
      %mul3A_1630 = arith.mulf %mul3A_1613, %select_n3A_1629 : vector<16xf32>
      %eq3A_1631 = arith.constant 48 : i32
      %eq3A_1632 = vector.broadcast %eq3A_1631 : i32 to vector<16xi32>
      %eq3A_1633 = arith.cmpi eq, %get3A_1504, %eq3A_1632 : vector<16xi32>
      %select_n3A_1634 = arith.select %eq3A_1633, %gather3A_1622, %select_n3A_1617 : vector<16xi1>, vector<16xf32>
      %select_n3A_1635 = arith.select %eq3A_1633, %sub3A_1625, %select_n3A_1618 : vector<16xi1>, vector<16xf32>
      %add3A_1636 = arith.constant 56 : i32
      %add3A_1637 = vector.broadcast %add3A_1636 : i32 to vector<16xi32>
      %add3A_1638 = arith.addi %mul3A_5, %add3A_1637 : vector<16xi32>
      %gather3A_1639 = tpu.vector_load_idx %arg7[%add3A_1638] : memref<6400xf32, #tpu.memory_space<vmem>>[vector<16xi32>], vector<16xf32>,
      %sub3A_1640 = arith.constant 1.000000e+00 : f32
      %sub3A_1641 = vector.broadcast %sub3A_1640 : f32 to vector<16xf32>
      %sub3A_1642 = arith.subf %sub3A_1641, %gather3A_1639 : vector<16xf32>
      %ge3A_1643 = arith.constant 56 : i32
      %ge3A_1644 = vector.broadcast %ge3A_1643 : i32 to vector<16xi32>
      %ge3A_1645 = arith.cmpi sge, %get3A_1504, %ge3A_1644 : vector<16xi32>
      %select_n3A_1646 = arith.select %ge3A_1645, %sub3A_1642, %broadcast_in_dim3A_6 : vector<16xi1>, vector<16xf32>
      %mul3A_1647 = arith.mulf %mul3A_1630, %select_n3A_1646 : vector<16xf32>
      %eq3A_1648 = arith.constant 56 : i32
      %eq3A_1649 = vector.broadcast %eq3A_1648 : i32 to vector<16xi32>
      %eq3A_1650 = arith.cmpi eq, %get3A_1504, %eq3A_1649 : vector<16xi32>
      %select_n3A_1651 = arith.select %eq3A_1650, %gather3A_1639, %select_n3A_1634 : vector<16xi1>, vector<16xf32>
      %select_n3A_1652 = arith.select %eq3A_1650, %sub3A_1642, %select_n3A_1635 : vector<16xi1>, vector<16xf32>
      %add3A_1653 = arith.constant 64 : i32
      %add3A_1654 = vector.broadcast %add3A_1653 : i32 to vector<16xi32>
      %add3A_1655 = arith.addi %mul3A_5, %add3A_1654 : vector<16xi32>
      %gather3A_1656 = tpu.vector_load_idx %arg7[%add3A_1655] : memref<6400xf32, #tpu.memory_space<vmem>>[vector<16xi32>], vector<16xf32>,
      %sub3A_1657 = arith.constant 1.000000e+00 : f32
      %sub3A_1658 = vector.broadcast %sub3A_1657 : f32 to vector<16xf32>
      %sub3A_1659 = arith.subf %sub3A_1658, %gather3A_1656 : vector<16xf32>
      %ge3A_1660 = arith.constant 64 : i32
      %ge3A_1661 = vector.broadcast %ge3A_1660 : i32 to vector<16xi32>
      %ge3A_1662 = arith.cmpi sge, %get3A_1504, %ge3A_1661 : vector<16xi32>
      %select_n3A_1663 = arith.select %ge3A_1662, %sub3A_1659, %broadcast_in_dim3A_6 : vector<16xi1>, vector<16xf32>
      %mul3A_1664 = arith.mulf %mul3A_1647, %select_n3A_1663 : vector<16xf32>
      %eq3A_1665 = arith.constant 64 : i32
      %eq3A_1666 = vector.broadcast %eq3A_1665 : i32 to vector<16xi32>
      %eq3A_1667 = arith.cmpi eq, %get3A_1504, %eq3A_1666 : vector<16xi32>
      %select_n3A_1668 = arith.select %eq3A_1667, %gather3A_1656, %select_n3A_1651 : vector<16xi1>, vector<16xf32>
      %select_n3A_1669 = arith.select %eq3A_1667, %sub3A_1659, %select_n3A_1652 : vector<16xi1>, vector<16xf32>
      %add3A_1670 = arith.constant 72 : i32
      %add3A_1671 = vector.broadcast %add3A_1670 : i32 to vector<16xi32>
      %add3A_1672 = arith.addi %mul3A_5, %add3A_1671 : vector<16xi32>
      %gather3A_1673 = tpu.vector_load_idx %arg7[%add3A_1672] : memref<6400xf32, #tpu.memory_space<vmem>>[vector<16xi32>], vector<16xf32>,
      %sub3A_1674 = arith.constant 1.000000e+00 : f32
      %sub3A_1675 = vector.broadcast %sub3A_1674 : f32 to vector<16xf32>
      %sub3A_1676 = arith.subf %sub3A_1675, %gather3A_1673 : vector<16xf32>
      %ge3A_1677 = arith.constant 72 : i32
      %ge3A_1678 = vector.broadcast %ge3A_1677 : i32 to vector<16xi32>
      %ge3A_1679 = arith.cmpi sge, %get3A_1504, %ge3A_1678 : vector<16xi32>
      %select_n3A_1680 = arith.select %ge3A_1679, %sub3A_1676, %broadcast_in_dim3A_6 : vector<16xi1>, vector<16xf32>
      %mul3A_1681 = arith.mulf %mul3A_1664, %select_n3A_1680 : vector<16xf32>
      %eq3A_1682 = arith.constant 72 : i32
      %eq3A_1683 = vector.broadcast %eq3A_1682 : i32 to vector<16xi32>
      %eq3A_1684 = arith.cmpi eq, %get3A_1504, %eq3A_1683 : vector<16xi32>
      %select_n3A_1685 = arith.select %eq3A_1684, %gather3A_1673, %select_n3A_1668 : vector<16xi1>, vector<16xf32>
      %select_n3A_1686 = arith.select %eq3A_1684, %sub3A_1676, %select_n3A_1669 : vector<16xi1>, vector<16xf32>
      %add3A_1687 = arith.constant 80 : i32
      %add3A_1688 = vector.broadcast %add3A_1687 : i32 to vector<16xi32>
      %add3A_1689 = arith.addi %mul3A_5, %add3A_1688 : vector<16xi32>
      %gather3A_1690 = tpu.vector_load_idx %arg7[%add3A_1689] : memref<6400xf32, #tpu.memory_space<vmem>>[vector<16xi32>], vector<16xf32>,
      %sub3A_1691 = arith.constant 1.000000e+00 : f32
      %sub3A_1692 = vector.broadcast %sub3A_1691 : f32 to vector<16xf32>
      %sub3A_1693 = arith.subf %sub3A_1692, %gather3A_1690 : vector<16xf32>
      %ge3A_1694 = arith.constant 80 : i32
      %ge3A_1695 = vector.broadcast %ge3A_1694 : i32 to vector<16xi32>
      %ge3A_1696 = arith.cmpi sge, %get3A_1504, %ge3A_1695 : vector<16xi32>
      %select_n3A_1697 = arith.select %ge3A_1696, %sub3A_1693, %broadcast_in_dim3A_6 : vector<16xi1>, vector<16xf32>
      %mul3A_1698 = arith.mulf %mul3A_1681, %select_n3A_1697 : vector<16xf32>
      %eq3A_1699 = arith.constant 80 : i32
      %eq3A_1700 = vector.broadcast %eq3A_1699 : i32 to vector<16xi32>
      %eq3A_1701 = arith.cmpi eq, %get3A_1504, %eq3A_1700 : vector<16xi32>
      %select_n3A_1702 = arith.select %eq3A_1701, %gather3A_1690, %select_n3A_1685 : vector<16xi1>, vector<16xf32>
      %select_n3A_1703 = arith.select %eq3A_1701, %sub3A_1693, %select_n3A_1686 : vector<16xi1>, vector<16xf32>
      %add3A_1704 = arith.constant 88 : i32
      %add3A_1705 = vector.broadcast %add3A_1704 : i32 to vector<16xi32>
      %add3A_1706 = arith.addi %mul3A_5, %add3A_1705 : vector<16xi32>
      %gather3A_1707 = tpu.vector_load_idx %arg7[%add3A_1706] : memref<6400xf32, #tpu.memory_space<vmem>>[vector<16xi32>], vector<16xf32>,
      %sub3A_1708 = arith.constant 1.000000e+00 : f32
      %sub3A_1709 = vector.broadcast %sub3A_1708 : f32 to vector<16xf32>
      %sub3A_1710 = arith.subf %sub3A_1709, %gather3A_1707 : vector<16xf32>
      %ge3A_1711 = arith.constant 88 : i32
      %ge3A_1712 = vector.broadcast %ge3A_1711 : i32 to vector<16xi32>
      %ge3A_1713 = arith.cmpi sge, %get3A_1504, %ge3A_1712 : vector<16xi32>
      %select_n3A_1714 = arith.select %ge3A_1713, %sub3A_1710, %broadcast_in_dim3A_6 : vector<16xi1>, vector<16xf32>
      %mul3A_1715 = arith.mulf %mul3A_1698, %select_n3A_1714 : vector<16xf32>
      %eq3A_1716 = arith.constant 88 : i32
      %eq3A_1717 = vector.broadcast %eq3A_1716 : i32 to vector<16xi32>
      %eq3A_1718 = arith.cmpi eq, %get3A_1504, %eq3A_1717 : vector<16xi32>
      %select_n3A_1719 = arith.select %eq3A_1718, %gather3A_1707, %select_n3A_1702 : vector<16xi1>, vector<16xf32>
      %select_n3A_1720 = arith.select %eq3A_1718, %sub3A_1710, %select_n3A_1703 : vector<16xi1>, vector<16xf32>
      %add3A_1721 = arith.constant 96 : i32
      %add3A_1722 = vector.broadcast %add3A_1721 : i32 to vector<16xi32>
      %add3A_1723 = arith.addi %mul3A_5, %add3A_1722 : vector<16xi32>
      %gather3A_1724 = tpu.vector_load_idx %arg7[%add3A_1723] : memref<6400xf32, #tpu.memory_space<vmem>>[vector<16xi32>], vector<16xf32>,
      %sub3A_1725 = arith.constant 1.000000e+00 : f32
      %sub3A_1726 = vector.broadcast %sub3A_1725 : f32 to vector<16xf32>
      %sub3A_1727 = arith.subf %sub3A_1726, %gather3A_1724 : vector<16xf32>
      %ge3A_1728 = arith.constant 96 : i32
      %ge3A_1729 = vector.broadcast %ge3A_1728 : i32 to vector<16xi32>
      %ge3A_1730 = arith.cmpi sge, %get3A_1504, %ge3A_1729 : vector<16xi32>
      %select_n3A_1731 = arith.select %ge3A_1730, %sub3A_1727, %broadcast_in_dim3A_6 : vector<16xi1>, vector<16xf32>
      %mul3A_1732 = arith.mulf %mul3A_1715, %select_n3A_1731 : vector<16xf32>
      %eq3A_1733 = arith.constant 96 : i32
      %eq3A_1734 = vector.broadcast %eq3A_1733 : i32 to vector<16xi32>
      %eq3A_1735 = arith.cmpi eq, %get3A_1504, %eq3A_1734 : vector<16xi32>
      %select_n3A_1736 = arith.select %eq3A_1735, %gather3A_1724, %select_n3A_1719 : vector<16xi1>, vector<16xf32>
      %select_n3A_1737 = arith.select %eq3A_1735, %sub3A_1727, %select_n3A_1720 : vector<16xi1>, vector<16xf32>
      %add3A_1738 = arith.constant 104 : i32
      %add3A_1739 = vector.broadcast %add3A_1738 : i32 to vector<16xi32>
      %add3A_1740 = arith.addi %mul3A_5, %add3A_1739 : vector<16xi32>
      %gather3A_1741 = tpu.vector_load_idx %arg7[%add3A_1740] : memref<6400xf32, #tpu.memory_space<vmem>>[vector<16xi32>], vector<16xf32>,
      %sub3A_1742 = arith.constant 1.000000e+00 : f32
      %sub3A_1743 = vector.broadcast %sub3A_1742 : f32 to vector<16xf32>
      %sub3A_1744 = arith.subf %sub3A_1743, %gather3A_1741 : vector<16xf32>
      %ge3A_1745 = arith.constant 104 : i32
      %ge3A_1746 = vector.broadcast %ge3A_1745 : i32 to vector<16xi32>
      %ge3A_1747 = arith.cmpi sge, %get3A_1504, %ge3A_1746 : vector<16xi32>
      %select_n3A_1748 = arith.select %ge3A_1747, %sub3A_1744, %broadcast_in_dim3A_6 : vector<16xi1>, vector<16xf32>
      %mul3A_1749 = arith.mulf %mul3A_1732, %select_n3A_1748 : vector<16xf32>
      %eq3A_1750 = arith.constant 104 : i32
      %eq3A_1751 = vector.broadcast %eq3A_1750 : i32 to vector<16xi32>
      %eq3A_1752 = arith.cmpi eq, %get3A_1504, %eq3A_1751 : vector<16xi32>
      %select_n3A_1753 = arith.select %eq3A_1752, %gather3A_1741, %select_n3A_1736 : vector<16xi1>, vector<16xf32>
      %select_n3A_1754 = arith.select %eq3A_1752, %sub3A_1744, %select_n3A_1737 : vector<16xi1>, vector<16xf32>
      %add3A_1755 = arith.constant 112 : i32
      %add3A_1756 = vector.broadcast %add3A_1755 : i32 to vector<16xi32>
      %add3A_1757 = arith.addi %mul3A_5, %add3A_1756 : vector<16xi32>
      %gather3A_1758 = tpu.vector_load_idx %arg7[%add3A_1757] : memref<6400xf32, #tpu.memory_space<vmem>>[vector<16xi32>], vector<16xf32>,
      %sub3A_1759 = arith.constant 1.000000e+00 : f32
      %sub3A_1760 = vector.broadcast %sub3A_1759 : f32 to vector<16xf32>
      %sub3A_1761 = arith.subf %sub3A_1760, %gather3A_1758 : vector<16xf32>
      %ge3A_1762 = arith.constant 112 : i32
      %ge3A_1763 = vector.broadcast %ge3A_1762 : i32 to vector<16xi32>
      %ge3A_1764 = arith.cmpi sge, %get3A_1504, %ge3A_1763 : vector<16xi32>
      %select_n3A_1765 = arith.select %ge3A_1764, %sub3A_1761, %broadcast_in_dim3A_6 : vector<16xi1>, vector<16xf32>
      %mul3A_1766 = arith.mulf %mul3A_1749, %select_n3A_1765 : vector<16xf32>
      %eq3A_1767 = arith.constant 112 : i32
      %eq3A_1768 = vector.broadcast %eq3A_1767 : i32 to vector<16xi32>
      %eq3A_1769 = arith.cmpi eq, %get3A_1504, %eq3A_1768 : vector<16xi32>
      %select_n3A_1770 = arith.select %eq3A_1769, %gather3A_1758, %select_n3A_1753 : vector<16xi1>, vector<16xf32>
      %select_n3A_1771 = arith.select %eq3A_1769, %sub3A_1761, %select_n3A_1754 : vector<16xi1>, vector<16xf32>
      %add3A_1772 = arith.constant 120 : i32
      %add3A_1773 = vector.broadcast %add3A_1772 : i32 to vector<16xi32>
      %add3A_1774 = arith.addi %mul3A_5, %add3A_1773 : vector<16xi32>
      %gather3A_1775 = tpu.vector_load_idx %arg7[%add3A_1774] : memref<6400xf32, #tpu.memory_space<vmem>>[vector<16xi32>], vector<16xf32>,
      %sub3A_1776 = arith.constant 1.000000e+00 : f32
      %sub3A_1777 = vector.broadcast %sub3A_1776 : f32 to vector<16xf32>
      %sub3A_1778 = arith.subf %sub3A_1777, %gather3A_1775 : vector<16xf32>
      %ge3A_1779 = arith.constant 120 : i32
      %ge3A_1780 = vector.broadcast %ge3A_1779 : i32 to vector<16xi32>
      %ge3A_1781 = arith.cmpi sge, %get3A_1504, %ge3A_1780 : vector<16xi32>
      %select_n3A_1782 = arith.select %ge3A_1781, %sub3A_1778, %broadcast_in_dim3A_6 : vector<16xi1>, vector<16xf32>
      %mul3A_1783 = arith.mulf %mul3A_1766, %select_n3A_1782 : vector<16xf32>
      %eq3A_1784 = arith.constant 120 : i32
      %eq3A_1785 = vector.broadcast %eq3A_1784 : i32 to vector<16xi32>
      %eq3A_1786 = arith.cmpi eq, %get3A_1504, %eq3A_1785 : vector<16xi32>
      %select_n3A_1787 = arith.select %eq3A_1786, %gather3A_1775, %select_n3A_1770 : vector<16xi1>, vector<16xf32>
      %select_n3A_1788 = arith.select %eq3A_1786, %sub3A_1778, %select_n3A_1771 : vector<16xi1>, vector<16xf32>
      %add3A_1789 = arith.constant 128 : i32
      %add3A_1790 = vector.broadcast %add3A_1789 : i32 to vector<16xi32>
      %add3A_1791 = arith.addi %mul3A_5, %add3A_1790 : vector<16xi32>
      %gather3A_1792 = tpu.vector_load_idx %arg7[%add3A_1791] : memref<6400xf32, #tpu.memory_space<vmem>>[vector<16xi32>], vector<16xf32>,
      %sub3A_1793 = arith.constant 1.000000e+00 : f32
      %sub3A_1794 = vector.broadcast %sub3A_1793 : f32 to vector<16xf32>
      %sub3A_1795 = arith.subf %sub3A_1794, %gather3A_1792 : vector<16xf32>
      %ge3A_1796 = arith.constant 128 : i32
      %ge3A_1797 = vector.broadcast %ge3A_1796 : i32 to vector<16xi32>
      %ge3A_1798 = arith.cmpi sge, %get3A_1504, %ge3A_1797 : vector<16xi32>
      %select_n3A_1799 = arith.select %ge3A_1798, %sub3A_1795, %broadcast_in_dim3A_6 : vector<16xi1>, vector<16xf32>
      %mul3A_1800 = arith.mulf %mul3A_1783, %select_n3A_1799 : vector<16xf32>
      %eq3A_1801 = arith.constant 128 : i32
      %eq3A_1802 = vector.broadcast %eq3A_1801 : i32 to vector<16xi32>
      %eq3A_1803 = arith.cmpi eq, %get3A_1504, %eq3A_1802 : vector<16xi32>
      %select_n3A_1804 = arith.select %eq3A_1803, %gather3A_1792, %select_n3A_1787 : vector<16xi1>, vector<16xf32>
      %select_n3A_1805 = arith.select %eq3A_1803, %sub3A_1795, %select_n3A_1788 : vector<16xi1>, vector<16xf32>
      %add3A_1806 = arith.constant 136 : i32
      %add3A_1807 = vector.broadcast %add3A_1806 : i32 to vector<16xi32>
      %add3A_1808 = arith.addi %mul3A_5, %add3A_1807 : vector<16xi32>
      %gather3A_1809 = tpu.vector_load_idx %arg7[%add3A_1808] : memref<6400xf32, #tpu.memory_space<vmem>>[vector<16xi32>], vector<16xf32>,
      %sub3A_1810 = arith.constant 1.000000e+00 : f32
      %sub3A_1811 = vector.broadcast %sub3A_1810 : f32 to vector<16xf32>
      %sub3A_1812 = arith.subf %sub3A_1811, %gather3A_1809 : vector<16xf32>
      %ge3A_1813 = arith.constant 136 : i32
      %ge3A_1814 = vector.broadcast %ge3A_1813 : i32 to vector<16xi32>
      %ge3A_1815 = arith.cmpi sge, %get3A_1504, %ge3A_1814 : vector<16xi32>
      %select_n3A_1816 = arith.select %ge3A_1815, %sub3A_1812, %broadcast_in_dim3A_6 : vector<16xi1>, vector<16xf32>
      %mul3A_1817 = arith.mulf %mul3A_1800, %select_n3A_1816 : vector<16xf32>
      %eq3A_1818 = arith.constant 136 : i32
      %eq3A_1819 = vector.broadcast %eq3A_1818 : i32 to vector<16xi32>
      %eq3A_1820 = arith.cmpi eq, %get3A_1504, %eq3A_1819 : vector<16xi32>
      %select_n3A_1821 = arith.select %eq3A_1820, %gather3A_1809, %select_n3A_1804 : vector<16xi1>, vector<16xf32>
      %select_n3A_1822 = arith.select %eq3A_1820, %sub3A_1812, %select_n3A_1805 : vector<16xi1>, vector<16xf32>
      %add3A_1823 = arith.constant 144 : i32
      %add3A_1824 = vector.broadcast %add3A_1823 : i32 to vector<16xi32>
      %add3A_1825 = arith.addi %mul3A_5, %add3A_1824 : vector<16xi32>
      %gather3A_1826 = tpu.vector_load_idx %arg7[%add3A_1825] : memref<6400xf32, #tpu.memory_space<vmem>>[vector<16xi32>], vector<16xf32>,
      %sub3A_1827 = arith.constant 1.000000e+00 : f32
      %sub3A_1828 = vector.broadcast %sub3A_1827 : f32 to vector<16xf32>
      %sub3A_1829 = arith.subf %sub3A_1828, %gather3A_1826 : vector<16xf32>
      %ge3A_1830 = arith.constant 144 : i32
      %ge3A_1831 = vector.broadcast %ge3A_1830 : i32 to vector<16xi32>
      %ge3A_1832 = arith.cmpi sge, %get3A_1504, %ge3A_1831 : vector<16xi32>
      %select_n3A_1833 = arith.select %ge3A_1832, %sub3A_1829, %broadcast_in_dim3A_6 : vector<16xi1>, vector<16xf32>
      %mul3A_1834 = arith.mulf %mul3A_1817, %select_n3A_1833 : vector<16xf32>
      %eq3A_1835 = arith.constant 144 : i32
      %eq3A_1836 = vector.broadcast %eq3A_1835 : i32 to vector<16xi32>
      %eq3A_1837 = arith.cmpi eq, %get3A_1504, %eq3A_1836 : vector<16xi32>
      %select_n3A_1838 = arith.select %eq3A_1837, %gather3A_1826, %select_n3A_1821 : vector<16xi1>, vector<16xf32>
      %select_n3A_1839 = arith.select %eq3A_1837, %sub3A_1829, %select_n3A_1822 : vector<16xi1>, vector<16xf32>
      %add3A_1840 = arith.constant 152 : i32
      %add3A_1841 = vector.broadcast %add3A_1840 : i32 to vector<16xi32>
      %add3A_1842 = arith.addi %mul3A_5, %add3A_1841 : vector<16xi32>
      %gather3A_1843 = tpu.vector_load_idx %arg7[%add3A_1842] : memref<6400xf32, #tpu.memory_space<vmem>>[vector<16xi32>], vector<16xf32>,
      %sub3A_1844 = arith.constant 1.000000e+00 : f32
      %sub3A_1845 = vector.broadcast %sub3A_1844 : f32 to vector<16xf32>
      %sub3A_1846 = arith.subf %sub3A_1845, %gather3A_1843 : vector<16xf32>
      %ge3A_1847 = arith.constant 152 : i32
      %ge3A_1848 = vector.broadcast %ge3A_1847 : i32 to vector<16xi32>
      %ge3A_1849 = arith.cmpi sge, %get3A_1504, %ge3A_1848 : vector<16xi32>
      %select_n3A_1850 = arith.select %ge3A_1849, %sub3A_1846, %broadcast_in_dim3A_6 : vector<16xi1>, vector<16xf32>
      %mul3A_1851 = arith.mulf %mul3A_1834, %select_n3A_1850 : vector<16xf32>
      %eq3A_1852 = arith.constant 152 : i32
      %eq3A_1853 = vector.broadcast %eq3A_1852 : i32 to vector<16xi32>
      %eq3A_1854 = arith.cmpi eq, %get3A_1504, %eq3A_1853 : vector<16xi32>
      %select_n3A_1855 = arith.select %eq3A_1854, %gather3A_1843, %select_n3A_1838 : vector<16xi1>, vector<16xf32>
      %select_n3A_1856 = arith.select %eq3A_1854, %sub3A_1846, %select_n3A_1839 : vector<16xi1>, vector<16xf32>
      %add3A_1857 = arith.constant 160 : i32
      %add3A_1858 = vector.broadcast %add3A_1857 : i32 to vector<16xi32>
      %add3A_1859 = arith.addi %mul3A_5, %add3A_1858 : vector<16xi32>
      %gather3A_1860 = tpu.vector_load_idx %arg7[%add3A_1859] : memref<6400xf32, #tpu.memory_space<vmem>>[vector<16xi32>], vector<16xf32>,
      %sub3A_1861 = arith.constant 1.000000e+00 : f32
      %sub3A_1862 = vector.broadcast %sub3A_1861 : f32 to vector<16xf32>
      %sub3A_1863 = arith.subf %sub3A_1862, %gather3A_1860 : vector<16xf32>
      %ge3A_1864 = arith.constant 160 : i32
      %ge3A_1865 = vector.broadcast %ge3A_1864 : i32 to vector<16xi32>
      %ge3A_1866 = arith.cmpi sge, %get3A_1504, %ge3A_1865 : vector<16xi32>
      %select_n3A_1867 = arith.select %ge3A_1866, %sub3A_1863, %broadcast_in_dim3A_6 : vector<16xi1>, vector<16xf32>
      %mul3A_1868 = arith.mulf %mul3A_1851, %select_n3A_1867 : vector<16xf32>
      %eq3A_1869 = arith.constant 160 : i32
      %eq3A_1870 = vector.broadcast %eq3A_1869 : i32 to vector<16xi32>
      %eq3A_1871 = arith.cmpi eq, %get3A_1504, %eq3A_1870 : vector<16xi32>
      %select_n3A_1872 = arith.select %eq3A_1871, %gather3A_1860, %select_n3A_1855 : vector<16xi1>, vector<16xf32>
      %select_n3A_1873 = arith.select %eq3A_1871, %sub3A_1863, %select_n3A_1856 : vector<16xi1>, vector<16xf32>
      %add3A_1874 = arith.constant 168 : i32
      %add3A_1875 = vector.broadcast %add3A_1874 : i32 to vector<16xi32>
      %add3A_1876 = arith.addi %mul3A_5, %add3A_1875 : vector<16xi32>
      %gather3A_1877 = tpu.vector_load_idx %arg7[%add3A_1876] : memref<6400xf32, #tpu.memory_space<vmem>>[vector<16xi32>], vector<16xf32>,
      %sub3A_1878 = arith.constant 1.000000e+00 : f32
      %sub3A_1879 = vector.broadcast %sub3A_1878 : f32 to vector<16xf32>
      %sub3A_1880 = arith.subf %sub3A_1879, %gather3A_1877 : vector<16xf32>
      %ge3A_1881 = arith.constant 168 : i32
      %ge3A_1882 = vector.broadcast %ge3A_1881 : i32 to vector<16xi32>
      %ge3A_1883 = arith.cmpi sge, %get3A_1504, %ge3A_1882 : vector<16xi32>
      %select_n3A_1884 = arith.select %ge3A_1883, %sub3A_1880, %broadcast_in_dim3A_6 : vector<16xi1>, vector<16xf32>
      %mul3A_1885 = arith.mulf %mul3A_1868, %select_n3A_1884 : vector<16xf32>
      %eq3A_1886 = arith.constant 168 : i32
      %eq3A_1887 = vector.broadcast %eq3A_1886 : i32 to vector<16xi32>
      %eq3A_1888 = arith.cmpi eq, %get3A_1504, %eq3A_1887 : vector<16xi32>
      %select_n3A_1889 = arith.select %eq3A_1888, %gather3A_1877, %select_n3A_1872 : vector<16xi1>, vector<16xf32>
      %select_n3A_1890 = arith.select %eq3A_1888, %sub3A_1880, %select_n3A_1873 : vector<16xi1>, vector<16xf32>
      %add3A_1891 = arith.constant 176 : i32
      %add3A_1892 = vector.broadcast %add3A_1891 : i32 to vector<16xi32>
      %add3A_1893 = arith.addi %mul3A_5, %add3A_1892 : vector<16xi32>
      %gather3A_1894 = tpu.vector_load_idx %arg7[%add3A_1893] : memref<6400xf32, #tpu.memory_space<vmem>>[vector<16xi32>], vector<16xf32>,
      %sub3A_1895 = arith.constant 1.000000e+00 : f32
      %sub3A_1896 = vector.broadcast %sub3A_1895 : f32 to vector<16xf32>
      %sub3A_1897 = arith.subf %sub3A_1896, %gather3A_1894 : vector<16xf32>
      %ge3A_1898 = arith.constant 176 : i32
      %ge3A_1899 = vector.broadcast %ge3A_1898 : i32 to vector<16xi32>
      %ge3A_1900 = arith.cmpi sge, %get3A_1504, %ge3A_1899 : vector<16xi32>
      %select_n3A_1901 = arith.select %ge3A_1900, %sub3A_1897, %broadcast_in_dim3A_6 : vector<16xi1>, vector<16xf32>
      %mul3A_1902 = arith.mulf %mul3A_1885, %select_n3A_1901 : vector<16xf32>
      %eq3A_1903 = arith.constant 176 : i32
      %eq3A_1904 = vector.broadcast %eq3A_1903 : i32 to vector<16xi32>
      %eq3A_1905 = arith.cmpi eq, %get3A_1504, %eq3A_1904 : vector<16xi32>
      %select_n3A_1906 = arith.select %eq3A_1905, %gather3A_1894, %select_n3A_1889 : vector<16xi1>, vector<16xf32>
      %select_n3A_1907 = arith.select %eq3A_1905, %sub3A_1897, %select_n3A_1890 : vector<16xi1>, vector<16xf32>
      %add3A_1908 = arith.constant 184 : i32
      %add3A_1909 = vector.broadcast %add3A_1908 : i32 to vector<16xi32>
      %add3A_1910 = arith.addi %mul3A_5, %add3A_1909 : vector<16xi32>
      %gather3A_1911 = tpu.vector_load_idx %arg7[%add3A_1910] : memref<6400xf32, #tpu.memory_space<vmem>>[vector<16xi32>], vector<16xf32>,
      %sub3A_1912 = arith.constant 1.000000e+00 : f32
      %sub3A_1913 = vector.broadcast %sub3A_1912 : f32 to vector<16xf32>
      %sub3A_1914 = arith.subf %sub3A_1913, %gather3A_1911 : vector<16xf32>
      %ge3A_1915 = arith.constant 184 : i32
      %ge3A_1916 = vector.broadcast %ge3A_1915 : i32 to vector<16xi32>
      %ge3A_1917 = arith.cmpi sge, %get3A_1504, %ge3A_1916 : vector<16xi32>
      %select_n3A_1918 = arith.select %ge3A_1917, %sub3A_1914, %broadcast_in_dim3A_6 : vector<16xi1>, vector<16xf32>
      %mul3A_1919 = arith.mulf %mul3A_1902, %select_n3A_1918 : vector<16xf32>
      %eq3A_1920 = arith.constant 184 : i32
      %eq3A_1921 = vector.broadcast %eq3A_1920 : i32 to vector<16xi32>
      %eq3A_1922 = arith.cmpi eq, %get3A_1504, %eq3A_1921 : vector<16xi32>
      %select_n3A_1923 = arith.select %eq3A_1922, %gather3A_1911, %select_n3A_1906 : vector<16xi1>, vector<16xf32>
      %select_n3A_1924 = arith.select %eq3A_1922, %sub3A_1914, %select_n3A_1907 : vector<16xi1>, vector<16xf32>
      %add3A_1925 = arith.constant 192 : i32
      %add3A_1926 = vector.broadcast %add3A_1925 : i32 to vector<16xi32>
      %add3A_1927 = arith.addi %mul3A_5, %add3A_1926 : vector<16xi32>
      %gather3A_1928 = tpu.vector_load_idx %arg7[%add3A_1927] : memref<6400xf32, #tpu.memory_space<vmem>>[vector<16xi32>], vector<16xf32>,
      %sub3A_1929 = arith.constant 1.000000e+00 : f32
      %sub3A_1930 = vector.broadcast %sub3A_1929 : f32 to vector<16xf32>
      %sub3A_1931 = arith.subf %sub3A_1930, %gather3A_1928 : vector<16xf32>
      %ge3A_1932 = arith.constant 192 : i32
      %ge3A_1933 = vector.broadcast %ge3A_1932 : i32 to vector<16xi32>
      %ge3A_1934 = arith.cmpi sge, %get3A_1504, %ge3A_1933 : vector<16xi32>
      %select_n3A_1935 = arith.select %ge3A_1934, %sub3A_1931, %broadcast_in_dim3A_6 : vector<16xi1>, vector<16xf32>
      %mul3A_1936 = arith.mulf %mul3A_1919, %select_n3A_1935 : vector<16xf32>
      %eq3A_1937 = arith.constant 192 : i32
      %eq3A_1938 = vector.broadcast %eq3A_1937 : i32 to vector<16xi32>
      %eq3A_1939 = arith.cmpi eq, %get3A_1504, %eq3A_1938 : vector<16xi32>
      %select_n3A_1940 = arith.select %eq3A_1939, %gather3A_1928, %select_n3A_1923 : vector<16xi1>, vector<16xf32>
      %select_n3A_1941 = arith.select %eq3A_1939, %sub3A_1931, %select_n3A_1924 : vector<16xi1>, vector<16xf32>
      %bitcast_convert_type3A_1942 = tpu.bitcast %mul3A_1936 : vector<16xf32> -> vector<16xi32>
      %shift_right_arithmetic3A_1943 = arith.constant 23 : i32
      %shift_right_arithmetic3A_1944 = vector.broadcast %shift_right_arithmetic3A_1943 : i32 to vector<16xi32>
      %shift_right_arithmetic3A_1945 = arith.shrsi %bitcast_convert_type3A_1942, %shift_right_arithmetic3A_1944 : vector<16xi32>
      %sub3A_1946 = arith.constant 127 : i32
      %sub3A_1947 = vector.broadcast %sub3A_1946 : i32 to vector<16xi32>
      %sub3A_1948 = arith.subi %shift_right_arithmetic3A_1945, %sub3A_1947 : vector<16xi32>
      %add3A_1949 = arith.addi %broadcast_in_dim3A_1516, %sub3A_1948 : vector<16xi32>
      %and3A_1950 = arith.constant 8388607 : i32
      %and3A_1951 = vector.broadcast %and3A_1950 : i32 to vector<16xi32>
      %and3A_1952 = arith.andi %bitcast_convert_type3A_1942, %and3A_1951 : vector<16xi32>
      %or3A_1953 = arith.constant 1065353216 : i32
      %or3A_1954 = vector.broadcast %or3A_1953 : i32 to vector<16xi32>
      %or3A_1955 = arith.ori %and3A_1952, %or3A_1954 : vector<16xi32>
      %bitcast_convert_type3A_1956 = tpu.bitcast %or3A_1955 : vector<16xi32> -> vector<16xf32>
      %bitcast_convert_type3A_1957 = tpu.bitcast %broadcast_in_dim3A_6 : vector<16xf32> -> vector<16xi32>
      %shift_right_arithmetic3A_1958 = arith.constant 23 : i32
      %shift_right_arithmetic3A_1959 = vector.broadcast %shift_right_arithmetic3A_1958 : i32 to vector<16xi32>
      %shift_right_arithmetic3A_1960 = arith.shrsi %bitcast_convert_type3A_1957, %shift_right_arithmetic3A_1959 : vector<16xi32>
      %sub3A_1961 = arith.constant 127 : i32
      %sub3A_1962 = vector.broadcast %sub3A_1961 : i32 to vector<16xi32>
      %sub3A_1963 = arith.subi %shift_right_arithmetic3A_1960, %sub3A_1962 : vector<16xi32>
      %add3A_1964 = arith.addi %add3A_1949, %sub3A_1963 : vector<16xi32>
      %and3A_1965 = arith.constant 8388607 : i32
      %and3A_1966 = vector.broadcast %and3A_1965 : i32 to vector<16xi32>
      %and3A_1967 = arith.andi %bitcast_convert_type3A_1957, %and3A_1966 : vector<16xi32>
      %or3A_1968 = arith.constant 1065353216 : i32
      %or3A_1969 = vector.broadcast %or3A_1968 : i32 to vector<16xi32>
      %or3A_1970 = arith.ori %and3A_1967, %or3A_1969 : vector<16xi32>
      %bitcast_convert_type3A_1971 = tpu.bitcast %or3A_1970 : vector<16xi32> -> vector<16xf32>
      %convert_element_type3A_1972 = arith.sitofp %add3A_1964 : vector<16xi32> to vector<16xf32>
      %mul3A_1973 = arith.constant 0.693147182 : f32
      %mul3A_1974 = vector.broadcast %mul3A_1973 : f32 to vector<16xf32>
      %mul3A_1975 = arith.mulf %mul3A_1974, %convert_element_type3A_1972 : vector<16xf32>
      %mul3A_1976 = arith.mulf %bitcast_convert_type3A_1956, %bitcast_convert_type3A_1971 : vector<16xf32>
      %bitcast_convert_type3A_1977 = tpu.bitcast %mul3A_1976 : vector<16xf32> -> vector<16xi32>
      %shift_right_arithmetic3A_1978 = arith.constant 23 : i32
      %shift_right_arithmetic3A_1979 = vector.broadcast %shift_right_arithmetic3A_1978 : i32 to vector<16xi32>
      %shift_right_arithmetic3A_1980 = arith.shrsi %bitcast_convert_type3A_1977, %shift_right_arithmetic3A_1979 : vector<16xi32>
      %sub3A_1981 = arith.constant 127 : i32
      %sub3A_1982 = vector.broadcast %sub3A_1981 : i32 to vector<16xi32>
      %sub3A_1983 = arith.subi %shift_right_arithmetic3A_1980, %sub3A_1982 : vector<16xi32>
      %and3A_1984 = arith.constant 8388607 : i32
      %and3A_1985 = vector.broadcast %and3A_1984 : i32 to vector<16xi32>
      %and3A_1986 = arith.andi %bitcast_convert_type3A_1977, %and3A_1985 : vector<16xi32>
      %or3A_1987 = arith.constant 1065353216 : i32
      %or3A_1988 = vector.broadcast %or3A_1987 : i32 to vector<16xi32>
      %or3A_1989 = arith.ori %and3A_1986, %or3A_1988 : vector<16xi32>
      %bitcast_convert_type3A_1990 = tpu.bitcast %or3A_1989 : vector<16xi32> -> vector<16xf32>
      %gt3A_1991 = arith.constant 1.41421354 : f32
      %gt3A_1992 = vector.broadcast %gt3A_1991 : f32 to vector<16xf32>
      %gt3A_1993 = arith.cmpf ogt, %bitcast_convert_type3A_1990, %gt3A_1992 : vector<16xf32>
      %mul3A_1994 = arith.constant 5.000000e-01 : f32
      %mul3A_1995 = vector.broadcast %mul3A_1994 : f32 to vector<16xf32>
      %mul3A_1996 = arith.mulf %mul3A_1995, %bitcast_convert_type3A_1990 : vector<16xf32>
      %select_n3A_1997 = arith.select %gt3A_1993, %mul3A_1996, %bitcast_convert_type3A_1990 : vector<16xi1>, vector<16xf32>
      %jit3A_1998 = arith.constant 1 : i32
      %jit3A_1999 = arith.constant 0 : i32
      %broadcast_in_dim3A_2000 = vector.broadcast %jit3A_1998 : i32 to vector<16xi32>
      %broadcast_in_dim3A_2001 = vector.broadcast %jit3A_1999 : i32 to vector<16xi32>
      %select_n3A_2002 = arith.select %gt3A_1993, %broadcast_in_dim3A_2000, %broadcast_in_dim3A_2001 : vector<16xi1>, vector<16xi32>
      %add3A_2003 = arith.addi %sub3A_1983, %select_n3A_2002 : vector<16xi32>
      %convert_element_type3A_2004 = arith.sitofp %add3A_2003 : vector<16xi32> to vector<16xf32>
      %sub3A_2005 = arith.constant 1.000000e+00 : f32
      %sub3A_2006 = vector.broadcast %sub3A_2005 : f32 to vector<16xf32>
      %sub3A_2007 = arith.subf %select_n3A_1997, %sub3A_2006 : vector<16xf32>
      %add3A_2008 = arith.constant 1.000000e+00 : f32
      %add3A_2009 = vector.broadcast %add3A_2008 : f32 to vector<16xf32>
      %add3A_2010 = arith.addf %select_n3A_1997, %add3A_2009 : vector<16xf32>
      %div3A_2011 = arith.divf %sub3A_2007, %add3A_2010 : vector<16xf32>
      %mul3A_2012 = arith.mulf %div3A_2011, %div3A_2011 : vector<16xf32>
      %mul3A_2013 = arith.constant 2.000000e+00 : f32
      %mul3A_2014 = vector.broadcast %mul3A_2013 : f32 to vector<16xf32>
      %mul3A_2015 = arith.mulf %mul3A_2014, %div3A_2011 : vector<16xf32>
      %mul3A_2016 = arith.constant 0.142857149 : f32
      %mul3A_2017 = vector.broadcast %mul3A_2016 : f32 to vector<16xf32>
      %mul3A_2018 = arith.mulf %mul3A_2012, %mul3A_2017 : vector<16xf32>
      %add3A_2019 = arith.constant 2.000000e-01 : f32
      %add3A_2020 = vector.broadcast %add3A_2019 : f32 to vector<16xf32>
      %add3A_2021 = arith.addf %add3A_2020, %mul3A_2018 : vector<16xf32>
      %mul3A_2022 = arith.mulf %mul3A_2012, %add3A_2021 : vector<16xf32>
      %add3A_2023 = arith.constant 0.333333343 : f32
      %add3A_2024 = vector.broadcast %add3A_2023 : f32 to vector<16xf32>
      %add3A_2025 = arith.addf %add3A_2024, %mul3A_2022 : vector<16xf32>
      %mul3A_2026 = arith.mulf %mul3A_2012, %add3A_2025 : vector<16xf32>
      %add3A_2027 = arith.constant 1.000000e+00 : f32
      %add3A_2028 = vector.broadcast %add3A_2027 : f32 to vector<16xf32>
      %add3A_2029 = arith.addf %add3A_2028, %mul3A_2026 : vector<16xf32>
      %mul3A_2030 = arith.mulf %mul3A_2015, %add3A_2029 : vector<16xf32>
      %mul3A_2031 = arith.constant 0.693147182 : f32
      %mul3A_2032 = vector.broadcast %mul3A_2031 : f32 to vector<16xf32>
      %mul3A_2033 = arith.mulf %mul3A_2032, %convert_element_type3A_2004 : vector<16xf32>
      %add3A_2034 = arith.addf %mul3A_2033, %mul3A_2030 : vector<16xf32>
      %add3A_2035 = arith.addf %mul3A_1975, %add3A_2034 : vector<16xf32>
      %bitcast_convert_type3A_2036 = tpu.bitcast %select_n3A_1940 : vector<16xf32> -> vector<16xi32>
      %shift_right_arithmetic3A_2037 = arith.constant 23 : i32
      %shift_right_arithmetic3A_2038 = vector.broadcast %shift_right_arithmetic3A_2037 : i32 to vector<16xi32>
      %shift_right_arithmetic3A_2039 = arith.shrsi %bitcast_convert_type3A_2036, %shift_right_arithmetic3A_2038 : vector<16xi32>
      %sub3A_2040 = arith.constant 127 : i32
      %sub3A_2041 = vector.broadcast %sub3A_2040 : i32 to vector<16xi32>
      %sub3A_2042 = arith.subi %shift_right_arithmetic3A_2039, %sub3A_2041 : vector<16xi32>
      %and3A_2043 = arith.constant 8388607 : i32
      %and3A_2044 = vector.broadcast %and3A_2043 : i32 to vector<16xi32>
      %and3A_2045 = arith.andi %bitcast_convert_type3A_2036, %and3A_2044 : vector<16xi32>
      %or3A_2046 = arith.constant 1065353216 : i32
      %or3A_2047 = vector.broadcast %or3A_2046 : i32 to vector<16xi32>
      %or3A_2048 = arith.ori %and3A_2045, %or3A_2047 : vector<16xi32>
      %bitcast_convert_type3A_2049 = tpu.bitcast %or3A_2048 : vector<16xi32> -> vector<16xf32>
      %gt3A_2050 = arith.constant 1.41421354 : f32
      %gt3A_2051 = vector.broadcast %gt3A_2050 : f32 to vector<16xf32>
      %gt3A_2052 = arith.cmpf ogt, %bitcast_convert_type3A_2049, %gt3A_2051 : vector<16xf32>
      %mul3A_2053 = arith.constant 5.000000e-01 : f32
      %mul3A_2054 = vector.broadcast %mul3A_2053 : f32 to vector<16xf32>
      %mul3A_2055 = arith.mulf %mul3A_2054, %bitcast_convert_type3A_2049 : vector<16xf32>
      %select_n3A_2056 = arith.select %gt3A_2052, %mul3A_2055, %bitcast_convert_type3A_2049 : vector<16xi1>, vector<16xf32>
      %jit3A_2057 = arith.constant 1 : i32
      %jit3A_2058 = arith.constant 0 : i32
      %broadcast_in_dim3A_2059 = vector.broadcast %jit3A_2057 : i32 to vector<16xi32>
      %broadcast_in_dim3A_2060 = vector.broadcast %jit3A_2058 : i32 to vector<16xi32>
      %select_n3A_2061 = arith.select %gt3A_2052, %broadcast_in_dim3A_2059, %broadcast_in_dim3A_2060 : vector<16xi1>, vector<16xi32>
      %add3A_2062 = arith.addi %sub3A_2042, %select_n3A_2061 : vector<16xi32>
      %convert_element_type3A_2063 = arith.sitofp %add3A_2062 : vector<16xi32> to vector<16xf32>
      %sub3A_2064 = arith.constant 1.000000e+00 : f32
      %sub3A_2065 = vector.broadcast %sub3A_2064 : f32 to vector<16xf32>
      %sub3A_2066 = arith.subf %select_n3A_2056, %sub3A_2065 : vector<16xf32>
      %add3A_2067 = arith.constant 1.000000e+00 : f32
      %add3A_2068 = vector.broadcast %add3A_2067 : f32 to vector<16xf32>
      %add3A_2069 = arith.addf %select_n3A_2056, %add3A_2068 : vector<16xf32>
      %div3A_2070 = arith.divf %sub3A_2066, %add3A_2069 : vector<16xf32>
      %mul3A_2071 = arith.mulf %div3A_2070, %div3A_2070 : vector<16xf32>
      %mul3A_2072 = arith.constant 2.000000e+00 : f32
      %mul3A_2073 = vector.broadcast %mul3A_2072 : f32 to vector<16xf32>
      %mul3A_2074 = arith.mulf %mul3A_2073, %div3A_2070 : vector<16xf32>
      %mul3A_2075 = arith.constant 0.142857149 : f32
      %mul3A_2076 = vector.broadcast %mul3A_2075 : f32 to vector<16xf32>
      %mul3A_2077 = arith.mulf %mul3A_2071, %mul3A_2076 : vector<16xf32>
      %add3A_2078 = arith.constant 2.000000e-01 : f32
      %add3A_2079 = vector.broadcast %add3A_2078 : f32 to vector<16xf32>
      %add3A_2080 = arith.addf %add3A_2079, %mul3A_2077 : vector<16xf32>
      %mul3A_2081 = arith.mulf %mul3A_2071, %add3A_2080 : vector<16xf32>
      %add3A_2082 = arith.constant 0.333333343 : f32
      %add3A_2083 = vector.broadcast %add3A_2082 : f32 to vector<16xf32>
      %add3A_2084 = arith.addf %add3A_2083, %mul3A_2081 : vector<16xf32>
      %mul3A_2085 = arith.mulf %mul3A_2071, %add3A_2084 : vector<16xf32>
      %add3A_2086 = arith.constant 1.000000e+00 : f32
      %add3A_2087 = vector.broadcast %add3A_2086 : f32 to vector<16xf32>
      %add3A_2088 = arith.addf %add3A_2087, %mul3A_2085 : vector<16xf32>
      %mul3A_2089 = arith.mulf %mul3A_2074, %add3A_2088 : vector<16xf32>
      %mul3A_2090 = arith.constant 0.693147182 : f32
      %mul3A_2091 = vector.broadcast %mul3A_2090 : f32 to vector<16xf32>
      %mul3A_2092 = arith.mulf %mul3A_2091, %convert_element_type3A_2063 : vector<16xf32>
      %add3A_2093 = arith.addf %mul3A_2092, %mul3A_2089 : vector<16xf32>
      %ge3A_2094 = arith.constant 1 : i32
      %ge3A_2095 = vector.broadcast %ge3A_2094 : i32 to vector<16xi32>
      %ge3A_2096 = arith.cmpi sge, %get3A_1504, %ge3A_2095 : vector<16xi32>
      %bitcast_convert_type3A_2097 = tpu.bitcast %select_n3A_1941 : vector<16xf32> -> vector<16xi32>
      %shift_right_arithmetic3A_2098 = arith.constant 23 : i32
      %shift_right_arithmetic3A_2099 = vector.broadcast %shift_right_arithmetic3A_2098 : i32 to vector<16xi32>
      %shift_right_arithmetic3A_2100 = arith.shrsi %bitcast_convert_type3A_2097, %shift_right_arithmetic3A_2099 : vector<16xi32>
      %sub3A_2101 = arith.constant 127 : i32
      %sub3A_2102 = vector.broadcast %sub3A_2101 : i32 to vector<16xi32>
      %sub3A_2103 = arith.subi %shift_right_arithmetic3A_2100, %sub3A_2102 : vector<16xi32>
      %and3A_2104 = arith.constant 8388607 : i32
      %and3A_2105 = vector.broadcast %and3A_2104 : i32 to vector<16xi32>
      %and3A_2106 = arith.andi %bitcast_convert_type3A_2097, %and3A_2105 : vector<16xi32>
      %or3A_2107 = arith.constant 1065353216 : i32
      %or3A_2108 = vector.broadcast %or3A_2107 : i32 to vector<16xi32>
      %or3A_2109 = arith.ori %and3A_2106, %or3A_2108 : vector<16xi32>
      %bitcast_convert_type3A_2110 = tpu.bitcast %or3A_2109 : vector<16xi32> -> vector<16xf32>
      %gt3A_2111 = arith.constant 1.41421354 : f32
      %gt3A_2112 = vector.broadcast %gt3A_2111 : f32 to vector<16xf32>
      %gt3A_2113 = arith.cmpf ogt, %bitcast_convert_type3A_2110, %gt3A_2112 : vector<16xf32>
      %mul3A_2114 = arith.constant 5.000000e-01 : f32
      %mul3A_2115 = vector.broadcast %mul3A_2114 : f32 to vector<16xf32>
      %mul3A_2116 = arith.mulf %mul3A_2115, %bitcast_convert_type3A_2110 : vector<16xf32>
      %select_n3A_2117 = arith.select %gt3A_2113, %mul3A_2116, %bitcast_convert_type3A_2110 : vector<16xi1>, vector<16xf32>
      %jit3A_2118 = arith.constant 1 : i32
      %jit3A_2119 = arith.constant 0 : i32
      %broadcast_in_dim3A_2120 = vector.broadcast %jit3A_2118 : i32 to vector<16xi32>
      %broadcast_in_dim3A_2121 = vector.broadcast %jit3A_2119 : i32 to vector<16xi32>
      %select_n3A_2122 = arith.select %gt3A_2113, %broadcast_in_dim3A_2120, %broadcast_in_dim3A_2121 : vector<16xi1>, vector<16xi32>
      %add3A_2123 = arith.addi %sub3A_2103, %select_n3A_2122 : vector<16xi32>
      %convert_element_type3A_2124 = arith.sitofp %add3A_2123 : vector<16xi32> to vector<16xf32>
      %sub3A_2125 = arith.constant 1.000000e+00 : f32
      %sub3A_2126 = vector.broadcast %sub3A_2125 : f32 to vector<16xf32>
      %sub3A_2127 = arith.subf %select_n3A_2117, %sub3A_2126 : vector<16xf32>
      %add3A_2128 = arith.constant 1.000000e+00 : f32
      %add3A_2129 = vector.broadcast %add3A_2128 : f32 to vector<16xf32>
      %add3A_2130 = arith.addf %select_n3A_2117, %add3A_2129 : vector<16xf32>
      %div3A_2131 = arith.divf %sub3A_2127, %add3A_2130 : vector<16xf32>
      %mul3A_2132 = arith.mulf %div3A_2131, %div3A_2131 : vector<16xf32>
      %mul3A_2133 = arith.constant 2.000000e+00 : f32
      %mul3A_2134 = vector.broadcast %mul3A_2133 : f32 to vector<16xf32>
      %mul3A_2135 = arith.mulf %mul3A_2134, %div3A_2131 : vector<16xf32>
      %mul3A_2136 = arith.constant 0.142857149 : f32
      %mul3A_2137 = vector.broadcast %mul3A_2136 : f32 to vector<16xf32>
      %mul3A_2138 = arith.mulf %mul3A_2132, %mul3A_2137 : vector<16xf32>
      %add3A_2139 = arith.constant 2.000000e-01 : f32
      %add3A_2140 = vector.broadcast %add3A_2139 : f32 to vector<16xf32>
      %add3A_2141 = arith.addf %add3A_2140, %mul3A_2138 : vector<16xf32>
      %mul3A_2142 = arith.mulf %mul3A_2132, %add3A_2141 : vector<16xf32>
      %add3A_2143 = arith.constant 0.333333343 : f32
      %add3A_2144 = vector.broadcast %add3A_2143 : f32 to vector<16xf32>
      %add3A_2145 = arith.addf %add3A_2144, %mul3A_2142 : vector<16xf32>
      %mul3A_2146 = arith.mulf %mul3A_2132, %add3A_2145 : vector<16xf32>
      %add3A_2147 = arith.constant 1.000000e+00 : f32
      %add3A_2148 = vector.broadcast %add3A_2147 : f32 to vector<16xf32>
      %add3A_2149 = arith.addf %add3A_2148, %mul3A_2146 : vector<16xf32>
      %mul3A_2150 = arith.mulf %mul3A_2135, %add3A_2149 : vector<16xf32>
      %mul3A_2151 = arith.constant 0.693147182 : f32
      %mul3A_2152 = vector.broadcast %mul3A_2151 : f32 to vector<16xf32>
      %mul3A_2153 = arith.mulf %mul3A_2152, %convert_element_type3A_2124 : vector<16xf32>
      %add3A_2154 = arith.addf %mul3A_2153, %mul3A_2150 : vector<16xf32>
      %sub3A_2155 = arith.subf %add3A_2035, %add3A_2154 : vector<16xf32>
      %jit3A_2156 = arith.constant 0.000000e+00 : f32
      %broadcast_in_dim3A_2157 = vector.broadcast %jit3A_2156 : f32 to vector<16xf32>
      %select_n3A_2158 = arith.select %ge3A_2096, %sub3A_2155, %broadcast_in_dim3A_2157 : vector<16xi1>, vector<16xf32>
      %add3A_2159 = arith.addf %add3A_2093, %select_n3A_2158 : vector<16xf32>
      %mul3A_2160 = arith.mulf %select_n3A_1514, %add3A_2159 : vector<16xf32>
      %exp3A_2161 = math.exp %add3A_2035 : vector<16xf32>
      %sub3A_2162 = arith.constant 1.000000e+00 : f32
      %sub3A_2163 = vector.broadcast %sub3A_2162 : f32 to vector<16xf32>
      %sub3A_2164 = arith.subf %sub3A_2163, %exp3A_2161 : vector<16xf32>
      %bitcast_convert_type3A_2165 = tpu.bitcast %sub3A_2164 : vector<16xf32> -> vector<16xi32>
      %shift_right_arithmetic3A_2166 = arith.constant 23 : i32
      %shift_right_arithmetic3A_2167 = vector.broadcast %shift_right_arithmetic3A_2166 : i32 to vector<16xi32>
      %shift_right_arithmetic3A_2168 = arith.shrsi %bitcast_convert_type3A_2165, %shift_right_arithmetic3A_2167 : vector<16xi32>
      %sub3A_2169 = arith.constant 127 : i32
      %sub3A_2170 = vector.broadcast %sub3A_2169 : i32 to vector<16xi32>
      %sub3A_2171 = arith.subi %shift_right_arithmetic3A_2168, %sub3A_2170 : vector<16xi32>
      %and3A_2172 = arith.constant 8388607 : i32
      %and3A_2173 = vector.broadcast %and3A_2172 : i32 to vector<16xi32>
      %and3A_2174 = arith.andi %bitcast_convert_type3A_2165, %and3A_2173 : vector<16xi32>
      %or3A_2175 = arith.constant 1065353216 : i32
      %or3A_2176 = vector.broadcast %or3A_2175 : i32 to vector<16xi32>
      %or3A_2177 = arith.ori %and3A_2174, %or3A_2176 : vector<16xi32>
      %bitcast_convert_type3A_2178 = tpu.bitcast %or3A_2177 : vector<16xi32> -> vector<16xf32>
      %gt3A_2179 = arith.constant 1.41421354 : f32
      %gt3A_2180 = vector.broadcast %gt3A_2179 : f32 to vector<16xf32>
      %gt3A_2181 = arith.cmpf ogt, %bitcast_convert_type3A_2178, %gt3A_2180 : vector<16xf32>
      %mul3A_2182 = arith.constant 5.000000e-01 : f32
      %mul3A_2183 = vector.broadcast %mul3A_2182 : f32 to vector<16xf32>
      %mul3A_2184 = arith.mulf %mul3A_2183, %bitcast_convert_type3A_2178 : vector<16xf32>
      %select_n3A_2185 = arith.select %gt3A_2181, %mul3A_2184, %bitcast_convert_type3A_2178 : vector<16xi1>, vector<16xf32>
      %jit3A_2186 = arith.constant 1 : i32
      %jit3A_2187 = arith.constant 0 : i32
      %broadcast_in_dim3A_2188 = vector.broadcast %jit3A_2186 : i32 to vector<16xi32>
      %broadcast_in_dim3A_2189 = vector.broadcast %jit3A_2187 : i32 to vector<16xi32>
      %select_n3A_2190 = arith.select %gt3A_2181, %broadcast_in_dim3A_2188, %broadcast_in_dim3A_2189 : vector<16xi1>, vector<16xi32>
      %add3A_2191 = arith.addi %sub3A_2171, %select_n3A_2190 : vector<16xi32>
      %convert_element_type3A_2192 = arith.sitofp %add3A_2191 : vector<16xi32> to vector<16xf32>
      %sub3A_2193 = arith.constant 1.000000e+00 : f32
      %sub3A_2194 = vector.broadcast %sub3A_2193 : f32 to vector<16xf32>
      %sub3A_2195 = arith.subf %select_n3A_2185, %sub3A_2194 : vector<16xf32>
      %add3A_2196 = arith.constant 1.000000e+00 : f32
      %add3A_2197 = vector.broadcast %add3A_2196 : f32 to vector<16xf32>
      %add3A_2198 = arith.addf %select_n3A_2185, %add3A_2197 : vector<16xf32>
      %div3A_2199 = arith.divf %sub3A_2195, %add3A_2198 : vector<16xf32>
      %mul3A_2200 = arith.mulf %div3A_2199, %div3A_2199 : vector<16xf32>
      %mul3A_2201 = arith.constant 2.000000e+00 : f32
      %mul3A_2202 = vector.broadcast %mul3A_2201 : f32 to vector<16xf32>
      %mul3A_2203 = arith.mulf %mul3A_2202, %div3A_2199 : vector<16xf32>
      %mul3A_2204 = arith.constant 0.142857149 : f32
      %mul3A_2205 = vector.broadcast %mul3A_2204 : f32 to vector<16xf32>
      %mul3A_2206 = arith.mulf %mul3A_2200, %mul3A_2205 : vector<16xf32>
      %add3A_2207 = arith.constant 2.000000e-01 : f32
      %add3A_2208 = vector.broadcast %add3A_2207 : f32 to vector<16xf32>
      %add3A_2209 = arith.addf %add3A_2208, %mul3A_2206 : vector<16xf32>
      %mul3A_2210 = arith.mulf %mul3A_2200, %add3A_2209 : vector<16xf32>
      %add3A_2211 = arith.constant 0.333333343 : f32
      %add3A_2212 = vector.broadcast %add3A_2211 : f32 to vector<16xf32>
      %add3A_2213 = arith.addf %add3A_2212, %mul3A_2210 : vector<16xf32>
      %mul3A_2214 = arith.mulf %mul3A_2200, %add3A_2213 : vector<16xf32>
      %add3A_2215 = arith.constant 1.000000e+00 : f32
      %add3A_2216 = vector.broadcast %add3A_2215 : f32 to vector<16xf32>
      %add3A_2217 = arith.addf %add3A_2216, %mul3A_2214 : vector<16xf32>
      %mul3A_2218 = arith.mulf %mul3A_2203, %add3A_2217 : vector<16xf32>
      %mul3A_2219 = arith.constant 0.693147182 : f32
      %mul3A_2220 = vector.broadcast %mul3A_2219 : f32 to vector<16xf32>
      %mul3A_2221 = arith.mulf %mul3A_2220, %convert_element_type3A_2192 : vector<16xf32>
      %add3A_2222 = arith.addf %mul3A_2221, %mul3A_2218 : vector<16xf32>
      %mul3A_2223 = arith.mulf %select_n3A_1514, %add3A_2222 : vector<16xf32>
      %sub3A_2224 = arith.constant 1.000000e+00 : f32
      %sub3A_2225 = vector.broadcast %sub3A_2224 : f32 to vector<16xf32>
      %sub3A_2226 = arith.subf %sub3A_2225, %select_n3A_1514 : vector<16xf32>
      %mul3A_2227 = arith.mulf %sub3A_2226, %add3A_2035 : vector<16xf32>
      %neg3A_2228 = arith.constant 0.000000e+00 : f32
      %neg3A_2229 = vector.broadcast %neg3A_2228 : f32 to vector<16xf32>
      %neg3A_2230 = arith.subf %neg3A_2229, %mul3A_2160 : vector<16xf32>
      %mul3A_2231 = arith.constant 2.500000e-01 : f32
      %mul3A_2232 = vector.broadcast %mul3A_2231 : f32 to vector<16xf32>
      %mul3A_2233 = arith.mulf %mul3A_2232, %neg3A_2230 : vector<16xf32>
      %add3A_2234 = arith.addf %add3A_1496, %mul3A_2233 : vector<16xf32>
      %add3A_2235 = arith.addf %mul3A_2223, %mul3A_2227 : vector<16xf32>
      %neg3A_2236 = arith.constant 0.000000e+00 : f32
      %neg3A_2237 = vector.broadcast %neg3A_2236 : f32 to vector<16xf32>
      %neg3A_2238 = arith.subf %neg3A_2237, %add3A_2235 : vector<16xf32>
      %mul3A_2239 = arith.constant 7.500000e-01 : f32
      %mul3A_2240 = vector.broadcast %mul3A_2239 : f32 to vector<16xf32>
      %mul3A_2241 = arith.mulf %mul3A_2240, %neg3A_2238 : vector<16xf32>
      %add3A_2242 = arith.addf %add3A_2234, %mul3A_2241 : vector<16xf32>
      %add3A_2243 = arith.constant 1 : i32
      %add3A_2244 = arith.addi %mul3A_20, %add3A_2243 : i32
      %mul3A_2245 = arith.constant 32 : i32
      %mul3A_2246 = arith.muli %add3A_2244, %mul3A_2245 : i32
      %add3A_2247 = arith.constant 16 : i32
      %add3A_2248 = arith.addi %mul3A_2246, %add3A_2247 : i32
      %get3A_2249 = arith.index_cast %add3A_2248 : i32 to index
      %get3A_2250 = tpu.vector_load %arg8[%get3A_2249] {strides = array<i32>} : memref<512xi32, #tpu.memory_space<vmem>>, vector<16xi32>,
      %get3A_2251 = arith.index_cast %add3A_2248 : i32 to index
      %get3A_2252 = tpu.vector_load %arg9[%get3A_2251] {strides = array<i32>} : memref<512xi32, #tpu.memory_space<vmem>>, vector<16xi32>,
      %eq3A_2253 = arith.constant 1 : i32
      %eq3A_2254 = vector.broadcast %eq3A_2253 : i32 to vector<16xi32>
      %eq3A_2255 = arith.cmpi eq, %get3A_2252, %eq3A_2254 : vector<16xi32>
      %jit3A_2256 = arith.constant 1.000000e+00 : f32
      %jit3A_2257 = arith.constant 0.000000e+00 : f32
      %broadcast_in_dim3A_2258 = vector.broadcast %jit3A_2256 : f32 to vector<16xf32>
      %broadcast_in_dim3A_2259 = vector.broadcast %jit3A_2257 : f32 to vector<16xf32>
      %select_n3A_2260 = arith.select %eq3A_2255, %broadcast_in_dim3A_2258, %broadcast_in_dim3A_2259 : vector<16xi1>, vector<16xf32>
      %broadcast_in_dim3A_2261 = arith.constant 0 : i32
      %broadcast_in_dim3A_2262 = vector.broadcast %broadcast_in_dim3A_2261 : i32 to vector<16xi32>
      %add3A_2263 = arith.constant 3200 : i32
      %add3A_2264 = vector.broadcast %add3A_2263 : i32 to vector<16xi32>
      %add3A_2265 = arith.addi %mul3A_5, %add3A_2264 : vector<16xi32>
      %gather3A_2266 = tpu.vector_load_idx %arg7[%add3A_2265] : memref<6400xf32, #tpu.memory_space<vmem>>[vector<16xi32>], vector<16xf32>,
      %sub3A_2267 = arith.constant 1.000000e+00 : f32
      %sub3A_2268 = vector.broadcast %sub3A_2267 : f32 to vector<16xf32>
      %sub3A_2269 = arith.subf %sub3A_2268, %gather3A_2266 : vector<16xf32>
      %ge3A_2270 = arith.constant 0 : i32
      %ge3A_2271 = vector.broadcast %ge3A_2270 : i32 to vector<16xi32>
      %ge3A_2272 = arith.cmpi sge, %get3A_2250, %ge3A_2271 : vector<16xi32>
      %select_n3A_2273 = arith.select %ge3A_2272, %sub3A_2269, %broadcast_in_dim3A_6 : vector<16xi1>, vector<16xf32>
      %mul3A_2274 = arith.mulf %broadcast_in_dim3A_6, %select_n3A_2273 : vector<16xf32>
      %eq3A_2275 = arith.constant 0 : i32
      %eq3A_2276 = vector.broadcast %eq3A_2275 : i32 to vector<16xi32>
      %eq3A_2277 = arith.cmpi eq, %get3A_2250, %eq3A_2276 : vector<16xi32>
      %select_n3A_2278 = arith.select %eq3A_2277, %gather3A_2266, %broadcast_in_dim3A_6 : vector<16xi1>, vector<16xf32>
      %select_n3A_2279 = arith.select %eq3A_2277, %sub3A_2269, %broadcast_in_dim3A_6 : vector<16xi1>, vector<16xf32>
      %add3A_2280 = arith.constant 3208 : i32
      %add3A_2281 = vector.broadcast %add3A_2280 : i32 to vector<16xi32>
      %add3A_2282 = arith.addi %mul3A_5, %add3A_2281 : vector<16xi32>
      %gather3A_2283 = tpu.vector_load_idx %arg7[%add3A_2282] : memref<6400xf32, #tpu.memory_space<vmem>>[vector<16xi32>], vector<16xf32>,
      %sub3A_2284 = arith.constant 1.000000e+00 : f32
      %sub3A_2285 = vector.broadcast %sub3A_2284 : f32 to vector<16xf32>
      %sub3A_2286 = arith.subf %sub3A_2285, %gather3A_2283 : vector<16xf32>
      %ge3A_2287 = arith.constant 8 : i32
      %ge3A_2288 = vector.broadcast %ge3A_2287 : i32 to vector<16xi32>
      %ge3A_2289 = arith.cmpi sge, %get3A_2250, %ge3A_2288 : vector<16xi32>
      %select_n3A_2290 = arith.select %ge3A_2289, %sub3A_2286, %broadcast_in_dim3A_6 : vector<16xi1>, vector<16xf32>
      %mul3A_2291 = arith.mulf %mul3A_2274, %select_n3A_2290 : vector<16xf32>
      %eq3A_2292 = arith.constant 8 : i32
      %eq3A_2293 = vector.broadcast %eq3A_2292 : i32 to vector<16xi32>
      %eq3A_2294 = arith.cmpi eq, %get3A_2250, %eq3A_2293 : vector<16xi32>
      %select_n3A_2295 = arith.select %eq3A_2294, %gather3A_2283, %select_n3A_2278 : vector<16xi1>, vector<16xf32>
      %select_n3A_2296 = arith.select %eq3A_2294, %sub3A_2286, %select_n3A_2279 : vector<16xi1>, vector<16xf32>
      %add3A_2297 = arith.constant 3216 : i32
      %add3A_2298 = vector.broadcast %add3A_2297 : i32 to vector<16xi32>
      %add3A_2299 = arith.addi %mul3A_5, %add3A_2298 : vector<16xi32>
      %gather3A_2300 = tpu.vector_load_idx %arg7[%add3A_2299] : memref<6400xf32, #tpu.memory_space<vmem>>[vector<16xi32>], vector<16xf32>,
      %sub3A_2301 = arith.constant 1.000000e+00 : f32
      %sub3A_2302 = vector.broadcast %sub3A_2301 : f32 to vector<16xf32>
      %sub3A_2303 = arith.subf %sub3A_2302, %gather3A_2300 : vector<16xf32>
      %ge3A_2304 = arith.constant 16 : i32
      %ge3A_2305 = vector.broadcast %ge3A_2304 : i32 to vector<16xi32>
      %ge3A_2306 = arith.cmpi sge, %get3A_2250, %ge3A_2305 : vector<16xi32>
      %select_n3A_2307 = arith.select %ge3A_2306, %sub3A_2303, %broadcast_in_dim3A_6 : vector<16xi1>, vector<16xf32>
      %mul3A_2308 = arith.mulf %mul3A_2291, %select_n3A_2307 : vector<16xf32>
      %eq3A_2309 = arith.constant 16 : i32
      %eq3A_2310 = vector.broadcast %eq3A_2309 : i32 to vector<16xi32>
      %eq3A_2311 = arith.cmpi eq, %get3A_2250, %eq3A_2310 : vector<16xi32>
      %select_n3A_2312 = arith.select %eq3A_2311, %gather3A_2300, %select_n3A_2295 : vector<16xi1>, vector<16xf32>
      %select_n3A_2313 = arith.select %eq3A_2311, %sub3A_2303, %select_n3A_2296 : vector<16xi1>, vector<16xf32>
      %add3A_2314 = arith.constant 3224 : i32
      %add3A_2315 = vector.broadcast %add3A_2314 : i32 to vector<16xi32>
      %add3A_2316 = arith.addi %mul3A_5, %add3A_2315 : vector<16xi32>
      %gather3A_2317 = tpu.vector_load_idx %arg7[%add3A_2316] : memref<6400xf32, #tpu.memory_space<vmem>>[vector<16xi32>], vector<16xf32>,
      %sub3A_2318 = arith.constant 1.000000e+00 : f32
      %sub3A_2319 = vector.broadcast %sub3A_2318 : f32 to vector<16xf32>
      %sub3A_2320 = arith.subf %sub3A_2319, %gather3A_2317 : vector<16xf32>
      %ge3A_2321 = arith.constant 24 : i32
      %ge3A_2322 = vector.broadcast %ge3A_2321 : i32 to vector<16xi32>
      %ge3A_2323 = arith.cmpi sge, %get3A_2250, %ge3A_2322 : vector<16xi32>
      %select_n3A_2324 = arith.select %ge3A_2323, %sub3A_2320, %broadcast_in_dim3A_6 : vector<16xi1>, vector<16xf32>
      %mul3A_2325 = arith.mulf %mul3A_2308, %select_n3A_2324 : vector<16xf32>
      %eq3A_2326 = arith.constant 24 : i32
      %eq3A_2327 = vector.broadcast %eq3A_2326 : i32 to vector<16xi32>
      %eq3A_2328 = arith.cmpi eq, %get3A_2250, %eq3A_2327 : vector<16xi32>
      %select_n3A_2329 = arith.select %eq3A_2328, %gather3A_2317, %select_n3A_2312 : vector<16xi1>, vector<16xf32>
      %select_n3A_2330 = arith.select %eq3A_2328, %sub3A_2320, %select_n3A_2313 : vector<16xi1>, vector<16xf32>
      %add3A_2331 = arith.constant 3232 : i32
      %add3A_2332 = vector.broadcast %add3A_2331 : i32 to vector<16xi32>
      %add3A_2333 = arith.addi %mul3A_5, %add3A_2332 : vector<16xi32>
      %gather3A_2334 = tpu.vector_load_idx %arg7[%add3A_2333] : memref<6400xf32, #tpu.memory_space<vmem>>[vector<16xi32>], vector<16xf32>,
      %sub3A_2335 = arith.constant 1.000000e+00 : f32
      %sub3A_2336 = vector.broadcast %sub3A_2335 : f32 to vector<16xf32>
      %sub3A_2337 = arith.subf %sub3A_2336, %gather3A_2334 : vector<16xf32>
      %ge3A_2338 = arith.constant 32 : i32
      %ge3A_2339 = vector.broadcast %ge3A_2338 : i32 to vector<16xi32>
      %ge3A_2340 = arith.cmpi sge, %get3A_2250, %ge3A_2339 : vector<16xi32>
      %select_n3A_2341 = arith.select %ge3A_2340, %sub3A_2337, %broadcast_in_dim3A_6 : vector<16xi1>, vector<16xf32>
      %mul3A_2342 = arith.mulf %mul3A_2325, %select_n3A_2341 : vector<16xf32>
      %eq3A_2343 = arith.constant 32 : i32
      %eq3A_2344 = vector.broadcast %eq3A_2343 : i32 to vector<16xi32>
      %eq3A_2345 = arith.cmpi eq, %get3A_2250, %eq3A_2344 : vector<16xi32>
      %select_n3A_2346 = arith.select %eq3A_2345, %gather3A_2334, %select_n3A_2329 : vector<16xi1>, vector<16xf32>
      %select_n3A_2347 = arith.select %eq3A_2345, %sub3A_2337, %select_n3A_2330 : vector<16xi1>, vector<16xf32>
      %add3A_2348 = arith.constant 3240 : i32
      %add3A_2349 = vector.broadcast %add3A_2348 : i32 to vector<16xi32>
      %add3A_2350 = arith.addi %mul3A_5, %add3A_2349 : vector<16xi32>
      %gather3A_2351 = tpu.vector_load_idx %arg7[%add3A_2350] : memref<6400xf32, #tpu.memory_space<vmem>>[vector<16xi32>], vector<16xf32>,
      %sub3A_2352 = arith.constant 1.000000e+00 : f32
      %sub3A_2353 = vector.broadcast %sub3A_2352 : f32 to vector<16xf32>
      %sub3A_2354 = arith.subf %sub3A_2353, %gather3A_2351 : vector<16xf32>
      %ge3A_2355 = arith.constant 40 : i32
      %ge3A_2356 = vector.broadcast %ge3A_2355 : i32 to vector<16xi32>
      %ge3A_2357 = arith.cmpi sge, %get3A_2250, %ge3A_2356 : vector<16xi32>
      %select_n3A_2358 = arith.select %ge3A_2357, %sub3A_2354, %broadcast_in_dim3A_6 : vector<16xi1>, vector<16xf32>
      %mul3A_2359 = arith.mulf %mul3A_2342, %select_n3A_2358 : vector<16xf32>
      %eq3A_2360 = arith.constant 40 : i32
      %eq3A_2361 = vector.broadcast %eq3A_2360 : i32 to vector<16xi32>
      %eq3A_2362 = arith.cmpi eq, %get3A_2250, %eq3A_2361 : vector<16xi32>
      %select_n3A_2363 = arith.select %eq3A_2362, %gather3A_2351, %select_n3A_2346 : vector<16xi1>, vector<16xf32>
      %select_n3A_2364 = arith.select %eq3A_2362, %sub3A_2354, %select_n3A_2347 : vector<16xi1>, vector<16xf32>
      %add3A_2365 = arith.constant 3248 : i32
      %add3A_2366 = vector.broadcast %add3A_2365 : i32 to vector<16xi32>
      %add3A_2367 = arith.addi %mul3A_5, %add3A_2366 : vector<16xi32>
      %gather3A_2368 = tpu.vector_load_idx %arg7[%add3A_2367] : memref<6400xf32, #tpu.memory_space<vmem>>[vector<16xi32>], vector<16xf32>,
      %sub3A_2369 = arith.constant 1.000000e+00 : f32
      %sub3A_2370 = vector.broadcast %sub3A_2369 : f32 to vector<16xf32>
      %sub3A_2371 = arith.subf %sub3A_2370, %gather3A_2368 : vector<16xf32>
      %ge3A_2372 = arith.constant 48 : i32
      %ge3A_2373 = vector.broadcast %ge3A_2372 : i32 to vector<16xi32>
      %ge3A_2374 = arith.cmpi sge, %get3A_2250, %ge3A_2373 : vector<16xi32>
      %select_n3A_2375 = arith.select %ge3A_2374, %sub3A_2371, %broadcast_in_dim3A_6 : vector<16xi1>, vector<16xf32>
      %mul3A_2376 = arith.mulf %mul3A_2359, %select_n3A_2375 : vector<16xf32>
      %eq3A_2377 = arith.constant 48 : i32
      %eq3A_2378 = vector.broadcast %eq3A_2377 : i32 to vector<16xi32>
      %eq3A_2379 = arith.cmpi eq, %get3A_2250, %eq3A_2378 : vector<16xi32>
      %select_n3A_2380 = arith.select %eq3A_2379, %gather3A_2368, %select_n3A_2363 : vector<16xi1>, vector<16xf32>
      %select_n3A_2381 = arith.select %eq3A_2379, %sub3A_2371, %select_n3A_2364 : vector<16xi1>, vector<16xf32>
      %add3A_2382 = arith.constant 3256 : i32
      %add3A_2383 = vector.broadcast %add3A_2382 : i32 to vector<16xi32>
      %add3A_2384 = arith.addi %mul3A_5, %add3A_2383 : vector<16xi32>
      %gather3A_2385 = tpu.vector_load_idx %arg7[%add3A_2384] : memref<6400xf32, #tpu.memory_space<vmem>>[vector<16xi32>], vector<16xf32>,
      %sub3A_2386 = arith.constant 1.000000e+00 : f32
      %sub3A_2387 = vector.broadcast %sub3A_2386 : f32 to vector<16xf32>
      %sub3A_2388 = arith.subf %sub3A_2387, %gather3A_2385 : vector<16xf32>
      %ge3A_2389 = arith.constant 56 : i32
      %ge3A_2390 = vector.broadcast %ge3A_2389 : i32 to vector<16xi32>
      %ge3A_2391 = arith.cmpi sge, %get3A_2250, %ge3A_2390 : vector<16xi32>
      %select_n3A_2392 = arith.select %ge3A_2391, %sub3A_2388, %broadcast_in_dim3A_6 : vector<16xi1>, vector<16xf32>
      %mul3A_2393 = arith.mulf %mul3A_2376, %select_n3A_2392 : vector<16xf32>
      %eq3A_2394 = arith.constant 56 : i32
      %eq3A_2395 = vector.broadcast %eq3A_2394 : i32 to vector<16xi32>
      %eq3A_2396 = arith.cmpi eq, %get3A_2250, %eq3A_2395 : vector<16xi32>
      %select_n3A_2397 = arith.select %eq3A_2396, %gather3A_2385, %select_n3A_2380 : vector<16xi1>, vector<16xf32>
      %select_n3A_2398 = arith.select %eq3A_2396, %sub3A_2388, %select_n3A_2381 : vector<16xi1>, vector<16xf32>
      %add3A_2399 = arith.constant 3264 : i32
      %add3A_2400 = vector.broadcast %add3A_2399 : i32 to vector<16xi32>
      %add3A_2401 = arith.addi %mul3A_5, %add3A_2400 : vector<16xi32>
      %gather3A_2402 = tpu.vector_load_idx %arg7[%add3A_2401] : memref<6400xf32, #tpu.memory_space<vmem>>[vector<16xi32>], vector<16xf32>,
      %sub3A_2403 = arith.constant 1.000000e+00 : f32
      %sub3A_2404 = vector.broadcast %sub3A_2403 : f32 to vector<16xf32>
      %sub3A_2405 = arith.subf %sub3A_2404, %gather3A_2402 : vector<16xf32>
      %ge3A_2406 = arith.constant 64 : i32
      %ge3A_2407 = vector.broadcast %ge3A_2406 : i32 to vector<16xi32>
      %ge3A_2408 = arith.cmpi sge, %get3A_2250, %ge3A_2407 : vector<16xi32>
      %select_n3A_2409 = arith.select %ge3A_2408, %sub3A_2405, %broadcast_in_dim3A_6 : vector<16xi1>, vector<16xf32>
      %mul3A_2410 = arith.mulf %mul3A_2393, %select_n3A_2409 : vector<16xf32>
      %eq3A_2411 = arith.constant 64 : i32
      %eq3A_2412 = vector.broadcast %eq3A_2411 : i32 to vector<16xi32>
      %eq3A_2413 = arith.cmpi eq, %get3A_2250, %eq3A_2412 : vector<16xi32>
      %select_n3A_2414 = arith.select %eq3A_2413, %gather3A_2402, %select_n3A_2397 : vector<16xi1>, vector<16xf32>
      %select_n3A_2415 = arith.select %eq3A_2413, %sub3A_2405, %select_n3A_2398 : vector<16xi1>, vector<16xf32>
      %add3A_2416 = arith.constant 3272 : i32
      %add3A_2417 = vector.broadcast %add3A_2416 : i32 to vector<16xi32>
      %add3A_2418 = arith.addi %mul3A_5, %add3A_2417 : vector<16xi32>
      %gather3A_2419 = tpu.vector_load_idx %arg7[%add3A_2418] : memref<6400xf32, #tpu.memory_space<vmem>>[vector<16xi32>], vector<16xf32>,
      %sub3A_2420 = arith.constant 1.000000e+00 : f32
      %sub3A_2421 = vector.broadcast %sub3A_2420 : f32 to vector<16xf32>
      %sub3A_2422 = arith.subf %sub3A_2421, %gather3A_2419 : vector<16xf32>
      %ge3A_2423 = arith.constant 72 : i32
      %ge3A_2424 = vector.broadcast %ge3A_2423 : i32 to vector<16xi32>
      %ge3A_2425 = arith.cmpi sge, %get3A_2250, %ge3A_2424 : vector<16xi32>
      %select_n3A_2426 = arith.select %ge3A_2425, %sub3A_2422, %broadcast_in_dim3A_6 : vector<16xi1>, vector<16xf32>
      %mul3A_2427 = arith.mulf %mul3A_2410, %select_n3A_2426 : vector<16xf32>
      %eq3A_2428 = arith.constant 72 : i32
      %eq3A_2429 = vector.broadcast %eq3A_2428 : i32 to vector<16xi32>
      %eq3A_2430 = arith.cmpi eq, %get3A_2250, %eq3A_2429 : vector<16xi32>
      %select_n3A_2431 = arith.select %eq3A_2430, %gather3A_2419, %select_n3A_2414 : vector<16xi1>, vector<16xf32>
      %select_n3A_2432 = arith.select %eq3A_2430, %sub3A_2422, %select_n3A_2415 : vector<16xi1>, vector<16xf32>
      %add3A_2433 = arith.constant 3280 : i32
      %add3A_2434 = vector.broadcast %add3A_2433 : i32 to vector<16xi32>
      %add3A_2435 = arith.addi %mul3A_5, %add3A_2434 : vector<16xi32>
      %gather3A_2436 = tpu.vector_load_idx %arg7[%add3A_2435] : memref<6400xf32, #tpu.memory_space<vmem>>[vector<16xi32>], vector<16xf32>,
      %sub3A_2437 = arith.constant 1.000000e+00 : f32
      %sub3A_2438 = vector.broadcast %sub3A_2437 : f32 to vector<16xf32>
      %sub3A_2439 = arith.subf %sub3A_2438, %gather3A_2436 : vector<16xf32>
      %ge3A_2440 = arith.constant 80 : i32
      %ge3A_2441 = vector.broadcast %ge3A_2440 : i32 to vector<16xi32>
      %ge3A_2442 = arith.cmpi sge, %get3A_2250, %ge3A_2441 : vector<16xi32>
      %select_n3A_2443 = arith.select %ge3A_2442, %sub3A_2439, %broadcast_in_dim3A_6 : vector<16xi1>, vector<16xf32>
      %mul3A_2444 = arith.mulf %mul3A_2427, %select_n3A_2443 : vector<16xf32>
      %eq3A_2445 = arith.constant 80 : i32
      %eq3A_2446 = vector.broadcast %eq3A_2445 : i32 to vector<16xi32>
      %eq3A_2447 = arith.cmpi eq, %get3A_2250, %eq3A_2446 : vector<16xi32>
      %select_n3A_2448 = arith.select %eq3A_2447, %gather3A_2436, %select_n3A_2431 : vector<16xi1>, vector<16xf32>
      %select_n3A_2449 = arith.select %eq3A_2447, %sub3A_2439, %select_n3A_2432 : vector<16xi1>, vector<16xf32>
      %add3A_2450 = arith.constant 3288 : i32
      %add3A_2451 = vector.broadcast %add3A_2450 : i32 to vector<16xi32>
      %add3A_2452 = arith.addi %mul3A_5, %add3A_2451 : vector<16xi32>
      %gather3A_2453 = tpu.vector_load_idx %arg7[%add3A_2452] : memref<6400xf32, #tpu.memory_space<vmem>>[vector<16xi32>], vector<16xf32>,
      %sub3A_2454 = arith.constant 1.000000e+00 : f32
      %sub3A_2455 = vector.broadcast %sub3A_2454 : f32 to vector<16xf32>
      %sub3A_2456 = arith.subf %sub3A_2455, %gather3A_2453 : vector<16xf32>
      %ge3A_2457 = arith.constant 88 : i32
      %ge3A_2458 = vector.broadcast %ge3A_2457 : i32 to vector<16xi32>
      %ge3A_2459 = arith.cmpi sge, %get3A_2250, %ge3A_2458 : vector<16xi32>
      %select_n3A_2460 = arith.select %ge3A_2459, %sub3A_2456, %broadcast_in_dim3A_6 : vector<16xi1>, vector<16xf32>
      %mul3A_2461 = arith.mulf %mul3A_2444, %select_n3A_2460 : vector<16xf32>
      %eq3A_2462 = arith.constant 88 : i32
      %eq3A_2463 = vector.broadcast %eq3A_2462 : i32 to vector<16xi32>
      %eq3A_2464 = arith.cmpi eq, %get3A_2250, %eq3A_2463 : vector<16xi32>
      %select_n3A_2465 = arith.select %eq3A_2464, %gather3A_2453, %select_n3A_2448 : vector<16xi1>, vector<16xf32>
      %select_n3A_2466 = arith.select %eq3A_2464, %sub3A_2456, %select_n3A_2449 : vector<16xi1>, vector<16xf32>
      %add3A_2467 = arith.constant 3296 : i32
      %add3A_2468 = vector.broadcast %add3A_2467 : i32 to vector<16xi32>
      %add3A_2469 = arith.addi %mul3A_5, %add3A_2468 : vector<16xi32>
      %gather3A_2470 = tpu.vector_load_idx %arg7[%add3A_2469] : memref<6400xf32, #tpu.memory_space<vmem>>[vector<16xi32>], vector<16xf32>,
      %sub3A_2471 = arith.constant 1.000000e+00 : f32
      %sub3A_2472 = vector.broadcast %sub3A_2471 : f32 to vector<16xf32>
      %sub3A_2473 = arith.subf %sub3A_2472, %gather3A_2470 : vector<16xf32>
      %ge3A_2474 = arith.constant 96 : i32
      %ge3A_2475 = vector.broadcast %ge3A_2474 : i32 to vector<16xi32>
      %ge3A_2476 = arith.cmpi sge, %get3A_2250, %ge3A_2475 : vector<16xi32>
      %select_n3A_2477 = arith.select %ge3A_2476, %sub3A_2473, %broadcast_in_dim3A_6 : vector<16xi1>, vector<16xf32>
      %mul3A_2478 = arith.mulf %mul3A_2461, %select_n3A_2477 : vector<16xf32>
      %eq3A_2479 = arith.constant 96 : i32
      %eq3A_2480 = vector.broadcast %eq3A_2479 : i32 to vector<16xi32>
      %eq3A_2481 = arith.cmpi eq, %get3A_2250, %eq3A_2480 : vector<16xi32>
      %select_n3A_2482 = arith.select %eq3A_2481, %gather3A_2470, %select_n3A_2465 : vector<16xi1>, vector<16xf32>
      %select_n3A_2483 = arith.select %eq3A_2481, %sub3A_2473, %select_n3A_2466 : vector<16xi1>, vector<16xf32>
      %add3A_2484 = arith.constant 3304 : i32
      %add3A_2485 = vector.broadcast %add3A_2484 : i32 to vector<16xi32>
      %add3A_2486 = arith.addi %mul3A_5, %add3A_2485 : vector<16xi32>
      %gather3A_2487 = tpu.vector_load_idx %arg7[%add3A_2486] : memref<6400xf32, #tpu.memory_space<vmem>>[vector<16xi32>], vector<16xf32>,
      %sub3A_2488 = arith.constant 1.000000e+00 : f32
      %sub3A_2489 = vector.broadcast %sub3A_2488 : f32 to vector<16xf32>
      %sub3A_2490 = arith.subf %sub3A_2489, %gather3A_2487 : vector<16xf32>
      %ge3A_2491 = arith.constant 104 : i32
      %ge3A_2492 = vector.broadcast %ge3A_2491 : i32 to vector<16xi32>
      %ge3A_2493 = arith.cmpi sge, %get3A_2250, %ge3A_2492 : vector<16xi32>
      %select_n3A_2494 = arith.select %ge3A_2493, %sub3A_2490, %broadcast_in_dim3A_6 : vector<16xi1>, vector<16xf32>
      %mul3A_2495 = arith.mulf %mul3A_2478, %select_n3A_2494 : vector<16xf32>
      %eq3A_2496 = arith.constant 104 : i32
      %eq3A_2497 = vector.broadcast %eq3A_2496 : i32 to vector<16xi32>
      %eq3A_2498 = arith.cmpi eq, %get3A_2250, %eq3A_2497 : vector<16xi32>
      %select_n3A_2499 = arith.select %eq3A_2498, %gather3A_2487, %select_n3A_2482 : vector<16xi1>, vector<16xf32>
      %select_n3A_2500 = arith.select %eq3A_2498, %sub3A_2490, %select_n3A_2483 : vector<16xi1>, vector<16xf32>
      %add3A_2501 = arith.constant 3312 : i32
      %add3A_2502 = vector.broadcast %add3A_2501 : i32 to vector<16xi32>
      %add3A_2503 = arith.addi %mul3A_5, %add3A_2502 : vector<16xi32>
      %gather3A_2504 = tpu.vector_load_idx %arg7[%add3A_2503] : memref<6400xf32, #tpu.memory_space<vmem>>[vector<16xi32>], vector<16xf32>,
      %sub3A_2505 = arith.constant 1.000000e+00 : f32
      %sub3A_2506 = vector.broadcast %sub3A_2505 : f32 to vector<16xf32>
      %sub3A_2507 = arith.subf %sub3A_2506, %gather3A_2504 : vector<16xf32>
      %ge3A_2508 = arith.constant 112 : i32
      %ge3A_2509 = vector.broadcast %ge3A_2508 : i32 to vector<16xi32>
      %ge3A_2510 = arith.cmpi sge, %get3A_2250, %ge3A_2509 : vector<16xi32>
      %select_n3A_2511 = arith.select %ge3A_2510, %sub3A_2507, %broadcast_in_dim3A_6 : vector<16xi1>, vector<16xf32>
      %mul3A_2512 = arith.mulf %mul3A_2495, %select_n3A_2511 : vector<16xf32>
      %eq3A_2513 = arith.constant 112 : i32
      %eq3A_2514 = vector.broadcast %eq3A_2513 : i32 to vector<16xi32>
      %eq3A_2515 = arith.cmpi eq, %get3A_2250, %eq3A_2514 : vector<16xi32>
      %select_n3A_2516 = arith.select %eq3A_2515, %gather3A_2504, %select_n3A_2499 : vector<16xi1>, vector<16xf32>
      %select_n3A_2517 = arith.select %eq3A_2515, %sub3A_2507, %select_n3A_2500 : vector<16xi1>, vector<16xf32>
      %add3A_2518 = arith.constant 3320 : i32
      %add3A_2519 = vector.broadcast %add3A_2518 : i32 to vector<16xi32>
      %add3A_2520 = arith.addi %mul3A_5, %add3A_2519 : vector<16xi32>
      %gather3A_2521 = tpu.vector_load_idx %arg7[%add3A_2520] : memref<6400xf32, #tpu.memory_space<vmem>>[vector<16xi32>], vector<16xf32>,
      %sub3A_2522 = arith.constant 1.000000e+00 : f32
      %sub3A_2523 = vector.broadcast %sub3A_2522 : f32 to vector<16xf32>
      %sub3A_2524 = arith.subf %sub3A_2523, %gather3A_2521 : vector<16xf32>
      %ge3A_2525 = arith.constant 120 : i32
      %ge3A_2526 = vector.broadcast %ge3A_2525 : i32 to vector<16xi32>
      %ge3A_2527 = arith.cmpi sge, %get3A_2250, %ge3A_2526 : vector<16xi32>
      %select_n3A_2528 = arith.select %ge3A_2527, %sub3A_2524, %broadcast_in_dim3A_6 : vector<16xi1>, vector<16xf32>
      %mul3A_2529 = arith.mulf %mul3A_2512, %select_n3A_2528 : vector<16xf32>
      %eq3A_2530 = arith.constant 120 : i32
      %eq3A_2531 = vector.broadcast %eq3A_2530 : i32 to vector<16xi32>
      %eq3A_2532 = arith.cmpi eq, %get3A_2250, %eq3A_2531 : vector<16xi32>
      %select_n3A_2533 = arith.select %eq3A_2532, %gather3A_2521, %select_n3A_2516 : vector<16xi1>, vector<16xf32>
      %select_n3A_2534 = arith.select %eq3A_2532, %sub3A_2524, %select_n3A_2517 : vector<16xi1>, vector<16xf32>
      %add3A_2535 = arith.constant 3328 : i32
      %add3A_2536 = vector.broadcast %add3A_2535 : i32 to vector<16xi32>
      %add3A_2537 = arith.addi %mul3A_5, %add3A_2536 : vector<16xi32>
      %gather3A_2538 = tpu.vector_load_idx %arg7[%add3A_2537] : memref<6400xf32, #tpu.memory_space<vmem>>[vector<16xi32>], vector<16xf32>,
      %sub3A_2539 = arith.constant 1.000000e+00 : f32
      %sub3A_2540 = vector.broadcast %sub3A_2539 : f32 to vector<16xf32>
      %sub3A_2541 = arith.subf %sub3A_2540, %gather3A_2538 : vector<16xf32>
      %ge3A_2542 = arith.constant 128 : i32
      %ge3A_2543 = vector.broadcast %ge3A_2542 : i32 to vector<16xi32>
      %ge3A_2544 = arith.cmpi sge, %get3A_2250, %ge3A_2543 : vector<16xi32>
      %select_n3A_2545 = arith.select %ge3A_2544, %sub3A_2541, %broadcast_in_dim3A_6 : vector<16xi1>, vector<16xf32>
      %mul3A_2546 = arith.mulf %mul3A_2529, %select_n3A_2545 : vector<16xf32>
      %eq3A_2547 = arith.constant 128 : i32
      %eq3A_2548 = vector.broadcast %eq3A_2547 : i32 to vector<16xi32>
      %eq3A_2549 = arith.cmpi eq, %get3A_2250, %eq3A_2548 : vector<16xi32>
      %select_n3A_2550 = arith.select %eq3A_2549, %gather3A_2538, %select_n3A_2533 : vector<16xi1>, vector<16xf32>
      %select_n3A_2551 = arith.select %eq3A_2549, %sub3A_2541, %select_n3A_2534 : vector<16xi1>, vector<16xf32>
      %add3A_2552 = arith.constant 3336 : i32
      %add3A_2553 = vector.broadcast %add3A_2552 : i32 to vector<16xi32>
      %add3A_2554 = arith.addi %mul3A_5, %add3A_2553 : vector<16xi32>
      %gather3A_2555 = tpu.vector_load_idx %arg7[%add3A_2554] : memref<6400xf32, #tpu.memory_space<vmem>>[vector<16xi32>], vector<16xf32>,
      %sub3A_2556 = arith.constant 1.000000e+00 : f32
      %sub3A_2557 = vector.broadcast %sub3A_2556 : f32 to vector<16xf32>
      %sub3A_2558 = arith.subf %sub3A_2557, %gather3A_2555 : vector<16xf32>
      %ge3A_2559 = arith.constant 136 : i32
      %ge3A_2560 = vector.broadcast %ge3A_2559 : i32 to vector<16xi32>
      %ge3A_2561 = arith.cmpi sge, %get3A_2250, %ge3A_2560 : vector<16xi32>
      %select_n3A_2562 = arith.select %ge3A_2561, %sub3A_2558, %broadcast_in_dim3A_6 : vector<16xi1>, vector<16xf32>
      %mul3A_2563 = arith.mulf %mul3A_2546, %select_n3A_2562 : vector<16xf32>
      %eq3A_2564 = arith.constant 136 : i32
      %eq3A_2565 = vector.broadcast %eq3A_2564 : i32 to vector<16xi32>
      %eq3A_2566 = arith.cmpi eq, %get3A_2250, %eq3A_2565 : vector<16xi32>
      %select_n3A_2567 = arith.select %eq3A_2566, %gather3A_2555, %select_n3A_2550 : vector<16xi1>, vector<16xf32>
      %select_n3A_2568 = arith.select %eq3A_2566, %sub3A_2558, %select_n3A_2551 : vector<16xi1>, vector<16xf32>
      %add3A_2569 = arith.constant 3344 : i32
      %add3A_2570 = vector.broadcast %add3A_2569 : i32 to vector<16xi32>
      %add3A_2571 = arith.addi %mul3A_5, %add3A_2570 : vector<16xi32>
      %gather3A_2572 = tpu.vector_load_idx %arg7[%add3A_2571] : memref<6400xf32, #tpu.memory_space<vmem>>[vector<16xi32>], vector<16xf32>,
      %sub3A_2573 = arith.constant 1.000000e+00 : f32
      %sub3A_2574 = vector.broadcast %sub3A_2573 : f32 to vector<16xf32>
      %sub3A_2575 = arith.subf %sub3A_2574, %gather3A_2572 : vector<16xf32>
      %ge3A_2576 = arith.constant 144 : i32
      %ge3A_2577 = vector.broadcast %ge3A_2576 : i32 to vector<16xi32>
      %ge3A_2578 = arith.cmpi sge, %get3A_2250, %ge3A_2577 : vector<16xi32>
      %select_n3A_2579 = arith.select %ge3A_2578, %sub3A_2575, %broadcast_in_dim3A_6 : vector<16xi1>, vector<16xf32>
      %mul3A_2580 = arith.mulf %mul3A_2563, %select_n3A_2579 : vector<16xf32>
      %eq3A_2581 = arith.constant 144 : i32
      %eq3A_2582 = vector.broadcast %eq3A_2581 : i32 to vector<16xi32>
      %eq3A_2583 = arith.cmpi eq, %get3A_2250, %eq3A_2582 : vector<16xi32>
      %select_n3A_2584 = arith.select %eq3A_2583, %gather3A_2572, %select_n3A_2567 : vector<16xi1>, vector<16xf32>
      %select_n3A_2585 = arith.select %eq3A_2583, %sub3A_2575, %select_n3A_2568 : vector<16xi1>, vector<16xf32>
      %add3A_2586 = arith.constant 3352 : i32
      %add3A_2587 = vector.broadcast %add3A_2586 : i32 to vector<16xi32>
      %add3A_2588 = arith.addi %mul3A_5, %add3A_2587 : vector<16xi32>
      %gather3A_2589 = tpu.vector_load_idx %arg7[%add3A_2588] : memref<6400xf32, #tpu.memory_space<vmem>>[vector<16xi32>], vector<16xf32>,
      %sub3A_2590 = arith.constant 1.000000e+00 : f32
      %sub3A_2591 = vector.broadcast %sub3A_2590 : f32 to vector<16xf32>
      %sub3A_2592 = arith.subf %sub3A_2591, %gather3A_2589 : vector<16xf32>
      %ge3A_2593 = arith.constant 152 : i32
      %ge3A_2594 = vector.broadcast %ge3A_2593 : i32 to vector<16xi32>
      %ge3A_2595 = arith.cmpi sge, %get3A_2250, %ge3A_2594 : vector<16xi32>
      %select_n3A_2596 = arith.select %ge3A_2595, %sub3A_2592, %broadcast_in_dim3A_6 : vector<16xi1>, vector<16xf32>
      %mul3A_2597 = arith.mulf %mul3A_2580, %select_n3A_2596 : vector<16xf32>
      %eq3A_2598 = arith.constant 152 : i32
      %eq3A_2599 = vector.broadcast %eq3A_2598 : i32 to vector<16xi32>
      %eq3A_2600 = arith.cmpi eq, %get3A_2250, %eq3A_2599 : vector<16xi32>
      %select_n3A_2601 = arith.select %eq3A_2600, %gather3A_2589, %select_n3A_2584 : vector<16xi1>, vector<16xf32>
      %select_n3A_2602 = arith.select %eq3A_2600, %sub3A_2592, %select_n3A_2585 : vector<16xi1>, vector<16xf32>
      %add3A_2603 = arith.constant 3360 : i32
      %add3A_2604 = vector.broadcast %add3A_2603 : i32 to vector<16xi32>
      %add3A_2605 = arith.addi %mul3A_5, %add3A_2604 : vector<16xi32>
      %gather3A_2606 = tpu.vector_load_idx %arg7[%add3A_2605] : memref<6400xf32, #tpu.memory_space<vmem>>[vector<16xi32>], vector<16xf32>,
      %sub3A_2607 = arith.constant 1.000000e+00 : f32
      %sub3A_2608 = vector.broadcast %sub3A_2607 : f32 to vector<16xf32>
      %sub3A_2609 = arith.subf %sub3A_2608, %gather3A_2606 : vector<16xf32>
      %ge3A_2610 = arith.constant 160 : i32
      %ge3A_2611 = vector.broadcast %ge3A_2610 : i32 to vector<16xi32>
      %ge3A_2612 = arith.cmpi sge, %get3A_2250, %ge3A_2611 : vector<16xi32>
      %select_n3A_2613 = arith.select %ge3A_2612, %sub3A_2609, %broadcast_in_dim3A_6 : vector<16xi1>, vector<16xf32>
      %mul3A_2614 = arith.mulf %mul3A_2597, %select_n3A_2613 : vector<16xf32>
      %eq3A_2615 = arith.constant 160 : i32
      %eq3A_2616 = vector.broadcast %eq3A_2615 : i32 to vector<16xi32>
      %eq3A_2617 = arith.cmpi eq, %get3A_2250, %eq3A_2616 : vector<16xi32>
      %select_n3A_2618 = arith.select %eq3A_2617, %gather3A_2606, %select_n3A_2601 : vector<16xi1>, vector<16xf32>
      %select_n3A_2619 = arith.select %eq3A_2617, %sub3A_2609, %select_n3A_2602 : vector<16xi1>, vector<16xf32>
      %add3A_2620 = arith.constant 3368 : i32
      %add3A_2621 = vector.broadcast %add3A_2620 : i32 to vector<16xi32>
      %add3A_2622 = arith.addi %mul3A_5, %add3A_2621 : vector<16xi32>
      %gather3A_2623 = tpu.vector_load_idx %arg7[%add3A_2622] : memref<6400xf32, #tpu.memory_space<vmem>>[vector<16xi32>], vector<16xf32>,
      %sub3A_2624 = arith.constant 1.000000e+00 : f32
      %sub3A_2625 = vector.broadcast %sub3A_2624 : f32 to vector<16xf32>
      %sub3A_2626 = arith.subf %sub3A_2625, %gather3A_2623 : vector<16xf32>
      %ge3A_2627 = arith.constant 168 : i32
      %ge3A_2628 = vector.broadcast %ge3A_2627 : i32 to vector<16xi32>
      %ge3A_2629 = arith.cmpi sge, %get3A_2250, %ge3A_2628 : vector<16xi32>
      %select_n3A_2630 = arith.select %ge3A_2629, %sub3A_2626, %broadcast_in_dim3A_6 : vector<16xi1>, vector<16xf32>
      %mul3A_2631 = arith.mulf %mul3A_2614, %select_n3A_2630 : vector<16xf32>
      %eq3A_2632 = arith.constant 168 : i32
      %eq3A_2633 = vector.broadcast %eq3A_2632 : i32 to vector<16xi32>
      %eq3A_2634 = arith.cmpi eq, %get3A_2250, %eq3A_2633 : vector<16xi32>
      %select_n3A_2635 = arith.select %eq3A_2634, %gather3A_2623, %select_n3A_2618 : vector<16xi1>, vector<16xf32>
      %select_n3A_2636 = arith.select %eq3A_2634, %sub3A_2626, %select_n3A_2619 : vector<16xi1>, vector<16xf32>
      %add3A_2637 = arith.constant 3376 : i32
      %add3A_2638 = vector.broadcast %add3A_2637 : i32 to vector<16xi32>
      %add3A_2639 = arith.addi %mul3A_5, %add3A_2638 : vector<16xi32>
      %gather3A_2640 = tpu.vector_load_idx %arg7[%add3A_2639] : memref<6400xf32, #tpu.memory_space<vmem>>[vector<16xi32>], vector<16xf32>,
      %sub3A_2641 = arith.constant 1.000000e+00 : f32
      %sub3A_2642 = vector.broadcast %sub3A_2641 : f32 to vector<16xf32>
      %sub3A_2643 = arith.subf %sub3A_2642, %gather3A_2640 : vector<16xf32>
      %ge3A_2644 = arith.constant 176 : i32
      %ge3A_2645 = vector.broadcast %ge3A_2644 : i32 to vector<16xi32>
      %ge3A_2646 = arith.cmpi sge, %get3A_2250, %ge3A_2645 : vector<16xi32>
      %select_n3A_2647 = arith.select %ge3A_2646, %sub3A_2643, %broadcast_in_dim3A_6 : vector<16xi1>, vector<16xf32>
      %mul3A_2648 = arith.mulf %mul3A_2631, %select_n3A_2647 : vector<16xf32>
      %eq3A_2649 = arith.constant 176 : i32
      %eq3A_2650 = vector.broadcast %eq3A_2649 : i32 to vector<16xi32>
      %eq3A_2651 = arith.cmpi eq, %get3A_2250, %eq3A_2650 : vector<16xi32>
      %select_n3A_2652 = arith.select %eq3A_2651, %gather3A_2640, %select_n3A_2635 : vector<16xi1>, vector<16xf32>
      %select_n3A_2653 = arith.select %eq3A_2651, %sub3A_2643, %select_n3A_2636 : vector<16xi1>, vector<16xf32>
      %add3A_2654 = arith.constant 3384 : i32
      %add3A_2655 = vector.broadcast %add3A_2654 : i32 to vector<16xi32>
      %add3A_2656 = arith.addi %mul3A_5, %add3A_2655 : vector<16xi32>
      %gather3A_2657 = tpu.vector_load_idx %arg7[%add3A_2656] : memref<6400xf32, #tpu.memory_space<vmem>>[vector<16xi32>], vector<16xf32>,
      %sub3A_2658 = arith.constant 1.000000e+00 : f32
      %sub3A_2659 = vector.broadcast %sub3A_2658 : f32 to vector<16xf32>
      %sub3A_2660 = arith.subf %sub3A_2659, %gather3A_2657 : vector<16xf32>
      %ge3A_2661 = arith.constant 184 : i32
      %ge3A_2662 = vector.broadcast %ge3A_2661 : i32 to vector<16xi32>
      %ge3A_2663 = arith.cmpi sge, %get3A_2250, %ge3A_2662 : vector<16xi32>
      %select_n3A_2664 = arith.select %ge3A_2663, %sub3A_2660, %broadcast_in_dim3A_6 : vector<16xi1>, vector<16xf32>
      %mul3A_2665 = arith.mulf %mul3A_2648, %select_n3A_2664 : vector<16xf32>
      %eq3A_2666 = arith.constant 184 : i32
      %eq3A_2667 = vector.broadcast %eq3A_2666 : i32 to vector<16xi32>
      %eq3A_2668 = arith.cmpi eq, %get3A_2250, %eq3A_2667 : vector<16xi32>
      %select_n3A_2669 = arith.select %eq3A_2668, %gather3A_2657, %select_n3A_2652 : vector<16xi1>, vector<16xf32>
      %select_n3A_2670 = arith.select %eq3A_2668, %sub3A_2660, %select_n3A_2653 : vector<16xi1>, vector<16xf32>
      %add3A_2671 = arith.constant 3392 : i32
      %add3A_2672 = vector.broadcast %add3A_2671 : i32 to vector<16xi32>
      %add3A_2673 = arith.addi %mul3A_5, %add3A_2672 : vector<16xi32>
      %gather3A_2674 = tpu.vector_load_idx %arg7[%add3A_2673] : memref<6400xf32, #tpu.memory_space<vmem>>[vector<16xi32>], vector<16xf32>,
      %sub3A_2675 = arith.constant 1.000000e+00 : f32
      %sub3A_2676 = vector.broadcast %sub3A_2675 : f32 to vector<16xf32>
      %sub3A_2677 = arith.subf %sub3A_2676, %gather3A_2674 : vector<16xf32>
      %ge3A_2678 = arith.constant 192 : i32
      %ge3A_2679 = vector.broadcast %ge3A_2678 : i32 to vector<16xi32>
      %ge3A_2680 = arith.cmpi sge, %get3A_2250, %ge3A_2679 : vector<16xi32>
      %select_n3A_2681 = arith.select %ge3A_2680, %sub3A_2677, %broadcast_in_dim3A_6 : vector<16xi1>, vector<16xf32>
      %mul3A_2682 = arith.mulf %mul3A_2665, %select_n3A_2681 : vector<16xf32>
      %eq3A_2683 = arith.constant 192 : i32
      %eq3A_2684 = vector.broadcast %eq3A_2683 : i32 to vector<16xi32>
      %eq3A_2685 = arith.cmpi eq, %get3A_2250, %eq3A_2684 : vector<16xi32>
      %select_n3A_2686 = arith.select %eq3A_2685, %gather3A_2674, %select_n3A_2669 : vector<16xi1>, vector<16xf32>
      %select_n3A_2687 = arith.select %eq3A_2685, %sub3A_2677, %select_n3A_2670 : vector<16xi1>, vector<16xf32>
      %bitcast_convert_type3A_2688 = tpu.bitcast %mul3A_2682 : vector<16xf32> -> vector<16xi32>
      %shift_right_arithmetic3A_2689 = arith.constant 23 : i32
      %shift_right_arithmetic3A_2690 = vector.broadcast %shift_right_arithmetic3A_2689 : i32 to vector<16xi32>
      %shift_right_arithmetic3A_2691 = arith.shrsi %bitcast_convert_type3A_2688, %shift_right_arithmetic3A_2690 : vector<16xi32>
      %sub3A_2692 = arith.constant 127 : i32
      %sub3A_2693 = vector.broadcast %sub3A_2692 : i32 to vector<16xi32>
      %sub3A_2694 = arith.subi %shift_right_arithmetic3A_2691, %sub3A_2693 : vector<16xi32>
      %add3A_2695 = arith.addi %broadcast_in_dim3A_2262, %sub3A_2694 : vector<16xi32>
      %and3A_2696 = arith.constant 8388607 : i32
      %and3A_2697 = vector.broadcast %and3A_2696 : i32 to vector<16xi32>
      %and3A_2698 = arith.andi %bitcast_convert_type3A_2688, %and3A_2697 : vector<16xi32>
      %or3A_2699 = arith.constant 1065353216 : i32
      %or3A_2700 = vector.broadcast %or3A_2699 : i32 to vector<16xi32>
      %or3A_2701 = arith.ori %and3A_2698, %or3A_2700 : vector<16xi32>
      %bitcast_convert_type3A_2702 = tpu.bitcast %or3A_2701 : vector<16xi32> -> vector<16xf32>
      %bitcast_convert_type3A_2703 = tpu.bitcast %broadcast_in_dim3A_6 : vector<16xf32> -> vector<16xi32>
      %shift_right_arithmetic3A_2704 = arith.constant 23 : i32
      %shift_right_arithmetic3A_2705 = vector.broadcast %shift_right_arithmetic3A_2704 : i32 to vector<16xi32>
      %shift_right_arithmetic3A_2706 = arith.shrsi %bitcast_convert_type3A_2703, %shift_right_arithmetic3A_2705 : vector<16xi32>
      %sub3A_2707 = arith.constant 127 : i32
      %sub3A_2708 = vector.broadcast %sub3A_2707 : i32 to vector<16xi32>
      %sub3A_2709 = arith.subi %shift_right_arithmetic3A_2706, %sub3A_2708 : vector<16xi32>
      %add3A_2710 = arith.addi %add3A_2695, %sub3A_2709 : vector<16xi32>
      %and3A_2711 = arith.constant 8388607 : i32
      %and3A_2712 = vector.broadcast %and3A_2711 : i32 to vector<16xi32>
      %and3A_2713 = arith.andi %bitcast_convert_type3A_2703, %and3A_2712 : vector<16xi32>
      %or3A_2714 = arith.constant 1065353216 : i32
      %or3A_2715 = vector.broadcast %or3A_2714 : i32 to vector<16xi32>
      %or3A_2716 = arith.ori %and3A_2713, %or3A_2715 : vector<16xi32>
      %bitcast_convert_type3A_2717 = tpu.bitcast %or3A_2716 : vector<16xi32> -> vector<16xf32>
      %convert_element_type3A_2718 = arith.sitofp %add3A_2710 : vector<16xi32> to vector<16xf32>
      %mul3A_2719 = arith.constant 0.693147182 : f32
      %mul3A_2720 = vector.broadcast %mul3A_2719 : f32 to vector<16xf32>
      %mul3A_2721 = arith.mulf %mul3A_2720, %convert_element_type3A_2718 : vector<16xf32>
      %mul3A_2722 = arith.mulf %bitcast_convert_type3A_2702, %bitcast_convert_type3A_2717 : vector<16xf32>
      %bitcast_convert_type3A_2723 = tpu.bitcast %mul3A_2722 : vector<16xf32> -> vector<16xi32>
      %shift_right_arithmetic3A_2724 = arith.constant 23 : i32
      %shift_right_arithmetic3A_2725 = vector.broadcast %shift_right_arithmetic3A_2724 : i32 to vector<16xi32>
      %shift_right_arithmetic3A_2726 = arith.shrsi %bitcast_convert_type3A_2723, %shift_right_arithmetic3A_2725 : vector<16xi32>
      %sub3A_2727 = arith.constant 127 : i32
      %sub3A_2728 = vector.broadcast %sub3A_2727 : i32 to vector<16xi32>
      %sub3A_2729 = arith.subi %shift_right_arithmetic3A_2726, %sub3A_2728 : vector<16xi32>
      %and3A_2730 = arith.constant 8388607 : i32
      %and3A_2731 = vector.broadcast %and3A_2730 : i32 to vector<16xi32>
      %and3A_2732 = arith.andi %bitcast_convert_type3A_2723, %and3A_2731 : vector<16xi32>
      %or3A_2733 = arith.constant 1065353216 : i32
      %or3A_2734 = vector.broadcast %or3A_2733 : i32 to vector<16xi32>
      %or3A_2735 = arith.ori %and3A_2732, %or3A_2734 : vector<16xi32>
      %bitcast_convert_type3A_2736 = tpu.bitcast %or3A_2735 : vector<16xi32> -> vector<16xf32>
      %gt3A_2737 = arith.constant 1.41421354 : f32
      %gt3A_2738 = vector.broadcast %gt3A_2737 : f32 to vector<16xf32>
      %gt3A_2739 = arith.cmpf ogt, %bitcast_convert_type3A_2736, %gt3A_2738 : vector<16xf32>
      %mul3A_2740 = arith.constant 5.000000e-01 : f32
      %mul3A_2741 = vector.broadcast %mul3A_2740 : f32 to vector<16xf32>
      %mul3A_2742 = arith.mulf %mul3A_2741, %bitcast_convert_type3A_2736 : vector<16xf32>
      %select_n3A_2743 = arith.select %gt3A_2739, %mul3A_2742, %bitcast_convert_type3A_2736 : vector<16xi1>, vector<16xf32>
      %jit3A_2744 = arith.constant 1 : i32
      %jit3A_2745 = arith.constant 0 : i32
      %broadcast_in_dim3A_2746 = vector.broadcast %jit3A_2744 : i32 to vector<16xi32>
      %broadcast_in_dim3A_2747 = vector.broadcast %jit3A_2745 : i32 to vector<16xi32>
      %select_n3A_2748 = arith.select %gt3A_2739, %broadcast_in_dim3A_2746, %broadcast_in_dim3A_2747 : vector<16xi1>, vector<16xi32>
      %add3A_2749 = arith.addi %sub3A_2729, %select_n3A_2748 : vector<16xi32>
      %convert_element_type3A_2750 = arith.sitofp %add3A_2749 : vector<16xi32> to vector<16xf32>
      %sub3A_2751 = arith.constant 1.000000e+00 : f32
      %sub3A_2752 = vector.broadcast %sub3A_2751 : f32 to vector<16xf32>
      %sub3A_2753 = arith.subf %select_n3A_2743, %sub3A_2752 : vector<16xf32>
      %add3A_2754 = arith.constant 1.000000e+00 : f32
      %add3A_2755 = vector.broadcast %add3A_2754 : f32 to vector<16xf32>
      %add3A_2756 = arith.addf %select_n3A_2743, %add3A_2755 : vector<16xf32>
      %div3A_2757 = arith.divf %sub3A_2753, %add3A_2756 : vector<16xf32>
      %mul3A_2758 = arith.mulf %div3A_2757, %div3A_2757 : vector<16xf32>
      %mul3A_2759 = arith.constant 2.000000e+00 : f32
      %mul3A_2760 = vector.broadcast %mul3A_2759 : f32 to vector<16xf32>
      %mul3A_2761 = arith.mulf %mul3A_2760, %div3A_2757 : vector<16xf32>
      %mul3A_2762 = arith.constant 0.142857149 : f32
      %mul3A_2763 = vector.broadcast %mul3A_2762 : f32 to vector<16xf32>
      %mul3A_2764 = arith.mulf %mul3A_2758, %mul3A_2763 : vector<16xf32>
      %add3A_2765 = arith.constant 2.000000e-01 : f32
      %add3A_2766 = vector.broadcast %add3A_2765 : f32 to vector<16xf32>
      %add3A_2767 = arith.addf %add3A_2766, %mul3A_2764 : vector<16xf32>
      %mul3A_2768 = arith.mulf %mul3A_2758, %add3A_2767 : vector<16xf32>
      %add3A_2769 = arith.constant 0.333333343 : f32
      %add3A_2770 = vector.broadcast %add3A_2769 : f32 to vector<16xf32>
      %add3A_2771 = arith.addf %add3A_2770, %mul3A_2768 : vector<16xf32>
      %mul3A_2772 = arith.mulf %mul3A_2758, %add3A_2771 : vector<16xf32>
      %add3A_2773 = arith.constant 1.000000e+00 : f32
      %add3A_2774 = vector.broadcast %add3A_2773 : f32 to vector<16xf32>
      %add3A_2775 = arith.addf %add3A_2774, %mul3A_2772 : vector<16xf32>
      %mul3A_2776 = arith.mulf %mul3A_2761, %add3A_2775 : vector<16xf32>
      %mul3A_2777 = arith.constant 0.693147182 : f32
      %mul3A_2778 = vector.broadcast %mul3A_2777 : f32 to vector<16xf32>
      %mul3A_2779 = arith.mulf %mul3A_2778, %convert_element_type3A_2750 : vector<16xf32>
      %add3A_2780 = arith.addf %mul3A_2779, %mul3A_2776 : vector<16xf32>
      %add3A_2781 = arith.addf %mul3A_2721, %add3A_2780 : vector<16xf32>
      %bitcast_convert_type3A_2782 = tpu.bitcast %select_n3A_2686 : vector<16xf32> -> vector<16xi32>
      %shift_right_arithmetic3A_2783 = arith.constant 23 : i32
      %shift_right_arithmetic3A_2784 = vector.broadcast %shift_right_arithmetic3A_2783 : i32 to vector<16xi32>
      %shift_right_arithmetic3A_2785 = arith.shrsi %bitcast_convert_type3A_2782, %shift_right_arithmetic3A_2784 : vector<16xi32>
      %sub3A_2786 = arith.constant 127 : i32
      %sub3A_2787 = vector.broadcast %sub3A_2786 : i32 to vector<16xi32>
      %sub3A_2788 = arith.subi %shift_right_arithmetic3A_2785, %sub3A_2787 : vector<16xi32>
      %and3A_2789 = arith.constant 8388607 : i32
      %and3A_2790 = vector.broadcast %and3A_2789 : i32 to vector<16xi32>
      %and3A_2791 = arith.andi %bitcast_convert_type3A_2782, %and3A_2790 : vector<16xi32>
      %or3A_2792 = arith.constant 1065353216 : i32
      %or3A_2793 = vector.broadcast %or3A_2792 : i32 to vector<16xi32>
      %or3A_2794 = arith.ori %and3A_2791, %or3A_2793 : vector<16xi32>
      %bitcast_convert_type3A_2795 = tpu.bitcast %or3A_2794 : vector<16xi32> -> vector<16xf32>
      %gt3A_2796 = arith.constant 1.41421354 : f32
      %gt3A_2797 = vector.broadcast %gt3A_2796 : f32 to vector<16xf32>
      %gt3A_2798 = arith.cmpf ogt, %bitcast_convert_type3A_2795, %gt3A_2797 : vector<16xf32>
      %mul3A_2799 = arith.constant 5.000000e-01 : f32
      %mul3A_2800 = vector.broadcast %mul3A_2799 : f32 to vector<16xf32>
      %mul3A_2801 = arith.mulf %mul3A_2800, %bitcast_convert_type3A_2795 : vector<16xf32>
      %select_n3A_2802 = arith.select %gt3A_2798, %mul3A_2801, %bitcast_convert_type3A_2795 : vector<16xi1>, vector<16xf32>
      %jit3A_2803 = arith.constant 1 : i32
      %jit3A_2804 = arith.constant 0 : i32
      %broadcast_in_dim3A_2805 = vector.broadcast %jit3A_2803 : i32 to vector<16xi32>
      %broadcast_in_dim3A_2806 = vector.broadcast %jit3A_2804 : i32 to vector<16xi32>
      %select_n3A_2807 = arith.select %gt3A_2798, %broadcast_in_dim3A_2805, %broadcast_in_dim3A_2806 : vector<16xi1>, vector<16xi32>
      %add3A_2808 = arith.addi %sub3A_2788, %select_n3A_2807 : vector<16xi32>
      %convert_element_type3A_2809 = arith.sitofp %add3A_2808 : vector<16xi32> to vector<16xf32>
      %sub3A_2810 = arith.constant 1.000000e+00 : f32
      %sub3A_2811 = vector.broadcast %sub3A_2810 : f32 to vector<16xf32>
      %sub3A_2812 = arith.subf %select_n3A_2802, %sub3A_2811 : vector<16xf32>
      %add3A_2813 = arith.constant 1.000000e+00 : f32
      %add3A_2814 = vector.broadcast %add3A_2813 : f32 to vector<16xf32>
      %add3A_2815 = arith.addf %select_n3A_2802, %add3A_2814 : vector<16xf32>
      %div3A_2816 = arith.divf %sub3A_2812, %add3A_2815 : vector<16xf32>
      %mul3A_2817 = arith.mulf %div3A_2816, %div3A_2816 : vector<16xf32>
      %mul3A_2818 = arith.constant 2.000000e+00 : f32
      %mul3A_2819 = vector.broadcast %mul3A_2818 : f32 to vector<16xf32>
      %mul3A_2820 = arith.mulf %mul3A_2819, %div3A_2816 : vector<16xf32>
      %mul3A_2821 = arith.constant 0.142857149 : f32
      %mul3A_2822 = vector.broadcast %mul3A_2821 : f32 to vector<16xf32>
      %mul3A_2823 = arith.mulf %mul3A_2817, %mul3A_2822 : vector<16xf32>
      %add3A_2824 = arith.constant 2.000000e-01 : f32
      %add3A_2825 = vector.broadcast %add3A_2824 : f32 to vector<16xf32>
      %add3A_2826 = arith.addf %add3A_2825, %mul3A_2823 : vector<16xf32>
      %mul3A_2827 = arith.mulf %mul3A_2817, %add3A_2826 : vector<16xf32>
      %add3A_2828 = arith.constant 0.333333343 : f32
      %add3A_2829 = vector.broadcast %add3A_2828 : f32 to vector<16xf32>
      %add3A_2830 = arith.addf %add3A_2829, %mul3A_2827 : vector<16xf32>
      %mul3A_2831 = arith.mulf %mul3A_2817, %add3A_2830 : vector<16xf32>
      %add3A_2832 = arith.constant 1.000000e+00 : f32
      %add3A_2833 = vector.broadcast %add3A_2832 : f32 to vector<16xf32>
      %add3A_2834 = arith.addf %add3A_2833, %mul3A_2831 : vector<16xf32>
      %mul3A_2835 = arith.mulf %mul3A_2820, %add3A_2834 : vector<16xf32>
      %mul3A_2836 = arith.constant 0.693147182 : f32
      %mul3A_2837 = vector.broadcast %mul3A_2836 : f32 to vector<16xf32>
      %mul3A_2838 = arith.mulf %mul3A_2837, %convert_element_type3A_2809 : vector<16xf32>
      %add3A_2839 = arith.addf %mul3A_2838, %mul3A_2835 : vector<16xf32>
      %ge3A_2840 = arith.constant 1 : i32
      %ge3A_2841 = vector.broadcast %ge3A_2840 : i32 to vector<16xi32>
      %ge3A_2842 = arith.cmpi sge, %get3A_2250, %ge3A_2841 : vector<16xi32>
      %bitcast_convert_type3A_2843 = tpu.bitcast %select_n3A_2687 : vector<16xf32> -> vector<16xi32>
      %shift_right_arithmetic3A_2844 = arith.constant 23 : i32
      %shift_right_arithmetic3A_2845 = vector.broadcast %shift_right_arithmetic3A_2844 : i32 to vector<16xi32>
      %shift_right_arithmetic3A_2846 = arith.shrsi %bitcast_convert_type3A_2843, %shift_right_arithmetic3A_2845 : vector<16xi32>
      %sub3A_2847 = arith.constant 127 : i32
      %sub3A_2848 = vector.broadcast %sub3A_2847 : i32 to vector<16xi32>
      %sub3A_2849 = arith.subi %shift_right_arithmetic3A_2846, %sub3A_2848 : vector<16xi32>
      %and3A_2850 = arith.constant 8388607 : i32
      %and3A_2851 = vector.broadcast %and3A_2850 : i32 to vector<16xi32>
      %and3A_2852 = arith.andi %bitcast_convert_type3A_2843, %and3A_2851 : vector<16xi32>
      %or3A_2853 = arith.constant 1065353216 : i32
      %or3A_2854 = vector.broadcast %or3A_2853 : i32 to vector<16xi32>
      %or3A_2855 = arith.ori %and3A_2852, %or3A_2854 : vector<16xi32>
      %bitcast_convert_type3A_2856 = tpu.bitcast %or3A_2855 : vector<16xi32> -> vector<16xf32>
      %gt3A_2857 = arith.constant 1.41421354 : f32
      %gt3A_2858 = vector.broadcast %gt3A_2857 : f32 to vector<16xf32>
      %gt3A_2859 = arith.cmpf ogt, %bitcast_convert_type3A_2856, %gt3A_2858 : vector<16xf32>
      %mul3A_2860 = arith.constant 5.000000e-01 : f32
      %mul3A_2861 = vector.broadcast %mul3A_2860 : f32 to vector<16xf32>
      %mul3A_2862 = arith.mulf %mul3A_2861, %bitcast_convert_type3A_2856 : vector<16xf32>
      %select_n3A_2863 = arith.select %gt3A_2859, %mul3A_2862, %bitcast_convert_type3A_2856 : vector<16xi1>, vector<16xf32>
      %jit3A_2864 = arith.constant 1 : i32
      %jit3A_2865 = arith.constant 0 : i32
      %broadcast_in_dim3A_2866 = vector.broadcast %jit3A_2864 : i32 to vector<16xi32>
      %broadcast_in_dim3A_2867 = vector.broadcast %jit3A_2865 : i32 to vector<16xi32>
      %select_n3A_2868 = arith.select %gt3A_2859, %broadcast_in_dim3A_2866, %broadcast_in_dim3A_2867 : vector<16xi1>, vector<16xi32>
      %add3A_2869 = arith.addi %sub3A_2849, %select_n3A_2868 : vector<16xi32>
      %convert_element_type3A_2870 = arith.sitofp %add3A_2869 : vector<16xi32> to vector<16xf32>
      %sub3A_2871 = arith.constant 1.000000e+00 : f32
      %sub3A_2872 = vector.broadcast %sub3A_2871 : f32 to vector<16xf32>
      %sub3A_2873 = arith.subf %select_n3A_2863, %sub3A_2872 : vector<16xf32>
      %add3A_2874 = arith.constant 1.000000e+00 : f32
      %add3A_2875 = vector.broadcast %add3A_2874 : f32 to vector<16xf32>
      %add3A_2876 = arith.addf %select_n3A_2863, %add3A_2875 : vector<16xf32>
      %div3A_2877 = arith.divf %sub3A_2873, %add3A_2876 : vector<16xf32>
      %mul3A_2878 = arith.mulf %div3A_2877, %div3A_2877 : vector<16xf32>
      %mul3A_2879 = arith.constant 2.000000e+00 : f32
      %mul3A_2880 = vector.broadcast %mul3A_2879 : f32 to vector<16xf32>
      %mul3A_2881 = arith.mulf %mul3A_2880, %div3A_2877 : vector<16xf32>
      %mul3A_2882 = arith.constant 0.142857149 : f32
      %mul3A_2883 = vector.broadcast %mul3A_2882 : f32 to vector<16xf32>
      %mul3A_2884 = arith.mulf %mul3A_2878, %mul3A_2883 : vector<16xf32>
      %add3A_2885 = arith.constant 2.000000e-01 : f32
      %add3A_2886 = vector.broadcast %add3A_2885 : f32 to vector<16xf32>
      %add3A_2887 = arith.addf %add3A_2886, %mul3A_2884 : vector<16xf32>
      %mul3A_2888 = arith.mulf %mul3A_2878, %add3A_2887 : vector<16xf32>
      %add3A_2889 = arith.constant 0.333333343 : f32
      %add3A_2890 = vector.broadcast %add3A_2889 : f32 to vector<16xf32>
      %add3A_2891 = arith.addf %add3A_2890, %mul3A_2888 : vector<16xf32>
      %mul3A_2892 = arith.mulf %mul3A_2878, %add3A_2891 : vector<16xf32>
      %add3A_2893 = arith.constant 1.000000e+00 : f32
      %add3A_2894 = vector.broadcast %add3A_2893 : f32 to vector<16xf32>
      %add3A_2895 = arith.addf %add3A_2894, %mul3A_2892 : vector<16xf32>
      %mul3A_2896 = arith.mulf %mul3A_2881, %add3A_2895 : vector<16xf32>
      %mul3A_2897 = arith.constant 0.693147182 : f32
      %mul3A_2898 = vector.broadcast %mul3A_2897 : f32 to vector<16xf32>
      %mul3A_2899 = arith.mulf %mul3A_2898, %convert_element_type3A_2870 : vector<16xf32>
      %add3A_2900 = arith.addf %mul3A_2899, %mul3A_2896 : vector<16xf32>
      %sub3A_2901 = arith.subf %add3A_2781, %add3A_2900 : vector<16xf32>
      %jit3A_2902 = arith.constant 0.000000e+00 : f32
      %broadcast_in_dim3A_2903 = vector.broadcast %jit3A_2902 : f32 to vector<16xf32>
      %select_n3A_2904 = arith.select %ge3A_2842, %sub3A_2901, %broadcast_in_dim3A_2903 : vector<16xi1>, vector<16xf32>
      %add3A_2905 = arith.addf %add3A_2839, %select_n3A_2904 : vector<16xf32>
      %mul3A_2906 = arith.mulf %select_n3A_2260, %add3A_2905 : vector<16xf32>
      %exp3A_2907 = math.exp %add3A_2781 : vector<16xf32>
      %sub3A_2908 = arith.constant 1.000000e+00 : f32
      %sub3A_2909 = vector.broadcast %sub3A_2908 : f32 to vector<16xf32>
      %sub3A_2910 = arith.subf %sub3A_2909, %exp3A_2907 : vector<16xf32>
      %bitcast_convert_type3A_2911 = tpu.bitcast %sub3A_2910 : vector<16xf32> -> vector<16xi32>
      %shift_right_arithmetic3A_2912 = arith.constant 23 : i32
      %shift_right_arithmetic3A_2913 = vector.broadcast %shift_right_arithmetic3A_2912 : i32 to vector<16xi32>
      %shift_right_arithmetic3A_2914 = arith.shrsi %bitcast_convert_type3A_2911, %shift_right_arithmetic3A_2913 : vector<16xi32>
      %sub3A_2915 = arith.constant 127 : i32
      %sub3A_2916 = vector.broadcast %sub3A_2915 : i32 to vector<16xi32>
      %sub3A_2917 = arith.subi %shift_right_arithmetic3A_2914, %sub3A_2916 : vector<16xi32>
      %and3A_2918 = arith.constant 8388607 : i32
      %and3A_2919 = vector.broadcast %and3A_2918 : i32 to vector<16xi32>
      %and3A_2920 = arith.andi %bitcast_convert_type3A_2911, %and3A_2919 : vector<16xi32>
      %or3A_2921 = arith.constant 1065353216 : i32
      %or3A_2922 = vector.broadcast %or3A_2921 : i32 to vector<16xi32>
      %or3A_2923 = arith.ori %and3A_2920, %or3A_2922 : vector<16xi32>
      %bitcast_convert_type3A_2924 = tpu.bitcast %or3A_2923 : vector<16xi32> -> vector<16xf32>
      %gt3A_2925 = arith.constant 1.41421354 : f32
      %gt3A_2926 = vector.broadcast %gt3A_2925 : f32 to vector<16xf32>
      %gt3A_2927 = arith.cmpf ogt, %bitcast_convert_type3A_2924, %gt3A_2926 : vector<16xf32>
      %mul3A_2928 = arith.constant 5.000000e-01 : f32
      %mul3A_2929 = vector.broadcast %mul3A_2928 : f32 to vector<16xf32>
      %mul3A_2930 = arith.mulf %mul3A_2929, %bitcast_convert_type3A_2924 : vector<16xf32>
      %select_n3A_2931 = arith.select %gt3A_2927, %mul3A_2930, %bitcast_convert_type3A_2924 : vector<16xi1>, vector<16xf32>
      %jit3A_2932 = arith.constant 1 : i32
      %jit3A_2933 = arith.constant 0 : i32
      %broadcast_in_dim3A_2934 = vector.broadcast %jit3A_2932 : i32 to vector<16xi32>
      %broadcast_in_dim3A_2935 = vector.broadcast %jit3A_2933 : i32 to vector<16xi32>
      %select_n3A_2936 = arith.select %gt3A_2927, %broadcast_in_dim3A_2934, %broadcast_in_dim3A_2935 : vector<16xi1>, vector<16xi32>
      %add3A_2937 = arith.addi %sub3A_2917, %select_n3A_2936 : vector<16xi32>
      %convert_element_type3A_2938 = arith.sitofp %add3A_2937 : vector<16xi32> to vector<16xf32>
      %sub3A_2939 = arith.constant 1.000000e+00 : f32
      %sub3A_2940 = vector.broadcast %sub3A_2939 : f32 to vector<16xf32>
      %sub3A_2941 = arith.subf %select_n3A_2931, %sub3A_2940 : vector<16xf32>
      %add3A_2942 = arith.constant 1.000000e+00 : f32
      %add3A_2943 = vector.broadcast %add3A_2942 : f32 to vector<16xf32>
      %add3A_2944 = arith.addf %select_n3A_2931, %add3A_2943 : vector<16xf32>
      %div3A_2945 = arith.divf %sub3A_2941, %add3A_2944 : vector<16xf32>
      %mul3A_2946 = arith.mulf %div3A_2945, %div3A_2945 : vector<16xf32>
      %mul3A_2947 = arith.constant 2.000000e+00 : f32
      %mul3A_2948 = vector.broadcast %mul3A_2947 : f32 to vector<16xf32>
      %mul3A_2949 = arith.mulf %mul3A_2948, %div3A_2945 : vector<16xf32>
      %mul3A_2950 = arith.constant 0.142857149 : f32
      %mul3A_2951 = vector.broadcast %mul3A_2950 : f32 to vector<16xf32>
      %mul3A_2952 = arith.mulf %mul3A_2946, %mul3A_2951 : vector<16xf32>
      %add3A_2953 = arith.constant 2.000000e-01 : f32
      %add3A_2954 = vector.broadcast %add3A_2953 : f32 to vector<16xf32>
      %add3A_2955 = arith.addf %add3A_2954, %mul3A_2952 : vector<16xf32>
      %mul3A_2956 = arith.mulf %mul3A_2946, %add3A_2955 : vector<16xf32>
      %add3A_2957 = arith.constant 0.333333343 : f32
      %add3A_2958 = vector.broadcast %add3A_2957 : f32 to vector<16xf32>
      %add3A_2959 = arith.addf %add3A_2958, %mul3A_2956 : vector<16xf32>
      %mul3A_2960 = arith.mulf %mul3A_2946, %add3A_2959 : vector<16xf32>
      %add3A_2961 = arith.constant 1.000000e+00 : f32
      %add3A_2962 = vector.broadcast %add3A_2961 : f32 to vector<16xf32>
      %add3A_2963 = arith.addf %add3A_2962, %mul3A_2960 : vector<16xf32>
      %mul3A_2964 = arith.mulf %mul3A_2949, %add3A_2963 : vector<16xf32>
      %mul3A_2965 = arith.constant 0.693147182 : f32
      %mul3A_2966 = vector.broadcast %mul3A_2965 : f32 to vector<16xf32>
      %mul3A_2967 = arith.mulf %mul3A_2966, %convert_element_type3A_2938 : vector<16xf32>
      %add3A_2968 = arith.addf %mul3A_2967, %mul3A_2964 : vector<16xf32>
      %mul3A_2969 = arith.mulf %select_n3A_2260, %add3A_2968 : vector<16xf32>
      %sub3A_2970 = arith.constant 1.000000e+00 : f32
      %sub3A_2971 = vector.broadcast %sub3A_2970 : f32 to vector<16xf32>
      %sub3A_2972 = arith.subf %sub3A_2971, %select_n3A_2260 : vector<16xf32>
      %mul3A_2973 = arith.mulf %sub3A_2972, %add3A_2781 : vector<16xf32>
      %neg3A_2974 = arith.constant 0.000000e+00 : f32
      %neg3A_2975 = vector.broadcast %neg3A_2974 : f32 to vector<16xf32>
      %neg3A_2976 = arith.subf %neg3A_2975, %mul3A_2906 : vector<16xf32>
      %mul3A_2977 = arith.constant 2.500000e-01 : f32
      %mul3A_2978 = vector.broadcast %mul3A_2977 : f32 to vector<16xf32>
      %mul3A_2979 = arith.mulf %mul3A_2978, %neg3A_2976 : vector<16xf32>
      %add3A_2980 = arith.addf %add3A_2242, %mul3A_2979 : vector<16xf32>
      %add3A_2981 = arith.addf %mul3A_2969, %mul3A_2973 : vector<16xf32>
      %neg3A_2982 = arith.constant 0.000000e+00 : f32
      %neg3A_2983 = vector.broadcast %neg3A_2982 : f32 to vector<16xf32>
      %neg3A_2984 = arith.subf %neg3A_2983, %add3A_2981 : vector<16xf32>
      %mul3A_2985 = arith.constant 7.500000e-01 : f32
      %mul3A_2986 = vector.broadcast %mul3A_2985 : f32 to vector<16xf32>
      %mul3A_2987 = arith.mulf %mul3A_2986, %neg3A_2984 : vector<16xf32>
      %add3A_2988 = arith.addf %add3A_2980, %mul3A_2987 : vector<16xf32>
      scf.yield %add3A_2988 : vector<16xf32>
    }
    %scan3A_13 = arith.constant 8 : i32
    %swap3A = arith.constant 0 : index
    %swap3A_14 = tpu.vector_load %arg10[%swap3A] {strides = array<i32>} : memref<16xf32, #tpu.memory_space<vmem>>, vector<16xf32>,
    tpu.vector_store %arg10[%swap3A], %scan3A_12 {strides = array<i32>} : memref<16xf32, #tpu.memory_space<vmem>>, vector<16xf32>,
    %mul3A_15 = arith.constant 16 : i32
    %mul3A_16 = arith.muli %add3A, %mul3A_15 : i32
    "tpu.region"() ({
      %run_scoped3A = tpu.sem_alloc : memref<!tpu.dma_semaphore, #tpu.memory_space<semaphore_mem>>
      %dma_start3A = tpu.memref_slice %arg5[%mul3A_16] : memref<512xf32, #tpu.memory_space<hbm>> -> memref<16xf32, #tpu.memory_space<hbm>>
      %dma_start3A_17 = tpu.memref_slice %arg5[%mul3A_16] : memref<512xf32, #tpu.memory_space<hbm>> -> memref<16xf32, #tpu.memory_space<hbm>>
      tpu.enqueue_dma source(%arg10 : memref<16xf32, #tpu.memory_space<vmem>>) target(%dma_start3A_17 : memref<16xf32, #tpu.memory_space<hbm>>) target_semaphore(%run_scoped3A : memref<!tpu.dma_semaphore, #tpu.memory_space<semaphore_mem>>)
      %dma_wait3A = tpu.memref_slice %arg5[%mul3A_16] : memref<512xf32, #tpu.memory_space<hbm>> -> memref<16xf32, #tpu.memory_space<hbm>>
      %dma_wait3A_18 = tpu.memref_slice %arg5[%mul3A_16] : memref<512xf32, #tpu.memory_space<hbm>> -> memref<16xf32, #tpu.memory_space<hbm>>
      tpu.wait_dma2 semaphore(%run_scoped3A : memref<!tpu.dma_semaphore, #tpu.memory_space<semaphore_mem>>) src(%arg10 : memref<16xf32, #tpu.memory_space<vmem>>) dst(%dma_wait3A_18 : memref<16xf32, #tpu.memory_space<hbm>>)
      tpu.yield
    }) : () -> ()
    return
  }
}

</mosaic_0001>

<sc_bundles>
// kernel: kernel.3.cloned.1.call-start
scs
__scs_entry_jumppad:
0x0: {  	(pc) =	sbr.rel $0x88, $3  }
0x1: {  	(tag) =	ssettag $0x0;
	lr =	simm.s32 $0x1  }
0x2: {  	[smem:$0x3F9E] =	sst lr;
	_ =	strace $0xD0000000  }
0x3: {  	_ = 	snop  }
0x4: {  	_ = 	snop  }
0x5: {  	_ = 	snop  }
0x6: {  	_ = 	snop  }
0x7: {  	_ = 	snop  }
__scs_overlays_trampoline_lowered:
0x8: {  	[smem:$0x3FAD] =	sst s0  }
0x9: {  	[smem:$0x3FAE] =	sst s1  }
0xa: {  	[smem:$0x3FAF] =	sst s2  }
0xb: {  	[smem:$0x3FB0] =	sst s3  }
0xc: {  	[smem:$0x3FB1] =	sst s4  }
0xd: {  	[smem:$0x3FB2] =	sst s5  }
0xe: {  	[smem:$0x3FB3] =	sst s6  }
0xf: {  	[smem:$0x3FB4] =	sst s7  }
0x10: {  	[smem:$0x3FB5] =	sst s8  }
0x11: {  	[smem:$0x3FB6] =	sst s9;
	s0 =	simm.s32 @!p0 $0x0  }
0x12: {  	s1 =	sld [smem:$0x3F9C];
	s0 =	simm.s32 @p0 $0x1  }
0x13: {  	[smem:$0x3FB7] =	sst s0;
	s0 =	simm.s32 @!p1 $0x0  }
0x14: {  	s2 =	sld [smem:$0x3F9B];
	s0 =	simm.s32 @p1 $0x1  }
0x15: {  	[smem:$0x3FB8] =	sst s0;
	s0 =	simm.s32 @!p2 $0x0  }
0x16: {  	s3 =	sld [smem:$0x3FDB];
	s0 =	simm.s32 @p2 $0x1  }
0x17: {  	s4 =	simm.s32 $0x1BF5;
	[smem:$0x3FBA] =	sst s0  }
0x18: {  	s0 =	sld [smem:$0x3F9D];
	_ =	swait.ge [sflag:s4], $0x0  }
0x19: {  	s7 =	sld [smem:$0x3F9E]  }
0x1a: {  	s8 =	sadd.s32 $0xFFFFE003, lr  }
0x1b: {  	s9 =	sadd.s32 $0xFFFFFEF7, lr;
	s5 =	simm.s32 $0xFFFFFFFF;
	p2 =	slt.u32 s8, $0xFFFFF086  }
0x1c: {  	p1 =	slt.u32 s9, $0xF7A;
	s5 =	simm.s32 @!p2 $0x0  }
0x1d: {  	s5 =	simm.s32 @p1 $0x1;
	p0 =	seq.s32 s7, s2  }
0x1e: {  	s7 =	smul.u32 @!p0 $0xF7A, s2;
	p2 =	seq.s32 @!p0 s5, $0x0  }
0x1f: {  	s9 =	smul.u32 $0xF7A, s1;
	s8 =	simm.s32 @!p0 $0x1BF5;
	p2 =	por !p2, p0  }
0x20: {  	[sflag:s8] =	ssyncset.s32 @!p0 $0xFFFFF086;
	s6 =	sadd.s32 @!p0 s3, s7;
	s7 =	simm.s32 @!p0 $0x108  }
0x21: {  	s3 =	sadd.s32 s3, s9;
	s6 =	sadd.s32 @!p0 $0x88, s6;
	s7 =	simm.s32 @p2 $0x1082  }
0x22: {  	[simem:s7], [sflag:s8] =	dma.local @!p0 [hbm:s6], $0xF7A  }
0x23: {  	s9 =	sor.u32 $0xD0000000, s2;
	s6 =	simm.s32 $0x108;
	_ =	swait.ge @!p0 [sflag:s8], $0x0  }
0x24: {  	s3 =	sadd.s32 $0x88, s3;
	s6 =	simm.s32 @!p1 $0x1082;
	[sflag:s4] =	ssyncset.s32 $0xFFFFF086  }
0x25: {  	[simem:s6], [sflag:s4] =	dma.local [hbm:s3], $0xF7A  }
0x26: {  	[smem:$0x3F9E] =	sst s1;
	(tag) =	ssettag s2;
	_ =	strace s9  }
0x27: {  	s1 =	sld [smem:$0x3FAE]  }
0x28: {  	s2 =	sld [smem:$0x3FAF]  }
0x29: {  	s4 =	sld [smem:$0x3FB1]  }
0x2a: {  	p0 =	seq.s32 s5, $0x0;
	s5 =	sld [smem:$0x3FB2]  }
0x2b: {  	s6 =	sld [smem:$0x3FB3]  }
0x2c: {  	s7 =	sld [smem:$0x3FB4]  }
0x2d: {  	s3 =	simm.s32 $0x108;
	s8 =	sld [smem:$0x3FB5]  }
0x2e: {  	s3 =	simm.s32 @!p0 $0x1082;
	s9 =	sld [smem:$0x3FB6]  }
0x2f: {  	lr =	sadd.s32 s0, s3;
	s0 =	sld [smem:$0x3FAD]  }
0x30: {  	s3 =	sld [smem:$0x3FB0]  }
0x31: {  	[smem:$0x3FB9] =	sst s10  }
0x32: {  	s10 =	sld [smem:$0x3FB7];
	_ =	sdelay $0x3  }
0x33: {  	p0 =	seq.s32 s10, $0x1;
	s10 =	sld [smem:$0x3FB9];
	_ =	sdelay $0x3  }
0x34: {  	[smem:$0x3FB9] =	sst s10  }
0x35: {  	s10 =	sld [smem:$0x3FB8];
	_ =	sdelay $0x3  }
0x36: {  	p1 =	seq.s32 s10, $0x1;
	s10 =	sld [smem:$0x3FB9];
	_ =	sdelay $0x3  }
0x37: {  	[smem:$0x3FB9] =	sst s10  }
0x38: {  	s10 =	sld [smem:$0x3FBA]  }
0x39: {  	_ = 	snop;
	(pc) =	sbr.ind lr, $3  }
0x3a: {  	_ = 	snop  }
0x3b: {  	_ = 	snop  }
0x3c: {  	p2 =	seq.s32 s10, $0x1;
	s10 =	sld [smem:$0x3FB9]  }
0x3d: {  	_ =	shalt  }
0x3e: {  	_ =	shalt  }
0x3f: {  	_ =	shalt  }
0x40: {  	_ =	shalt  }
0x41: {  	_ =	shalt  }
0x42: {  	_ =	shalt  }
0x43: {  	_ =	shalt  }
0x44: {  	_ =	shalt  }
0x45: {  	_ =	shalt  }
0x46: {  	_ =	shalt  }
0x47: {  	_ =	shalt  }
0x48: {  	_ =	shalt  }
0x49: {  	_ =	shalt  }
0x4a: {  	_ =	shalt  }
0x4b: {  	_ =	shalt  }
0x4c: {  	_ =	shalt  }
0x4d: {  	_ =	shalt  }
0x4e: {  	_ =	shalt  }
0x4f: {  	_ =	shalt  }
0x50: {  	_ =	shalt  }
0x51: {  	_ =	shalt  }
0x52: {  	_ =	shalt  }
0x53: {  	_ =	shalt  }
0x54: {  	_ =	shalt  }
0x55: {  	_ =	shalt  }
0x56: {  	_ =	shalt  }
0x57: {  	_ =	shalt  }
0x58: {  	_ =	shalt  }
0x59: {  	_ =	shalt  }
0x5a: {  	_ =	shalt  }
0x5b: {  	_ =	shalt  }
0x5c: {  	_ =	shalt  }
0x5d: {  	_ =	shalt  }
0x5e: {  	_ =	shalt  }
0x5f: {  	_ =	shalt  }
0x60: {  	_ =	shalt  }
0x61: {  	_ =	shalt  }
0x62: {  	_ =	shalt  }
0x63: {  	_ =	shalt  }
0x64: {  	_ =	shalt  }
0x65: {  	_ =	shalt  }
0x66: {  	_ =	shalt  }
0x67: {  	_ =	shalt  }
0x68: {  	_ =	shalt  }
0x69: {  	_ =	shalt  }
0x6a: {  	_ =	shalt  }
0x6b: {  	_ =	shalt  }
0x6c: {  	_ =	shalt  }
0x6d: {  	_ =	shalt  }
0x6e: {  	_ =	shalt  }
0x6f: {  	_ =	shalt  }
0x70: {  	_ =	shalt  }
0x71: {  	_ =	shalt  }
0x72: {  	_ =	shalt  }
0x73: {  	_ =	shalt  }
0x74: {  	_ =	shalt  }
0x75: {  	_ =	shalt  }
0x76: {  	_ =	shalt  }
0x77: {  	_ =	shalt  }
0x78: {  	_ =	shalt  }
0x79: {  	_ =	shalt  }
0x7a: {  	_ =	shalt  }
0x7b: {  	_ =	shalt  }
0x7c: {  	_ =	shalt  }
0x7d: {  	_ =	shalt  }
0x7e: {  	_ =	shalt  }
0x7f: {  	_ =	shalt  }
0x80: {  	_ =	shalt  }
0x81: {  	_ =	shalt  }
0x82: {  	_ =	shalt  }
0x83: {  	_ =	shalt  }
0x84: {  	_ =	shalt  }
0x85: {  	_ =	shalt  }
0x86: {  	_ =	shalt  }
0x87: {  	_ =	shalt  }
.Lfunc_end0:
.L_simem_size_0:
called_computation_lowered:
.L_overlay_start_0:
0x88: {  	s2 =	sld [smem:$0x3FD9]  }
0x89: {  	s3 =	sld [smem:$0x3FFE];
	_ =	sdelay $0x1  }
0x8a: {  	s1 =	srdreg.scid  }
0x8b: {  	s0 =	sand.u32 $0x1, s1  }
0x8c: {  	s17 =	sshll.u32 s0, $0xA;
	s2 =	sadd.s32 s3, s2  }
0x8d: {  	s2 =	sadd.s32 s2, s17  }
0x8e: {  	[smem:$0x3FC5] =	sst s2  }
0x8f: {  	_ = 	snop  }
0x90: {  	s2 =	sld [smem:$0x3FC8]  }
0x91: {  	s18 =	sld [smem:$0x3FC7];
	(tm) =	ssettm $0x1  }
0x92: {  	s4 =	sld [smem:$0x3FFB];
	_ =	sdelay $0x3  }
0x93: {  	_ =	strace s4  }
0x94: {  	s4 =	sld [smem:$0x3FFC];
	_ =	sdelay $0x3  }
0x95: {  	_ =	strace s4  }
0x96: {  	s4 =	sld [smem:$0x3FFD];
	_ =	sdelay $0x3  }
0x97: {  	_ =	strace s4  }
0x98: {  	_ =	strace $0x8FFFFFFF  }
0x99: {  	s19 =	sld [smem:$0x3FDB];
	_ =	sdelay $0x1  }
0x9a: {  	s5 =	simm.s32 $_scs_section_size  }
0x9b: {  	s6 =	simm.s32 $_size__tile_overlayer_lowered;
	s7 =	simm.s32 $_tile_overlayer_lowered  }
0x9c: {  	s22 =	simm.s32 $0x1BFF;
	s21 =	sshll.u32 s7, $0x1;
	s4 =	sadd.s32 s5, s19  }
0x9d: {  	s8 =	simm.s32 $0x0;
	s20 =	sshll.u32 s6, $0x1;
	s6 =	sadd.s32 s21, s4  }
0x9e: {  	[timem:s8], [sflag:s22] =	dma.local [hbm:s6], s20  }
0x9f: {  	_ =	swait.ge [sflag:s22], s20  }
0xa0: {  	s5 =	ssub.s32 $0x0, s20;
	[sflag:s22] =	ssyncset.done $0x0  }
0xa1: {  	[sflag:s22] =	ssyncadd.s32 s5;
	_ =	sdelay $0x1  }
0xa2: {  	s23 =	simm.s32 $0x1B8B  }
0xa3: {  	_ =	swait.ge [sflag:s23], $0x1  }
0xa4: {  	[sflag:s23] =	ssyncset.done $0x0  }
0xa5: {  	s25 =	simm.s32 $0x1B8E;
	s24 =	sld [smem:$0x3FFE];
	[sflag:s23] =	ssyncadd.s32 $0xFFFFFFFF  }
0xa6: {  	s26 =	simm.s32 $execute0_lowered;
	[smem:$0x3FD2] =	sst s25  }
0xa7: {  	s6 =	sshll.u32 s26, $0x1;
	_ =	strace $0x80000046;
	[dreg:$0x1] =	wrdreg $0xFFFFFFFF  }
0xa8: {  	s28 =	simm.s32 $_size_execute0_lowered;
	s4 =	sadd.s32 s4, s6;
	[dreg:$0x0] =	wrdreg $0x0  }
0xa9: {  	s6 =	sshll.u32 s28, $0x1;
	[dreg:$0x2] =	wrdreg s4  }
0xaa: {  	[dreg:$0x3] =	wrdreg s6  }
0xab: {  	[dreg:$0x4] =	wrdreg $0xC0  }
0xac: {  	_ =	task [dreg:s8], $0x5FFFF  }
0xad: {  	[dreg:$0x1] =	wrdreg $0xFFFFFFFF  }
0xae: {  	[dreg:$0x0] =	wrdreg $0x60  }
0xaf: {  	[dreg:$0x2] =	wrdreg s2  }
0xb0: {  	[dreg:$0x3] =	wrdreg s18  }
0xb1: {  	[dreg:$0x4] =	wrdreg s24  }
0xb2: {  	[dreg:$0x5] =	wrdreg $0x9  }
0xb3: {  	_ =	task.clear_ibuf [dreg:s8], $0x6FFFF;
	_ =	strace $0x90000046  }
0xb4: {  	s29 =	simm.s32 $0x9;
	_ =	strace $0x80000048  }
0xb5: {  	_ =	swait.ge [sflag:s29], $0x1  }
0xb6: {  	[sflag:s29] =	ssyncadd.s32 $0xFFFFFFFF  }
0xb7: {  	_ =	strace $0x90000048  }
0xb8: {  	_ =	sfence  }
0xb9: {  	s30 =	sld [smem:$0x0];
	_ =	sdelay $0x2  }
0xba: {  	s31 =	sshll.u32 s1, $0xD;
	s1 =	sshrl.u32 s1, $0x2  }
0xbb: {  	s3 =	sand.u32 $0x4000, s31;
	s1 =	sadd.s32 s1, s30  }
0xbc: {  	s0 =	sor.u32 s3, s0;
	s1 =	sshll.u32 s1, $0x11  }
0xbd: {  	s0 =	sor.u32 s1, s0  }
0xbe: {  	s0 =	sadd.s32 $0x8F2B, s0  }
0xbf: {  	[sflag:s0] =	ssyncadd.remote.s32 $0x1  }
0xc0: {  	_ =	sfence.sel $0xFFFF  }
0xc1: {  	[dreg:$0x0] =	wrdreg $0xFFFFFFFF;
	(pc) =	sbr.abs _section_cstart, $3  }
0xc2: {  	[dreg:$0x1] =	wrdreg $0xFFFFFFFF  }
0xc3: {  	_ =	task.clear_ibuf [dreg:s8], $0x2FFFF;
	_ =	strace $0x9FFFFFFF  }
0xc4: {  	(tm) =	ssettm $0x7FFFFFFF  }
0xc5: {  	_ =	shalt  }
tec
execute0_lowered:
.L_overlay_start_1:
0x0: {  	(tag) =	ssettag $0x1  }
0x1: {  	v0 =	vlaneseq.u32  }
0x2: {  	v0 =	vmul.u32 $0xC8, v0;
	_ =	sdelay $0x1  }
0x3: {  	v1 =	vadd.s32 $0x8, v0  }
0x4: {  	v17 =	vadd.s32 $0x10, v0;
	[tilespmem:$0x1FCE0] =	vst v1  }
0x5: {  	v18 =	vadd.s32 $0x18, v0;
	[tilespmem:$0x1FCF0] =	vst v17  }
0x6: {  	v19 =	vadd.s32 $0x20, v0;
	[tilespmem:$0x1FD00] =	vst v18  }
0x7: {  	v20 =	vadd.s32 $0x28, v0;
	[tilespmem:$0x1FD10] =	vst v19  }
0x8: {  	v21 =	vadd.s32 $0x30, v0;
	[tilespmem:$0x1FD20] =	vst v20  }
0x9: {  	v22 =	vadd.s32 $0x38, v0;
	[tilespmem:$0x1FD30] =	vst v21  }
0xa: {  	v23 =	vadd.s32 $0x40, v0;
	[tilespmem:$0x1FD40] =	vst v22  }
0xb: {  	v24 =	vadd.s32 $0x48, v0;
	[tilespmem:$0x1FD50] =	vst v23  }
0xc: {  	v25 =	vadd.s32 $0x50, v0;
	[tilespmem:$0x1FD60] =	vst v24  }
0xd: {  	v26 =	vadd.s32 $0x58, v0;
	[tilespmem:$0x1FD70] =	vst v25  }
0xe: {  	v27 =	vadd.s32 $0x60, v0;
	[tilespmem:$0x1FD80] =	vst v26  }
0xf: {  	v28 =	vadd.s32 $0x68, v0;
	[tilespmem:$0x1FD90] =	vst v27  }
0x10: {  	v29 =	vadd.s32 $0x70, v0;
	[tilespmem:$0x1FDA0] =	vst v28  }
0x11: {  	v30 =	vadd.s32 $0x78, v0;
	[tilespmem:$0x1FDB0] =	vst v29  }
0x12: {  	v31 =	vadd.s32 $0x80, v0;
	[tilespmem:$0x1FDC0] =	vst v30  }
0x13: {  	v32 =	vadd.s32 $0x88, v0;
	[tilespmem:$0x1FDD0] =	vst v31  }
0x14: {  	v33 =	vadd.s32 $0x90, v0;
	[tilespmem:$0x1FDE0] =	vst v32  }
0x15: {  	v34 =	vadd.s32 $0x98, v0;
	[tilespmem:$0x1FDF0] =	vst v33  }
0x16: {  	v35 =	vadd.s32 $0xA0, v0;
	[tilespmem:$0x1FE00] =	vst v34  }
0x17: {  	v36 =	vadd.s32 $0xA8, v0;
	[tilespmem:$0x1FE10] =	vst v35  }
0x18: {  	v37 =	vadd.s32 $0xB0, v0;
	[tilespmem:$0x1FE20] =	vst v36  }
0x19: {  	v38 =	vadd.s32 $0xB8, v0;
	[tilespmem:$0x1FE30] =	vst v37  }
0x1a: {  	v39 =	vadd.s32 $0xC0, v0;
	[tilespmem:$0x1FE40] =	vst v38  }
0x1b: {  	v40 =	vadd.s32 $0xC80, v0;
	[tilespmem:$0x1FE50] =	vst v39  }
0x1c: {  	v41 =	vadd.s32 $0xC88, v0;
	[tilespmem:$0x1FE60] =	vst v40  }
0x1d: {  	v42 =	vadd.s32 $0xC90, v0;
	[tilespmem:$0x1FE70] =	vst v41  }
0x1e: {  	v43 =	vadd.s32 $0xC98, v0;
	[tilespmem:$0x1FE80] =	vst v42  }
0x1f: {  	v44 =	vadd.s32 $0xCA0, v0;
	[tilespmem:$0x1FE90] =	vst v43  }
0x20: {  	v45 =	vadd.s32 $0xCA8, v0;
	[tilespmem:$0x1FEA0] =	vst v44  }
0x21: {  	s3 =	rddreg [dreg:$0x0];
	v46 =	vadd.s32 $0xCB0, v0;
	[tilespmem:$0x1FEB0] =	vst v45  }
0x22: {  	s4 =	rddreg [dreg:$0x1];
	v47 =	vadd.s32 $0xCB8, v0;
	[tilespmem:$0x1FEC0] =	vst v46  }
0x23: {  	s5 =	rddreg [dreg:$0x2];
	s2 =	simm.s32 $0x0;
	v48 =	vadd.s32 $0xCC0, v0;
	[tilespmem:$0x1FED0] =	vst v47  }
0x24: {  	[smem:$0x7FF] =	sst s2;
	v49 =	vadd.s32 $0xCC8, v0;
	[tilespmem:$0x1FEE0] =	vst v48  }
0x25: {  	s0 =	rddreg [dreg:$0x3];
	v50 =	vadd.s32 $0xCD0, v0;
	_ =	strace $0x80000047;
	[tilespmem:$0x1FEF0] =	vst v49  }
0x26: {  	v51 =	vadd.s32 $0xCD8, v0;
	[tilespmem:$0x1FF00] =	vst v50  }
0x27: {  	v52 =	vadd.s32 $0xCE0, v0;
	[tilespmem:$0x1FF10] =	vst v51  }
0x28: {  	v53 =	vadd.s32 $0xCE8, v0;
	[tilespmem:$0x1FF20] =	vst v52  }
0x29: {  	v54 =	vadd.s32 $0xCF0, v0;
	[tilespmem:$0x1FF30] =	vst v53  }
0x2a: {  	v55 =	vadd.s32 $0xCF8, v0;
	[tilespmem:$0x1FF40] =	vst v54  }
0x2b: {  	v56 =	vadd.s32 $0xD00, v0;
	[tilespmem:$0x1FF50] =	vst v55  }
0x2c: {  	v57 =	vadd.s32 $0xD08, v0;
	[tilespmem:$0x1FF60] =	vst v56  }
0x2d: {  	v58 =	vadd.s32 $0xD10, v0;
	[tilespmem:$0x1FF70] =	vst v57  }
0x2e: {  	v59 =	vadd.s32 $0xD18, v0;
	[tilespmem:$0x1FF80] =	vst v58  }
0x2f: {  	s6 =	srdreg.scid;
	s1 =	stileid.u32;
	s10 =	simm.s32 $0x1900;
	v60 =	vadd.s32 $0xD20, v0;
	[tilespmem:$0x1FF90] =	vst v59  }
0x30: {  	s11 =	simm.s32 $0x3600;
	s6 =	sand.u32 $0x1, s6;
	s7 =	sshll.u32 s1, $0x1;
	v61 =	vadd.s32 $0xD28, v0;
	[tilespmem:$0x1FFA0] =	vst v60  }
0x31: {  	s12 =	simm.s32 $0x0;
	s7 =	sor.u32 s6, s7;
	s6 =	ssub.s32 $0x2, s6;
	v62 =	vadd.s32 $0xD30, v0;
	[tilespmem:$0x1FFB0] =	vst v61  }
0x32: {  	s8 =	sshll.u32 s7, $0x1;
	s9 =	sshrl.u32 s6, $0x1;
	s7 =	sshll.u32 s7, $0x6;
	v63 =	vadd.s32 $0xD38, v0;
	[tilespmem:$0x1FFC0] =	vst v62  }
0x33: {  	s5 =	sadd.s32 s8, s5;
	s6 =	ssub.s32 s6, s9;
	s3 =	sadd.s32 s3, s7;
	[tilespmem:$0x1FFD0] =	vst v63  }
0x34: {  	s4 =	sadd.s32 s4, s7;
	s7 =	simm.s32 $0x3200;
	s8 =	simm.s32 $0x1;
	[tilespmem:$0x1FFE0] =	vst v0;
	v0 =	vadd.s32 $0xD40, v0  }
0x35: {  	s9 =	simm.s32 $0x3400;
	s5 =	sadd.s32 $0x80000, s5;
	s6 =	smax.u32 s6, $0x1;
	v53 =	vimm.f32 $0.0e+00;
	v51 =	vimm.s32 $0x0;
	[tilespmem:$0x1FFF0] =	vst v0  }
.LBB2_1:
0x36: {  	[tilespmem:s7], [sflag:$0x1] =	stream.linear.gather [hbm4b:s3+s2], $0x200, $0x38;
	[tilespmem:$0x3680] =	vst v63  }
0x37: {  	_ =	swait.ge [sflag:s8], $0x200  }
0x38: {  	[sflag:s8] =	ssyncset.done $0x0  }
0x39: {  	[sflag:s8] =	ssyncadd.s32 $0xFFFFFE00  }
0x3a: {  	[tilespmem:s9], [sflag:$0x1] =	stream.linear.gather [hbm4b:s4+s2], $0x200, $0x38;
	[tilespmem:$0x3680] =	vst v63  }
0x3b: {  	_ =	swait.ge [sflag:s8], $0x200  }
0x3c: {  	v0 =	vld [tilespmem:$0x1FDE0];
	_ =	sdelay $0x5  }
0x3d: {  	[sflag:s8] =	ssyncset.done $0x0  }
0x3e: {  	[sflag:s8] =	ssyncadd.s32 $0xFFFFFE00  }
0x3f: {  	v16 =	vld.idx.msk [tilespmem:v0+s2+$0x0], $0xffff  }
0x40: {  	v0 =	vld [tilespmem:$0x1FF90];
	_ =	sdelay $0x7  }
0x41: {  	v0 =	vld.idx.msk [tilespmem:v0+s2+$0x0], $0xffff;
	_ =	sdelay $0x4  }
0x42: {  	[tilespmem:$0x1F710] =	vst v0;
	v0 =	vld [tilespmem:$0x1FFA0];
	_ =	sdelay $0x7  }
0x43: {  	v0 =	vld.idx.msk [tilespmem:v0+s2+$0x0], $0xffff;
	_ =	sdelay $0x3  }
0x44: {  	v5 =	vld [tilespmem:$0x1FFE0]  }
0x45: {  	[tilespmem:$0x1F730] =	vst v0;
	v0 =	vld [tilespmem:$0x1FFB0]  }
0x46: {  	v1 =	vld [tilespmem:$0x1FCE0]  }
0x47: {  	v2 =	vld [tilespmem:$0x1FCF0]  }
0x48: {  	v3 =	vld [tilespmem:$0x1FD00]  }
0x49: {  	v4 =	vld [tilespmem:$0x1FD10]  }
0x4a: {  	v6 =	vld [tilespmem:$0x1FD20]  }
0x4b: {  	v7 =	vld [tilespmem:$0x1FD30]  }
0x4c: {  	v8 =	vld [tilespmem:$0x1FD40]  }
0x4d: {  	v0 =	vld.idx.msk [tilespmem:v0+s2+$0x0], $0xffff  }
0x4e: {  	v9 =	vld [tilespmem:$0x1FD50]  }
0x4f: {  	v10 =	vld [tilespmem:$0x1FD60]  }
0x50: {  	v15 =	vld [tilespmem:$0x1FD70]  }
0x51: {  	v20 =	vld [tilespmem:$0x1FD80]  }
0x52: {  	[tilespmem:$0x1F750] =	vst v0;
	v0 =	vld [tilespmem:$0x1FFC0]  }
0x53: {  	v25 =	vld [tilespmem:$0x1FD90]  }
0x54: {  	v30 =	vld [tilespmem:$0x1FDA0]  }
0x55: {  	v35 =	vld [tilespmem:$0x1FDB0]  }
0x56: {  	v40 =	vld [tilespmem:$0x1FDC0]  }
0x57: {  	v45 =	vld [tilespmem:$0x1FDD0]  }
0x58: {  	v38 =	vld [tilespmem:$0x1FDF0]  }
0x59: {  	v39 =	vld [tilespmem:$0x1FE00]  }
0x5a: {  	v0 =	vld.idx.msk [tilespmem:v0+s2+$0x0], $0xffff  }
0x5b: {  	v41 =	vld [tilespmem:$0x1FE10]  }
0x5c: {  	v42 =	vld [tilespmem:$0x1FE20]  }
0x5d: {  	v43 =	vld [tilespmem:$0x1FE30]  }
0x5e: {  	v44 =	vld [tilespmem:$0x1FE40]  }
0x5f: {  	[tilespmem:$0x1F770] =	vst v0;
	v0 =	vld [tilespmem:$0x1FFD0]  }
0x60: {  	v46 =	vld [tilespmem:$0x1FE50]  }
0x61: {  	v47 =	vld [tilespmem:$0x1FE60]  }
0x62: {  	v49 =	vld [tilespmem:$0x1FE70]  }
0x63: {  	v50 =	vld [tilespmem:$0x1FE80]  }
0x64: {  	v32 =	vld [tilespmem:$0x1FE90]  }
0x65: {  	v33 =	vld [tilespmem:$0x1FEA0]  }
0x66: {  	v34 =	vld [tilespmem:$0x1FEB0]  }
0x67: {  	v0 =	vld.idx.msk [tilespmem:v0+s2+$0x0], $0xffff  }
0x68: {  	v36 =	vld [tilespmem:$0x1FEC0]  }
0x69: {  	v48 =	vld.idx.msk [tilespmem:v5+s2+$0x0], $0xffff  }
0x6a: {  	v52 =	vld.idx.msk [tilespmem:v1+s2+$0x0], $0xffff  }
0x6b: {  	v54 =	vld.idx.msk [tilespmem:v2+s2+$0x0], $0xffff  }
0x6c: {  	[tilespmem:$0x1F790] =	vst v0;
	v0 =	vld [tilespmem:$0x1FFF0]  }
0x6d: {  	v55 =	vld.idx.msk [tilespmem:v3+s2+$0x0], $0xffff  }
0x6e: {  	v56 =	vld.idx.msk [tilespmem:v4+s2+$0x0], $0xffff  }
0x6f: {  	v57 =	vld.idx.msk [tilespmem:v6+s2+$0x0], $0xffff  }
0x70: {  	v58 =	vld.idx.msk [tilespmem:v7+s2+$0x0], $0xffff  }
0x71: {  	v59 =	vld.idx.msk [tilespmem:v8+s2+$0x0], $0xffff  }
0x72: {  	v60 =	vld.idx.msk [tilespmem:v9+s2+$0x0], $0xffff  }
0x73: {  	v61 =	vld.idx.msk [tilespmem:v10+s2+$0x0], $0xffff  }
0x74: {  	v0 =	vld.idx.msk [tilespmem:v0+s2+$0x0], $0xffff  }
0x75: {  	v12 =	vld.idx.msk [tilespmem:v25+s2+$0x0], $0xffff  }
0x76: {  	v11 =	vld.idx.msk [tilespmem:v30+s2+$0x0], $0xffff  }
0x77: {  	v14 =	vld.idx.msk [tilespmem:v35+s2+$0x0], $0xffff  }
0x78: {  	v17 =	vld.idx.msk [tilespmem:v45+s2+$0x0], $0xffff;
	[tilespmem:$0x1F190] =	vst v48  }
0x79: {  	[tilespmem:$0x1F7B0] =	vst v0;
	v0 =	vld.idx.msk [tilespmem:v5+s10+$0x0], $0xffff  }
0x7a: {  	[tilespmem:$0x1F1B0] =	vst v52;
	v5 =	vld.idx.msk [tilespmem:v6+s10+$0x0], $0xffff  }
0x7b: {  	[tilespmem:$0x1F1D0] =	vst v54;
	v6 =	vld.idx.msk [tilespmem:v7+s10+$0x0], $0xffff  }
0x7c: {  	[tilespmem:$0x1F1F0] =	vst v55;
	v7 =	vld.idx.msk [tilespmem:v8+s10+$0x0], $0xffff  }
0x7d: {  	[tilespmem:$0x1F210] =	vst v56;
	v8 =	vld.idx.msk [tilespmem:v9+s10+$0x0], $0xffff  }
0x7e: {  	[tilespmem:$0x1F330] =	vst v11;
	v9 =	vld.idx.msk [tilespmem:v10+s10+$0x0], $0xffff;
	v10 =	vsub.f32 $1.000000000e+00, v12  }
0x7f: {  	v27 =	vld.idx.msk [tilespmem:v46+s2+$0x0], $0xffff;
	[tilespmem:$0x1F350] =	vst v14  }
0x80: {  	[tilespmem:$0x1F320] =	vst v10;
	v10 =	vsub.f32 $1.000000000e+00, v11;
	v11 =	vsub.f32 $1.000000000e+00, v14;
	v14 =	vld [tilespmem:$0x1FDE0]  }
0x81: {  	v26 =	vld.idx.msk [tilespmem:v47+s2+$0x0], $0xffff;
	[tilespmem:$0x1F230] =	vst v57  }
0x82: {  	v37 =	vld [tilespmem:$0x1FED0];
	[tilespmem:$0x1F250] =	vst v58  }
0x83: {  	v62 =	vld.idx.msk [tilespmem:v15+s2+$0x0], $0xffff;
	[tilespmem:$0x1F310] =	vst v12  }
0x84: {  	v13 =	vld.idx.msk [tilespmem:v40+s2+$0x0], $0xffff;
	[tilespmem:$0x1F390] =	vst v17;
	v12 =	vsub.f32 $1.000000000e+00, v17;
	v17 =	vsub.f32 $1.000000000e+00, v27  }
0x85: {  	v19 =	vld.idx.msk [tilespmem:v38+s2+$0x0], $0xffff;
	[tilespmem:$0x1F270] =	vst v59  }
0x86: {  	v18 =	vld.idx.msk [tilespmem:v39+s2+$0x0], $0xffff;
	[tilespmem:$0x1F4A0] =	vst v17;
	v17 =	vsub.f32 $1.000000000e+00, v26  }
0x87: {  	v29 =	vld.idx.msk [tilespmem:v49+s2+$0x0], $0xffff;
	[tilespmem:$0x1F290] =	vst v60  }
0x88: {  	[tilespmem:$0x1F4C0] =	vst v17;
	v17 =	vld.idx.msk [tilespmem:v14+s10+$0x0], $0xffff  }
0x89: {  	[tilespmem:$0x1F2B0] =	vst v61;
	v14 =	vld [tilespmem:$0x1FDF0]  }
0x8a: {  	v28 =	vld.idx.msk [tilespmem:v50+s2+$0x0], $0xffff;
	[tilespmem:$0x1F370] =	vst v13  }
0x8b: {  	v63 =	vld.idx.msk [tilespmem:v20+s2+$0x0], $0xffff;
	[tilespmem:$0x1F360] =	vst v11;
	v11 =	vsub.f32 $1.000000000e+00, v13;
	v13 =	vsub.f32 $1.000000000e+00, v19  }
0x8c: {  	v22 =	vld.idx.msk [tilespmem:v41+s2+$0x0], $0xffff;
	[tilespmem:$0x1F3F0] =	vst v18  }
0x8d: {  	v21 =	vld.idx.msk [tilespmem:v42+s2+$0x0], $0xffff;
	[tilespmem:$0x1F3E0] =	vst v13;
	v13 =	vsub.f32 $1.000000000e+00, v18;
	v18 =	vsub.f32 $1.000000000e+00, v29  }
0x8e: {  	v24 =	vld.idx.msk [tilespmem:v43+s2+$0x0], $0xffff;
	[tilespmem:$0x1F2D0] =	vst v62  }
0x8f: {  	v23 =	vld.idx.msk [tilespmem:v44+s2+$0x0], $0xffff;
	[tilespmem:$0x1F4E0] =	vst v18;
	v18 =	vsub.f32 $1.000000000e+00, v28  }
0x90: {  	v32 =	vld.idx.msk [tilespmem:v32+s2+$0x0], $0xffff;
	[tilespmem:$0x1F2F0] =	vst v63  }
0x91: {  	[tilespmem:$0x1F500] =	vst v18;
	v18 =	vld.idx.msk [tilespmem:v14+s10+$0x0], $0xffff  }
0x92: {  	[tilespmem:$0x1F3B0] =	vst v16;
	v14 =	vld [tilespmem:$0x1FE00]  }
0x93: {  	v31 =	vld.idx.msk [tilespmem:v33+s2+$0x0], $0xffff;
	[tilespmem:$0x1F3D0] =	vst v19  }
0x94: {  	[tilespmem:$0x1F410] =	vst v22  }
0x95: {  	[tilespmem:$0x1F430] =	vst v21  }
0x96: {  	[tilespmem:$0x1F450] =	vst v24;
	v19 =	vsub.f32 $1.000000000e+00, v32  }
0x97: {  	v34 =	vld.idx.msk [tilespmem:v34+s2+$0x0], $0xffff;
	[tilespmem:$0x1F470] =	vst v23  }
0x98: {  	v33 =	vld.idx.msk [tilespmem:v36+s2+$0x0], $0xffff;
	[tilespmem:$0x1F520] =	vst v19;
	v19 =	vsub.f32 $1.000000000e+00, v31  }
0x99: {  	v37 =	vld.idx.msk [tilespmem:v37+s2+$0x0], $0xffff;
	[tilespmem:$0x1F490] =	vst v27  }
0x9a: {  	[tilespmem:$0x1F540] =	vst v19;
	v19 =	vld.idx.msk [tilespmem:v14+s10+$0x0], $0xffff  }
0x9b: {  	[tilespmem:$0x1F4B0] =	vst v26;
	v14 =	vld [tilespmem:$0x1FE10]  }
0x9c: {  	v38 =	vld [tilespmem:$0x1FEE0];
	[tilespmem:$0x1F4D0] =	vst v29  }
0x9d: {  	v39 =	vld [tilespmem:$0x1FEF0];
	[tilespmem:$0x1F4F0] =	vst v28  }
0x9e: {  	v41 =	vld [tilespmem:$0x1FF00];
	[tilespmem:$0x1F510] =	vst v32  }
0x9f: {  	[tilespmem:$0x1F340] =	vst v10;
	v10 =	vld.idx.msk [tilespmem:v20+s10+$0x0], $0xffff;
	v20 =	vsub.f32 $1.000000000e+00, v34  }
0xa0: {  	v1 =	vld.idx.msk [tilespmem:v1+s10+$0x0], $0xffff;
	[tilespmem:$0x1F530] =	vst v31  }
0xa1: {  	v2 =	vld.idx.msk [tilespmem:v2+s10+$0x0], $0xffff;
	[tilespmem:$0x1F560] =	vst v20;
	v20 =	vsub.f32 $1.000000000e+00, v33  }
0xa2: {  	v3 =	vld.idx.msk [tilespmem:v3+s10+$0x0], $0xffff;
	[tilespmem:$0x1F550] =	vst v34  }
0xa3: {  	[tilespmem:$0x1F580] =	vst v20;
	v20 =	vld.idx.msk [tilespmem:v14+s10+$0x0], $0xffff  }
0xa4: {  	v52 =	vsub.f32 $1.000000000e+00, v52;
	[tilespmem:$0x1F570] =	vst v33;
	v14 =	vld [tilespmem:$0x1FE20]  }
0xa5: {  	[tilespmem:$0x1F590] =	vst v37;
	v36 =	vld.idx.msk [tilespmem:v38+s2+$0x0], $0xffff  }
0xa6: {  	[tilespmem:$0x1F1C0] =	vst v52;
	v52 =	vld.idx.msk [tilespmem:v15+s10+$0x0], $0xffff;
	v15 =	vsub.f32 $1.000000000e+00, v22  }
0xa7: {  	[tilespmem:$0x1F7F0] =	vst v1  }
0xa8: {  	v4 =	vld.idx.msk [tilespmem:v4+s10+$0x0], $0xffff;
	[tilespmem:$0x1F420] =	vst v15;
	v15 =	vsub.f32 $1.000000000e+00, v21;
	v21 =	vsub.f32 $1.000000000e+00, v37  }
0xa9: {  	[tilespmem:$0x1F810] =	vst v2  }
0xaa: {  	v42 =	vld [tilespmem:$0x1FF10];
	[tilespmem:$0x1F5A0] =	vst v21;
	v21 =	vsub.f32 $1.000000000e+00, v36  }
0xab: {  	[tilespmem:$0x1F830] =	vst v3;
	v39 =	vld.idx.msk [tilespmem:v39+s2+$0x0], $0xffff  }
0xac: {  	v48 =	vsub.f32 $1.000000000e+00, v48;
	[tilespmem:$0x1F5C0] =	vst v21;
	v21 =	vld.idx.msk [tilespmem:v14+s10+$0x0], $0xffff  }
0xad: {  	v54 =	vsub.f32 $1.000000000e+00, v54;
	[tilespmem:$0x1F850] =	vst v4;
	v14 =	vld [tilespmem:$0x1FE30]  }
0xae: {  	v55 =	vsub.f32 $1.000000000e+00, v55;
	[tilespmem:$0x1F1A0] =	vst v48;
	v38 =	vld.idx.msk [tilespmem:v41+s2+$0x0], $0xffff  }
0xaf: {  	v43 =	vld [tilespmem:$0x1FF20];
	v56 =	vsub.f32 $1.000000000e+00, v56;
	[tilespmem:$0x1F1E0] =	vst v54  }
0xb0: {  	v57 =	vsub.f32 $1.000000000e+00, v57;
	[tilespmem:$0x1F200] =	vst v55  }
0xb1: {  	[tilespmem:$0x1F220] =	vst v56;
	v22 =	vsub.f32 $1.000000000e+00, v39  }
0xb2: {  	v58 =	vsub.f32 $1.000000000e+00, v58;
	[tilespmem:$0x1F240] =	vst v57  }
0xb3: {  	v44 =	vld [tilespmem:$0x1FF30];
	[tilespmem:$0x1F5E0] =	vst v22;
	v22 =	vsub.f32 $1.000000000e+00, v38  }
0xb4: {  	v59 =	vsub.f32 $1.000000000e+00, v59;
	[tilespmem:$0x1F260] =	vst v58;
	v42 =	vld.idx.msk [tilespmem:v42+s2+$0x0], $0xffff  }
0xb5: {  	v60 =	vsub.f32 $1.000000000e+00, v60;
	[tilespmem:$0x1F600] =	vst v22;
	v22 =	vld.idx.msk [tilespmem:v14+s10+$0x0], $0xffff  }
0xb6: {  	[tilespmem:$0x1F280] =	vst v59;
	v14 =	vld [tilespmem:$0x1FE40]  }
0xb7: {  	v61 =	vsub.f32 $1.000000000e+00, v61;
	[tilespmem:$0x1F2A0] =	vst v60;
	v41 =	vld.idx.msk [tilespmem:v43+s2+$0x0], $0xffff  }
0xb8: {  	v46 =	vld [tilespmem:$0x1FF40];
	[tilespmem:$0x1F3A0] =	vst v12;
	v12 =	vsub.f32 $1.000000000e+00, v16;
	v16 =	vsub.f32 $1.000000000e+00, v24  }
0xb9: {  	v62 =	vsub.f32 $1.000000000e+00, v62;
	[tilespmem:$0x1F2C0] =	vst v61  }
0xba: {  	[tilespmem:$0x1F460] =	vst v16;
	v16 =	vsub.f32 $1.000000000e+00, v23;
	v23 =	vsub.f32 $1.000000000e+00, v42  }
0xbb: {  	v63 =	vsub.f32 $1.000000000e+00, v63;
	[tilespmem:$0x1F2E0] =	vst v62  }
0xbc: {  	v47 =	vld [tilespmem:$0x1FF50];
	[tilespmem:$0x1F620] =	vst v23;
	v23 =	vsub.f32 $1.000000000e+00, v41  }
0xbd: {  	[tilespmem:$0x1F300] =	vst v63;
	v54 =	vsub.f32 $1.000000000e+00, v1;
	v44 =	vld.idx.msk [tilespmem:v44+s2+$0x0], $0xffff  }
0xbe: {  	v56 =	vsub.f32 $1.000000000e+00, v2;
	[tilespmem:$0x1F640] =	vst v23;
	v23 =	vld.idx.msk [tilespmem:v14+s10+$0x0], $0xffff  }
0xbf: {  	v57 =	vsub.f32 $1.000000000e+00, v3;
	[tilespmem:$0x1F800] =	vst v54;
	v14 =	vld [tilespmem:$0x1FE50]  }
0xc0: {  	v59 =	vsub.f32 $1.000000000e+00, v4;
	v43 =	vld.idx.msk [tilespmem:v46+s2+$0x0], $0xffff;
	[tilespmem:$0x1F820] =	vst v56  }
0xc1: {  	v49 =	vld [tilespmem:$0x1FF60];
	[tilespmem:$0x1F840] =	vst v57  }
0xc2: {  	v50 =	vld [tilespmem:$0x1FF70];
	[tilespmem:$0x1F860] =	vst v59  }
0xc3: {  	v58 =	vld [tilespmem:$0x1FEC0];
	[tilespmem:$0x1F440] =	vst v15;
	v24 =	vsub.f32 $1.000000000e+00, v44  }
0xc4: {  	v61 =	vld [tilespmem:$0x1FED0];
	[tilespmem:$0x1F910] =	vst v52  }
0xc5: {  	v48 =	vld [tilespmem:$0x1FF40];
	[tilespmem:$0x1F660] =	vst v24;
	v24 =	vsub.f32 $1.000000000e+00, v43  }
0xc6: {  	v47 =	vld.idx.msk [tilespmem:v47+s2+$0x0], $0xffff;
	[tilespmem:$0x1F5B0] =	vst v36  }
0xc7: {  	[tilespmem:$0x1F680] =	vst v24;
	v24 =	vld.idx.msk [tilespmem:v14+s10+$0x0], $0xffff  }
0xc8: {  	[tilespmem:$0x1F5D0] =	vst v39;
	v14 =	vld [tilespmem:$0x1FE60]  }
0xc9: {  	v46 =	vld.idx.msk [tilespmem:v49+s2+$0x0], $0xffff;
	[tilespmem:$0x1F5F0] =	vst v38  }
0xca: {  	v49 =	vld [tilespmem:$0x1FF80];
	[tilespmem:$0x1F610] =	vst v42  }
0xcb: {  	v50 =	vld.idx.msk [tilespmem:v50+s2+$0x0], $0xffff;
	[tilespmem:$0x1F630] =	vst v41  }
0xcc: {  	[tilespmem:$0x1F380] =	vst v11;
	v11 =	vld.idx.msk [tilespmem:v25+s10+$0x0], $0xffff;
	v25 =	vsub.f32 $1.000000000e+00, v47  }
0xcd: {  	v15 =	vld.idx.msk [tilespmem:v40+s10+$0x0], $0xffff;
	[tilespmem:$0x1F650] =	vst v44  }
0xce: {  	v2 =	vld.idx.msk [tilespmem:v58+s10+$0x0], $0xffff;
	[tilespmem:$0x1F6A0] =	vst v25;
	v25 =	vsub.f32 $1.000000000e+00, v46  }
0xcf: {  	[tilespmem:$0x1F670] =	vst v43;
	v62 =	vld.idx.msk [tilespmem:v61+s10+$0x0], $0xffff  }
0xd0: {  	[tilespmem:$0x1F6C0] =	vst v25;
	v25 =	vld.idx.msk [tilespmem:v14+s10+$0x0], $0xffff  }
0xd1: {  	[tilespmem:$0x1F690] =	vst v47;
	v14 =	vld [tilespmem:$0x1FE70]  }
0xd2: {  	[tilespmem:$0x1F6B0] =	vst v46;
	v49 =	vld.idx.msk [tilespmem:v49+s2+$0x0], $0xffff  }
0xd3: {  	[tilespmem:$0x1F6D0] =	vst v50;
	v3 =	vld.idx.msk [tilespmem:v48+s10+$0x0], $0xffff  }
0xd4: {  	[tilespmem:$0x1F9B0] =	vst v15  }
0xd5: {  	[tilespmem:$0x1FBB0] =	vst v2;
	v26 =	vsub.f32 $1.000000000e+00, v50  }
0xd6: {  	[tilespmem:$0x1FBC0] =	vst v62  }
0xd7: {  	[tilespmem:$0x1F6E0] =	vst v26;
	v26 =	vsub.f32 $1.000000000e+00, v49  }
0xd8: {  	[tilespmem:$0x1FC30] =	vst v3  }
0xd9: {  	[tilespmem:$0x1F700] =	vst v26;
	v26 =	vld.idx.msk [tilespmem:v14+s10+$0x0], $0xffff  }
0xda: {  	[tilespmem:$0x1F6F0] =	vst v49;
	v14 =	vld [tilespmem:$0x1F710]  }
0xdb: {  	[tilespmem:$0x1F3C0] =	vst v12  }
0xdc: {  	[tilespmem:$0x1F7D0] =	vst v0  }
0xdd: {  	[tilespmem:$0x1F870] =	vst v5  }
0xde: {  	[tilespmem:$0x1F890] =	vst v6  }
0xdf: {  	[tilespmem:$0x1F8B0] =	vst v7;
	v27 =	vsub.f32 $1.000000000e+00, v14;
	v14 =	vld [tilespmem:$0x1F730]  }
0xe0: {  	[tilespmem:$0x1F8D0] =	vst v8  }
0xe1: {  	v34 =	vsub.f32 $1.000000000e+00, v52;
	[tilespmem:$0x1F8F0] =	vst v9  }
0xe2: {  	v55 =	vld [tilespmem:$0x1FEB0];
	[tilespmem:$0x1F480] =	vst v16  }
0xe3: {  	v56 =	vld [tilespmem:$0x1FF60];
	v0 =	vsub.f32 $1.000000000e+00, v0;
	[tilespmem:$0x1F920] =	vst v34  }
0xe4: {  	v60 =	vsub.f32 $1.000000000e+00, v5;
	[tilespmem:$0x1F720] =	vst v27;
	v27 =	vsub.f32 $1.000000000e+00, v14;
	v14 =	vld [tilespmem:$0x1FE80]  }
0xe5: {  	v59 =	vld [tilespmem:$0x1FF70];
	v63 =	vsub.f32 $1.000000000e+00, v6;
	[tilespmem:$0x1F7E0] =	vst v0  }
0xe6: {  	v39 =	vld [tilespmem:$0x1FF10];
	v4 =	vsub.f32 $1.000000000e+00, v7;
	[tilespmem:$0x1F880] =	vst v60  }
0xe7: {  	v12 =	vld.idx.msk [tilespmem:v30+s10+$0x0], $0xffff;
	v7 =	vsub.f32 $1.000000000e+00, v8;
	[tilespmem:$0x1F8A0] =	vst v63  }
0xe8: {  	v42 =	vld [tilespmem:$0x1FF20];
	v32 =	vsub.f32 $1.000000000e+00, v9;
	[tilespmem:$0x1F8C0] =	vst v4  }
0xe9: {  	v52 =	vld [tilespmem:$0x1FF50];
	[tilespmem:$0x1F8E0] =	vst v7  }
0xea: {  	v6 =	vld [tilespmem:$0x1FEE0];
	[tilespmem:$0x1F900] =	vst v32  }
0xeb: {  	v16 =	vld.idx.msk [tilespmem:v45+s10+$0x0], $0xffff;
	v41 =	vsub.f32 $1.000000000e+00, v15;
	[tilespmem:$0x1F400] =	vst v13  }
0xec: {  	[tilespmem:$0x1F740] =	vst v27;
	v27 =	vld.idx.msk [tilespmem:v14+s10+$0x0], $0xffff  }
0xed: {  	[tilespmem:$0x1F9C0] =	vst v41;
	v14 =	vld [tilespmem:$0x1F750]  }
0xee: {  	v13 =	vld.idx.msk [tilespmem:v35+s10+$0x0], $0xffff;
	[tilespmem:$0x1F930] =	vst v10;
	v35 =	vsub.f32 $1.000000000e+00, v10  }
0xef: {  	v0 =	vld.idx.msk [tilespmem:v55+s10+$0x0], $0xffff;
	[tilespmem:$0x1F970] =	vst v12  }
0xf0: {  	v7 =	vld.idx.msk [tilespmem:v59+s10+$0x0], $0xffff;
	v38 =	vsub.f32 $1.000000000e+00, v12;
	[tilespmem:$0x1F940] =	vst v35  }
0xf1: {  	v33 =	vld [tilespmem:$0x1FEF0];
	[tilespmem:$0x1F950] =	vst v11  }
0xf2: {  	[tilespmem:$0x1F980] =	vst v38;
	v28 =	vsub.f32 $1.000000000e+00, v14;
	v14 =	vld [tilespmem:$0x1F770]  }
0xf3: {  	v45 =	vld [tilespmem:$0x1FF30];
	[tilespmem:$0x1F9D0] =	vst v16  }
0xf4: {  	v60 =	vld [tilespmem:$0x1FFA0];
	v37 =	vsub.f32 $1.000000000e+00, v11;
	[tilespmem:$0x1FB90] =	vst v0  }
0xf5: {  	v10 =	vsub.f32 $1.000000000e+00, v62;
	v62 =	vld [tilespmem:$0x1FFC0];
	[tilespmem:$0x1FC60] =	vst v7  }
0xf6: {  	v11 =	vld.idx.msk [tilespmem:v39+s10+$0x0], $0xffff;
	[tilespmem:$0x1F960] =	vst v37  }
0xf7: {  	v43 =	vsub.f32 $1.000000000e+00, v16;
	[tilespmem:$0x1F760] =	vst v28;
	v28 =	vsub.f32 $1.000000000e+00, v14;
	v14 =	vld [tilespmem:$0x1FE90]  }
0xf8: {  	v31 =	vld.idx.msk [tilespmem:v42+s10+$0x0], $0xffff;
	v0 =	vsub.f32 $1.000000000e+00, v0;
	[tilespmem:$0x1F990] =	vst v13  }
0xf9: {  	v4 =	vld.idx.msk [tilespmem:v52+s10+$0x0], $0xffff;
	v40 =	vsub.f32 $1.000000000e+00, v13;
	[tilespmem:$0x1F9E0] =	vst v43  }
0xfa: {  	v30 =	vld.idx.msk [tilespmem:v6+s10+$0x0], $0xffff;
	[tilespmem:$0x1FBA0] =	vst v0  }
0xfb: {  	v6 =	vld.idx.msk [tilespmem:v56+s10+$0x0], $0xffff;
	[tilespmem:$0x1F9A0] =	vst v40  }
0xfc: {  	v8 =	vld.idx.msk [tilespmem:v33+s10+$0x0], $0xffff;
	[tilespmem:$0x1F9F0] =	vst v17;
	v44 =	vsub.f32 $1.000000000e+00, v17  }
0xfd: {  	v1 =	vld.idx.msk [tilespmem:v45+s10+$0x0], $0xffff;
	[tilespmem:$0x1FC00] =	vst v11  }
0xfe: {  	v0 =	vld.idx.msk [tilespmem:v60+s10+$0x0], $0xffff;
	[tilespmem:$0x1FA00] =	vst v44  }
0xff: {  	[tilespmem:$0x1F780] =	vst v28;
	v28 =	vld.idx.msk [tilespmem:v14+s10+$0x0], $0xffff  }
0x100: {  	[tilespmem:$0x1FC10] =	vst v31;
	v14 =	vld [tilespmem:$0x1F790]  }
0x101: {  	[tilespmem:$0x1FBE0] =	vst v8;
	v13 =	vsub.f32 $1.000000000e+00, v8;
	v8 =	vld [tilespmem:$0x1FFD0]  }
0x102: {  	v5 =	vld.idx.msk [tilespmem:v62+s10+$0x0], $0xffff;
	[tilespmem:$0x1FC40] =	vst v4  }
0x103: {  	v63 =	vld [tilespmem:$0x1FFF0];
	[tilespmem:$0x1FBD0] =	vst v30  }
0x104: {  	[tilespmem:$0x1FC50] =	vst v6  }
0x105: {  	[tilespmem:$0x1FC20] =	vst v1;
	v29 =	vsub.f32 $1.000000000e+00, v14;
	v14 =	vld [tilespmem:$0x1F7B0]  }
0x106: {  	[tilespmem:$0x1FC90] =	vst v0  }
0x107: {  	[tilespmem:$0x1FCB0] =	vst v5  }
0x108: {  	[tilespmem:$0x1FA10] =	vst v18  }
0x109: {  	v46 =	vsub.f32 $1.000000000e+00, v18;
	v8 =	vld.idx.msk [tilespmem:v8+s10+$0x0], $0xffff;
	[tilespmem:$0x1FA30] =	vst v19;
	v9 =	vsub.f32 $1.000000000e+00, v26  }
0x10a: {  	v47 =	vsub.f32 $1.000000000e+00, v19;
	[tilespmem:$0x1F7A0] =	vst v29;
	v29 =	vsub.f32 $1.000000000e+00, v14;
	v14 =	vld [tilespmem:$0x1FEA0]  }
0x10b: {  	v19 =	vsub.f32 $1.000000000e+00, v1;
	v1 =	vld.idx.msk [tilespmem:v63+s10+$0x0], $0xffff;
	[tilespmem:$0x1FB20] =	vst v9;
	v9 =	vsub.f32 $1.000000000e+00, v27  }
0x10c: {  	[tilespmem:$0x1FA20] =	vst v46  }
0x10d: {  	[tilespmem:$0x1FB40] =	vst v9;
	v9 =	vld [tilespmem:$0x1FF80]  }
0x10e: {  	[tilespmem:$0x1FCC0] =	vst v8  }
0x10f: {  	[tilespmem:$0x1FA40] =	vst v47  }
0x110: {  	[tilespmem:$0x1FCD0] =	vst v1  }
0x111: {  	[tilespmem:$0x1FA50] =	vst v20;
	v49 =	vsub.f32 $1.000000000e+00, v20  }
0x112: {  	[tilespmem:$0x1F7C0] =	vst v29;
	v29 =	vld.idx.msk [tilespmem:v14+s10+$0x0], $0xffff  }
0x113: {  	[tilespmem:$0x1FA60] =	vst v49;
	v50 =	vsub.f32 $1.000000000e+00, v21  }
0x114: {  	[tilespmem:$0x1FA70] =	vst v21  }
0x115: {  	[tilespmem:$0x1FA80] =	vst v50;
	v17 =	vld.idx.msk [tilespmem:v9+s10+$0x0], $0xffff;
	v9 =	vsub.f32 $1.000000000e+00, v28  }
0x116: {  	[tilespmem:$0x1FA90] =	vst v22;
	v54 =	vsub.f32 $1.000000000e+00, v22  }
0x117: {  	[tilespmem:$0x1FB60] =	vst v9;
	v9 =	vsub.f32 $1.000000000e+00, v29  }
0x118: {  	v36 =	vld [tilespmem:$0x1FF00];
	[tilespmem:$0x1FAA0] =	vst v54  }
0x119: {  	v55 =	vsub.f32 $1.000000000e+00, v23;
	[tilespmem:$0x1FB80] =	vst v9;
	v9 =	vld [tilespmem:$0x1FF90]  }
0x11a: {  	v61 =	vld [tilespmem:$0x1FFB0];
	[tilespmem:$0x1FAB0] =	vst v23  }
0x11b: {  	[tilespmem:$0x1FAC0] =	vst v55;
	v57 =	vsub.f32 $1.000000000e+00, v24  }
0x11c: {  	[tilespmem:$0x1FAD0] =	vst v24  }
0x11d: {  	[tilespmem:$0x1FAE0] =	vst v57;
	v58 =	vsub.f32 $1.000000000e+00, v25  }
0x11e: {  	[tilespmem:$0x1FAF0] =	vst v25  }
0x11f: {  	[tilespmem:$0x1FB00] =	vst v58  }
0x120: {  	v16 =	vsub.f32 $1.000000000e+00, v11;
	v12 =	vsub.f32 $1.000000000e+00, v30;
	[tilespmem:$0x1FB10] =	vst v26;
	v14 =	vld.idx.msk [tilespmem:v36+s10+$0x0], $0xffff  }
0x121: {  	v30 =	vsub.f32 $1.000000000e+00, v0;
	v33 =	vsub.f32 $1.000000000e+00, v5;
	[tilespmem:$0x1FB30] =	vst v27;
	v20 =	vld.idx.msk [tilespmem:v9+s10+$0x0], $0xffff  }
0x122: {  	v18 =	vsub.f32 $1.000000000e+00, v31;
	[tilespmem:$0x1FC70] =	vst v17;
	v9 =	vsub.f32 $1.000000000e+00, v2;
	v2 =	vld.idx.msk [tilespmem:v61+s10+$0x0], $0xffff  }
0x123: {  	v34 =	vsub.f32 $1.000000000e+00, v8;
	v21 =	vsub.f32 $1.000000000e+00, v3;
	[tilespmem:$0x1FB50] =	vst v28  }
0x124: {  	v22 =	vsub.f32 $1.000000000e+00, v4;
	v24 =	vsub.f32 $1.000000000e+00, v6;
	[tilespmem:$0x1FB70] =	vst v29  }
0x125: {  	v25 =	vsub.f32 $1.000000000e+00, v7;
	v27 =	vsub.f32 $1.000000000e+00, v17;
	[tilespmem:$0x1FBF0] =	vst v14  }
0x126: {  	v36 =	vsub.f32 $1.000000000e+00, v1;
	v15 =	vsub.f32 $1.000000000e+00, v14;
	[tilespmem:$0x1FC80] =	vst v20  }
0x127: {  	s13 =	simm.s32 $0x0;
	v37 =	vimm.f32 $0.0e+00;
	v28 =	vsub.f32 $1.000000000e+00, v20;
	[tilespmem:$0x1FCA0] =	vst v2;
	v31 =	vsub.f32 $1.000000000e+00, v2  }
.LBB2_2:
0x128: {  	s14 =	sshra.s32 s13, $0x2;
	v14 =	vld [tilespmem:$0x1F1A0]  }
0x129: {  	v5 =	vld [tilespmem:s14+$0x3200]  }
0x12a: {  	v20 =	vld [tilespmem:$0x1F1C0];
	_ =	sdelay $0x1  }
0x12b: {  	v23 =	vld [tilespmem:$0x1F1E0];
	_ =	sdelay $0x1  }
0x12c: {  	v26 =	vld [tilespmem:$0x1F200];
	vm0 =	vgt.s32 v5, $0xFFFFFFFF;
	vm1 =	vgt.s32 v5, $0x7  }
0x12d: {  	v2 =	vnsel vm0, $0x3F800000, v14;
	v8 =	vnsel vm1, $0x3F800000, v20  }
0x12e: {  	v29 =	vld [tilespmem:$0x1F220];
	vm6 =	vgt.s32 v5, $0xF;
	v2 =	vmul.f32 v8, v2  }
0x12f: {  	v8 =	vnsel vm6, $0x3F800000, v23  }
0x130: {  	v32 =	vld [tilespmem:$0x1F240];
	vm7 =	vgt.s32 v5, $0x17;
	v2 =	vmul.f32 v8, v2  }
0x131: {  	v8 =	vnsel vm7, $0x3F800000, v26  }
0x132: {  	v35 =	vld [tilespmem:$0x1F260];
	vm8 =	vgt.s32 v5, $0x1F;
	v2 =	vmul.f32 v8, v2  }
0x133: {  	v8 =	vnsel vm8, $0x3F800000, v29  }
0x134: {  	v38 =	vld [tilespmem:$0x1F280];
	vm9 =	vgt.s32 v5, $0x27;
	v2 =	vmul.f32 v8, v2  }
0x135: {  	v8 =	vnsel vm9, $0x3F800000, v32  }
0x136: {  	v39 =	vld [tilespmem:$0x1F2A0];
	vm10 =	vgt.s32 v5, $0x2F;
	v2 =	vmul.f32 v8, v2  }
0x137: {  	v8 =	vnsel vm10, $0x3F800000, v35  }
0x138: {  	v40 =	vld [tilespmem:$0x1F2C0];
	vm11 =	vgt.s32 v5, $0x37;
	v2 =	vmul.f32 v8, v2  }
0x139: {  	v8 =	vnsel vm11, $0x3F800000, v38  }
0x13a: {  	v41 =	vld [tilespmem:$0x1F2E0];
	vm12 =	vgt.s32 v5, $0x3F;
	v2 =	vmul.f32 v8, v2  }
0x13b: {  	v8 =	vnsel vm12, $0x3F800000, v39  }
0x13c: {  	v42 =	vld [tilespmem:$0x1F300];
	vm13 =	vgt.s32 v5, $0x47;
	v2 =	vmul.f32 v8, v2  }
0x13d: {  	v8 =	vnsel vm13, $0x3F800000, v40  }
0x13e: {  	v43 =	vld [tilespmem:$0x1F320];
	vm14 =	vgt.s32 v5, $0x4F;
	v2 =	vmul.f32 v8, v2  }
0x13f: {  	v8 =	vnsel vm14, $0x3F800000, v41  }
0x140: {  	v44 =	vld [tilespmem:$0x1F340];
	vm15 =	vgt.s32 v5, $0x57;
	v2 =	vmul.f32 v8, v2  }
0x141: {  	v8 =	vnsel vm15, $0x3F800000, v42  }
0x142: {  	v45 =	vld [tilespmem:$0x1F360];
	vm4 =	vgt.s32 v5, $0x5F;
	v2 =	vmul.f32 v8, v2  }
0x143: {  	v8 =	vnsel vm4, $0x3F800000, v43  }
0x144: {  	v46 =	vld [tilespmem:$0x1F380];
	vm5 =	vgt.s32 v5, $0x67;
	v2 =	vmul.f32 v8, v2  }
0x145: {  	v8 =	vnsel vm5, $0x3F800000, v44  }
0x146: {  	v47 =	vld [tilespmem:$0x1F3A0];
	vm6 =	vgt.s32 v5, $0x6F;
	v2 =	vmul.f32 v8, v2  }
0x147: {  	v8 =	vnsel vm6, $0x3F800000, v45  }
0x148: {  	v48 =	vld [tilespmem:$0x1F3C0];
	vm7 =	vgt.s32 v5, $0x77;
	v2 =	vmul.f32 v8, v2  }
0x149: {  	v8 =	vnsel vm7, $0x3F800000, v46  }
0x14a: {  	v49 =	vld [tilespmem:$0x1F3E0];
	vm8 =	vgt.s32 v5, $0x7F;
	v2 =	vmul.f32 v8, v2  }
0x14b: {  	v8 =	vnsel vm8, $0x3F800000, v47  }
0x14c: {  	v50 =	vld [tilespmem:$0x1F400];
	vm9 =	vgt.s32 v5, $0x87;
	v2 =	vmul.f32 v8, v2  }
0x14d: {  	v8 =	vnsel vm9, $0x3F800000, v48  }
0x14e: {  	v56 =	vld [tilespmem:$0x1F420];
	vm10 =	vgt.s32 v5, $0x8F;
	v2 =	vmul.f32 v8, v2  }
0x14f: {  	v8 =	vnsel vm10, $0x3F800000, v49  }
0x150: {  	v59 =	vld [tilespmem:$0x1F440];
	vm11 =	vgt.s32 v5, $0x97;
	v2 =	vmul.f32 v8, v2  }
0x151: {  	v8 =	vnsel vm11, $0x3F800000, v50  }
0x152: {  	v62 =	vld [tilespmem:$0x1F460];
	vm12 =	vgt.s32 v5, $0x9F;
	v2 =	vmul.f32 v8, v2  }
0x153: {  	v8 =	vnsel vm12, $0x3F800000, v56  }
0x154: {  	v0 =	vld [tilespmem:$0x1F480];
	vm13 =	vgt.s32 v5, $0xA7;
	v2 =	vmul.f32 v8, v2  }
0x155: {  	v8 =	vnsel vm13, $0x3F800000, v59  }
0x156: {  	v52 =	vld [tilespmem:$0x1F4A0];
	vm14 =	vgt.s32 v5, $0xAF;
	v2 =	vmul.f32 v8, v2  }
0x157: {  	v8 =	vnsel vm14, $0x3F800000, v62  }
0x158: {  	vm15 =	vgt.s32 v5, $0xB7;
	v2 =	vmul.f32 v8, v2  }
0x159: {  	v8 =	vnsel vm15, $0x3F800000, v0  }
0x15a: {  	v11 =	vld [tilespmem:$0x1F190];
	vm4 =	veq.s32 v5, $0x0;
	vm5 =	vgt.s32 v5, $0xBF;
	v2 =	vmul.f32 v8, v2  }
0x15b: {  	v17 =	vld [tilespmem:$0x1F1B0];
	v8 =	vnsel vm4, $0x3F800000, v14;
	v14 =	vnsel vm5, $0x3F800000, v52  }
0x15c: {  	v2 =	vmul.f32 v14, v2;
	v14 =	vld [tilespmem:$0x1F1D0];
	_ =	sdelay $0x2  }
0x15d: {  	v11 =	vnsel vm4, $0x3F800000, v11;
	vm6 =	veq.s32 v5, $0x8  }
0x15e: {  	v11 =	vsel vm6, v17, v11;
	vm7 =	veq.s32 v5, $0x10  }
0x15f: {  	v11 =	vsel vm7, v14, v11;
	v14 =	vld [tilespmem:$0x1F1F0]  }
0x160: {  	v17 =	vld [tilespmem:$0x1F210]  }
0x161: {  	v8 =	vsel vm6, v20, v8;
	v20 =	vld [tilespmem:$0x1F230];
	_ =	sdelay $0x1  }
0x162: {  	vm8 =	veq.s32 v5, $0x18  }
0x163: {  	vm9 =	veq.s32 v5, $0x20;
	v11 =	vsel vm8, v14, v11  }
0x164: {  	vm2 =	veq.s32 v5, $0x28;
	v11 =	vsel vm9, v17, v11  }
0x165: {  	v14 =	vand.u32 $0x7FFFFF, v2;
	v11 =	vsel vm2, v20, v11;
	v20 =	vld [tilespmem:$0x1F250]  }
0x166: {  	v14 =	vor.u32 $0x3F800000, v14  }
0x167: {  	v17 =	vmul.f32 $5.000000000e-01, v14  }
0x168: {  	vm0 =	vgt.f32 v14, $1.414213540e+00  }
0x169: {  	vm3 =	veq.s32 v5, $0x30;
	v14 =	vsel vm0, v17, v14;
	v17 =	vld [tilespmem:$0x1F270]  }
0x16a: {  	v11 =	vsel vm3, v20, v11;
	v20 =	vld [tilespmem:$0x1F290];
	_ =	sdelay $0x2  }
0x16b: {  	vm4 =	veq.s32 v5, $0x38  }
0x16c: {  	vm5 =	veq.s32 v5, $0x40;
	v11 =	vsel vm4, v17, v11;
	v17 =	vadd.f32 $1.000000000e+00, v14  }
0x16d: {  	v11 =	vsel vm5, v20, v11;
	v20 =	vld [tilespmem:$0x1F2B0]  }
0x16e: {  	(erf) = vrcp.f32 v17;
	v17 =	vld [tilespmem:$0x1F2D0];
	_ =	sdelay $0x2  }
0x16f: {  	vm10 =	veq.s32 v5, $0x48  }
0x170: {  	vm6 =	veq.s32 v5, $0x50;
	v11 =	vsel vm10, v20, v11  }
0x171: {  	v11 =	vsel vm6, v17, v11;
	v17 =	vld [tilespmem:$0x1F2F0];
	_ =	sdelay $0x3  }
0x172: {  	vm11 =	veq.s32 v5, $0x58  }
0x173: {  	v11 =	vsel vm11, v17, v11;
	v17 =	vld [tilespmem:$0x1F310];
	_ =	sdelay $0x3  }
0x174: {  	vm12 =	veq.s32 v5, $0x60  }
0x175: {  	v11 =	vsel vm12, v17, v11;
	v17 =	vld [tilespmem:$0x1F330];
	_ =	sdelay $0x3  }
0x176: {  	vm13 =	veq.s32 v5, $0x68  }
0x177: {  	v11 =	vsel vm13, v17, v11;
	v17 =	vld [tilespmem:$0x1F350];
	_ =	sdelay $0x3  }
0x178: {  	vm14 =	veq.s32 v5, $0x70  }
0x179: {  	v11 =	vsel vm14, v17, v11;
	v17 =	vld [tilespmem:$0x1F370]  }
0x17a: {  	v8 =	vsel vm7, v23, v8  }
0x17b: {  	v8 =	vsel vm8, v26, v8  }
0x17c: {  	v8 =	vsel vm9, v29, v8  }
0x17d: {  	vm1 =	veq.s32 v5, $0x78;
	v8 =	vsel vm2, v32, v8  }
0x17e: {  	v8 =	vsel vm3, v35, v8;
	v11 =	vsel vm1, v17, v11;
	v17 =	vld [tilespmem:$0x1F390]  }
0x17f: {  	v8 =	vsel vm4, v38, v8  }
0x180: {  	v8 =	vsel vm5, v39, v8  }
0x181: {  	v8 =	vsel vm10, v40, v8  }
0x182: {  	v8 =	vsel vm6, v41, v8;
	vm6 =	veq.s32 v5, $0x80  }
0x183: {  	v11 =	vsel vm6, v17, v11;
	v17 =	vld [tilespmem:$0x1F3B0];
	_ =	sdelay $0x3  }
0x184: {  	vm15 =	veq.s32 v5, $0x88  }
0x185: {  	v11 =	vsel vm15, v17, v11;
	v17 =	vld [tilespmem:$0x1F3D0];
	_ =	sdelay $0x3  }
0x186: {  	vm7 =	veq.s32 v5, $0x90;
	v14 =	vadd.f32 $-1.000000000e+00, v14  }
0x187: {  	v20 =	vld [tilespmem:$0x1F3F0];
	v11 =	vsel vm7, v17, v11;
	v17 =	vpop (erf)  }
0x188: {  	v14 =	vmul.f32 v17, v14;
	v17 =	vld [tilespmem:$0x1F410];
	_ =	sdelay $0x1  }
0x189: {  	v8 =	vsel vm11, v42, v8  }
0x18a: {  	v8 =	vsel vm12, v43, v8;
	vm12 =	veq.s32 v5, $0x98  }
0x18b: {  	vm8 =	veq.s32 v5, $0xA0;
	v11 =	vsel vm12, v20, v11  }
0x18c: {  	v11 =	vsel vm8, v17, v11;
	v17 =	vld [tilespmem:$0x1F430]  }
0x18d: {  	v20 =	vld [tilespmem:$0x1F450];
	_ =	sdelay $0x2  }
0x18e: {  	v8 =	vsel vm13, v44, v8;
	vm13 =	veq.s32 v5, $0xA8  }
0x18f: {  	vm9 =	veq.s32 v5, $0xB0;
	v11 =	vsel vm13, v17, v11  }
0x190: {  	v11 =	vsel vm9, v20, v11;
	v20 =	vld [tilespmem:$0x1F470];
	_ =	sdelay $0x3  }
0x191: {  	v8 =	vsel vm14, v45, v8;
	vm14 =	veq.s32 v5, $0xB8  }
0x192: {  	v11 =	vsel vm14, v20, v11;
	v20 =	vld [tilespmem:$0x1F490];
	_ =	sdelay $0x2  }
0x193: {  	v17 =	vmul.f32 v14, v14  }
0x194: {  	vm10 =	veq.s32 v5, $0xC0  }
0x195: {  	v23 =	vmul.f32 $1.428571490e-01, v17;
	v11 =	vsel vm10, v20, v11  }
0x196: {  	v26 =	vand.u32 $0x7FFFFF, v11  }
0x197: {  	v8 =	vsel vm1, v46, v8;
	v23 =	vadd.f32 $2.000000030e-01, v23;
	v26 =	vor.u32 $0x3F800000, v26  }
0x198: {  	v8 =	vsel vm6, v47, v8;
	v29 =	vmul.f32 $5.000000000e-01, v26  }
0x199: {  	v8 =	vsel vm15, v48, v8;
	v23 =	vmul.f32 v23, v17;
	vm15 =	vgt.f32 v26, $1.414213540e+00  }
0x19a: {  	v8 =	vsel vm7, v49, v8;
	v26 =	vsel vm15, v29, v26  }
0x19b: {  	v8 =	vsel vm12, v50, v8;
	v23 =	vadd.f32 $3.333333430e-01, v23;
	v29 =	vadd.f32 $1.000000000e+00, v26  }
0x19c: {  	v2 =	vshra.s32 v2, $0x17;
	v8 =	vsel vm8, v56, v8  }
0x19d: {  	v8 =	vsel vm13, v59, v8;
	v17 =	vmul.f32 v23, v17;
	(erf) = vrcp.f32 v29  }
0x19e: {  	v2 =	vadd.s32 $0xFFFFFF81, v2;
	v8 =	vsel vm9, v62, v8  }
0x19f: {  	v8 =	vsel vm14, v0, v8;
	v14 =	vadd.f32 v14, v14;
	v17 =	vadd.f32 $1.000000000e+00, v17  }
0x1a0: {  	v2 =	vcvt.s32.f32 v2;
	v23 =	vsel vm10, v52, v8;
	v8 =	vsel vm0, $0x3F800000, v51  }
0x1a1: {  	v40 =	vld [tilespmem:s14+$0x3210];
	v8 =	vmul.f32 $6.931471820e-01, v8;
	v14 =	vmul.f32 v17, v14;
	v17 =	vand.u32 $0x7FFFFF, v23  }
0x1a2: {  	v43 =	vld [tilespmem:$0x1F4E0];
	v17 =	vor.u32 $0x3F800000, v17  }
0x1a3: {  	v2 =	vmul.f32 $6.931471820e-01, v2;
	v8 =	vadd.f32 v14, v8;
	v14 =	vmul.f32 $5.000000000e-01, v17;
	v29 =	vld [tilespmem:s14+$0x3400]  }
0x1a4: {  	v0 =	vld [tilespmem:$0x1F4C0];
	vm0 =	vgt.f32 v17, $1.414213540e+00  }
0x1a5: {  	v42 =	vadd.f32 v8, v2;
	v57 =	vsel vm0, v14, v17;
	v8 =	vadd.f32 $-1.000000000e+00, v26  }
0x1a6: {  	v44 =	vld [tilespmem:$0x1F500];
	vm12 =	vgt.s32 v40, $0xFFFFFFFF;
	v14 =	vadd.f32 $1.000000000e+00, v57;
	v17 =	vpop (erf)  }
0x1a7: {  	vm13 =	vgt.s32 v40, $0x7;
	v26 =	vmul.f32 $1.442695020e+00, v42;
	v17 =	vmul.f32 v17, v8  }
0x1a8: {  	v45 =	vld [tilespmem:$0x1F520];
	(erf) = vrcp.f32 v14;
	vm11 =	veq.s32 v29, $0x1;
	v29 =	vnsel vm13, $0x3F800000, v43  }
0x1a9: {  	(erf) = vpow2.f32 v26;
	v26 =	vnsel vm12, $0x3F800000, v0;
	v14 =	vmul.f32 v17, v17  }
0x1aa: {  	v46 =	vld [tilespmem:$0x1F540];
	vm14 =	vgt.s32 v40, $0xF;
	v26 =	vmul.f32 v29, v26  }
0x1ab: {  	v58 =	vnsel vm14, $0x3F800000, v44;
	v29 =	vmul.f32 $1.428571490e-01, v14  }
0x1ac: {  	v47 =	vld [tilespmem:$0x1F560];
	v59 =	vsel vm15, $0x1, v51;
	vm15 =	vgt.s32 v40, $0x17;
	v26 =	vmul.f32 v58, v26  }
0x1ad: {  	v60 =	vnsel vm15, $0x3F800000, v45;
	v29 =	vadd.f32 $2.000000030e-01, v29  }
0x1ae: {  	vm4 =	vgt.s32 v40, $0x1F;
	v48 =	vld [tilespmem:$0x1F580];
	v26 =	vmul.f32 v60, v26  }
0x1af: {  	v61 =	vnsel vm4, $0x3F800000, v46;
	v29 =	vmul.f32 v29, v14  }
0x1b0: {  	vm5 =	vgt.s32 v40, $0x27;
	v49 =	vld [tilespmem:$0x1F5A0];
	v26 =	vmul.f32 v61, v26  }
0x1b1: {  	v1 =	vnsel vm5, $0x3F800000, v47;
	v29 =	vadd.f32 $3.333333430e-01, v29  }
0x1b2: {  	v50 =	vld [tilespmem:$0x1F5C0];
	vm6 =	vgt.s32 v40, $0x2F;
	v26 =	vmul.f32 v1, v26  }
0x1b3: {  	v14 =	vmul.f32 v29, v14;
	v29 =	vnsel vm6, $0x3F800000, v48  }
0x1b4: {  	vm7 =	vgt.s32 v40, $0x37;
	v2 =	vadd.f32 $-1.000000000e+00, v57;
	v26 =	vmul.f32 v29, v26  }
0x1b5: {  	v4 =	vnsel vm7, $0x3F800000, v49;
	v62 =	vpop (erf)  }
0x1b6: {  	vm8 =	vgt.s32 v40, $0x3F;
	v2 =	vmul.f32 v62, v2;
	v26 =	vmul.f32 v4, v26  }
0x1b7: {  	v52 =	vnsel vm8, $0x3F800000, v50;
	v63 =	vpop (erf)  }
0x1b8: {  	v32 =	vsub.f32 $1.000000000e+00, v63;
	v29 =	vmul.f32 v2, v2;
	v26 =	vmul.f32 v52, v26;
	v52 =	vld [tilespmem:$0x1F5E0];
	_ =	sdelay $0x1  }
0x1b9: {  	v41 =	vld [tilespmem:$0x1F600];
	vm9 =	vgt.s32 v40, $0x47;
	v3 =	vand.u32 $0x7FFFFF, v32;
	v7 =	vmul.f32 $1.428571490e-01, v29  }
0x1ba: {  	vm10 =	vgt.s32 v40, $0x4F;
	v8 =	vsel vm11, $0x3F800000, v53;
	v35 =	vor.u32 $0x3F800000, v3  }
0x1bb: {  	v17 =	vadd.f32 v17, v17;
	v6 =	vmul.f32 $5.000000000e-01, v35;
	v38 =	vadd.f32 $2.000000030e-01, v7  }
0x1bc: {  	vm1 =	vgt.f32 v35, $1.414213540e+00;
	v14 =	vadd.f32 $1.000000000e+00, v14;
	v53 =	vnsel vm9, $0x3F800000, v52  }
0x1bd: {  	v35 =	vsel vm1, v6, v35;
	v38 =	vmul.f32 v38, v29;
	v26 =	vmul.f32 v53, v26;
	v53 =	vld [tilespmem:$0x1F620]  }
0x1be: {  	v54 =	vnsel vm10, $0x3F800000, v41;
	v39 =	vadd.f32 $1.000000000e+00, v35  }
0x1bf: {  	v14 =	vmul.f32 v14, v17;
	v17 =	vmul.f32 v54, v26;
	v26 =	vadd.f32 $3.333333430e-01, v38;
	v38 =	vld [tilespmem:$0x1F640]  }
0x1c0: {  	v23 =	vshra.s32 v23, $0x17;
	v56 =	vsel vm0, $0x1, v51  }
0x1c1: {  	vm11 =	vgt.s32 v40, $0x57;
	(erf) = vrcp.f32 v39;
	v39 =	vld [tilespmem:$0x1F660];
	v26 =	vmul.f32 v26, v29  }
0x1c2: {  	v23 =	vadd.s32 v56, v23;
	vm12 =	vgt.s32 v40, $0x5F;
	v55 =	vnsel vm11, $0x3F800000, v53  }
0x1c3: {  	v56 =	vld [tilespmem:$0x1F680];
	v2 =	vadd.f32 v2, v2;
	v17 =	vmul.f32 v55, v17;
	v26 =	vadd.f32 $1.000000000e+00, v26  }
0x1c4: {  	vm14 =	vgt.s32 v40, $0x6F;
	vm13 =	vgt.s32 v40, $0x67;
	v29 =	vnsel vm12, $0x3F800000, v38  }
0x1c5: {  	v17 =	vmul.f32 v29, v17;
	v2 =	vmul.f32 v26, v2;
	v26 =	vadd.f32 $-1.000000000e+00, v35;
	v35 =	vld [tilespmem:$0x1F6A0]  }
0x1c6: {  	v11 =	vshra.s32 v11, $0x17;
	v23 =	vadd.s32 $0xFFFFFF81, v23;
	v29 =	vnsel vm13, $0x3F800000, v39  }
0x1c7: {  	v11 =	vadd.s32 v59, v11;
	v59 =	vld [tilespmem:$0x1F6C0];
	v23 =	vcvt.s32.f32 v23;
	v17 =	vmul.f32 v29, v17  }
0x1c8: {  	v11 =	vadd.s32 $0xFFFFFF81, v11;
	v29 =	vnsel vm14, $0x3F800000, v56  }
0x1c9: {  	vm15 =	vgt.s32 v40, $0x77;
	v23 =	vmul.f32 $6.931471820e-01, v23;
	v62 =	vld [tilespmem:$0x1F6E0];
	v17 =	vmul.f32 v29, v17  }
0x1ca: {  	v11 =	vcvt.s32.f32 v11;
	v29 =	vnsel vm15, $0x3F800000, v35  }
0x1cb: {  	vm4 =	vgt.s32 v40, $0x7F;
	v54 =	vld [tilespmem:$0x1F700];
	v2 =	vadd.f32 v2, v23;
	v17 =	vmul.f32 v29, v17  }
0x1cc: {  	vm5 =	vgt.s32 v40, $0x87;
	v11 =	vmul.f32 $6.931471820e-01, v11;
	v23 =	vnsel vm4, $0x3F800000, v59  }
0x1cd: {  	vm7 =	vgt.s32 v40, $0x8F;
	v55 =	vld [tilespmem:$0x1F720];
	v2 =	vsub.f32 v42, v2;
	v17 =	vmul.f32 v23, v17  }
0x1ce: {  	vm6 =	vgt.s32 v5, $0x0;
	v11 =	vadd.f32 v14, v11;
	v57 =	vpop (erf);
	v23 =	vnsel vm5, $0x3F800000, v62  }
0x1cf: {  	v26 =	vmul.f32 v57, v26;
	v57 =	vld [tilespmem:$0x1F740];
	v2 =	vnsel vm6, $0x0, v2;
	v17 =	vmul.f32 v23, v17  }
0x1d0: {  	v20 =	vld [tilespmem:$0x1F4B0];
	v2 =	vadd.f32 v2, v11;
	v11 =	vnsel vm7, $0x3F800000, v54  }
0x1d1: {  	vm8 =	vgt.s32 v40, $0x97;
	v11 =	vmul.f32 v11, v17  }
0x1d2: {  	vm9 =	vgt.s32 v40, $0x9F;
	v29 =	vnsel vm8, $0x3F800000, v55  }
0x1d3: {  	v23 =	vshra.s32 v32, $0x17;
	v17 =	vsel vm1, $0x1, v51;
	v11 =	vmul.f32 v29, v11  }
0x1d4: {  	vm11 =	veq.s32 v40, $0x0;
	v17 =	vadd.s32 v17, v23;
	v23 =	vnsel vm9, $0x3F800000, v57  }
0x1d5: {  	v11 =	vmul.f32 v23, v11;
	v23 =	vnsel vm11, $0x3F800000, v20;
	v20 =	vld [tilespmem:$0x1F4D0];
	_ =	sdelay $0x3  }
0x1d6: {  	vm13 =	veq.s32 v40, $0x8  }
0x1d7: {  	v23 =	vsel vm13, v20, v23;
	v20 =	vld [tilespmem:$0x1F4F0];
	_ =	sdelay $0x3  }
0x1d8: {  	vm15 =	veq.s32 v40, $0x10  }
0x1d9: {  	v23 =	vsel vm15, v20, v23;
	v20 =	vld [tilespmem:$0x1F510];
	_ =	sdelay $0x3  }
0x1da: {  	vm5 =	veq.s32 v40, $0x18  }
0x1db: {  	v23 =	vsel vm5, v20, v23;
	v20 =	vld [tilespmem:$0x1F530];
	_ =	sdelay $0x3  }
0x1dc: {  	vm6 =	veq.s32 v40, $0x20  }
0x1dd: {  	v23 =	vsel vm6, v20, v23;
	v20 =	vld [tilespmem:$0x1F550];
	_ =	sdelay $0x3  }
0x1de: {  	vm7 =	veq.s32 v40, $0x28  }
0x1df: {  	v23 =	vsel vm7, v20, v23;
	v20 =	vld [tilespmem:$0x1F570];
	_ =	sdelay $0x3  }
0x1e0: {  	v14 =	vmul.f32 v26, v26;
	vm8 =	veq.s32 v40, $0x30  }
0x1e1: {  	v23 =	vsel vm8, v20, v23;
	v20 =	vld [tilespmem:$0x1F590]  }
0x1e2: {  	v58 =	vmul.f32 $1.428571490e-01, v14;
	_ =	sdelay $0x1  }
0x1e3: {  	v5 =	vadd.f32 $2.000000030e-01, v58  }
0x1e4: {  	v58 =	vld [tilespmem:$0x1F760];
	vm9 =	veq.s32 v40, $0x38  }
0x1e5: {  	v5 =	vmul.f32 v5, v14;
	v23 =	vsel vm9, v20, v23;
	v20 =	vld [tilespmem:$0x1F5B0];
	_ =	sdelay $0x1  }
0x1e6: {  	v5 =	vadd.f32 $3.333333430e-01, v5  }
0x1e7: {  	vm10 =	vgt.s32 v40, $0xA7  }
0x1e8: {  	v5 =	vmul.f32 v5, v14;
	v14 =	vnsel vm10, $0x3F800000, v58;
	vm10 =	veq.s32 v40, $0x40  }
0x1e9: {  	v23 =	vsel vm10, v20, v23;
	v20 =	vld [tilespmem:$0x1F5D0];
	_ =	sdelay $0x3  }
0x1ea: {  	v11 =	vmul.f32 v14, v11;
	v14 =	vnsel vm11, $0x3F800000, v0;
	v0 =	vld [tilespmem:$0x1F780];
	vm11 =	veq.s32 v40, $0x48  }
0x1eb: {  	v23 =	vsel vm11, v20, v23;
	v20 =	vld [tilespmem:$0x1F5F0];
	_ =	sdelay $0x2  }
0x1ec: {  	vm12 =	vgt.s32 v40, $0xAF  }
0x1ed: {  	v29 =	vnsel vm12, $0x3F800000, v0;
	vm12 =	veq.s32 v40, $0x50  }
0x1ee: {  	v23 =	vsel vm12, v20, v23;
	v20 =	vld [tilespmem:$0x1F610];
	_ =	sdelay $0x3  }
0x1ef: {  	v60 =	vld [tilespmem:$0x1F7A0];
	v14 =	vsel vm13, v43, v14;
	vm13 =	veq.s32 v40, $0x58  }
0x1f0: {  	v23 =	vsel vm13, v20, v23;
	v20 =	vld [tilespmem:$0x1F630];
	_ =	sdelay $0x2  }
0x1f1: {  	vm14 =	vgt.s32 v40, $0xB7  }
0x1f2: {  	v11 =	vmul.f32 v29, v11;
	v29 =	vnsel vm14, $0x3F800000, v60;
	vm14 =	veq.s32 v40, $0x60  }
0x1f3: {  	v23 =	vsel vm14, v20, v23;
	v20 =	vld [tilespmem:$0x1F650];
	_ =	sdelay $0x3  }
0x1f4: {  	v14 =	vsel vm15, v44, v14;
	vm15 =	veq.s32 v40, $0x68  }
0x1f5: {  	v23 =	vsel vm15, v20, v23;
	v20 =	vld [tilespmem:$0x1F670];
	_ =	sdelay $0x2  }
0x1f6: {  	v14 =	vsel vm5, v45, v14  }
0x1f7: {  	v14 =	vsel vm6, v46, v14;
	vm6 =	veq.s32 v40, $0x70  }
0x1f8: {  	v23 =	vsel vm6, v20, v23;
	v20 =	vld [tilespmem:$0x1F690];
	_ =	sdelay $0x3  }
0x1f9: {  	v14 =	vsel vm7, v47, v14;
	vm7 =	veq.s32 v40, $0x78  }
0x1fa: {  	v23 =	vsel vm7, v20, v23;
	v20 =	vld [tilespmem:$0x1F6B0];
	_ =	sdelay $0x3  }
0x1fb: {  	v14 =	vsel vm8, v48, v14;
	vm8 =	veq.s32 v40, $0x80  }
0x1fc: {  	v23 =	vsel vm8, v20, v23;
	v20 =	vld [tilespmem:$0x1F6D0];
	_ =	sdelay $0x3  }
0x1fd: {  	v14 =	vsel vm9, v49, v14;
	vm9 =	veq.s32 v40, $0x88  }
0x1fe: {  	v23 =	vsel vm9, v20, v23;
	v20 =	vld [tilespmem:$0x1F6F0];
	_ =	sdelay $0x3  }
0x1ff: {  	v14 =	vsel vm10, v50, v14;
	vm10 =	veq.s32 v40, $0x90  }
0x200: {  	v23 =	vsel vm10, v20, v23;
	v20 =	vld [tilespmem:$0x1F710]  }
0x201: {  	v44 =	vld [tilespmem:$0x1F7C0];
	_ =	sdelay $0x2  }
0x202: {  	v14 =	vsel vm11, v52, v14;
	vm11 =	veq.s32 v40, $0x98  }
0x203: {  	vm4 =	vgt.s32 v40, $0xBF;
	v11 =	vmul.f32 v29, v11;
	v23 =	vsel vm11, v20, v23;
	v20 =	vld [tilespmem:$0x1F730]  }
0x204: {  	v29 =	vnsel vm4, $0x3F800000, v44  }
0x205: {  	v11 =	vmul.f32 v29, v11;
	_ =	sdelay $0x1  }
0x206: {  	v14 =	vsel vm12, v41, v14;
	v29 =	vand.u32 $0x7FFFFF, v11;
	vm12 =	veq.s32 v40, $0xA0  }
0x207: {  	v29 =	vor.u32 $0x3F800000, v29;
	v23 =	vsel vm12, v20, v23;
	v20 =	vld [tilespmem:$0x1F750]  }
0x208: {  	v47 =	vmul.f32 $5.000000000e-01, v29  }
0x209: {  	vm0 =	vgt.f32 v29, $1.414213540e+00  }
0x20a: {  	v29 =	vsel vm0, v47, v29  }
0x20b: {  	v14 =	vsel vm13, v53, v14;
	v32 =	vadd.f32 $1.000000000e+00, v29;
	vm13 =	veq.s32 v40, $0xA8  }
0x20c: {  	v23 =	vsel vm13, v20, v23;
	v20 =	vld [tilespmem:$0x1F770]  }
0x20d: {  	(erf) = vrcp.f32 v32;
	_ =	sdelay $0x2  }
0x20e: {  	v14 =	vsel vm14, v38, v14;
	vm14 =	veq.s32 v40, $0xB0  }
0x20f: {  	v23 =	vsel vm14, v20, v23;
	v20 =	vld [tilespmem:$0x1F790];
	_ =	sdelay $0x3  }
0x210: {  	v14 =	vsel vm15, v39, v14;
	v29 =	vadd.f32 $-1.000000000e+00, v29;
	vm15 =	veq.s32 v40, $0xB8  }
0x211: {  	v32 =	vpop (erf);
	v23 =	vsel vm15, v20, v23;
	v20 =	vld [tilespmem:$0x1F7B0]  }
0x212: {  	v14 =	vsel vm6, v56, v14;
	v29 =	vmul.f32 v32, v29  }
0x213: {  	v26 =	vadd.f32 v26, v26;
	v14 =	vsel vm7, v35, v14  }
0x214: {  	v5 =	vadd.f32 $1.000000000e+00, v5;
	v14 =	vsel vm8, v59, v14;
	v32 =	vmul.f32 v29, v29  }
0x215: {  	v17 =	vadd.s32 $0xFFFFFF81, v17;
	v14 =	vsel vm9, v62, v14;
	vm9 =	veq.s32 v40, $0xC0  }
0x216: {  	v5 =	vmul.f32 v5, v26;
	v53 =	vmul.f32 $1.428571490e-01, v32;
	v23 =	vsel vm9, v20, v23  }
0x217: {  	v14 =	vsel vm10, v54, v14;
	v54 =	vcvt.s32.f32 v17;
	v17 =	vand.u32 $0x7FFFFF, v23  }
0x218: {  	v43 =	vmul.f32 v2, v8;
	v26 =	vadd.f32 $2.000000030e-01, v53;
	v17 =	vor.u32 $0x3F800000, v17  }
0x219: {  	v11 =	vshra.s32 v11, $0x17;
	v14 =	vsel vm11, v55, v14;
	v55 =	vmul.f32 $5.000000000e-01, v17  }
0x21a: {  	v11 =	vadd.s32 $0xFFFFFF81, v11;
	v26 =	vmul.f32 v26, v32;
	vm10 =	vgt.f32 v17, $1.414213540e+00  }
0x21b: {  	v38 =	vld [tilespmem:$0x1F800];
	v2 =	vmul.f32 $6.931471820e-01, v54;
	v14 =	vsel vm12, v57, v14;
	v17 =	vsel vm10, v55, v17  }
0x21c: {  	v39 =	vld [tilespmem:s14+$0x3220];
	v26 =	vadd.f32 $3.333333430e-01, v26;
	v14 =	vsel vm13, v58, v14;
	v35 =	vadd.f32 $1.000000000e+00, v17  }
0x21d: {  	v11 =	vcvt.s32.f32 v11;
	v2 =	vadd.f32 v5, v2;
	v56 =	vsel vm14, v0, v14;
	v0 =	vld [tilespmem:$0x1F7E0]  }
0x21e: {  	v14 =	vmul.f32 v26, v32;
	v5 =	vsel vm15, v60, v56;
	(erf) = vrcp.f32 v35  }
0x21f: {  	v62 =	vsub.f32 $1.000000000e+00, v8;
	v59 =	vmul.f32 v2, v8;
	v57 =	vsel vm9, v44, v5;
	v44 =	vld [tilespmem:$0x1F820]  }
0x220: {  	v8 =	vadd.f32 v29, v29;
	v58 =	vmul.f32 $6.931471820e-01, v11;
	v11 =	vadd.f32 $1.000000000e+00, v14  }
0x221: {  	vm11 =	vgt.s32 v39, $0xFFFFFFFF;
	vm12 =	vgt.s32 v39, $0x7  }
0x222: {  	v45 =	vld [tilespmem:$0x1F840];
	v8 =	vmul.f32 v11, v8;
	v11 =	vnsel vm11, $0x3F800000, v0;
	v26 =	vnsel vm12, $0x3F800000, v38  }
0x223: {  	v29 =	vand.u32 $0x7FFFFF, v57;
	v11 =	vmul.f32 v26, v11;
	vm13 =	vgt.s32 v39, $0xF  }
0x224: {  	v47 =	vld [tilespmem:$0x1F860];
	vm4 =	vgt.s32 v39, $0x1F;
	v26 =	vor.u32 $0x3F800000, v29;
	v29 =	vnsel vm13, $0x3F800000, v44  }
0x225: {  	v14 =	vsel vm0, $0x3F800000, v51;
	v60 =	vmul.f32 $5.000000000e-01, v26;
	v11 =	vmul.f32 v29, v11  }
0x226: {  	v48 =	vld [tilespmem:$0x1F880];
	vm14 =	vgt.s32 v39, $0x17;
	vm15 =	vgt.f32 v26, $1.414213540e+00;
	v17 =	vadd.f32 $-1.000000000e+00, v17  }
0x227: {  	v14 =	vmul.f32 $6.931471820e-01, v14;
	v29 =	vnsel vm14, $0x3F800000, v45;
	v26 =	vsel vm15, v60, v26;
	v35 =	vpop (erf)  }
0x228: {  	v50 =	vld [tilespmem:$0x1F8A0];
	v11 =	vmul.f32 v29, v11;
	v29 =	vmul.f32 v35, v17;
	v17 =	vadd.f32 $1.000000000e+00, v26  }
0x229: {  	v61 =	vnsel vm4, $0x3F800000, v47;
	v8 =	vadd.f32 v8, v14  }
0x22a: {  	v52 =	vld [tilespmem:$0x1F8C0];
	vm5 =	vgt.s32 v39, $0x27;
	v11 =	vmul.f32 v61, v11;
	(erf) = vrcp.f32 v17  }
0x22b: {  	v49 =	vadd.f32 v8, v58;
	v14 =	vmul.f32 v29, v29;
	v17 =	vnsel vm5, $0x3F800000, v48  }
0x22c: {  	v53 =	vld [tilespmem:$0x1F8E0];
	vm6 =	vgt.s32 v39, $0x2F;
	vm7 =	vgt.s32 v39, $0x37;
	v63 =	vmul.f32 v17, v11  }
0x22d: {  	vm8 =	vgt.s32 v39, $0x3F;
	v17 =	vnsel vm6, $0x3F800000, v50;
	v11 =	vmul.f32 $1.428571490e-01, v14  }
0x22e: {  	v54 =	vld [tilespmem:$0x1F900];
	vm9 =	vgt.s32 v39, $0x47;
	v8 =	vshra.s32 v23, $0x17;
	v5 =	vmul.f32 v17, v63  }
0x22f: {  	v23 =	vsel vm10, $0x1, v51;
	v17 =	vnsel vm7, $0x3F800000, v52;
	v11 =	vadd.f32 $2.000000030e-01, v11  }
0x230: {  	v8 =	vadd.s32 v23, v8;
	v23 =	vmul.f32 $1.442695020e+00, v49;
	v55 =	vld [tilespmem:$0x1F920];
	v5 =	vmul.f32 v17, v5  }
0x231: {  	v8 =	vadd.s32 $0xFFFFFF81, v8;
	v17 =	vnsel vm8, $0x3F800000, v53;
	v11 =	vmul.f32 v11, v14  }
0x232: {  	v56 =	vld [tilespmem:$0x1F940];
	v5 =	vmul.f32 v17, v5;
	v17 =	vcvt.s32.f32 v8;
	v8 =	vadd.f32 $-1.000000000e+00, v26  }
0x233: {  	(erf) = vpow2.f32 v23;
	v23 =	vnsel vm9, $0x3F800000, v54;
	v11 =	vadd.f32 $3.333333430e-01, v11;
	v1 =	vpop (erf)  }
0x234: {  	vm10 =	vgt.s32 v39, $0x4F;
	v5 =	vmul.f32 v23, v5;
	v8 =	vmul.f32 v1, v8  }
0x235: {  	v2 =	vshra.s32 v57, $0x17;
	v57 =	vld [tilespmem:$0x1F960];
	v23 =	vnsel vm10, $0x3F800000, v55;
	v32 =	vmul.f32 v11, v14  }
0x236: {  	vm11 =	vgt.s32 v39, $0x57;
	v5 =	vmul.f32 v23, v5;
	v11 =	vmul.f32 v8, v8  }
0x237: {  	v58 =	vld [tilespmem:$0x1F980];
	v14 =	vnsel vm11, $0x3F800000, v56  }
0x238: {  	v5 =	vmul.f32 v14, v5;
	v14 =	vmul.f32 $1.428571490e-01, v11  }
0x239: {  	vm12 =	vgt.s32 v39, $0x5F;
	v60 =	vld [tilespmem:$0x1F9A0];
	v23 =	vsel vm15, $0x1, v51  }
0x23a: {  	v2 =	vadd.s32 v23, v2;
	v23 =	vnsel vm12, $0x3F800000, v57  }
0x23b: {  	vm13 =	vgt.s32 v39, $0x67;
	v61 =	vld [tilespmem:$0x1F9C0];
	v5 =	vmul.f32 v23, v5  }
0x23c: {  	v26 =	vadd.f32 v29, v29;
	v29 =	vnsel vm13, $0x3F800000, v58;
	v35 =	vadd.f32 $2.000000030e-01, v14;
	v14 =	vpop (erf)  }
0x23d: {  	vm14 =	vgt.s32 v39, $0x6F;
	v5 =	vmul.f32 v29, v5;
	v23 =	vsub.f32 $1.000000000e+00, v14  }
0x23e: {  	v46 =	vadd.f32 v8, v8;
	v8 =	vnsel vm14, $0x3F800000, v60  }
0x23f: {  	vm15 =	vgt.s32 v39, $0x77;
	v5 =	vmul.f32 v8, v5;
	v14 =	vand.u32 $0x7FFFFF, v23  }
0x240: {  	v8 =	vor.u32 $0x3F800000, v14;
	v14 =	vnsel vm15, $0x3F800000, v61  }
0x241: {  	v5 =	vmul.f32 v14, v5;
	v14 =	vld [tilespmem:$0x1F7D0]  }
0x242: {  	v20 =	vld [tilespmem:$0x1F7F0];
	_ =	sdelay $0x2  }
0x243: {  	vm6 =	veq.s32 v39, $0x0  }
0x244: {  	vm8 =	veq.s32 v39, $0x8;
	v14 =	vnsel vm6, $0x3F800000, v14  }
0x245: {  	v14 =	vsel vm8, v20, v14;
	v20 =	vld [tilespmem:$0x1F810];
	_ =	sdelay $0x3  }
0x246: {  	vm10 =	veq.s32 v39, $0x10  }
0x247: {  	v14 =	vsel vm10, v20, v14;
	v20 =	vld [tilespmem:$0x1F830];
	_ =	sdelay $0x3  }
0x248: {  	vm12 =	veq.s32 v39, $0x18  }
0x249: {  	v14 =	vsel vm12, v20, v14;
	v20 =	vld [tilespmem:$0x1F850];
	_ =	sdelay $0x3  }
0x24a: {  	v63 =	vld [tilespmem:$0x1F9E0];
	vm14 =	veq.s32 v39, $0x20;
	v2 =	vadd.s32 $0xFFFFFF81, v2  }
0x24b: {  	v41 =	vcvt.s32.f32 v2;
	v2 =	vmul.f32 v35, v11;
	v14 =	vsel vm14, v20, v14;
	v20 =	vld [tilespmem:$0x1F870];
	_ =	sdelay $0x1  }
0x24c: {  	v2 =	vadd.f32 $3.333333430e-01, v2  }
0x24d: {  	vm4 =	vgt.s32 v39, $0x7F;
	v1 =	vld [tilespmem:$0x1FA00]  }
0x24e: {  	v2 =	vmul.f32 v2, v11;
	v11 =	vnsel vm4, $0x3F800000, v63;
	vm4 =	veq.s32 v39, $0x28  }
0x24f: {  	v14 =	vsel vm4, v20, v14;
	v20 =	vld [tilespmem:$0x1F890];
	_ =	sdelay $0x1  }
0x250: {  	vm5 =	vgt.s32 v39, $0x87;
	v5 =	vmul.f32 v11, v5  }
0x251: {  	v11 =	vnsel vm5, $0x3F800000, v1  }
0x252: {  	v5 =	vmul.f32 v11, v5;
	v11 =	vnsel vm6, $0x3F800000, v0;
	vm6 =	veq.s32 v39, $0x30  }
0x253: {  	v14 =	vsel vm6, v20, v14;
	v20 =	vld [tilespmem:$0x1F8B0];
	_ =	sdelay $0x2  }
0x254: {  	v3 =	vld [tilespmem:$0x1FA20]  }
0x255: {  	v4 =	vld [tilespmem:$0x1FA40];
	v11 =	vsel vm8, v38, v11;
	vm8 =	veq.s32 v39, $0x38  }
0x256: {  	v14 =	vsel vm8, v20, v14;
	v20 =	vld [tilespmem:$0x1F8D0]  }
0x257: {  	v29 =	vmul.f32 $5.000000000e-01, v8  }
0x258: {  	vm7 =	vgt.s32 v39, $0x8F;
	vm2 =	vgt.f32 v8, $1.414213540e+00  }
0x259: {  	vm9 =	vgt.s32 v39, $0x97;
	v35 =	vsel vm2, v29, v8;
	v29 =	vnsel vm7, $0x3F800000, v3  }
0x25a: {  	v5 =	vmul.f32 v29, v5;
	v29 =	vnsel vm9, $0x3F800000, v4;
	vm9 =	veq.s32 v39, $0x40  }
0x25b: {  	v14 =	vsel vm9, v20, v14;
	v20 =	vld [tilespmem:$0x1F8F0];
	_ =	sdelay $0x3  }
0x25c: {  	v11 =	vsel vm10, v44, v11;
	v44 =	vld [tilespmem:$0x1FA60];
	vm10 =	veq.s32 v39, $0x48  }
0x25d: {  	v14 =	vsel vm10, v20, v14;
	v20 =	vld [tilespmem:$0x1F910]  }
0x25e: {  	v11 =	vsel vm12, v45, v11;
	v45 =	vld [tilespmem:$0x1FA80]  }
0x25f: {  	vm13 =	vgt.s32 v39, $0xA7;
	vm11 =	vgt.s32 v39, $0x9F;
	vm15 =	vgt.s32 v39, $0xAF  }
0x260: {  	vm5 =	vgt.s32 v39, $0xB7;
	v5 =	vmul.f32 v29, v5;
	v11 =	vsel vm14, v47, v11;
	v47 =	vld [tilespmem:$0x1FAA0]  }
0x261: {  	v6 =	vld [tilespmem:$0x1FAC0];
	v11 =	vsel vm4, v48, v11;
	v29 =	vnsel vm11, $0x3F800000, v44;
	vm11 =	veq.s32 v39, $0x50  }
0x262: {  	v11 =	vsel vm6, v50, v11;
	v5 =	vmul.f32 v29, v5;
	v14 =	vsel vm11, v20, v14;
	v20 =	vld [tilespmem:$0x1F930]  }
0x263: {  	vm7 =	vgt.s32 v39, $0xBF;
	v11 =	vsel vm8, v52, v11;
	v29 =	vnsel vm13, $0x3F800000, v45  }
0x264: {  	v7 =	vld [tilespmem:$0x1FAE0];
	v8 =	vadd.f32 $1.000000000e+00, v35;
	v11 =	vsel vm9, v53, v11;
	v5 =	vmul.f32 v29, v5  }
0x265: {  	vm13 =	veq.s32 v39, $0x60;
	v11 =	vsel vm10, v54, v11;
	v29 =	vnsel vm15, $0x3F800000, v47  }
0x266: {  	v11 =	vsel vm11, v55, v11;
	v5 =	vmul.f32 v29, v5;
	vm12 =	veq.s32 v39, $0x58  }
0x267: {  	v29 =	vnsel vm5, $0x3F800000, v6;
	v11 =	vsel vm12, v56, v11;
	v14 =	vsel vm12, v20, v14;
	v20 =	vld [tilespmem:$0x1F950]  }
0x268: {  	(erf) = vrcp.f32 v8;
	v5 =	vmul.f32 v29, v5;
	v8 =	vsel vm13, v57, v11;
	v11 =	vld [tilespmem:$0x1F970]  }
0x269: {  	v43 =	vsub.f32 $0.0e+00, v43;
	v29 =	vnsel vm7, $0x3F800000, v7  }
0x26a: {  	v5 =	vmul.f32 v29, v5  }
0x26b: {  	v43 =	vmul.f32 $2.500000000e-01, v43;
	v17 =	vmul.f32 $6.931471820e-01, v17;
	v32 =	vadd.f32 $1.000000000e+00, v32  }
0x26c: {  	vm14 =	veq.s32 v39, $0x68;
	v29 =	vand.u32 $0x7FFFFF, v5;
	v14 =	vsel vm13, v20, v14  }
0x26d: {  	v26 =	vmul.f32 v32, v26;
	v29 =	vor.u32 $0x3F800000, v29;
	v11 =	vsel vm14, v11, v14;
	v14 =	vld [tilespmem:$0x1F990]  }
0x26e: {  	v37 =	vadd.f32 v43, v37;
	v41 =	vmul.f32 $6.931471820e-01, v41;
	v54 =	vmul.f32 $5.000000000e-01, v29  }
0x26f: {  	v17 =	vadd.f32 v26, v17;
	v2 =	vadd.f32 $1.000000000e+00, v2;
	vm0 =	vgt.f32 v29, $1.414213540e+00  }
0x270: {  	v53 =	vld [tilespmem:s14+$0x3230];
	vm15 =	veq.s32 v39, $0x70;
	v8 =	vsel vm14, v58, v8;
	v29 =	vsel vm0, v54, v29  }
0x271: {  	v23 =	vshra.s32 v23, $0x17;
	v8 =	vsel vm15, v60, v8;
	v60 =	vld [tilespmem:$0x1F9D0];
	v38 =	vadd.f32 $1.000000000e+00, v29  }
0x272: {  	v2 =	vmul.f32 v2, v46;
	vm4 =	veq.s32 v39, $0x78;
	v11 =	vsel vm15, v14, v11;
	v14 =	vld [tilespmem:$0x1F9B0]  }
0x273: {  	vm5 =	veq.s32 v39, $0x80;
	v8 =	vsel vm4, v61, v8;
	v61 =	vld [tilespmem:$0x1F9F0];
	(erf) = vrcp.f32 v38  }
0x274: {  	v35 =	vadd.f32 $-1.000000000e+00, v35;
	v2 =	vadd.f32 v2, v41;
	v8 =	vsel vm5, v63, v8;
	v63 =	vld [tilespmem:$0x1FA10]  }
0x275: {  	v48 =	vimm.f32 $0.0e+00;
	v5 =	vshra.s32 v5, $0x17;
	v38 =	vld [tilespmem:$0x1FA30];
	vm6 =	veq.s32 v39, $0x88  }
0x276: {  	vm7 =	veq.s32 v39, $0x90;
	v5 =	vadd.s32 $0xFFFFFF81, v5;
	v8 =	vsel vm6, v1, v8;
	v1 =	vld [tilespmem:$0x1FB00]  }
0x277: {  	v8 =	vsel vm7, v3, v8;
	v3 =	vld [tilespmem:$0x1FB20];
	vm8 =	veq.s32 v39, $0x98;
	v11 =	vsel vm4, v14, v11  }
0x278: {  	v8 =	vsel vm8, v4, v8;
	vm9 =	veq.s32 v39, $0xA0;
	v11 =	vsel vm5, v60, v11  }
0x279: {  	v4 =	vld [tilespmem:$0x1FB40];
	v8 =	vsel vm9, v44, v8;
	vm10 =	vgt.s32 v53, $0xFFFFFFFF;
	v11 =	vsel vm6, v61, v11  }
0x27a: {  	vm11 =	vgt.s32 v53, $0x7;
	vm13 =	veq.s32 v39, $0xA8;
	v11 =	vsel vm7, v63, v11  }
0x27b: {  	v8 =	vsel vm13, v45, v8;
	v45 =	vld [tilespmem:$0x1FB60];
	v14 =	vadd.f32 $-1.000000000e+00, v29;
	v11 =	vsel vm8, v38, v11;
	v38 =	vpop (erf)  }
0x27c: {  	v50 =	vld [tilespmem:$0x1FA50];
	vm12 =	vgt.s32 v53, $0xF;
	v20 =	vnsel vm11, $0x3F800000, v3;
	v29 =	vnsel vm10, $0x3F800000, v1;
	v52 =	vpop (erf)  }
0x27d: {  	vm15 =	veq.s32 v39, $0xB0;
	v20 =	vmul.f32 v20, v29;
	v14 =	vmul.f32 v52, v14;
	v52 =	vld [tilespmem:$0x1FB80]  }
0x27e: {  	v5 =	vcvt.s32.f32 v5;
	v8 =	vsel vm15, v47, v8;
	v47 =	vld [tilespmem:$0x1FBA0];
	v29 =	vnsel vm12, $0x3F800000, v4  }
0x27f: {  	vm14 =	vgt.s32 v53, $0x17;
	v60 =	vld [tilespmem:$0x1FA70];
	v20 =	vmul.f32 v29, v20;
	v29 =	vmul.f32 v14, v14  }
0x280: {  	v55 =	vsel vm0, $0x3F800000, v51;
	v5 =	vmul.f32 $6.931471820e-01, v5;
	v61 =	vnsel vm14, $0x3F800000, v45;
	v63 =	vld [tilespmem:$0x1FA90]  }
0x281: {  	vm6 =	vgt.s32 v53, $0x1F;
	v20 =	vmul.f32 v61, v20;
	v44 =	vmul.f32 $1.428571490e-01, v29  }
0x282: {  	vm11 =	vgt.s32 v53, $0x37;
	vm7 =	vgt.s32 v53, $0x27;
	v61 =	vld [tilespmem:$0x1FAB0];
	v58 =	vnsel vm6, $0x3F800000, v52  }
0x283: {  	v11 =	vsel vm9, v50, v11;
	v20 =	vmul.f32 v58, v20;
	v50 =	vadd.f32 $2.000000030e-01, v44;
	v44 =	vld [tilespmem:$0x1FAD0]  }
0x284: {  	vm8 =	veq.s32 v39, $0xB8;
	v11 =	vsel vm13, v60, v11;
	v60 =	vnsel vm7, $0x3F800000, v47  }
0x285: {  	vm9 =	vgt.s32 v53, $0x2F;
	v11 =	vsel vm15, v63, v11;
	v20 =	vmul.f32 v60, v20  }
0x286: {  	v63 =	vsel vm8, v6, v8;
	v8 =	vnsel vm9, $0x3F800000, v9;
	v50 =	vmul.f32 v50, v29  }
0x287: {  	vm10 =	veq.s32 v39, $0xC0;
	v11 =	vsel vm8, v61, v11;
	v20 =	vmul.f32 v8, v20  }
0x288: {  	v54 =	vnsel vm11, $0x3F800000, v10;
	v8 =	vsel vm10, v44, v11;
	v11 =	vadd.f32 $3.333333430e-01, v50  }
0x289: {  	vm11 =	vgt.s32 v53, $0x97;
	vm12 =	vgt.s32 v53, $0x3F;
	v20 =	vmul.f32 v54, v20  }
0x28a: {  	vm4 =	vgt.s32 v53, $0x5F;
	v11 =	vmul.f32 v11, v29;
	v29 =	vnsel vm12, $0x3F800000, v12  }
0x28b: {  	vm14 =	vgt.s32 v53, $0x4F;
	vm13 =	vgt.s32 v53, $0x47;
	v20 =	vmul.f32 v29, v20  }
0x28c: {  	v14 =	vadd.f32 v14, v14;
	v29 =	vnsel vm13, $0x3F800000, v13;
	v11 =	vadd.f32 $1.000000000e+00, v11  }
0x28d: {  	vm5 =	vgt.s32 v53, $0x67;
	v57 =	vnsel vm14, $0x3F800000, v15;
	v20 =	vmul.f32 v29, v20  }
0x28e: {  	vm14 =	vgt.s32 v53, $0xA7;
	v29 =	vmul.f32 $6.931471820e-01, v55;
	v11 =	vmul.f32 v11, v14  }
0x28f: {  	v35 =	vmul.f32 v38, v35;
	vm15 =	vgt.s32 v53, $0x57;
	v20 =	vmul.f32 v57, v20  }
0x290: {  	vm7 =	vgt.s32 v53, $0x77;
	v11 =	vadd.f32 v11, v29;
	v29 =	vnsel vm15, $0x3F800000, v16  }
0x291: {  	v6 =	vnsel vm7, $0x3F800000, v22;
	vm9 =	vgt.s32 v53, $0x87;
	v20 =	vmul.f32 v29, v20  }
0x292: {  	vm7 =	veq.s32 v53, $0x0;
	v61 =	vnsel vm5, $0x3F800000, v19;
	v29 =	vnsel vm4, $0x3F800000, v18  }
0x293: {  	vm8 =	vgt.s32 v53, $0x7F;
	vm5 =	vgt.s32 v53, $0xB7;
	v20 =	vmul.f32 v29, v20  }
0x294: {  	vm6 =	vgt.s32 v53, $0x6F;
	v44 =	vnsel vm14, $0x3F800000, v31;
	vm14 =	veq.s32 v53, $0x38  }
0x295: {  	v58 =	vand.u32 $0x7FFFFF, v8;
	v8 =	vshra.s32 v8, $0x17;
	v20 =	vmul.f32 v61, v20  }
0x296: {  	vm12 =	vgt.s32 v53, $0x9F;
	v14 =	vsel vm10, v7, v63;
	v63 =	vnsel vm6, $0x3F800000, v21  }
0x297: {  	v5 =	vadd.f32 v11, v5;
	v11 =	vor.u32 $0x3F800000, v58;
	v20 =	vmul.f32 v63, v20  }
0x298: {  	v26 =	vnsel vm12, $0x3F800000, v30;
	v60 =	vand.u32 $0x7FFFFF, v14;
	v29 =	vmul.f32 $5.000000000e-01, v11  }
0x299: {  	v50 =	vor.u32 $0x3F800000, v60;
	vm1 =	vgt.f32 v11, $1.414213540e+00;
	v20 =	vmul.f32 v6, v20  }
0x29a: {  	v11 =	vsel vm1, v29, v11;
	v29 =	vmul.f32 $5.000000000e-01, v50;
	v61 =	vnsel vm8, $0x3F800000, v24  }
0x29b: {  	vm13 =	vgt.s32 v40, $0x0;
	vm0 =	vgt.f32 v50, $1.414213540e+00;
	v20 =	vmul.f32 v61, v20  }
0x29c: {  	v0 =	vadd.f32 $1.000000000e+00, v11;
	v29 =	vsel vm0, v29, v50;
	v63 =	vnsel vm9, $0x3F800000, v25  }
0x29d: {  	vm10 =	vgt.s32 v53, $0x8F;
	v7 =	vadd.f32 $1.000000000e+00, v29;
	v20 =	vmul.f32 v63, v20  }
0x29e: {  	v60 =	vmul.f32 $1.442695020e+00, v5;
	(erf) = vrcp.f32 v0;
	v0 =	vnsel vm10, $0x3F800000, v27  }
0x29f: {  	vm12 =	veq.s32 v53, $0x28;
	(erf) = vrcp.f32 v7;
	v20 =	vmul.f32 v0, v20  }
0x2a0: {  	v55 =	vnsel vm5, $0x3F800000, v34;
	v6 =	vnsel vm11, $0x3F800000, v28;
	(erf) = vpow2.f32 v60  }
0x2a1: {  	vm6 =	vgt.s32 v53, $0xBF;
	vm15 =	vgt.s32 v53, $0xAF;
	v20 =	vmul.f32 v6, v20  }
0x2a2: {  	v57 =	vnsel vm6, $0x3F800000, v36;
	v14 =	vshra.s32 v14, $0x17;
	v46 =	vnsel vm15, $0x3F800000, v33  }
0x2a3: {  	vm15 =	veq.s32 v53, $0x40;
	vm8 =	veq.s32 v53, $0x8;
	v20 =	vmul.f32 v26, v20  }
0x2a4: {  	v11 =	vadd.f32 $-1.000000000e+00, v11;
	v50 =	vsel vm2, $0x1, v51;
	vm9 =	veq.s32 v53, $0x10  }
0x2a5: {  	v38 =	vadd.s32 v50, v23;
	vm10 =	veq.s32 v53, $0x18;
	v20 =	vmul.f32 v44, v20  }
0x2a6: {  	v29 =	vadd.f32 $-1.000000000e+00, v29;
	v7 =	vmul.f32 v42, v62;
	v42 =	vsub.f32 v49, v2  }
0x2a7: {  	vm11 =	veq.s32 v53, $0x20;
	v38 =	vadd.s32 $0xFFFFFF81, v38;
	v2 =	vpop (erf);
	v20 =	vmul.f32 v46, v20  }
0x2a8: {  	v58 =	vld [tilespmem:$0x1FAF0];
	v38 =	vcvt.s32.f32 v38;
	v60 =	vnsel vm7, $0x3F800000, v1;
	v32 =	vnsel vm13, $0x0, v42;
	v40 =	vpop (erf)  }
0x2a9: {  	v42 =	vmul.f32 v35, v35;
	v32 =	vadd.f32 v32, v17;
	v17 =	vpop (erf);
	v20 =	vmul.f32 v55, v20  }
0x2aa: {  	v61 =	vld [tilespmem:$0x1FB10];
	v50 =	vsel vm8, v3, v60;
	vm13 =	veq.s32 v53, $0x30;
	v17 =	vsub.f32 $1.000000000e+00, v17  }
0x2ab: {  	v38 =	vmul.f32 $6.931471820e-01, v38;
	v50 =	vsel vm9, v4, v50;
	v20 =	vmul.f32 v57, v20  }
0x2ac: {  	v60 =	vmul.f32 $1.428571490e-01, v42;
	v26 =	vadd.f32 v59, v7;
	v54 =	vand.u32 $0x7FFFFF, v17  }
0x2ad: {  	v63 =	vld [tilespmem:$0x1FB30];
	v59 =	vnsel vm7, $0x3F800000, v58;
	v41 =	vor.u32 $0x3F800000, v54;
	v46 =	vand.u32 $0x7FFFFF, v20  }
0x2ae: {  	v6 =	vld [tilespmem:$0x1FB50];
	v7 =	vsel vm10, v45, v50;
	v56 =	vmul.f32 $5.000000000e-01, v41;
	v46 =	vor.u32 $0x3F800000, v46  }
0x2af: {  	v45 =	vld [tilespmem:$0x1FB70];
	v44 =	vsel vm8, v61, v59;
	vm2 =	vgt.f32 v41, $1.414213540e+00;
	v62 =	vmul.f32 $5.000000000e-01, v46  }
0x2b0: {  	v50 =	vld [tilespmem:$0x1FB90];
	vm8 =	veq.s32 v53, $0x48;
	v23 =	vsel vm2, v56, v41;
	vm3 =	vgt.f32 v46, $1.414213540e+00  }
0x2b1: {  	v26 =	vsub.f32 $0.0e+00, v26;
	v41 =	vadd.f32 $1.000000000e+00, v23;
	v46 =	vsel vm3, v62, v46  }
0x2b2: {  	v44 =	vsel vm9, v63, v44;
	vm9 =	veq.s32 v53, $0x50;
	v56 =	vadd.f32 $1.000000000e+00, v46  }
0x2b3: {  	v44 =	vsel vm10, v6, v44;
	(erf) = vrcp.f32 v41;
	v41 =	vsel vm11, v52, v7  }
0x2b4: {  	v44 =	vsel vm11, v45, v44;
	v52 =	vld [tilespmem:$0x1FBB0];
	v41 =	vsel vm12, v47, v41;
	(erf) = vrcp.f32 v56  }
0x2b5: {  	vm10 =	veq.s32 v53, $0x58;
	v54 =	vld [tilespmem:$0x1FBC0];
	v44 =	vsel vm12, v50, v44;
	v41 =	vsel vm13, v9, v41  }
0x2b6: {  	v55 =	vld [tilespmem:$0x1FBD0];
	v20 =	vshra.s32 v20, $0x17;
	vm11 =	veq.s32 v53, $0x60;
	v41 =	vsel vm14, v10, v41  }
0x2b7: {  	v20 =	vadd.s32 $0xFFFFFF81, v20;
	vm12 =	veq.s32 v53, $0x68;
	v41 =	vsel vm15, v12, v41;
	v56 =	vld [tilespmem:$0x1FBE0]  }
0x2b8: {  	v57 =	vld [tilespmem:$0x1FBF0];
	v20 =	vcvt.s32.f32 v20;
	v1 =	vsel vm3, $0x3F800000, v51;
	v41 =	vsel vm8, v13, v41  }
0x2b9: {  	v58 =	vld [tilespmem:$0x1FC00];
	v46 =	vadd.f32 $-1.000000000e+00, v46;
	v44 =	vsel vm13, v52, v44;
	v41 =	vsel vm9, v15, v41  }
0x2ba: {  	v59 =	vld [tilespmem:$0x1FC10];
	vm13 =	veq.s32 v53, $0x70;
	v44 =	vsel vm14, v54, v44;
	v41 =	vsel vm10, v16, v41  }
0x2bb: {  	v61 =	vld [tilespmem:$0x1FC20];
	vm14 =	veq.s32 v53, $0x78;
	v44 =	vsel vm15, v55, v44;
	v41 =	vsel vm11, v18, v41  }
0x2bc: {  	v63 =	vld [tilespmem:$0x1FC30];
	vm15 =	veq.s32 v53, $0x80;
	v50 =	vpop (erf);
	v41 =	vsel vm12, v19, v41;
	v44 =	vsel vm8, v56, v44  }
0x2bd: {  	v4 =	vld [tilespmem:$0x1FC40];
	v41 =	vsel vm13, v21, v41;
	v56 =	vadd.f32 $2.000000030e-01, v60;
	v44 =	vsel vm9, v57, v44;
	v62 =	vpop (erf)  }
0x2be: {  	v6 =	vld [tilespmem:$0x1FC50];
	v41 =	vsel vm14, v22, v41;
	v44 =	vsel vm10, v58, v44;
	v46 =	vmul.f32 v62, v46  }
0x2bf: {  	v45 =	vld [tilespmem:$0x1FC60];
	vm8 =	veq.s32 v53, $0x88;
	v41 =	vsel vm15, v24, v41;
	v44 =	vsel vm11, v59, v44  }
0x2c0: {  	v47 =	vld [tilespmem:$0x1FC70];
	vm9 =	veq.s32 v53, $0x90;
	v44 =	vsel vm12, v61, v44;
	v59 =	vmul.f32 v46, v46  }
0x2c1: {  	v52 =	vld [tilespmem:$0x1FC80];
	v41 =	vsel vm8, v25, v41;
	vm10 =	veq.s32 v53, $0x98;
	v44 =	vsel vm13, v63, v44  }
0x2c2: {  	v54 =	vld [tilespmem:$0x1FC90];
	v56 =	vmul.f32 v56, v42;
	v44 =	vsel vm14, v4, v44;
	v7 =	vmul.f32 $1.428571490e-01, v59  }
0x2c3: {  	v55 =	vld [tilespmem:$0x1FCA0];
	v41 =	vsel vm9, v27, v41;
	vm11 =	veq.s32 v53, $0xA0;
	v44 =	vsel vm15, v6, v44  }
0x2c4: {  	v57 =	vld [tilespmem:$0x1FCB0];
	v41 =	vsel vm10, v28, v41;
	v44 =	vsel vm8, v45, v44;
	v62 =	vadd.f32 $2.000000030e-01, v7  }
0x2c5: {  	v58 =	vld [tilespmem:$0x1FCC0];
	vm12 =	veq.s32 v53, $0xA8;
	v56 =	vadd.f32 $3.333333430e-01, v56;
	v44 =	vsel vm9, v47, v44  }
0x2c6: {  	v41 =	vsel vm11, v30, v41;
	v63 =	vld [tilespmem:$0x1FCD0];
	v44 =	vsel vm10, v52, v44;
	v62 =	vmul.f32 v62, v59  }
0x2c7: {  	vm13 =	veq.s32 v53, $0xB0;
	v41 =	vsel vm12, v31, v41;
	v44 =	vsel vm11, v54, v44  }
0x2c8: {  	vm14 =	veq.s32 v53, $0xB8;
	v44 =	vsel vm12, v55, v44;
	v62 =	vadd.f32 $3.333333430e-01, v62  }
0x2c9: {  	v56 =	vmul.f32 v56, v42;
	v41 =	vsel vm13, v33, v41;
	v44 =	vsel vm13, v57, v44  }
0x2ca: {  	vm15 =	veq.s32 v53, $0xC0;
	v60 =	vsel vm14, v58, v44;
	v59 =	vmul.f32 v62, v59  }
0x2cb: {  	v61 =	vadd.f32 v46, v46;
	v41 =	vsel vm14, v34, v41;
	v42 =	vsel vm15, v63, v60  }
0x2cc: {  	v41 =	vsel vm15, v36, v41;
	v4 =	vand.u32 $0x7FFFFF, v42;
	v62 =	vadd.f32 $1.000000000e+00, v59  }
0x2cd: {  	v3 =	vmul.f32 $6.931471820e-01, v1;
	v7 =	vand.u32 $0x7FFFFF, v41;
	v59 =	vor.u32 $0x3F800000, v4  }
0x2ce: {  	v6 =	vmul.f32 $5.000000000e-01, v59;
	v44 =	vmul.f32 v62, v61;
	v62 =	vor.u32 $0x3F800000, v7  }
0x2cf: {  	v20 =	vmul.f32 $6.931471820e-01, v20;
	vm8 =	vgt.f32 v59, $1.414213540e+00;
	v54 =	vmul.f32 $5.000000000e-01, v62  }
0x2d0: {  	v46 =	vsel vm8, v6, v59;
	vm9 =	vgt.f32 v62, $1.414213540e+00;
	v44 =	vadd.f32 v44, v3  }
0x2d1: {  	v52 =	vld [tilespmem:s14+$0x3410];
	v55 =	vmul.f32 v2, v11;
	v11 =	vadd.f32 $1.000000000e+00, v46;
	v59 =	vsel vm9, v54, v62  }
0x2d2: {  	v29 =	vmul.f32 v40, v29;
	v2 =	vadd.f32 v44, v20;
	v20 =	vadd.f32 $1.000000000e+00, v59  }
0x2d3: {  	v26 =	vmul.f32 $7.500000000e-01, v26;
	v23 =	vadd.f32 $-1.000000000e+00, v23;
	(erf) = vrcp.f32 v11  }
0x2d4: {  	v35 =	vadd.f32 v35, v35;
	(erf) = vrcp.f32 v20;
	v20 =	vmul.f32 $1.442695020e+00, v2  }
0x2d5: {  	v17 =	vshra.s32 v17, $0x17;
	v26 =	vadd.f32 v26, v37;
	v23 =	vmul.f32 v50, v23  }
0x2d6: {  	vm13 =	vgt.s32 v39, $0x0;
	vm10 =	veq.s32 v52, $0x1;
	(erf) = vpow2.f32 v20  }
0x2d7: {  	v58 =	vmul.f32 v55, v55;
	v47 =	vadd.f32 v55, v55;
	v11 =	vsel vm10, $0x3F800000, v48  }
0x2d8: {  	v55 =	vsel vm0, $0x1, v51;
	v60 =	vadd.f32 $1.000000000e+00, v56;
	v32 =	vmul.f32 v32, v11  }
0x2d9: {  	vm14 =	vgt.s32 v53, $0x0;
	v52 =	vmul.f32 v23, v23;
	v14 =	vadd.s32 v55, v14  }
0x2da: {  	v14 =	vadd.s32 $0xFFFFFF81, v14;
	v35 =	vmul.f32 v60, v35;
	v32 =	vsub.f32 $0.0e+00, v32  }
0x2db: {  	v53 =	vimm.f32 $0.0e+00;
	v14 =	vcvt.s32.f32 v14;
	v61 =	vmul.f32 v29, v29  }
0x2dc: {  	v56 =	vmul.f32 $1.428571490e-01, v52;
	v35 =	vadd.f32 v35, v38;
	v32 =	vmul.f32 $2.500000000e-01, v32  }
0x2dd: {  	v14 =	vmul.f32 $6.931471820e-01, v14;
	v63 =	vmul.f32 $1.428571490e-01, v61;
	v62 =	vsub.f32 $1.000000000e+00, v11;
	v4 =	vpop (erf)  }
0x2de: {  	v29 =	vadd.f32 v29, v29;
	v35 =	vmul.f32 v35, v11;
	v11 =	vadd.f32 v32, v26;
	v26 =	vpop (erf)  }
0x2df: {  	v3 =	vsel vm1, $0x1, v51;
	v1 =	vadd.f32 $2.000000030e-01, v63;
	v0 =	vmul.f32 v49, v62;
	v49 =	vpop (erf)  }
0x2e0: {  	v8 =	vadd.s32 v3, v8;
	v20 =	vmul.f32 $1.428571490e-01, v58;
	v38 =	vsub.f32 $1.000000000e+00, v49  }
0x2e1: {  	v59 =	vadd.f32 $-1.000000000e+00, v59;
	v63 =	vsel vm2, $0x1, v51;
	v40 =	vmul.f32 v1, v61  }
0x2e2: {  	v8 =	vadd.s32 $0xFFFFFF81, v8;
	v20 =	vadd.f32 $2.000000030e-01, v20;
	v54 =	vand.u32 $0x7FFFFF, v38  }
0x2e3: {  	v32 =	vadd.f32 v35, v0;
	v35 =	vadd.f32 $3.333333430e-01, v40;
	v40 =	vor.u32 $0x3F800000, v54  }
0x2e4: {  	v17 =	vadd.s32 v63, v17;
	v20 =	vmul.f32 v20, v58;
	v57 =	vmul.f32 $5.000000000e-01, v40  }
0x2e5: {  	v35 =	vmul.f32 v35, v61;
	v61 =	vadd.f32 $2.000000030e-01, v56;
	vm11 =	vgt.f32 v40, $1.414213540e+00  }
0x2e6: {  	v8 =	vcvt.s32.f32 v8;
	v20 =	vadd.f32 $3.333333430e-01, v20;
	v60 =	vsel vm11, v57, v40  }
0x2e7: {  	v17 =	vadd.s32 $0xFFFFFF81, v17;
	v40 =	vmul.f32 v61, v52;
	v62 =	vadd.f32 $1.000000000e+00, v60  }
0x2e8: {  	v17 =	vcvt.s32.f32 v17;
	v35 =	vadd.f32 $1.000000000e+00, v35;
	v20 =	vmul.f32 v20, v58  }
0x2e9: {  	v58 =	vld [tilespmem:s14+$0x3420];
	v26 =	vmul.f32 v26, v59;
	v40 =	vadd.f32 $3.333333430e-01, v40;
	(erf) = vrcp.f32 v62  }
0x2ea: {  	v8 =	vmul.f32 $6.931471820e-01, v8;
	v0 =	vadd.f32 $-1.000000000e+00, v46;
	v29 =	vmul.f32 v35, v29  }
0x2eb: {  	v23 =	vadd.f32 v23, v23;
	v1 =	vmul.f32 v26, v26;
	v37 =	vmul.f32 v40, v52  }
0x2ec: {  	v17 =	vmul.f32 $6.931471820e-01, v17;
	v43 =	vmul.f32 v4, v0;
	v20 =	vadd.f32 $1.000000000e+00, v20  }
0x2ed: {  	v14 =	vadd.f32 v29, v14;
	v50 =	vmul.f32 $1.428571490e-01, v1;
	v37 =	vadd.f32 $1.000000000e+00, v37  }
0x2ee: {  	v29 =	vmul.f32 v43, v43;
	v20 =	vmul.f32 v20, v47;
	vm12 =	veq.s32 v58, $0x1  }
0x2ef: {  	v49 =	vsel vm12, $0x3F800000, v48;
	v52 =	vadd.f32 $2.000000030e-01, v50;
	v23 =	vmul.f32 v37, v23  }
0x2f0: {  	v54 =	vmul.f32 $1.428571490e-01, v29;
	v8 =	vadd.f32 v20, v8;
	v20 =	vsub.f32 $1.000000000e+00, v49  }
0x2f1: {  	v35 =	vadd.f32 $-1.000000000e+00, v60;
	v17 =	vadd.f32 v23, v17;
	v23 =	vmul.f32 v52, v1  }
0x2f2: {  	v14 =	vsub.f32 v5, v14;
	v5 =	vmul.f32 v5, v20;
	v20 =	vadd.f32 $2.000000030e-01, v54;
	v57 =	vpop (erf)  }
0x2f3: {  	v55 =	vshra.s32 v42, $0x17;
	v23 =	vadd.f32 $3.333333430e-01, v23;
	v35 =	vmul.f32 v57, v35  }
0x2f4: {  	v56 =	vsel vm8, $0x1, v51;
	v59 =	vshra.s32 v41, $0x17;
	v20 =	vmul.f32 v20, v29  }
0x2f5: {  	v58 =	vsel vm9, $0x1, v51;
	v23 =	vmul.f32 v23, v1;
	v60 =	vmul.f32 v35, v35  }
0x2f6: {  	v26 =	vadd.f32 v26, v26;
	v39 =	vadd.s32 v58, v59;
	v20 =	vadd.f32 $3.333333430e-01, v20  }
0x2f7: {  	v14 =	vnsel vm13, $0x0, v14;
	v23 =	vadd.f32 $1.000000000e+00, v23;
	v61 =	vmul.f32 $1.428571490e-01, v60  }
0x2f8: {  	v8 =	vadd.f32 v14, v8;
	v20 =	vmul.f32 v20, v29;
	v29 =	vadd.s32 $0xFFFFFF81, v39  }
0x2f9: {  	v23 =	vmul.f32 v23, v26;
	v26 =	vcvt.s32.f32 v29;
	v62 =	vadd.f32 $2.000000030e-01, v61  }
0x2fa: {  	v37 =	vadd.s32 v56, v55;
	v20 =	vadd.f32 $1.000000000e+00, v20;
	v17 =	vmul.f32 v17, v49  }
0x2fb: {  	v29 =	vadd.s32 $0xFFFFFF81, v37;
	v26 =	vmul.f32 $6.931471820e-01, v26;
	v37 =	vmul.f32 v62, v60  }
0x2fc: {  	v5 =	vadd.f32 v17, v5;
	v14 =	vcvt.s32.f32 v29;
	v29 =	vadd.f32 v43, v43  }
0x2fd: {  	v63 =	vsel vm11, $0x1, v51;
	v17 =	vadd.f32 v23, v26;
	v23 =	vadd.f32 $3.333333430e-01, v37  }
0x2fe: {  	v20 =	vmul.f32 v20, v29;
	v14 =	vmul.f32 $6.931471820e-01, v14;
	v29 =	vshra.s32 v38, $0x17;
	v26 =	vld [tilespmem:s14+$0x3430]  }
0x2ff: {  	v29 =	vadd.s32 v63, v29;
	v17 =	vsub.f32 v2, v17;
	v23 =	vmul.f32 v23, v60  }
0x300: {  	v14 =	vadd.f32 v20, v14;
	v20 =	vadd.s32 $0xFFFFFF81, v29;
	v29 =	vadd.f32 v35, v35  }
0x301: {  	v20 =	vcvt.s32.f32 v20;
	v17 =	vnsel vm14, $0x0, v17;
	v23 =	vadd.f32 $1.000000000e+00, v23  }
0x302: {  	v8 =	vmul.f32 v8, v49;
	v14 =	vadd.f32 v17, v14;
	v17 =	vsub.f32 $0.0e+00, v32  }
0x303: {  	v20 =	vmul.f32 $6.931471820e-01, v20;
	vm15 =	veq.s32 v26, $0x1;
	v23 =	vmul.f32 v23, v29  }
0x304: {  	v8 =	vsub.f32 $0.0e+00, v8;
	v26 =	vsel vm15, $0x3F800000, v53;
	v17 =	vmul.f32 $7.500000000e-01, v17  }
0x305: {  	v20 =	vadd.f32 v23, v20;
	v23 =	vsub.f32 $1.000000000e+00, v26  }
0x306: {  	v8 =	vmul.f32 $2.500000000e-01, v8;
	v14 =	vmul.f32 v14, v26;
	v11 =	vadd.f32 v17, v11  }
0x307: {  	v5 =	vsub.f32 $0.0e+00, v5;
	v17 =	vmul.f32 v20, v26;
	v2 =	vmul.f32 v2, v23  }
0x308: {  	v8 =	vadd.f32 v8, v11  }
0x309: {  	v5 =	vmul.f32 $7.500000000e-01, v5;
	v11 =	vsub.f32 $0.0e+00, v14;
	v2 =	vadd.f32 v17, v2  }
0x30a: {  	p0 =	sne.s32 s13, $0x700  }
.Ltmp0:
0x30b: {  	v5 =	vadd.f32 v5, v8;
	v8 =	vmul.f32 $2.500000000e-01, v11;
	v2 =	vsub.f32 $0.0e+00, v2;
	(pc) =	sbr.rel @p0 .LBB2_2-.Ltmp0, $3  }
0x30c: {  	_ = 	snop  }
0x30d: {  	v5 =	vadd.f32 v8, v5;
	v2 =	vmul.f32 $7.500000000e-01, v2;
	_ =	sdelay $0x1  }
0x30e: {  	s13 =	sadd.s32 $0x100, s13;
	v37 =	vadd.f32 v2, v5  }
0x30f: {  	s12 =	sadd.s32 $0x1, s12  }
0x310: {  	p0 =	sne.s32 s12, s6  }
.Ltmp1:
0x311: {  	[tilespmem:$0x3600] =	vst v37;
	(pc) =	sbr.rel @p0 .LBB2_1-.Ltmp1, $4  }
0x312: {  	[hbm4b:s5+s2] =	stream.linear.scatter [tilespmem:s11], [sflag:$0x1], $0x10, $0x38;
	[tilespmem:$0x3680] =	vst v63  }
0x313: {  	_ =	swait.ge [sflag:s8], $0x10  }
0x314: {  	[sflag:s8] =	ssyncset.done $0x0  }
0x315: {  	[sflag:s8] =	ssyncadd.s32 $0xFFFFFFF0  }
0x316: {  	_ =	sfence.sel $0x180000  }
0x317: {  	[bflag:$0x0] =	sbarrier.arrive $0xFFFF  }
0x318: {  	p0 =	sne.s32 s1, $0x0;
	_ =	strace $0x90000047  }
0x319: {  	s0 =	sadd.s32 @!p0 $0x100000, s0;
	[bflag:$0x2] =	sbarrier.arrive $0xFFFF  }
0x31a: {  	[sflag:s0] =	ssyncadd.tile.s32 @!p0 $0x1;
	_ =	shalt  }
.Lfunc_end2:
_tile_overlayer_lowered:
.L_overlay_start_2:
0x31b: {  	(tag) =	ssettag $0x2  }
0x31c: {  	s0 =	rddreg [dreg:$0x0];
	s2 =	stileid.u32  }
0x31d: {  	s1 =	rddreg [dreg:$0x1];
	p0 =	sne.s32 s2, $0x0  }
0x31e: {  	s3 =	rddreg [dreg:$0x2];
	[bflag:$0x3] =	sbarrier.arrive $0xFFFF;
	s2 =	simm.s32 @!p0 $0x1C01  }
0x31f: {  	[timem:s3], [sflag:s2] =	dma.local @!p0 [hbm:s0], s1  }
0x320: {  	s0 =	simm.s32 @!p0 $0x1  }
0x321: {  	_ =	swait.ge @!p0 [sflag:s0], s1  }
0x322: {  	s1 =	ssub.s32 @!p0 $0x0, s1;
	[sflag:s0] =	ssyncset.done @!p0 $0x0  }
0x323: {  	[sflag:s0] =	ssyncadd.s32 @!p0 s1  }
0x324: {  	[bflag:$0x3] =	sbarrier.arrive $0xFFFF  }
0x325: {  	_ =	shalt  }

</sc_bundles>
